<compile_context>
chip_gen: v7x
topology: tpu7x:2x2x1
jax: 0.10.2.dev20260603
libtpu: 0.0.44.dev20260713+nightly
codegen_flags: <defaults>
</compile_context>

<pallas_src>
import dataclasses

import jax
import jax.numpy as jnp
from jax import lax
from jax.experimental import pallas as pl
from jax.experimental.pallas import tpu as pltpu
from jax.experimental.pallas import tpu_sc as plsc

N = 10000
E = 160000
NPAD = 10240
NG = 64
D = 256
HALF = 128
R = 256
NBLK = NPAD // R
NS = 16
K = 128
EPT = E // NS
CHUNKS = 80
EPT_PAD = CHUNKS * K
NH = NPAD // 2
ACC_ROWS = 6144
DUMMY_ROW = ACC_ROWS - 2
ZCH = ACC_ROWS // NS // K
OPS = NH // NS

_mesh = plsc.VectorSubcoreMesh(core_axis_name="c", subcore_axis_name="s")

_cp_no_layout = pltpu.CompilerParams()
if "needs_layout_passes" in pltpu.CompilerParams.__dataclass_fields__:
    _cp_no_layout = dataclasses.replace(_cp_no_layout,
                                        needs_layout_passes=False)


def _part_body(src_hbm, dst_hbm, pre0_hbm, pre1_hbm, pred_hbm,
               slists_hbm, dlists_hbm, cnt_hbm,
               src_v, dst_v, l0s0, l0s1, l0d, l1s0, l1s1, l1d, cnt_smem):
    c = lax.axis_index("c")
    s = lax.axis_index("s")

    @pl.when(c == 0)
    def _():
        pltpu.sync_copy(src_hbm.at[s], src_v)
        pltpu.sync_copy(dst_hbm.at[s], dst_v)
        pltpu.sync_copy(pre0_hbm, l0s0)
        pltpu.sync_copy(pre0_hbm, l1s0)
        pltpu.sync_copy(pre1_hbm, l0s1)
        pltpu.sync_copy(pre1_hbm, l1s1)
        pltpu.sync_copy(pred_hbm, l0d)
        pltpu.sync_copy(pred_hbm, l1d)

        iota = lax.iota(jnp.int32, 16)

        def step(i, carry):
            cnt0, cnt1 = carry
            sv = src_v[pl.ds(i * 16, 16)]
            dv = dst_v[pl.ds(i * 16, 16)]
            valid = dv >= 0
            m0 = dv < NH
            m1 = jnp.logical_not(m0)
            dl0 = jnp.where(valid, dv, DUMMY_ROW)
            dl1 = dv - NH
            c0 = plsc.cumsum(m0.astype(jnp.int32))
            idx0 = cnt0 + c0 - 1
            idx1 = cnt1 + iota - c0
            r0 = jnp.right_shift(idx0, 7)
            q0 = jnp.bitwise_and(idx0, K - 1)
            r1 = jnp.right_shift(idx1, 7)
            q1 = jnp.bitwise_and(idx1, K - 1)
            plsc.store_scatter(l0s0, [r0, q0], sv, mask=m0)
            plsc.store_scatter(l0s1, [r0, q0], sv + NPAD, mask=m0)
            plsc.store_scatter(l0d, [r0, q0], dl0, mask=m0)
            plsc.store_scatter(l1s0, [r1, q1], sv, mask=m1)
            plsc.store_scatter(l1s1, [r1, q1], sv + NPAD, mask=m1)
            plsc.store_scatter(l1d, [r1, q1], dl1, mask=m1)
            n0 = jnp.sum(m0.astype(jnp.int32))
            return (cnt0 + n0, cnt1 + (16 - n0))

        cnt0, cnt1 = lax.fori_loop(0, EPT_PAD // 16, step,
                                   (jnp.int32(0), jnp.int32(0)))
        cnt_smem[pl.ds(0, 16)] = jnp.full((16,), cnt0, jnp.int32)
        cnt_smem[pl.ds(16, 16)] = jnp.full((16,), cnt1, jnp.int32)
        pltpu.sync_copy(l0s0, slists_hbm.at[s].at[0].at[0])
        pltpu.sync_copy(l0s1, slists_hbm.at[s].at[0].at[1])
        pltpu.sync_copy(l1s0, slists_hbm.at[s].at[1].at[0])
        pltpu.sync_copy(l1s1, slists_hbm.at[s].at[1].at[1])
        pltpu.sync_copy(l0d, dlists_hbm.at[s].at[0])
        pltpu.sync_copy(l1d, dlists_hbm.at[s].at[1])
        pltpu.sync_copy(cnt_smem, cnt_hbm.at[s])


def _sc_part(src_slabs, dst_slabs, pre0, pre1, pred):
    return pl.kernel(
        _part_body,
        mesh=_mesh,
        compiler_params=_cp_no_layout,
        out_type=[
            jax.ShapeDtypeStruct((NS, 2, 2, CHUNKS, K), jnp.int32),
            jax.ShapeDtypeStruct((NS, 2, CHUNKS, K), jnp.int32),
            jax.ShapeDtypeStruct((NS, 32), jnp.int32),
        ],
        scratch_types=[
            pltpu.VMEM((EPT_PAD,), jnp.int32),
            pltpu.VMEM((EPT_PAD,), jnp.int32),
            pltpu.VMEM((CHUNKS, K), jnp.int32),
            pltpu.VMEM((CHUNKS, K), jnp.int32),
            pltpu.VMEM((CHUNKS, K), jnp.int32),
            pltpu.VMEM((CHUNKS, K), jnp.int32),
            pltpu.VMEM((CHUNKS, K), jnp.int32),
            pltpu.VMEM((CHUNKS, K), jnp.int32),
            pltpu.VMEM((32,), jnp.int32),
        ],
    )(src_slabs, dst_slabs, pre0, pre1, pred)


def _hist_body(dst_hbm, cnt_hbm, ones_hbm, zeros_hbm, out_hbm,
               dst_v, ones_v, zeros_v, cnt_s, acc):
    c = lax.axis_index("c")
    s = lax.axis_index("s")
    pltpu.sync_copy(cnt_hbm.at[s], cnt_s)
    pltpu.sync_copy(dst_hbm.at[s].at[c], dst_v)
    pltpu.sync_copy(ones_hbm, ones_v)
    pltpu.sync_copy(zeros_hbm, zeros_v)
    for k in range(ZCH):
        pltpu.sync_copy(zeros_v,
                        acc.at[pl.ds(s * (ACC_ROWS // NS) + k * K, K)])
    plsc.subcore_barrier()
    nch = (jnp.max(cnt_s[pl.ds(16 * c, 16)]) + K - 1) // K

    def body(j, carry):
        pltpu.sync_copy(ones_v, acc.at[dst_v.at[j]], add=True)
        return carry

    lax.fori_loop(0, nch, body, 0)
    plsc.subcore_barrier()
    pltpu.sync_copy(acc.at[pl.ds(s * OPS, OPS)],
                    out_hbm.at[pl.ds(c * NH + s * OPS, OPS)])


def _agg_body(table_hbm, src_hbm, dst_hbm, cnt_hbm, zeros_hbm, out_hbm,
              src_v, dst_v, gbuf, zeros_v, cnt_s, acc):
    c = lax.axis_index("c")
    s = lax.axis_index("s")
    pltpu.sync_copy(cnt_hbm.at[s], cnt_s)
    pltpu.sync_copy(zeros_hbm, zeros_v)
    for p in range(2):
        pltpu.sync_copy(src_hbm.at[s].at[p].at[c], src_v)
        pltpu.sync_copy(dst_hbm.at[s].at[p], dst_v)
        for k in range(ZCH):
            pltpu.sync_copy(zeros_v,
                            acc.at[pl.ds(s * (ACC_ROWS // NS) + k * K, K)])
        plsc.subcore_barrier()
        nch = (jnp.max(cnt_s[pl.ds(16 * p, 16)]) + K - 1) // K

        def body(j, carry):
            pltpu.sync_copy(table_hbm.at[src_v.at[j]], gbuf)
            pltpu.sync_copy(gbuf, acc.at[dst_v.at[j]], add=True)
            return carry

        lax.fori_loop(0, nch, body, 0)
        plsc.subcore_barrier()
        pltpu.sync_copy(acc.at[pl.ds(s * OPS, OPS)],
                        out_hbm.at[c].at[pl.ds(p * NH + s * OPS, OPS)])
        plsc.subcore_barrier()


def _sc_hist(dlists, cnts, ones128, zeros128):
    return pl.kernel(
        _hist_body,
        mesh=_mesh,
        compiler_params=_cp_no_layout,
        out_type=jax.ShapeDtypeStruct((NPAD, HALF), jnp.float32),
        scratch_types=[
            pltpu.VMEM((CHUNKS, K), jnp.int32),
            pltpu.VMEM((K, HALF), jnp.float32),
            pltpu.VMEM((K, HALF), jnp.float32),
            pltpu.VMEM((32,), jnp.int32),
            pltpu.VMEM_SHARED((ACC_ROWS, HALF), jnp.float32),
        ],
    )(dlists, cnts, ones128, zeros128)


def _sc_agg(table_flat, slists, dlists, cnts, zeros128):
    return pl.kernel(
        _agg_body,
        mesh=_mesh,
        compiler_params=_cp_no_layout,
        out_type=jax.ShapeDtypeStruct((2, NPAD, HALF), jnp.float32),
        scratch_types=[
            pltpu.VMEM((CHUNKS, K), jnp.int32),
            pltpu.VMEM((CHUNKS, K), jnp.int32),
            pltpu.VMEM((K, HALF), jnp.float32),
            pltpu.VMEM((K, HALF), jnp.float32),
            pltpu.VMEM((32,), jnp.int32),
            pltpu.VMEM_SHARED((ACC_ROWS, HALF), jnp.float32),
        ],
    )(table_flat, slists, dlists, cnts, zeros128)


def _dot_f32(a, b):
    return jnp.dot(a, b, preferred_element_type=jnp.float32)


def _dinv_of(h_ref):
    deg = h_ref[:, 0:1] + 1.0
    return 1.0 / jnp.sqrt(deg)


def _mm1_body(x_ref, w_ref, h_ref, out_ref):
    dinv = _dinv_of(h_ref)
    out_ref[0] = _dot_f32(x_ref[...], w_ref[...]) * dinv


def _assemble(agg_ref, tab_ref):
    m = agg_ref[...] + tab_ref[...]
    return jnp.concatenate([m[0], m[1]], axis=1)


def _mm2_body(agg_ref, tab_ref, h_ref, b1_ref, w_ref, out_ref):
    dinv = _dinv_of(h_ref)
    a = _assemble(agg_ref, tab_ref) * dinv + b1_ref[...]
    a = jnp.maximum(a, 0.0)
    out_ref[0] = _dot_f32(a, w_ref[...]) * dinv


def _pool_body(agg_ref, tab_ref, h_ref, b2_ref, batch_ref,
               fw1_ref, fb1_ref, fw2_ref, fb2_ref, out_ref, gmax):
    i = pl.program_id(0)

    @pl.when(i == 0)
    def _():
        gmax[...] = jnp.full((NG, D), -jnp.inf, jnp.float32)

    dinv = _dinv_of(h_ref)
    h = _assemble(agg_ref, tab_ref) * dinv + b2_ref[...]
    h = jnp.maximum(h, 0.0)
    bcol = batch_ref[0]
    gmin = jnp.min(jnp.where(bcol >= 0, bcol, NG))
    gmax_id = jnp.max(bcol)

    def upd(g, carry):
        mask = bcol == g
        v = jnp.max(jnp.where(mask, h, -jnp.inf), axis=0, keepdims=True)
        gmax[pl.ds(g, 1), :] = jnp.maximum(gmax[pl.ds(g, 1), :], v)
        return carry

    lax.fori_loop(gmin, gmax_id + 1, upd, 0)

    @pl.when(i == NBLK - 1)
    def _():
        g1 = _dot_f32(gmax[...], fw1_ref[...]) + fb1_ref[...]
        g1 = jnp.maximum(g1, 0.0)
        out_ref[...] = _dot_f32(g1, fw2_ref[...]) + fb2_ref[...]


def _mm1(x_pad, W1, hist):
    return pl.pallas_call(
        _mm1_body,
        grid=(NBLK, 2),
        in_specs=[
            pl.BlockSpec((R, D), lambda i, c: (i, 0)),
            pl.BlockSpec((D, HALF), lambda i, c: (0, c)),
            pl.BlockSpec((R, HALF), lambda i, c: (i, 0)),
        ],
        out_specs=pl.BlockSpec((1, R, HALF), lambda i, c: (c, i, 0)),
        out_shape=jax.ShapeDtypeStruct((2, NPAD, HALF), jnp.float32),
    )(x_pad, W1, hist)


def _mm2(agg1, tab1, hist, b1r, W2):
    return pl.pallas_call(
        _mm2_body,
        grid=(NBLK, 2),
        in_specs=[
            pl.BlockSpec((2, R, HALF), lambda i, c: (0, i, 0)),
            pl.BlockSpec((2, R, HALF), lambda i, c: (0, i, 0)),
            pl.BlockSpec((R, HALF), lambda i, c: (i, 0)),
            pl.BlockSpec((1, D), lambda i, c: (0, 0)),
            pl.BlockSpec((D, HALF), lambda i, c: (0, c)),
        ],
        out_specs=pl.BlockSpec((1, R, HALF), lambda i, c: (c, i, 0)),
        out_shape=jax.ShapeDtypeStruct((2, NPAD, HALF), jnp.float32),
    )(agg1, tab1, hist, b1r, W2)


def _pool(agg2, tab2, hist, b2r, batch3, fcW1, fb1r, fw2p, fb2r):
    return pl.pallas_call(
        _pool_body,
        grid=(NBLK,),
        in_specs=[
            pl.BlockSpec((2, R, HALF), lambda i: (0, i, 0)),
            pl.BlockSpec((2, R, HALF), lambda i: (0, i, 0)),
            pl.BlockSpec((R, HALF), lambda i: (i, 0)),
            pl.BlockSpec((1, D), lambda i: (0, 0)),
            pl.BlockSpec((1, R, 1), lambda i: (i, 0, 0)),
            pl.BlockSpec((D, HALF), lambda i: (0, 0)),
            pl.BlockSpec((1, HALF), lambda i: (0, 0)),
            pl.BlockSpec((HALF, HALF), lambda i: (0, 0)),
            pl.BlockSpec((1, HALF), lambda i: (0, 0)),
        ],
        out_specs=pl.BlockSpec((NG, HALF), lambda i: (0, 0)),
        out_shape=jax.ShapeDtypeStruct((NG, HALF), jnp.float32),
        scratch_shapes=[pltpu.VMEM((NG, D), jnp.float32)],
    )(agg2, tab2, hist, b2r, batch3, fcW1, fb1r, fw2p, fb2r)


def kernel(x, edge_index, edge_attr, batch, W1, b1, W2, b2,
           fcW1, fcb1, fcW2, fcb2):
    del edge_attr
    f32 = jnp.float32

    src = edge_index[0]
    dst = edge_index[1]
    pad_e = NS * EPT_PAD - E
    src_p = jnp.concatenate([src, jnp.zeros((pad_e,), jnp.int32)])
    dst_p = jnp.concatenate([dst, jnp.full((pad_e,), -1, jnp.int32)])
    src_slabs = src_p.reshape(NS, EPT_PAD)
    dst_slabs = dst_p.reshape(NS, EPT_PAD)
    pre0 = jnp.zeros((CHUNKS, K), jnp.int32)
    pre1 = jnp.full((CHUNKS, K), NPAD, jnp.int32)
    pred = jnp.full((CHUNKS, K), DUMMY_ROW, jnp.int32)
    x_pad = jnp.pad(x, ((0, NPAD - N), (0, 0)))
    batch_p = jnp.concatenate(
        [batch, jnp.full((NPAD - N,), -1, jnp.int32)]).reshape(NBLK, R, 1)

    ones128 = jnp.ones((K, HALF), f32)
    zeros128 = jnp.zeros((K, HALF), f32)

    b1r = b1.reshape(1, D)
    b2r = b2.reshape(1, D)
    fb1r = fcb1.reshape(1, HALF)
    fw2p = jnp.pad(fcW2, ((0, 0), (0, HALF - 1)))
    fb2r = jnp.broadcast_to(fcb2.reshape(1, 1), (1, HALF))

    slists, dlists, cnts = _sc_part(src_slabs, dst_slabs, pre0, pre1, pred)
    hist = _sc_hist(dlists, cnts, ones128, zeros128)

    tab1 = _mm1(x_pad, W1, hist)
    agg1 = _sc_agg(tab1.reshape(2 * NPAD, HALF), slists, dlists, cnts,
                   zeros128)

    tab2 = _mm2(agg1, tab1, hist, b1r, W2)
    agg2 = _sc_agg(tab2.reshape(2 * NPAD, HALF), slists, dlists, cnts,
                   zeros128)

    out_full = _pool(agg2, tab2, hist, b2r, batch_p,
                     fcW1, fb1r, fw2p, fb2r)
    return out_full[:, :1]

# --- scband reference (transcript-rebuilt; emitter-appended) ---
"""Pipeline reference for scband-gcn-87265145520575 (READ-ONLY COPY).

The authoritative reference and input builder live on the scoring server;
editing this copy changes nothing except your own understanding.
"""

import jax, jax.numpy as jnp
import numpy as np

N_NODES = 10000
N_EDGES = 160000
N_GRAPHS = 64
D_IN = 256
H1 = 256
H2 = 256
H3 = 128
D_OUT = 1


def setup_inputs(seed: int = 0) -> dict:
    key = jax.random.key(seed)
    ks = jax.random.split(key, 12)
    x = jax.random.normal(ks[0], (N_NODES, D_IN), dtype=jnp.float32)
    edge_index = jax.random.randint(ks[1], (2, N_EDGES), 0, N_NODES, dtype=jnp.int32)
    edge_attr = jax.random.normal(ks[2], (N_EDGES, 4), dtype=jnp.float32)
    batch = jnp.sort(jax.random.randint(ks[3], (N_NODES,), 0, N_GRAPHS, dtype=jnp.int32))
    W1 = jax.random.normal(ks[4], (D_IN, H1), dtype=jnp.float32) / jnp.sqrt(D_IN)
    b1 = jnp.zeros((H1,), dtype=jnp.float32)
    W2 = jax.random.normal(ks[5], (H1, H2), dtype=jnp.float32) / jnp.sqrt(H1)
    b2 = jnp.zeros((H2,), dtype=jnp.float32)
    fcW1 = jax.random.normal(ks[6], (H2, H3), dtype=jnp.float32) / jnp.sqrt(H2)
    fcb1 = jnp.zeros((H3,), dtype=jnp.float32)
    fcW2 = jax.random.normal(ks[7], (H3, D_OUT), dtype=jnp.float32) / jnp.sqrt(H3)
    fcb2 = jnp.zeros((D_OUT,), dtype=jnp.float32)
    return {"x": x, "edge_index": edge_index, "edge_attr": edge_attr, "batch": batch,
            "W1": W1, "b1": b1, "W2": W2, "b2": b2,
            "fcW1": fcW1, "fcb1": fcb1, "fcW2": fcW2, "fcb2": fcb2}


def _gcn_norm(edge_index, n_nodes, dtype):
    loop = jnp.arange(n_nodes, dtype=edge_index.dtype)
    src = jnp.concatenate([edge_index[0], loop])
    dst = jnp.concatenate([edge_index[1], loop])
    deg = jax.ops.segment_sum(jnp.ones(src.shape[0], dtype), dst, num_segments=n_nodes)
    dinv = jnp.where(deg > 0, 1.0 / jnp.sqrt(deg), 0.0)
    norm = dinv[src] * dinv[dst]
    return src, dst, norm


def _gcn_conv(x, W, b, src, dst, norm, n_nodes):
    h = x @ W
    msg = h[src] * norm[:, None]
    out = jax.ops.segment_sum(msg, dst, num_segments=n_nodes)
    return out + b


def reference(x, edge_index, edge_attr, batch, W1, b1, W2, b2, fcW1, fcb1, fcW2, fcb2):
    n = x.shape[0]
    src, dst, norm = _gcn_norm(edge_index, n, x.dtype)
    h = _gcn_conv(x, W1, b1, src, dst, norm, n)
    h = jax.nn.relu(h)
    # dropout is identity in eval mode
    h = _gcn_conv(h, W2, b2, src, dst, norm, n)
    h = jax.nn.relu(h)
    g = jax.ops.segment_max(h, batch, num_segments=N_GRAPHS)
    g = jax.nn.relu(g @ fcW1 + fcb1)
    out = g @ fcW2 + fcb2
    return out

if __name__ == "__main__":
    import jax
    _d = setup_inputs()
    print(jax.jit(kernel)(*tuple(_d.values())))

</pallas_src>

<mosaic_0001>
#map = affine_map<(d0, d1) -> (0, 0, 0, 0)>
#map1 = affine_map<(d0, d1) -> (0, 0)>
module attributes {stable_mosaic.version = 14 : i64} {
  func.func @_hist_body(%arg0: i32, %arg1: i32, %arg2: memref<16x2x80x128xi32, #tpu.memory_space<hbm>>, %arg3: memref<16x32xi32, #tpu.memory_space<hbm>>, %arg4: memref<128x128xf32, #tpu.memory_space<hbm>>, %arg5: memref<128x128xf32, #tpu.memory_space<hbm>>, %arg6: memref<10240x128xf32, #tpu.memory_space<hbm>>, %arg7: memref<80x128xi32, #tpu.memory_space<vmem>>, %arg8: memref<128x128xf32, #tpu.memory_space<vmem>>, %arg9: memref<128x128xf32, #tpu.memory_space<vmem>>, %arg10: memref<32xi32, #tpu.memory_space<vmem>>, %arg11: memref<6144x128xf32, #tpu.memory_space<vmem_shared>>) attributes {dimension_semantics = [#tpu.dimension_semantics<core_parallel>, #tpu.dimension_semantics<subcore_parallel>], iteration_bounds = array<i64: 2, 16>, scalar_prefetch = 0 : i64, scratch_operands = 5 : i64, tpu.core_type = #tpu.core_type<sc_vector_subcore>, window_params = [{transform_indices = #map}, {transform_indices = #map1}, {transform_indices = #map1}, {transform_indices = #map1}, {transform_indices = #map1}]} {
    "tpu.region"() ({
      %run_scoped3A = tpu.sem_alloc : memref<!tpu.dma_semaphore, #tpu.memory_space<semaphore_mem>>
      %dma_start3A = arith.constant 0 : i32
      %dma_start3A_57 = tpu.memref_slice %arg3[%arg1, %dma_start3A] : memref<16x32xi32, #tpu.memory_space<hbm>> -> memref<1x32xi32, #tpu.memory_space<hbm>>
      %dma_start3A_58 = tpu.memref_squeeze %dma_start3A_57 : memref<1x32xi32, #tpu.memory_space<hbm>> -> memref<32xi32, #tpu.memory_space<hbm>>
      %dma_start3A_59 = arith.constant 0 : i32
      %dma_start3A_60 = tpu.memref_slice %arg3[%arg1, %dma_start3A_59] : memref<16x32xi32, #tpu.memory_space<hbm>> -> memref<1x32xi32, #tpu.memory_space<hbm>>
      %dma_start3A_61 = tpu.memref_squeeze %dma_start3A_60 : memref<1x32xi32, #tpu.memory_space<hbm>> -> memref<32xi32, #tpu.memory_space<hbm>>
      tpu.enqueue_dma source(%dma_start3A_61 : memref<32xi32, #tpu.memory_space<hbm>>) target(%arg10 : memref<32xi32, #tpu.memory_space<vmem>>) target_semaphore(%run_scoped3A : memref<!tpu.dma_semaphore, #tpu.memory_space<semaphore_mem>>)
      %dma_wait3A = arith.constant 0 : i32
      %dma_wait3A_62 = tpu.memref_slice %arg3[%arg1, %dma_wait3A] : memref<16x32xi32, #tpu.memory_space<hbm>> -> memref<1x32xi32, #tpu.memory_space<hbm>>
      %dma_wait3A_63 = tpu.memref_squeeze %dma_wait3A_62 : memref<1x32xi32, #tpu.memory_space<hbm>> -> memref<32xi32, #tpu.memory_space<hbm>>
      %dma_wait3A_64 = arith.constant 0 : i32
      %dma_wait3A_65 = tpu.memref_slice %arg3[%arg1, %dma_wait3A_64] : memref<16x32xi32, #tpu.memory_space<hbm>> -> memref<1x32xi32, #tpu.memory_space<hbm>>
      %dma_wait3A_66 = tpu.memref_squeeze %dma_wait3A_65 : memref<1x32xi32, #tpu.memory_space<hbm>> -> memref<32xi32, #tpu.memory_space<hbm>>
      tpu.wait_dma2 semaphore(%run_scoped3A : memref<!tpu.dma_semaphore, #tpu.memory_space<semaphore_mem>>) src(%dma_wait3A_66 : memref<32xi32, #tpu.memory_space<hbm>>) dst(%arg10 : memref<32xi32, #tpu.memory_space<vmem>>)
      tpu.yield
    }) : () -> ()
    "tpu.region"() ({
      %run_scoped3A = tpu.sem_alloc : memref<!tpu.dma_semaphore, #tpu.memory_space<semaphore_mem>>
      %dma_start3A = arith.constant 0 : i32
      %dma_start3A_57 = arith.constant 0 : i32
      %dma_start3A_58 = arith.constant 0 : i32
      %dma_start3A_59 = tpu.memref_slice %arg2[%arg1, %dma_start3A, %dma_start3A_57, %dma_start3A_58] : memref<16x2x80x128xi32, #tpu.memory_space<hbm>> -> memref<1x2x80x128xi32, #tpu.memory_space<hbm>>
      %dma_start3A_60 = tpu.memref_squeeze %dma_start3A_59 : memref<1x2x80x128xi32, #tpu.memory_space<hbm>> -> memref<2x80x128xi32, #tpu.memory_space<hbm>>
      %dma_start3A_61 = arith.constant 0 : i32
      %dma_start3A_62 = arith.constant 0 : i32
      %dma_start3A_63 = tpu.memref_slice %dma_start3A_60[%arg0, %dma_start3A_61, %dma_start3A_62] : memref<2x80x128xi32, #tpu.memory_space<hbm>> -> memref<1x80x128xi32, #tpu.memory_space<hbm>>
      %dma_start3A_64 = tpu.memref_squeeze %dma_start3A_63 : memref<1x80x128xi32, #tpu.memory_space<hbm>> -> memref<80x128xi32, #tpu.memory_space<hbm>>
      %dma_start3A_65 = arith.constant 0 : i32
      %dma_start3A_66 = arith.constant 0 : i32
      %dma_start3A_67 = arith.constant 0 : i32
      %dma_start3A_68 = tpu.memref_slice %arg2[%arg1, %dma_start3A_65, %dma_start3A_66, %dma_start3A_67] : memref<16x2x80x128xi32, #tpu.memory_space<hbm>> -> memref<1x2x80x128xi32, #tpu.memory_space<hbm>>
      %dma_start3A_69 = tpu.memref_squeeze %dma_start3A_68 : memref<1x2x80x128xi32, #tpu.memory_space<hbm>> -> memref<2x80x128xi32, #tpu.memory_space<hbm>>
      %dma_start3A_70 = arith.constant 0 : i32
      %dma_start3A_71 = arith.constant 0 : i32
      %dma_start3A_72 = tpu.memref_slice %dma_start3A_69[%arg0, %dma_start3A_70, %dma_start3A_71] : memref<2x80x128xi32, #tpu.memory_space<hbm>> -> memref<1x80x128xi32, #tpu.memory_space<hbm>>
      %dma_start3A_73 = tpu.memref_squeeze %dma_start3A_72 : memref<1x80x128xi32, #tpu.memory_space<hbm>> -> memref<80x128xi32, #tpu.memory_space<hbm>>
      tpu.enqueue_dma source(%dma_start3A_73 : memref<80x128xi32, #tpu.memory_space<hbm>>) target(%arg7 : memref<80x128xi32, #tpu.memory_space<vmem>>) target_semaphore(%run_scoped3A : memref<!tpu.dma_semaphore, #tpu.memory_space<semaphore_mem>>)
      %dma_wait3A = arith.constant 0 : i32
      %dma_wait3A_74 = arith.constant 0 : i32
      %dma_wait3A_75 = arith.constant 0 : i32
      %dma_wait3A_76 = tpu.memref_slice %arg2[%arg1, %dma_wait3A, %dma_wait3A_74, %dma_wait3A_75] : memref<16x2x80x128xi32, #tpu.memory_space<hbm>> -> memref<1x2x80x128xi32, #tpu.memory_space<hbm>>
      %dma_wait3A_77 = tpu.memref_squeeze %dma_wait3A_76 : memref<1x2x80x128xi32, #tpu.memory_space<hbm>> -> memref<2x80x128xi32, #tpu.memory_space<hbm>>
      %dma_wait3A_78 = arith.constant 0 : i32
      %dma_wait3A_79 = arith.constant 0 : i32
      %dma_wait3A_80 = tpu.memref_slice %dma_wait3A_77[%arg0, %dma_wait3A_78, %dma_wait3A_79] : memref<2x80x128xi32, #tpu.memory_space<hbm>> -> memref<1x80x128xi32, #tpu.memory_space<hbm>>
      %dma_wait3A_81 = tpu.memref_squeeze %dma_wait3A_80 : memref<1x80x128xi32, #tpu.memory_space<hbm>> -> memref<80x128xi32, #tpu.memory_space<hbm>>
      %dma_wait3A_82 = arith.constant 0 : i32
      %dma_wait3A_83 = arith.constant 0 : i32
      %dma_wait3A_84 = arith.constant 0 : i32
      %dma_wait3A_85 = tpu.memref_slice %arg2[%arg1, %dma_wait3A_82, %dma_wait3A_83, %dma_wait3A_84] : memref<16x2x80x128xi32, #tpu.memory_space<hbm>> -> memref<1x2x80x128xi32, #tpu.memory_space<hbm>>
      %dma_wait3A_86 = tpu.memref_squeeze %dma_wait3A_85 : memref<1x2x80x128xi32, #tpu.memory_space<hbm>> -> memref<2x80x128xi32, #tpu.memory_space<hbm>>
      %dma_wait3A_87 = arith.constant 0 : i32
      %dma_wait3A_88 = arith.constant 0 : i32
      %dma_wait3A_89 = tpu.memref_slice %dma_wait3A_86[%arg0, %dma_wait3A_87, %dma_wait3A_88] : memref<2x80x128xi32, #tpu.memory_space<hbm>> -> memref<1x80x128xi32, #tpu.memory_space<hbm>>
      %dma_wait3A_90 = tpu.memref_squeeze %dma_wait3A_89 : memref<1x80x128xi32, #tpu.memory_space<hbm>> -> memref<80x128xi32, #tpu.memory_space<hbm>>
      tpu.wait_dma2 semaphore(%run_scoped3A : memref<!tpu.dma_semaphore, #tpu.memory_space<semaphore_mem>>) src(%dma_wait3A_90 : memref<80x128xi32, #tpu.memory_space<hbm>>) dst(%arg7 : memref<80x128xi32, #tpu.memory_space<vmem>>)
      tpu.yield
    }) : () -> ()
    "tpu.region"() ({
      %run_scoped3A = tpu.sem_alloc : memref<!tpu.dma_semaphore, #tpu.memory_space<semaphore_mem>>
      tpu.enqueue_dma source(%arg4 : memref<128x128xf32, #tpu.memory_space<hbm>>) target(%arg8 : memref<128x128xf32, #tpu.memory_space<vmem>>) target_semaphore(%run_scoped3A : memref<!tpu.dma_semaphore, #tpu.memory_space<semaphore_mem>>)
      tpu.wait_dma2 semaphore(%run_scoped3A : memref<!tpu.dma_semaphore, #tpu.memory_space<semaphore_mem>>) src(%arg4 : memref<128x128xf32, #tpu.memory_space<hbm>>) dst(%arg8 : memref<128x128xf32, #tpu.memory_space<vmem>>)
      tpu.yield
    }) : () -> ()
    "tpu.region"() ({
      %run_scoped3A = tpu.sem_alloc : memref<!tpu.dma_semaphore, #tpu.memory_space<semaphore_mem>>
      tpu.enqueue_dma source(%arg5 : memref<128x128xf32, #tpu.memory_space<hbm>>) target(%arg9 : memref<128x128xf32, #tpu.memory_space<vmem>>) target_semaphore(%run_scoped3A : memref<!tpu.dma_semaphore, #tpu.memory_space<semaphore_mem>>)
      tpu.wait_dma2 semaphore(%run_scoped3A : memref<!tpu.dma_semaphore, #tpu.memory_space<semaphore_mem>>) src(%arg5 : memref<128x128xf32, #tpu.memory_space<hbm>>) dst(%arg9 : memref<128x128xf32, #tpu.memory_space<vmem>>)
      tpu.yield
    }) : () -> ()
    %mul3A = arith.constant 384 : i32
    %mul3A_0 = arith.muli %arg1, %mul3A : i32
    %add3A = arith.constant 0 : i32
    %add3A_1 = arith.addi %mul3A_0, %add3A : i32
    "tpu.region"() ({
      %run_scoped3A = tpu.sem_alloc : memref<!tpu.dma_semaphore, #tpu.memory_space<semaphore_mem>>
      %dma_start3A = arith.constant 0 : i32
      %dma_start3A_57 = tpu.memref_slice %arg11[%add3A_1, %dma_start3A] : memref<6144x128xf32, #tpu.memory_space<vmem_shared>> -> memref<128x128xf32, #tpu.memory_space<vmem_shared>>
      %dma_start3A_58 = arith.constant 0 : i32
      %dma_start3A_59 = tpu.memref_slice %arg11[%add3A_1, %dma_start3A_58] : memref<6144x128xf32, #tpu.memory_space<vmem_shared>> -> memref<128x128xf32, #tpu.memory_space<vmem_shared>>
      tpu.enqueue_dma source(%arg9 : memref<128x128xf32, #tpu.memory_space<vmem>>) target(%dma_start3A_59 : memref<128x128xf32, #tpu.memory_space<vmem_shared>>) target_semaphore(%run_scoped3A : memref<!tpu.dma_semaphore, #tpu.memory_space<semaphore_mem>>)
      %dma_wait3A = arith.constant 0 : i32
      %dma_wait3A_60 = tpu.memref_slice %arg11[%add3A_1, %dma_wait3A] : memref<6144x128xf32, #tpu.memory_space<vmem_shared>> -> memref<128x128xf32, #tpu.memory_space<vmem_shared>>
      %dma_wait3A_61 = arith.constant 0 : i32
      %dma_wait3A_62 = tpu.memref_slice %arg11[%add3A_1, %dma_wait3A_61] : memref<6144x128xf32, #tpu.memory_space<vmem_shared>> -> memref<128x128xf32, #tpu.memory_space<vmem_shared>>
      tpu.wait_dma2 semaphore(%run_scoped3A : memref<!tpu.dma_semaphore, #tpu.memory_space<semaphore_mem>>) src(%arg9 : memref<128x128xf32, #tpu.memory_space<vmem>>) dst(%dma_wait3A_62 : memref<128x128xf32, #tpu.memory_space<vmem_shared>>)
      tpu.yield
    }) : () -> ()
    %mul3A_2 = arith.constant 384 : i32
    %mul3A_3 = arith.muli %arg1, %mul3A_2 : i32
    %add3A_4 = arith.constant 128 : i32
    %add3A_5 = arith.addi %mul3A_3, %add3A_4 : i32
    "tpu.region"() ({
      %run_scoped3A = tpu.sem_alloc : memref<!tpu.dma_semaphore, #tpu.memory_space<semaphore_mem>>
      %dma_start3A = arith.constant 0 : i32
      %dma_start3A_57 = tpu.memref_slice %arg11[%add3A_5, %dma_start3A] : memref<6144x128xf32, #tpu.memory_space<vmem_shared>> -> memref<128x128xf32, #tpu.memory_space<vmem_shared>>
      %dma_start3A_58 = arith.constant 0 : i32
      %dma_start3A_59 = tpu.memref_slice %arg11[%add3A_5, %dma_start3A_58] : memref<6144x128xf32, #tpu.memory_space<vmem_shared>> -> memref<128x128xf32, #tpu.memory_space<vmem_shared>>
      tpu.enqueue_dma source(%arg9 : memref<128x128xf32, #tpu.memory_space<vmem>>) target(%dma_start3A_59 : memref<128x128xf32, #tpu.memory_space<vmem_shared>>) target_semaphore(%run_scoped3A : memref<!tpu.dma_semaphore, #tpu.memory_space<semaphore_mem>>)
      %dma_wait3A = arith.constant 0 : i32
      %dma_wait3A_60 = tpu.memref_slice %arg11[%add3A_5, %dma_wait3A] : memref<6144x128xf32, #tpu.memory_space<vmem_shared>> -> memref<128x128xf32, #tpu.memory_space<vmem_shared>>
      %dma_wait3A_61 = arith.constant 0 : i32
      %dma_wait3A_62 = tpu.memref_slice %arg11[%add3A_5, %dma_wait3A_61] : memref<6144x128xf32, #tpu.memory_space<vmem_shared>> -> memref<128x128xf32, #tpu.memory_space<vmem_shared>>
      tpu.wait_dma2 semaphore(%run_scoped3A : memref<!tpu.dma_semaphore, #tpu.memory_space<semaphore_mem>>) src(%arg9 : memref<128x128xf32, #tpu.memory_space<vmem>>) dst(%dma_wait3A_62 : memref<128x128xf32, #tpu.memory_space<vmem_shared>>)
      tpu.yield
    }) : () -> ()
    %mul3A_6 = arith.constant 384 : i32
    %mul3A_7 = arith.muli %arg1, %mul3A_6 : i32
    %add3A_8 = arith.constant 256 : i32
    %add3A_9 = arith.addi %mul3A_7, %add3A_8 : i32
    "tpu.region"() ({
      %run_scoped3A = tpu.sem_alloc : memref<!tpu.dma_semaphore, #tpu.memory_space<semaphore_mem>>
      %dma_start3A = arith.constant 0 : i32
      %dma_start3A_57 = tpu.memref_slice %arg11[%add3A_9, %dma_start3A] : memref<6144x128xf32, #tpu.memory_space<vmem_shared>> -> memref<128x128xf32, #tpu.memory_space<vmem_shared>>
      %dma_start3A_58 = arith.constant 0 : i32
      %dma_start3A_59 = tpu.memref_slice %arg11[%add3A_9, %dma_start3A_58] : memref<6144x128xf32, #tpu.memory_space<vmem_shared>> -> memref<128x128xf32, #tpu.memory_space<vmem_shared>>
      tpu.enqueue_dma source(%arg9 : memref<128x128xf32, #tpu.memory_space<vmem>>) target(%dma_start3A_59 : memref<128x128xf32, #tpu.memory_space<vmem_shared>>) target_semaphore(%run_scoped3A : memref<!tpu.dma_semaphore, #tpu.memory_space<semaphore_mem>>)
      %dma_wait3A = arith.constant 0 : i32
      %dma_wait3A_60 = tpu.memref_slice %arg11[%add3A_9, %dma_wait3A] : memref<6144x128xf32, #tpu.memory_space<vmem_shared>> -> memref<128x128xf32, #tpu.memory_space<vmem_shared>>
      %dma_wait3A_61 = arith.constant 0 : i32
      %dma_wait3A_62 = tpu.memref_slice %arg11[%add3A_9, %dma_wait3A_61] : memref<6144x128xf32, #tpu.memory_space<vmem_shared>> -> memref<128x128xf32, #tpu.memory_space<vmem_shared>>
      tpu.wait_dma2 semaphore(%run_scoped3A : memref<!tpu.dma_semaphore, #tpu.memory_space<semaphore_mem>>) src(%arg9 : memref<128x128xf32, #tpu.memory_space<vmem>>) dst(%dma_wait3A_62 : memref<128x128xf32, #tpu.memory_space<vmem_shared>>)
      tpu.yield
    }) : () -> ()
    %barrier3A = arith.constant 0 : index
    tpu.barrier barrier_id(%barrier3A)
    %mul3A_10 = arith.constant 16 : i32
    %mul3A_11 = arith.muli %mul3A_10, %arg0 : i32
    %get3A = arith.index_cast %mul3A_11 : i32 to index
    %get3A_12 = tpu.vector_load %arg10[%get3A] {strides = array<i32>} : memref<32xi32, #tpu.memory_space<vmem>>, vector<16xi32>,
    %reduce_max3A = arith.constant true
    %reduce_max3A_13 = vector.broadcast %reduce_max3A : i1 to vector<16xi1>
    %reduce_max3A_14 = arith.constant -2147483648 : i32
    %reduce_max3A_15 = vector.broadcast %reduce_max3A_14 : i32 to vector<16xi32>
    %reduce_max3A_16 = arith.xori %get3A_12, %reduce_max3A_15 : vector<16xi32>
    %reduce_max3A_17 = tpu.scan <max>, %reduce_max3A_16 masked %reduce_max3A_13 : vector<16xi32>, vector<16xi1> -> vector<16xi32>
    %reduce_max3A_18 = arith.xori %reduce_max3A_17, %reduce_max3A_15 : vector<16xi32>
    %reduce_max3A_19 = vector.extract %reduce_max3A_18[15] : i32 from vector<16xi32>
    %add3A_20 = arith.constant 128 : i32
    %add3A_21 = arith.addi %reduce_max3A_19, %add3A_20 : i32
    %sub3A = arith.constant 1 : i32
    %sub3A_22 = arith.subi %add3A_21, %sub3A : i32
    %jit3A = arith.constant 128 : i32
    %div3A = arith.divsi %sub3A_22, %jit3A : i32
    %sign3A = arith.constant 0 : i32
    %sign3A_23 = arith.cmpi sgt, %sub3A_22, %sign3A : i32
    %sign3A_24 = arith.extui %sign3A_23 : i1 to i32
    %sign3A_25 = arith.constant 0 : i32
    %sign3A_26 = arith.cmpi slt, %sub3A_22, %sign3A_25 : i32
    %sign3A_27 = arith.extui %sign3A_26 : i1 to i32
    %sign3A_28 = arith.subi %sign3A_24, %sign3A_27 : i32
    %sign3A_29 = arith.constant 0 : i32
    %sign3A_30 = arith.cmpi sgt, %jit3A, %sign3A_29 : i32
    %sign3A_31 = arith.extui %sign3A_30 : i1 to i32
    %sign3A_32 = arith.constant 0 : i32
    %sign3A_33 = arith.cmpi slt, %jit3A, %sign3A_32 : i32
    %sign3A_34 = arith.extui %sign3A_33 : i1 to i32
    %sign3A_35 = arith.subi %sign3A_31, %sign3A_34 : i32
    %ne3A = arith.cmpi ne, %sign3A_28, %sign3A_35 : i32
    %rem3A = arith.remsi %sub3A_22, %jit3A : i32
    %ne3A_36 = arith.constant 0 : i32
    %ne3A_37 = arith.cmpi ne, %rem3A, %ne3A_36 : i32
    %and3A = arith.andi %ne3A, %ne3A_37 : i1
    %sub3A_38 = arith.constant 1 : i32
    %sub3A_39 = arith.subi %div3A, %sub3A_38 : i32
    %select_n3A = arith.select %and3A, %sub3A_39, %div3A : i32
    %while3A = arith.constant 0 : i32
    %while3A_40 = arith.constant 0 : i32
    %while3A_41 = arith.subi %select_n3A, %while3A_40 : i32
    %while3A_42 = arith.addi %while3A_40, %while3A_41 : i32
    %while3A_43 = arith.constant 1 : i32
    %while3A_44 = arith.divsi %while3A_41, %while3A_43 : i32
    %while3A_45 = arith.muli %while3A_44, %while3A_43 : i32
    %while3A_46 = arith.addi %while3A_40, %while3A_45 : i32
    %while3A_47 = arith.constant 1 : i32
    scf.for %while3A_57 = %while3A_40 to %while3A_46 step %while3A_47  : i32 {
      "tpu.region"() ({
        %run_scoped3A = tpu.sem_alloc : memref<!tpu.dma_semaphore, #tpu.memory_space<semaphore_mem>>
        %dma_start3A = arith.constant 0 : i32
        %dma_start3A_58 = tpu.memref_slice %arg7[%while3A_57, %dma_start3A] : memref<80x128xi32, #tpu.memory_space<vmem>> -> memref<1x128xi32, #tpu.memory_space<vmem>>
        %dma_start3A_59 = tpu.memref_squeeze %dma_start3A_58 : memref<1x128xi32, #tpu.memory_space<vmem>> -> memref<128xi32, #tpu.memory_space<vmem>>
        %dma_start3A_60 = arith.constant 0 : i32
        %dma_start3A_61 = arith.constant 0 : i32
        %dma_start3A_62 = tpu.memref_slice %arg11[%dma_start3A_60, %dma_start3A_61] : memref<6144x128xf32, #tpu.memory_space<vmem_shared>> -> memref<6144x128xf32, #tpu.memory_space<vmem_shared>>
        tpu.enqueue_indirect_dma source(%arg8 : memref<128x128xf32, #tpu.memory_space<vmem>>) target(%dma_start3A_62 : memref<6144x128xf32, #tpu.memory_space<vmem_shared>>) offsets(%dma_start3A_59 : memref<128xi32, #tpu.memory_space<vmem>>) semaphore(%run_scoped3A : memref<!tpu.dma_semaphore, #tpu.memory_space<semaphore_mem>>) {add = true}
        %dma_wait3A = arith.constant 0 : i32
        %dma_wait3A_63 = tpu.memref_slice %arg7[%while3A_57, %dma_wait3A] : memref<80x128xi32, #tpu.memory_space<vmem>> -> memref<1x128xi32, #tpu.memory_space<vmem>>
        %dma_wait3A_64 = tpu.memref_squeeze %dma_wait3A_63 : memref<1x128xi32, #tpu.memory_space<vmem>> -> memref<128xi32, #tpu.memory_space<vmem>>
        %dma_wait3A_65 = arith.constant 0 : i32
        %dma_wait3A_66 = arith.constant 0 : i32
        %dma_wait3A_67 = tpu.memref_slice %arg11[%dma_wait3A_65, %dma_wait3A_66] : memref<6144x128xf32, #tpu.memory_space<vmem_shared>> -> memref<6144x128xf32, #tpu.memory_space<vmem_shared>>
        tpu.wait_indirect_dma semaphore(%run_scoped3A : memref<!tpu.dma_semaphore, #tpu.memory_space<semaphore_mem>>) src(%arg8 : memref<128x128xf32, #tpu.memory_space<vmem>>) dst(%dma_wait3A_67 : memref<6144x128xf32, #tpu.memory_space<vmem_shared>>)
        tpu.yield
      }) : () -> ()
    }
    %while3A_48 = arith.constant 1 : i32
    scf.for %while3A_57 = %while3A_46 to %while3A_42 step %while3A_48  : i32 {
      "tpu.region"() ({
        %run_scoped3A = tpu.sem_alloc : memref<!tpu.dma_semaphore, #tpu.memory_space<semaphore_mem>>
        %dma_start3A = arith.constant 0 : i32
        %dma_start3A_58 = tpu.memref_slice %arg7[%while3A_57, %dma_start3A] : memref<80x128xi32, #tpu.memory_space<vmem>> -> memref<1x128xi32, #tpu.memory_space<vmem>>
        %dma_start3A_59 = tpu.memref_squeeze %dma_start3A_58 : memref<1x128xi32, #tpu.memory_space<vmem>> -> memref<128xi32, #tpu.memory_space<vmem>>
        %dma_start3A_60 = arith.constant 0 : i32
        %dma_start3A_61 = arith.constant 0 : i32
        %dma_start3A_62 = tpu.memref_slice %arg11[%dma_start3A_60, %dma_start3A_61] : memref<6144x128xf32, #tpu.memory_space<vmem_shared>> -> memref<6144x128xf32, #tpu.memory_space<vmem_shared>>
        tpu.enqueue_indirect_dma source(%arg8 : memref<128x128xf32, #tpu.memory_space<vmem>>) target(%dma_start3A_62 : memref<6144x128xf32, #tpu.memory_space<vmem_shared>>) offsets(%dma_start3A_59 : memref<128xi32, #tpu.memory_space<vmem>>) semaphore(%run_scoped3A : memref<!tpu.dma_semaphore, #tpu.memory_space<semaphore_mem>>) {add = true}
        %dma_wait3A = arith.constant 0 : i32
        %dma_wait3A_63 = tpu.memref_slice %arg7[%while3A_57, %dma_wait3A] : memref<80x128xi32, #tpu.memory_space<vmem>> -> memref<1x128xi32, #tpu.memory_space<vmem>>
        %dma_wait3A_64 = tpu.memref_squeeze %dma_wait3A_63 : memref<1x128xi32, #tpu.memory_space<vmem>> -> memref<128xi32, #tpu.memory_space<vmem>>
        %dma_wait3A_65 = arith.constant 0 : i32
        %dma_wait3A_66 = arith.constant 0 : i32
        %dma_wait3A_67 = tpu.memref_slice %arg11[%dma_wait3A_65, %dma_wait3A_66] : memref<6144x128xf32, #tpu.memory_space<vmem_shared>> -> memref<6144x128xf32, #tpu.memory_space<vmem_shared>>
        tpu.wait_indirect_dma semaphore(%run_scoped3A : memref<!tpu.dma_semaphore, #tpu.memory_space<semaphore_mem>>) src(%arg8 : memref<128x128xf32, #tpu.memory_space<vmem>>) dst(%dma_wait3A_67 : memref<6144x128xf32, #tpu.memory_space<vmem_shared>>)
        tpu.yield
      }) : () -> ()
    }
    %barrier3A_49 = arith.constant 0 : index
    tpu.barrier barrier_id(%barrier3A_49)
    %mul3A_50 = arith.constant 320 : i32
    %mul3A_51 = arith.muli %arg1, %mul3A_50 : i32
    %mul3A_52 = arith.constant 5120 : i32
    %mul3A_53 = arith.muli %arg0, %mul3A_52 : i32
    %mul3A_54 = arith.constant 320 : i32
    %mul3A_55 = arith.muli %arg1, %mul3A_54 : i32
    %add3A_56 = arith.addi %mul3A_53, %mul3A_55 : i32
    "tpu.region"() ({
      %run_scoped3A = tpu.sem_alloc : memref<!tpu.dma_semaphore, #tpu.memory_space<semaphore_mem>>
      %dma_start3A = arith.constant 0 : i32
      %dma_start3A_57 = tpu.memref_slice %arg6[%add3A_56, %dma_start3A] : memref<10240x128xf32, #tpu.memory_space<hbm>> -> memref<320x128xf32, #tpu.memory_space<hbm>>
      %dma_start3A_58 = arith.constant 0 : i32
      %dma_start3A_59 = tpu.memref_slice %arg11[%mul3A_51, %dma_start3A_58] : memref<6144x128xf32, #tpu.memory_space<vmem_shared>> -> memref<320x128xf32, #tpu.memory_space<vmem_shared>>
      tpu.enqueue_dma source(%dma_start3A_59 : memref<320x128xf32, #tpu.memory_space<vmem_shared>>) target(%dma_start3A_57 : memref<320x128xf32, #tpu.memory_space<hbm>>) target_semaphore(%run_scoped3A : memref<!tpu.dma_semaphore, #tpu.memory_space<semaphore_mem>>)
      %dma_wait3A = arith.constant 0 : i32
      %dma_wait3A_60 = tpu.memref_slice %arg6[%add3A_56, %dma_wait3A] : memref<10240x128xf32, #tpu.memory_space<hbm>> -> memref<320x128xf32, #tpu.memory_space<hbm>>
      %dma_wait3A_61 = arith.constant 0 : i32
      %dma_wait3A_62 = tpu.memref_slice %arg11[%mul3A_51, %dma_wait3A_61] : memref<6144x128xf32, #tpu.memory_space<vmem_shared>> -> memref<320x128xf32, #tpu.memory_space<vmem_shared>>
      tpu.wait_dma2 semaphore(%run_scoped3A : memref<!tpu.dma_semaphore, #tpu.memory_space<semaphore_mem>>) src(%dma_wait3A_62 : memref<320x128xf32, #tpu.memory_space<vmem_shared>>) dst(%dma_wait3A_60 : memref<320x128xf32, #tpu.memory_space<hbm>>)
      tpu.yield
    }) : () -> ()
    return
  }
}

#map = affine_map<(d0, d1) -> (0, 0)>
#map1 = affine_map<(d0, d1) -> (0, 0, 0, 0, 0)>
#map2 = affine_map<(d0, d1) -> (0, 0, 0, 0)>
module attributes {stable_mosaic.version = 14 : i64} {
  func.func @_part_body(%arg0: i32, %arg1: i32, %arg2: memref<16x10240xi32, #tpu.memory_space<hbm>>, %arg3: memref<16x10240xi32, #tpu.memory_space<hbm>>, %arg4: memref<80x128xi32, #tpu.memory_space<hbm>>, %arg5: memref<80x128xi32, #tpu.memory_space<hbm>>, %arg6: memref<80x128xi32, #tpu.memory_space<hbm>>, %arg7: memref<16x2x2x80x128xi32, #tpu.memory_space<hbm>>, %arg8: memref<16x2x80x128xi32, #tpu.memory_space<hbm>>, %arg9: memref<16x32xi32, #tpu.memory_space<hbm>>, %arg10: memref<10240xi32, #tpu.memory_space<vmem>>, %arg11: memref<10240xi32, #tpu.memory_space<vmem>>, %arg12: memref<80x128xi32, #tpu.memory_space<vmem>>, %arg13: memref<80x128xi32, #tpu.memory_space<vmem>>, %arg14: memref<80x128xi32, #tpu.memory_space<vmem>>, %arg15: memref<80x128xi32, #tpu.memory_space<vmem>>, %arg16: memref<80x128xi32, #tpu.memory_space<vmem>>, %arg17: memref<80x128xi32, #tpu.memory_space<vmem>>, %arg18: memref<32xi32, #tpu.memory_space<vmem>>) attributes {dimension_semantics = [#tpu.dimension_semantics<core_parallel>, #tpu.dimension_semantics<subcore_parallel>], iteration_bounds = array<i64: 2, 16>, scalar_prefetch = 0 : i64, scratch_operands = 9 : i64, tpu.core_type = #tpu.core_type<sc_vector_subcore>, window_params = [{transform_indices = #map}, {transform_indices = #map}, {transform_indices = #map}, {transform_indices = #map}, {transform_indices = #map}, {transform_indices = #map1}, {transform_indices = #map2}, {transform_indices = #map}]} {
    %eq3A = arith.constant 0 : i32
    %eq3A_0 = arith.cmpi eq, %arg0, %eq3A : i32
    %convert_element_type3A = arith.extui %eq3A_0 : i1 to i32
    %cond3A = arith.constant 0 : i32
    %cond3A_1 = arith.cmpi ne, %convert_element_type3A, %cond3A : i32
    scf.if %cond3A_1 {
      "tpu.region"() ({
        %run_scoped3A_22 = tpu.sem_alloc : memref<!tpu.dma_semaphore, #tpu.memory_space<semaphore_mem>>
        %dma_start3A = arith.constant 0 : i32
        %dma_start3A_23 = tpu.memref_slice %arg2[%arg1, %dma_start3A] : memref<16x10240xi32, #tpu.memory_space<hbm>> -> memref<1x10240xi32, #tpu.memory_space<hbm>>
        %dma_start3A_24 = tpu.memref_squeeze %dma_start3A_23 : memref<1x10240xi32, #tpu.memory_space<hbm>> -> memref<10240xi32, #tpu.memory_space<hbm>>
        %dma_start3A_25 = arith.constant 0 : i32
        %dma_start3A_26 = tpu.memref_slice %arg2[%arg1, %dma_start3A_25] : memref<16x10240xi32, #tpu.memory_space<hbm>> -> memref<1x10240xi32, #tpu.memory_space<hbm>>
        %dma_start3A_27 = tpu.memref_squeeze %dma_start3A_26 : memref<1x10240xi32, #tpu.memory_space<hbm>> -> memref<10240xi32, #tpu.memory_space<hbm>>
        tpu.enqueue_dma source(%dma_start3A_27 : memref<10240xi32, #tpu.memory_space<hbm>>) target(%arg10 : memref<10240xi32, #tpu.memory_space<vmem>>) target_semaphore(%run_scoped3A_22 : memref<!tpu.dma_semaphore, #tpu.memory_space<semaphore_mem>>)
        %dma_wait3A = arith.constant 0 : i32
        %dma_wait3A_28 = tpu.memref_slice %arg2[%arg1, %dma_wait3A] : memref<16x10240xi32, #tpu.memory_space<hbm>> -> memref<1x10240xi32, #tpu.memory_space<hbm>>
        %dma_wait3A_29 = tpu.memref_squeeze %dma_wait3A_28 : memref<1x10240xi32, #tpu.memory_space<hbm>> -> memref<10240xi32, #tpu.memory_space<hbm>>
        %dma_wait3A_30 = arith.constant 0 : i32
        %dma_wait3A_31 = tpu.memref_slice %arg2[%arg1, %dma_wait3A_30] : memref<16x10240xi32, #tpu.memory_space<hbm>> -> memref<1x10240xi32, #tpu.memory_space<hbm>>
        %dma_wait3A_32 = tpu.memref_squeeze %dma_wait3A_31 : memref<1x10240xi32, #tpu.memory_space<hbm>> -> memref<10240xi32, #tpu.memory_space<hbm>>
        tpu.wait_dma2 semaphore(%run_scoped3A_22 : memref<!tpu.dma_semaphore, #tpu.memory_space<semaphore_mem>>) src(%dma_wait3A_32 : memref<10240xi32, #tpu.memory_space<hbm>>) dst(%arg10 : memref<10240xi32, #tpu.memory_space<vmem>>)
        tpu.yield
      }) : () -> ()
      "tpu.region"() ({
        %run_scoped3A_22 = tpu.sem_alloc : memref<!tpu.dma_semaphore, #tpu.memory_space<semaphore_mem>>
        %dma_start3A = arith.constant 0 : i32
        %dma_start3A_23 = tpu.memref_slice %arg3[%arg1, %dma_start3A] : memref<16x10240xi32, #tpu.memory_space<hbm>> -> memref<1x10240xi32, #tpu.memory_space<hbm>>
        %dma_start3A_24 = tpu.memref_squeeze %dma_start3A_23 : memref<1x10240xi32, #tpu.memory_space<hbm>> -> memref<10240xi32, #tpu.memory_space<hbm>>
        %dma_start3A_25 = arith.constant 0 : i32
        %dma_start3A_26 = tpu.memref_slice %arg3[%arg1, %dma_start3A_25] : memref<16x10240xi32, #tpu.memory_space<hbm>> -> memref<1x10240xi32, #tpu.memory_space<hbm>>
        %dma_start3A_27 = tpu.memref_squeeze %dma_start3A_26 : memref<1x10240xi32, #tpu.memory_space<hbm>> -> memref<10240xi32, #tpu.memory_space<hbm>>
        tpu.enqueue_dma source(%dma_start3A_27 : memref<10240xi32, #tpu.memory_space<hbm>>) target(%arg11 : memref<10240xi32, #tpu.memory_space<vmem>>) target_semaphore(%run_scoped3A_22 : memref<!tpu.dma_semaphore, #tpu.memory_space<semaphore_mem>>)
        %dma_wait3A = arith.constant 0 : i32
        %dma_wait3A_28 = tpu.memref_slice %arg3[%arg1, %dma_wait3A] : memref<16x10240xi32, #tpu.memory_space<hbm>> -> memref<1x10240xi32, #tpu.memory_space<hbm>>
        %dma_wait3A_29 = tpu.memref_squeeze %dma_wait3A_28 : memref<1x10240xi32, #tpu.memory_space<hbm>> -> memref<10240xi32, #tpu.memory_space<hbm>>
        %dma_wait3A_30 = arith.constant 0 : i32
        %dma_wait3A_31 = tpu.memref_slice %arg3[%arg1, %dma_wait3A_30] : memref<16x10240xi32, #tpu.memory_space<hbm>> -> memref<1x10240xi32, #tpu.memory_space<hbm>>
        %dma_wait3A_32 = tpu.memref_squeeze %dma_wait3A_31 : memref<1x10240xi32, #tpu.memory_space<hbm>> -> memref<10240xi32, #tpu.memory_space<hbm>>
        tpu.wait_dma2 semaphore(%run_scoped3A_22 : memref<!tpu.dma_semaphore, #tpu.memory_space<semaphore_mem>>) src(%dma_wait3A_32 : memref<10240xi32, #tpu.memory_space<hbm>>) dst(%arg11 : memref<10240xi32, #tpu.memory_space<vmem>>)
        tpu.yield
      }) : () -> ()
      "tpu.region"() ({
        %run_scoped3A_22 = tpu.sem_alloc : memref<!tpu.dma_semaphore, #tpu.memory_space<semaphore_mem>>
        tpu.enqueue_dma source(%arg4 : memref<80x128xi32, #tpu.memory_space<hbm>>) target(%arg12 : memref<80x128xi32, #tpu.memory_space<vmem>>) target_semaphore(%run_scoped3A_22 : memref<!tpu.dma_semaphore, #tpu.memory_space<semaphore_mem>>)
        tpu.wait_dma2 semaphore(%run_scoped3A_22 : memref<!tpu.dma_semaphore, #tpu.memory_space<semaphore_mem>>) src(%arg4 : memref<80x128xi32, #tpu.memory_space<hbm>>) dst(%arg12 : memref<80x128xi32, #tpu.memory_space<vmem>>)
        tpu.yield
      }) : () -> ()
      "tpu.region"() ({
        %run_scoped3A_22 = tpu.sem_alloc : memref<!tpu.dma_semaphore, #tpu.memory_space<semaphore_mem>>
        tpu.enqueue_dma source(%arg4 : memref<80x128xi32, #tpu.memory_space<hbm>>) target(%arg15 : memref<80x128xi32, #tpu.memory_space<vmem>>) target_semaphore(%run_scoped3A_22 : memref<!tpu.dma_semaphore, #tpu.memory_space<semaphore_mem>>)
        tpu.wait_dma2 semaphore(%run_scoped3A_22 : memref<!tpu.dma_semaphore, #tpu.memory_space<semaphore_mem>>) src(%arg4 : memref<80x128xi32, #tpu.memory_space<hbm>>) dst(%arg15 : memref<80x128xi32, #tpu.memory_space<vmem>>)
        tpu.yield
      }) : () -> ()
      "tpu.region"() ({
        %run_scoped3A_22 = tpu.sem_alloc : memref<!tpu.dma_semaphore, #tpu.memory_space<semaphore_mem>>
        tpu.enqueue_dma source(%arg5 : memref<80x128xi32, #tpu.memory_space<hbm>>) target(%arg13 : memref<80x128xi32, #tpu.memory_space<vmem>>) target_semaphore(%run_scoped3A_22 : memref<!tpu.dma_semaphore, #tpu.memory_space<semaphore_mem>>)
        tpu.wait_dma2 semaphore(%run_scoped3A_22 : memref<!tpu.dma_semaphore, #tpu.memory_space<semaphore_mem>>) src(%arg5 : memref<80x128xi32, #tpu.memory_space<hbm>>) dst(%arg13 : memref<80x128xi32, #tpu.memory_space<vmem>>)
        tpu.yield
      }) : () -> ()
      "tpu.region"() ({
        %run_scoped3A_22 = tpu.sem_alloc : memref<!tpu.dma_semaphore, #tpu.memory_space<semaphore_mem>>
        tpu.enqueue_dma source(%arg5 : memref<80x128xi32, #tpu.memory_space<hbm>>) target(%arg16 : memref<80x128xi32, #tpu.memory_space<vmem>>) target_semaphore(%run_scoped3A_22 : memref<!tpu.dma_semaphore, #tpu.memory_space<semaphore_mem>>)
        tpu.wait_dma2 semaphore(%run_scoped3A_22 : memref<!tpu.dma_semaphore, #tpu.memory_space<semaphore_mem>>) src(%arg5 : memref<80x128xi32, #tpu.memory_space<hbm>>) dst(%arg16 : memref<80x128xi32, #tpu.memory_space<vmem>>)
        tpu.yield
      }) : () -> ()
      "tpu.region"() ({
        %run_scoped3A_22 = tpu.sem_alloc : memref<!tpu.dma_semaphore, #tpu.memory_space<semaphore_mem>>
        tpu.enqueue_dma source(%arg6 : memref<80x128xi32, #tpu.memory_space<hbm>>) target(%arg14 : memref<80x128xi32, #tpu.memory_space<vmem>>) target_semaphore(%run_scoped3A_22 : memref<!tpu.dma_semaphore, #tpu.memory_space<semaphore_mem>>)
        tpu.wait_dma2 semaphore(%run_scoped3A_22 : memref<!tpu.dma_semaphore, #tpu.memory_space<semaphore_mem>>) src(%arg6 : memref<80x128xi32, #tpu.memory_space<hbm>>) dst(%arg14 : memref<80x128xi32, #tpu.memory_space<vmem>>)
        tpu.yield
      }) : () -> ()
      "tpu.region"() ({
        %run_scoped3A_22 = tpu.sem_alloc : memref<!tpu.dma_semaphore, #tpu.memory_space<semaphore_mem>>
        tpu.enqueue_dma source(%arg6 : memref<80x128xi32, #tpu.memory_space<hbm>>) target(%arg17 : memref<80x128xi32, #tpu.memory_space<vmem>>) target_semaphore(%run_scoped3A_22 : memref<!tpu.dma_semaphore, #tpu.memory_space<semaphore_mem>>)
        tpu.wait_dma2 semaphore(%run_scoped3A_22 : memref<!tpu.dma_semaphore, #tpu.memory_space<semaphore_mem>>) src(%arg6 : memref<80x128xi32, #tpu.memory_space<hbm>>) dst(%arg17 : memref<80x128xi32, #tpu.memory_space<vmem>>)
        tpu.yield
      }) : () -> ()
      %iota3A = tpu.iota {dimensions = array<i32: 0>} : vector<16xi32>
      %scan3A = arith.constant 0 : i32
      %scan3A_2 = arith.constant 0 : i32
      %scan3A_3 = arith.constant 0 : i32
      %scan3A_4 = arith.constant 640 : i32
      %scan3A_5 = arith.addi %scan3A_3, %scan3A_4 : i32
      %scan3A_6 = arith.constant 1 : i32
      %scan3A_7:2 = scf.for %scan3A_22 = %scan3A_3 to %scan3A_5 step %scan3A_6 iter_args(%scan3A_23 = %scan3A, %scan3A_24 = %scan3A_2) -> (i32, i32)  : i32 {
        %mul3A = arith.constant 16 : i32
        %mul3A_25 = arith.muli %scan3A_22, %mul3A : i32
        %get3A = arith.index_cast %mul3A_25 : i32 to index
        %get3A_26 = tpu.vector_load %arg10[%get3A] {strides = array<i32>} : memref<10240xi32, #tpu.memory_space<vmem>>, vector<16xi32>,
        %mul3A_27 = arith.constant 16 : i32
        %mul3A_28 = arith.muli %scan3A_22, %mul3A_27 : i32
        %get3A_29 = arith.index_cast %mul3A_28 : i32 to index
        %get3A_30 = tpu.vector_load %arg11[%get3A_29] {strides = array<i32>} : memref<10240xi32, #tpu.memory_space<vmem>>, vector<16xi32>,
        %ge3A = arith.constant 0 : i32
        %ge3A_31 = vector.broadcast %ge3A : i32 to vector<16xi32>
        %ge3A_32 = arith.cmpi sge, %get3A_30, %ge3A_31 : vector<16xi32>
        %lt3A = arith.constant 5120 : i32
        %lt3A_33 = vector.broadcast %lt3A : i32 to vector<16xi32>
        %lt3A_34 = arith.cmpi slt, %get3A_30, %lt3A_33 : vector<16xi32>
        %not3A = arith.constant dense<true> : vector<16xi1>
        %not3A_35 = arith.xori %lt3A_34, %not3A : vector<16xi1>
        %jit3A = arith.constant 6142 : i32
        %broadcast_in_dim3A_36 = vector.broadcast %jit3A : i32 to vector<16xi32>
        %select_n3A = arith.select %ge3A_32, %get3A_30, %broadcast_in_dim3A_36 : vector<16xi1>, vector<16xi32>
        %sub3A = arith.constant 5120 : i32
        %sub3A_37 = vector.broadcast %sub3A : i32 to vector<16xi32>
        %sub3A_38 = arith.subi %get3A_30, %sub3A_37 : vector<16xi32>
        %convert_element_type3A_39 = arith.extui %lt3A_34 : vector<16xi1> to vector<16xi32>
        %broadcast_in_dim3A_40 = arith.constant true
        %broadcast_in_dim3A_41 = vector.broadcast %broadcast_in_dim3A_40 : i1 to vector<16xi1>
        %masked_cumsum3A = tpu.scan <sum>, %convert_element_type3A_39 masked %broadcast_in_dim3A_41 : vector<16xi32>, vector<16xi1> -> vector<16xi32>
        %add3A = vector.broadcast %scan3A_23 : i32 to vector<16xi32>
        %add3A_42 = arith.addi %add3A, %masked_cumsum3A : vector<16xi32>
        %sub3A_43 = arith.constant 1 : i32
        %sub3A_44 = vector.broadcast %sub3A_43 : i32 to vector<16xi32>
        %sub3A_45 = arith.subi %add3A_42, %sub3A_44 : vector<16xi32>
        %add3A_46 = vector.broadcast %scan3A_24 : i32 to vector<16xi32>
        %add3A_47 = arith.addi %add3A_46, %iota3A : vector<16xi32>
        %sub3A_48 = arith.subi %add3A_47, %masked_cumsum3A : vector<16xi32>
        %shift_right_arithmetic3A = arith.constant 7 : i32
        %shift_right_arithmetic3A_49 = vector.broadcast %shift_right_arithmetic3A : i32 to vector<16xi32>
        %shift_right_arithmetic3A_50 = arith.shrsi %sub3A_45, %shift_right_arithmetic3A_49 : vector<16xi32>
        %and3A = arith.constant 127 : i32
        %and3A_51 = vector.broadcast %and3A : i32 to vector<16xi32>
        %and3A_52 = arith.andi %sub3A_45, %and3A_51 : vector<16xi32>
        %shift_right_arithmetic3A_53 = arith.constant 7 : i32
        %shift_right_arithmetic3A_54 = vector.broadcast %shift_right_arithmetic3A_53 : i32 to vector<16xi32>
        %shift_right_arithmetic3A_55 = arith.shrsi %sub3A_48, %shift_right_arithmetic3A_54 : vector<16xi32>
        %and3A_56 = arith.constant 127 : i32
        %and3A_57 = vector.broadcast %and3A_56 : i32 to vector<16xi32>
        %and3A_58 = arith.andi %sub3A_48, %and3A_57 : vector<16xi32>
        tpu.vector_store_idx %arg12[%shift_right_arithmetic3A_50, %and3A_52], %get3A_26 masked %lt3A_34 : memref<80x128xi32, #tpu.memory_space<vmem>>[vector<16xi32>, vector<16xi32>], vector<16xi32>, vector<16xi1>
        %add3A_59 = arith.constant 10240 : i32
        %add3A_60 = vector.broadcast %add3A_59 : i32 to vector<16xi32>
        %add3A_61 = arith.addi %get3A_26, %add3A_60 : vector<16xi32>
        tpu.vector_store_idx %arg13[%shift_right_arithmetic3A_50, %and3A_52], %add3A_61 masked %lt3A_34 : memref<80x128xi32, #tpu.memory_space<vmem>>[vector<16xi32>, vector<16xi32>], vector<16xi32>, vector<16xi1>
        tpu.vector_store_idx %arg14[%shift_right_arithmetic3A_50, %and3A_52], %select_n3A masked %lt3A_34 : memref<80x128xi32, #tpu.memory_space<vmem>>[vector<16xi32>, vector<16xi32>], vector<16xi32>, vector<16xi1>
        tpu.vector_store_idx %arg15[%shift_right_arithmetic3A_55, %and3A_58], %get3A_26 masked %not3A_35 : memref<80x128xi32, #tpu.memory_space<vmem>>[vector<16xi32>, vector<16xi32>], vector<16xi32>, vector<16xi1>
        %add3A_62 = arith.constant 10240 : i32
        %add3A_63 = vector.broadcast %add3A_62 : i32 to vector<16xi32>
        %add3A_64 = arith.addi %get3A_26, %add3A_63 : vector<16xi32>
        tpu.vector_store_idx %arg16[%shift_right_arithmetic3A_55, %and3A_58], %add3A_64 masked %not3A_35 : memref<80x128xi32, #tpu.memory_space<vmem>>[vector<16xi32>, vector<16xi32>], vector<16xi32>, vector<16xi1>
        tpu.vector_store_idx %arg17[%shift_right_arithmetic3A_55, %and3A_58], %sub3A_38 masked %not3A_35 : memref<80x128xi32, #tpu.memory_space<vmem>>[vector<16xi32>, vector<16xi32>], vector<16xi32>, vector<16xi1>
        %convert_element_type3A_65 = arith.extui %lt3A_34 : vector<16xi1> to vector<16xi32>
        %reduce_sum3A = arith.constant true
        %reduce_sum3A_66 = vector.broadcast %reduce_sum3A : i1 to vector<16xi1>
        %reduce_sum3A_67 = tpu.scan <sum>, %convert_element_type3A_65 masked %reduce_sum3A_66 : vector<16xi32>, vector<16xi1> -> vector<16xi32>
        %reduce_sum3A_68 = vector.extract %reduce_sum3A_67[15] : i32 from vector<16xi32>
        %add3A_69 = arith.addi %scan3A_23, %reduce_sum3A_68 : i32
        %sub3A_70 = arith.constant 16 : i32
        %sub3A_71 = arith.subi %sub3A_70, %reduce_sum3A_68 : i32
        %add3A_72 = arith.addi %scan3A_24, %sub3A_71 : i32
        scf.yield %add3A_69, %add3A_72 : i32, i32
      }
      %scan3A_8 = arith.constant 640 : i32
      %broadcast_in_dim3A = vector.broadcast %scan3A_7#0 : i32 to vector<16xi32>
      %swap3A = arith.constant 0 : index
      %swap3A_9 = tpu.vector_load %arg18[%swap3A] {strides = array<i32>} : memref<32xi32, #tpu.memory_space<vmem>>, vector<16xi32>,
      tpu.vector_store %arg18[%swap3A], %broadcast_in_dim3A {strides = array<i32>} : memref<32xi32, #tpu.memory_space<vmem>>, vector<16xi32>,
      %broadcast_in_dim3A_10 = vector.broadcast %scan3A_7#1 : i32 to vector<16xi32>
      %swap3A_11 = arith.constant 16 : index
      %swap3A_12 = tpu.vector_load %arg18[%swap3A_11] {strides = array<i32>} : memref<32xi32, #tpu.memory_space<vmem>>, vector<16xi32>,
      tpu.vector_store %arg18[%swap3A_11], %broadcast_in_dim3A_10 {strides = array<i32>} : memref<32xi32, #tpu.memory_space<vmem>>, vector<16xi32>,
      %run_scoped3A = arith.constant 0 : i32
      %run_scoped3A_13 = arith.constant 0 : i32
      "tpu.region"() ({
        %run_scoped3A_22 = tpu.sem_alloc : memref<!tpu.dma_semaphore, #tpu.memory_space<semaphore_mem>>
        %dma_start3A = arith.constant 0 : i32
        %dma_start3A_23 = arith.constant 0 : i32
        %dma_start3A_24 = arith.constant 0 : i32
        %dma_start3A_25 = arith.constant 0 : i32
        %dma_start3A_26 = tpu.memref_slice %arg7[%arg1, %dma_start3A, %dma_start3A_23, %dma_start3A_24, %dma_start3A_25] : memref<16x2x2x80x128xi32, #tpu.memory_space<hbm>> -> memref<1x2x2x80x128xi32, #tpu.memory_space<hbm>>
        %dma_start3A_27 = tpu.memref_squeeze %dma_start3A_26 : memref<1x2x2x80x128xi32, #tpu.memory_space<hbm>> -> memref<2x2x80x128xi32, #tpu.memory_space<hbm>>
        %dma_start3A_28 = arith.constant 0 : i32
        %dma_start3A_29 = arith.constant 0 : i32
        %dma_start3A_30 = arith.constant 0 : i32
        %dma_start3A_31 = tpu.memref_slice %dma_start3A_27[%run_scoped3A, %dma_start3A_28, %dma_start3A_29, %dma_start3A_30] : memref<2x2x80x128xi32, #tpu.memory_space<hbm>> -> memref<1x2x80x128xi32, #tpu.memory_space<hbm>>
        %dma_start3A_32 = tpu.memref_squeeze %dma_start3A_31 : memref<1x2x80x128xi32, #tpu.memory_space<hbm>> -> memref<2x80x128xi32, #tpu.memory_space<hbm>>
        %dma_start3A_33 = arith.constant 0 : i32
        %dma_start3A_34 = arith.constant 0 : i32
        %dma_start3A_35 = tpu.memref_slice %dma_start3A_32[%run_scoped3A_13, %dma_start3A_33, %dma_start3A_34] : memref<2x80x128xi32, #tpu.memory_space<hbm>> -> memref<1x80x128xi32, #tpu.memory_space<hbm>>
        %dma_start3A_36 = tpu.memref_squeeze %dma_start3A_35 : memref<1x80x128xi32, #tpu.memory_space<hbm>> -> memref<80x128xi32, #tpu.memory_space<hbm>>
        %dma_start3A_37 = arith.constant 0 : i32
        %dma_start3A_38 = arith.constant 0 : i32
        %dma_start3A_39 = arith.constant 0 : i32
        %dma_start3A_40 = arith.constant 0 : i32
        %dma_start3A_41 = tpu.memref_slice %arg7[%arg1, %dma_start3A_37, %dma_start3A_38, %dma_start3A_39, %dma_start3A_40] : memref<16x2x2x80x128xi32, #tpu.memory_space<hbm>> -> memref<1x2x2x80x128xi32, #tpu.memory_space<hbm>>
        %dma_start3A_42 = tpu.memref_squeeze %dma_start3A_41 : memref<1x2x2x80x128xi32, #tpu.memory_space<hbm>> -> memref<2x2x80x128xi32, #tpu.memory_space<hbm>>
        %dma_start3A_43 = arith.constant 0 : i32
        %dma_start3A_44 = arith.constant 0 : i32
        %dma_start3A_45 = arith.constant 0 : i32
        %dma_start3A_46 = tpu.memref_slice %dma_start3A_42[%run_scoped3A, %dma_start3A_43, %dma_start3A_44, %dma_start3A_45] : memref<2x2x80x128xi32, #tpu.memory_space<hbm>> -> memref<1x2x80x128xi32, #tpu.memory_space<hbm>>
        %dma_start3A_47 = tpu.memref_squeeze %dma_start3A_46 : memref<1x2x80x128xi32, #tpu.memory_space<hbm>> -> memref<2x80x128xi32, #tpu.memory_space<hbm>>
        %dma_start3A_48 = arith.constant 0 : i32
        %dma_start3A_49 = arith.constant 0 : i32
        %dma_start3A_50 = tpu.memref_slice %dma_start3A_47[%run_scoped3A_13, %dma_start3A_48, %dma_start3A_49] : memref<2x80x128xi32, #tpu.memory_space<hbm>> -> memref<1x80x128xi32, #tpu.memory_space<hbm>>
        %dma_start3A_51 = tpu.memref_squeeze %dma_start3A_50 : memref<1x80x128xi32, #tpu.memory_space<hbm>> -> memref<80x128xi32, #tpu.memory_space<hbm>>
        tpu.enqueue_dma source(%arg12 : memref<80x128xi32, #tpu.memory_space<vmem>>) target(%dma_start3A_51 : memref<80x128xi32, #tpu.memory_space<hbm>>) target_semaphore(%run_scoped3A_22 : memref<!tpu.dma_semaphore, #tpu.memory_space<semaphore_mem>>)
        %dma_wait3A = arith.constant 0 : i32
        %dma_wait3A_52 = arith.constant 0 : i32
        %dma_wait3A_53 = arith.constant 0 : i32
        %dma_wait3A_54 = arith.constant 0 : i32
        %dma_wait3A_55 = tpu.memref_slice %arg7[%arg1, %dma_wait3A, %dma_wait3A_52, %dma_wait3A_53, %dma_wait3A_54] : memref<16x2x2x80x128xi32, #tpu.memory_space<hbm>> -> memref<1x2x2x80x128xi32, #tpu.memory_space<hbm>>
        %dma_wait3A_56 = tpu.memref_squeeze %dma_wait3A_55 : memref<1x2x2x80x128xi32, #tpu.memory_space<hbm>> -> memref<2x2x80x128xi32, #tpu.memory_space<hbm>>
        %dma_wait3A_57 = arith.constant 0 : i32
        %dma_wait3A_58 = arith.constant 0 : i32
        %dma_wait3A_59 = arith.constant 0 : i32
        %dma_wait3A_60 = tpu.memref_slice %dma_wait3A_56[%run_scoped3A, %dma_wait3A_57, %dma_wait3A_58, %dma_wait3A_59] : memref<2x2x80x128xi32, #tpu.memory_space<hbm>> -> memref<1x2x80x128xi32, #tpu.memory_space<hbm>>
        %dma_wait3A_61 = tpu.memref_squeeze %dma_wait3A_60 : memref<1x2x80x128xi32, #tpu.memory_space<hbm>> -> memref<2x80x128xi32, #tpu.memory_space<hbm>>
        %dma_wait3A_62 = arith.constant 0 : i32
        %dma_wait3A_63 = arith.constant 0 : i32
        %dma_wait3A_64 = tpu.memref_slice %dma_wait3A_61[%run_scoped3A_13, %dma_wait3A_62, %dma_wait3A_63] : memref<2x80x128xi32, #tpu.memory_space<hbm>> -> memref<1x80x128xi32, #tpu.memory_space<hbm>>
        %dma_wait3A_65 = tpu.memref_squeeze %dma_wait3A_64 : memref<1x80x128xi32, #tpu.memory_space<hbm>> -> memref<80x128xi32, #tpu.memory_space<hbm>>
        %dma_wait3A_66 = arith.constant 0 : i32
        %dma_wait3A_67 = arith.constant 0 : i32
        %dma_wait3A_68 = arith.constant 0 : i32
        %dma_wait3A_69 = arith.constant 0 : i32
        %dma_wait3A_70 = tpu.memref_slice %arg7[%arg1, %dma_wait3A_66, %dma_wait3A_67, %dma_wait3A_68, %dma_wait3A_69] : memref<16x2x2x80x128xi32, #tpu.memory_space<hbm>> -> memref<1x2x2x80x128xi32, #tpu.memory_space<hbm>>
        %dma_wait3A_71 = tpu.memref_squeeze %dma_wait3A_70 : memref<1x2x2x80x128xi32, #tpu.memory_space<hbm>> -> memref<2x2x80x128xi32, #tpu.memory_space<hbm>>
        %dma_wait3A_72 = arith.constant 0 : i32
        %dma_wait3A_73 = arith.constant 0 : i32
        %dma_wait3A_74 = arith.constant 0 : i32
        %dma_wait3A_75 = tpu.memref_slice %dma_wait3A_71[%run_scoped3A, %dma_wait3A_72, %dma_wait3A_73, %dma_wait3A_74] : memref<2x2x80x128xi32, #tpu.memory_space<hbm>> -> memref<1x2x80x128xi32, #tpu.memory_space<hbm>>
        %dma_wait3A_76 = tpu.memref_squeeze %dma_wait3A_75 : memref<1x2x80x128xi32, #tpu.memory_space<hbm>> -> memref<2x80x128xi32, #tpu.memory_space<hbm>>
        %dma_wait3A_77 = arith.constant 0 : i32
        %dma_wait3A_78 = arith.constant 0 : i32
        %dma_wait3A_79 = tpu.memref_slice %dma_wait3A_76[%run_scoped3A_13, %dma_wait3A_77, %dma_wait3A_78] : memref<2x80x128xi32, #tpu.memory_space<hbm>> -> memref<1x80x128xi32, #tpu.memory_space<hbm>>
        %dma_wait3A_80 = tpu.memref_squeeze %dma_wait3A_79 : memref<1x80x128xi32, #tpu.memory_space<hbm>> -> memref<80x128xi32, #tpu.memory_space<hbm>>
        tpu.wait_dma2 semaphore(%run_scoped3A_22 : memref<!tpu.dma_semaphore, #tpu.memory_space<semaphore_mem>>) src(%arg12 : memref<80x128xi32, #tpu.memory_space<vmem>>) dst(%dma_wait3A_80 : memref<80x128xi32, #tpu.memory_space<hbm>>)
        tpu.yield
      }) : () -> ()
      %run_scoped3A_14 = arith.constant 0 : i32
      %run_scoped3A_15 = arith.constant 1 : i32
      "tpu.region"() ({
        %run_scoped3A_22 = tpu.sem_alloc : memref<!tpu.dma_semaphore, #tpu.memory_space<semaphore_mem>>
        %dma_start3A = arith.constant 0 : i32
        %dma_start3A_23 = arith.constant 0 : i32
        %dma_start3A_24 = arith.constant 0 : i32
        %dma_start3A_25 = arith.constant 0 : i32
        %dma_start3A_26 = tpu.memref_slice %arg7[%arg1, %dma_start3A, %dma_start3A_23, %dma_start3A_24, %dma_start3A_25] : memref<16x2x2x80x128xi32, #tpu.memory_space<hbm>> -> memref<1x2x2x80x128xi32, #tpu.memory_space<hbm>>
        %dma_start3A_27 = tpu.memref_squeeze %dma_start3A_26 : memref<1x2x2x80x128xi32, #tpu.memory_space<hbm>> -> memref<2x2x80x128xi32, #tpu.memory_space<hbm>>
        %dma_start3A_28 = arith.constant 0 : i32
        %dma_start3A_29 = arith.constant 0 : i32
        %dma_start3A_30 = arith.constant 0 : i32
        %dma_start3A_31 = tpu.memref_slice %dma_start3A_27[%run_scoped3A_14, %dma_start3A_28, %dma_start3A_29, %dma_start3A_30] : memref<2x2x80x128xi32, #tpu.memory_space<hbm>> -> memref<1x2x80x128xi32, #tpu.memory_space<hbm>>
        %dma_start3A_32 = tpu.memref_squeeze %dma_start3A_31 : memref<1x2x80x128xi32, #tpu.memory_space<hbm>> -> memref<2x80x128xi32, #tpu.memory_space<hbm>>
        %dma_start3A_33 = arith.constant 0 : i32
        %dma_start3A_34 = arith.constant 0 : i32
        %dma_start3A_35 = tpu.memref_slice %dma_start3A_32[%run_scoped3A_15, %dma_start3A_33, %dma_start3A_34] : memref<2x80x128xi32, #tpu.memory_space<hbm>> -> memref<1x80x128xi32, #tpu.memory_space<hbm>>
        %dma_start3A_36 = tpu.memref_squeeze %dma_start3A_35 : memref<1x80x128xi32, #tpu.memory_space<hbm>> -> memref<80x128xi32, #tpu.memory_space<hbm>>
        %dma_start3A_37 = arith.constant 0 : i32
        %dma_start3A_38 = arith.constant 0 : i32
        %dma_start3A_39 = arith.constant 0 : i32
        %dma_start3A_40 = arith.constant 0 : i32
        %dma_start3A_41 = tpu.memref_slice %arg7[%arg1, %dma_start3A_37, %dma_start3A_38, %dma_start3A_39, %dma_start3A_40] : memref<16x2x2x80x128xi32, #tpu.memory_space<hbm>> -> memref<1x2x2x80x128xi32, #tpu.memory_space<hbm>>
        %dma_start3A_42 = tpu.memref_squeeze %dma_start3A_41 : memref<1x2x2x80x128xi32, #tpu.memory_space<hbm>> -> memref<2x2x80x128xi32, #tpu.memory_space<hbm>>
        %dma_start3A_43 = arith.constant 0 : i32
        %dma_start3A_44 = arith.constant 0 : i32
        %dma_start3A_45 = arith.constant 0 : i32
        %dma_start3A_46 = tpu.memref_slice %dma_start3A_42[%run_scoped3A_14, %dma_start3A_43, %dma_start3A_44, %dma_start3A_45] : memref<2x2x80x128xi32, #tpu.memory_space<hbm>> -> memref<1x2x80x128xi32, #tpu.memory_space<hbm>>
        %dma_start3A_47 = tpu.memref_squeeze %dma_start3A_46 : memref<1x2x80x128xi32, #tpu.memory_space<hbm>> -> memref<2x80x128xi32, #tpu.memory_space<hbm>>
        %dma_start3A_48 = arith.constant 0 : i32
        %dma_start3A_49 = arith.constant 0 : i32
        %dma_start3A_50 = tpu.memref_slice %dma_start3A_47[%run_scoped3A_15, %dma_start3A_48, %dma_start3A_49] : memref<2x80x128xi32, #tpu.memory_space<hbm>> -> memref<1x80x128xi32, #tpu.memory_space<hbm>>
        %dma_start3A_51 = tpu.memref_squeeze %dma_start3A_50 : memref<1x80x128xi32, #tpu.memory_space<hbm>> -> memref<80x128xi32, #tpu.memory_space<hbm>>
        tpu.enqueue_dma source(%arg13 : memref<80x128xi32, #tpu.memory_space<vmem>>) target(%dma_start3A_51 : memref<80x128xi32, #tpu.memory_space<hbm>>) target_semaphore(%run_scoped3A_22 : memref<!tpu.dma_semaphore, #tpu.memory_space<semaphore_mem>>)
        %dma_wait3A = arith.constant 0 : i32
        %dma_wait3A_52 = arith.constant 0 : i32
        %dma_wait3A_53 = arith.constant 0 : i32
        %dma_wait3A_54 = arith.constant 0 : i32
        %dma_wait3A_55 = tpu.memref_slice %arg7[%arg1, %dma_wait3A, %dma_wait3A_52, %dma_wait3A_53, %dma_wait3A_54] : memref<16x2x2x80x128xi32, #tpu.memory_space<hbm>> -> memref<1x2x2x80x128xi32, #tpu.memory_space<hbm>>
        %dma_wait3A_56 = tpu.memref_squeeze %dma_wait3A_55 : memref<1x2x2x80x128xi32, #tpu.memory_space<hbm>> -> memref<2x2x80x128xi32, #tpu.memory_space<hbm>>
        %dma_wait3A_57 = arith.constant 0 : i32
        %dma_wait3A_58 = arith.constant 0 : i32
        %dma_wait3A_59 = arith.constant 0 : i32
        %dma_wait3A_60 = tpu.memref_slice %dma_wait3A_56[%run_scoped3A_14, %dma_wait3A_57, %dma_wait3A_58, %dma_wait3A_59] : memref<2x2x80x128xi32, #tpu.memory_space<hbm>> -> memref<1x2x80x128xi32, #tpu.memory_space<hbm>>
        %dma_wait3A_61 = tpu.memref_squeeze %dma_wait3A_60 : memref<1x2x80x128xi32, #tpu.memory_space<hbm>> -> memref<2x80x128xi32, #tpu.memory_space<hbm>>
        %dma_wait3A_62 = arith.constant 0 : i32
        %dma_wait3A_63 = arith.constant 0 : i32
        %dma_wait3A_64 = tpu.memref_slice %dma_wait3A_61[%run_scoped3A_15, %dma_wait3A_62, %dma_wait3A_63] : memref<2x80x128xi32, #tpu.memory_space<hbm>> -> memref<1x80x128xi32, #tpu.memory_space<hbm>>
        %dma_wait3A_65 = tpu.memref_squeeze %dma_wait3A_64 : memref<1x80x128xi32, #tpu.memory_space<hbm>> -> memref<80x128xi32, #tpu.memory_space<hbm>>
        %dma_wait3A_66 = arith.constant 0 : i32
        %dma_wait3A_67 = arith.constant 0 : i32
        %dma_wait3A_68 = arith.constant 0 : i32
        %dma_wait3A_69 = arith.constant 0 : i32
        %dma_wait3A_70 = tpu.memref_slice %arg7[%arg1, %dma_wait3A_66, %dma_wait3A_67, %dma_wait3A_68, %dma_wait3A_69] : memref<16x2x2x80x128xi32, #tpu.memory_space<hbm>> -> memref<1x2x2x80x128xi32, #tpu.memory_space<hbm>>
        %dma_wait3A_71 = tpu.memref_squeeze %dma_wait3A_70 : memref<1x2x2x80x128xi32, #tpu.memory_space<hbm>> -> memref<2x2x80x128xi32, #tpu.memory_space<hbm>>
        %dma_wait3A_72 = arith.constant 0 : i32
        %dma_wait3A_73 = arith.constant 0 : i32
        %dma_wait3A_74 = arith.constant 0 : i32
        %dma_wait3A_75 = tpu.memref_slice %dma_wait3A_71[%run_scoped3A_14, %dma_wait3A_72, %dma_wait3A_73, %dma_wait3A_74] : memref<2x2x80x128xi32, #tpu.memory_space<hbm>> -> memref<1x2x80x128xi32, #tpu.memory_space<hbm>>
        %dma_wait3A_76 = tpu.memref_squeeze %dma_wait3A_75 : memref<1x2x80x128xi32, #tpu.memory_space<hbm>> -> memref<2x80x128xi32, #tpu.memory_space<hbm>>
        %dma_wait3A_77 = arith.constant 0 : i32
        %dma_wait3A_78 = arith.constant 0 : i32
        %dma_wait3A_79 = tpu.memref_slice %dma_wait3A_76[%run_scoped3A_15, %dma_wait3A_77, %dma_wait3A_78] : memref<2x80x128xi32, #tpu.memory_space<hbm>> -> memref<1x80x128xi32, #tpu.memory_space<hbm>>
        %dma_wait3A_80 = tpu.memref_squeeze %dma_wait3A_79 : memref<1x80x128xi32, #tpu.memory_space<hbm>> -> memref<80x128xi32, #tpu.memory_space<hbm>>
        tpu.wait_dma2 semaphore(%run_scoped3A_22 : memref<!tpu.dma_semaphore, #tpu.memory_space<semaphore_mem>>) src(%arg13 : memref<80x128xi32, #tpu.memory_space<vmem>>) dst(%dma_wait3A_80 : memref<80x128xi32, #tpu.memory_space<hbm>>)
        tpu.yield
      }) : () -> ()
      %run_scoped3A_16 = arith.constant 1 : i32
      %run_scoped3A_17 = arith.constant 0 : i32
      "tpu.region"() ({
        %run_scoped3A_22 = tpu.sem_alloc : memref<!tpu.dma_semaphore, #tpu.memory_space<semaphore_mem>>
        %dma_start3A = arith.constant 0 : i32
        %dma_start3A_23 = arith.constant 0 : i32
        %dma_start3A_24 = arith.constant 0 : i32
        %dma_start3A_25 = arith.constant 0 : i32
        %dma_start3A_26 = tpu.memref_slice %arg7[%arg1, %dma_start3A, %dma_start3A_23, %dma_start3A_24, %dma_start3A_25] : memref<16x2x2x80x128xi32, #tpu.memory_space<hbm>> -> memref<1x2x2x80x128xi32, #tpu.memory_space<hbm>>
        %dma_start3A_27 = tpu.memref_squeeze %dma_start3A_26 : memref<1x2x2x80x128xi32, #tpu.memory_space<hbm>> -> memref<2x2x80x128xi32, #tpu.memory_space<hbm>>
        %dma_start3A_28 = arith.constant 0 : i32
        %dma_start3A_29 = arith.constant 0 : i32
        %dma_start3A_30 = arith.constant 0 : i32
        %dma_start3A_31 = tpu.memref_slice %dma_start3A_27[%run_scoped3A_16, %dma_start3A_28, %dma_start3A_29, %dma_start3A_30] : memref<2x2x80x128xi32, #tpu.memory_space<hbm>> -> memref<1x2x80x128xi32, #tpu.memory_space<hbm>>
        %dma_start3A_32 = tpu.memref_squeeze %dma_start3A_31 : memref<1x2x80x128xi32, #tpu.memory_space<hbm>> -> memref<2x80x128xi32, #tpu.memory_space<hbm>>
        %dma_start3A_33 = arith.constant 0 : i32
        %dma_start3A_34 = arith.constant 0 : i32
        %dma_start3A_35 = tpu.memref_slice %dma_start3A_32[%run_scoped3A_17, %dma_start3A_33, %dma_start3A_34] : memref<2x80x128xi32, #tpu.memory_space<hbm>> -> memref<1x80x128xi32, #tpu.memory_space<hbm>>
        %dma_start3A_36 = tpu.memref_squeeze %dma_start3A_35 : memref<1x80x128xi32, #tpu.memory_space<hbm>> -> memref<80x128xi32, #tpu.memory_space<hbm>>
        %dma_start3A_37 = arith.constant 0 : i32
        %dma_start3A_38 = arith.constant 0 : i32
        %dma_start3A_39 = arith.constant 0 : i32
        %dma_start3A_40 = arith.constant 0 : i32
        %dma_start3A_41 = tpu.memref_slice %arg7[%arg1, %dma_start3A_37, %dma_start3A_38, %dma_start3A_39, %dma_start3A_40] : memref<16x2x2x80x128xi32, #tpu.memory_space<hbm>> -> memref<1x2x2x80x128xi32, #tpu.memory_space<hbm>>
        %dma_start3A_42 = tpu.memref_squeeze %dma_start3A_41 : memref<1x2x2x80x128xi32, #tpu.memory_space<hbm>> -> memref<2x2x80x128xi32, #tpu.memory_space<hbm>>
        %dma_start3A_43 = arith.constant 0 : i32
        %dma_start3A_44 = arith.constant 0 : i32
        %dma_start3A_45 = arith.constant 0 : i32
        %dma_start3A_46 = tpu.memref_slice %dma_start3A_42[%run_scoped3A_16, %dma_start3A_43, %dma_start3A_44, %dma_start3A_45] : memref<2x2x80x128xi32, #tpu.memory_space<hbm>> -> memref<1x2x80x128xi32, #tpu.memory_space<hbm>>
        %dma_start3A_47 = tpu.memref_squeeze %dma_start3A_46 : memref<1x2x80x128xi32, #tpu.memory_space<hbm>> -> memref<2x80x128xi32, #tpu.memory_space<hbm>>
        %dma_start3A_48 = arith.constant 0 : i32
        %dma_start3A_49 = arith.constant 0 : i32
        %dma_start3A_50 = tpu.memref_slice %dma_start3A_47[%run_scoped3A_17, %dma_start3A_48, %dma_start3A_49] : memref<2x80x128xi32, #tpu.memory_space<hbm>> -> memref<1x80x128xi32, #tpu.memory_space<hbm>>
        %dma_start3A_51 = tpu.memref_squeeze %dma_start3A_50 : memref<1x80x128xi32, #tpu.memory_space<hbm>> -> memref<80x128xi32, #tpu.memory_space<hbm>>
        tpu.enqueue_dma source(%arg15 : memref<80x128xi32, #tpu.memory_space<vmem>>) target(%dma_start3A_51 : memref<80x128xi32, #tpu.memory_space<hbm>>) target_semaphore(%run_scoped3A_22 : memref<!tpu.dma_semaphore, #tpu.memory_space<semaphore_mem>>)
        %dma_wait3A = arith.constant 0 : i32
        %dma_wait3A_52 = arith.constant 0 : i32
        %dma_wait3A_53 = arith.constant 0 : i32
        %dma_wait3A_54 = arith.constant 0 : i32
        %dma_wait3A_55 = tpu.memref_slice %arg7[%arg1, %dma_wait3A, %dma_wait3A_52, %dma_wait3A_53, %dma_wait3A_54] : memref<16x2x2x80x128xi32, #tpu.memory_space<hbm>> -> memref<1x2x2x80x128xi32, #tpu.memory_space<hbm>>
        %dma_wait3A_56 = tpu.memref_squeeze %dma_wait3A_55 : memref<1x2x2x80x128xi32, #tpu.memory_space<hbm>> -> memref<2x2x80x128xi32, #tpu.memory_space<hbm>>
        %dma_wait3A_57 = arith.constant 0 : i32
        %dma_wait3A_58 = arith.constant 0 : i32
        %dma_wait3A_59 = arith.constant 0 : i32
        %dma_wait3A_60 = tpu.memref_slice %dma_wait3A_56[%run_scoped3A_16, %dma_wait3A_57, %dma_wait3A_58, %dma_wait3A_59] : memref<2x2x80x128xi32, #tpu.memory_space<hbm>> -> memref<1x2x80x128xi32, #tpu.memory_space<hbm>>
        %dma_wait3A_61 = tpu.memref_squeeze %dma_wait3A_60 : memref<1x2x80x128xi32, #tpu.memory_space<hbm>> -> memref<2x80x128xi32, #tpu.memory_space<hbm>>
        %dma_wait3A_62 = arith.constant 0 : i32
        %dma_wait3A_63 = arith.constant 0 : i32
        %dma_wait3A_64 = tpu.memref_slice %dma_wait3A_61[%run_scoped3A_17, %dma_wait3A_62, %dma_wait3A_63] : memref<2x80x128xi32, #tpu.memory_space<hbm>> -> memref<1x80x128xi32, #tpu.memory_space<hbm>>
        %dma_wait3A_65 = tpu.memref_squeeze %dma_wait3A_64 : memref<1x80x128xi32, #tpu.memory_space<hbm>> -> memref<80x128xi32, #tpu.memory_space<hbm>>
        %dma_wait3A_66 = arith.constant 0 : i32
        %dma_wait3A_67 = arith.constant 0 : i32
        %dma_wait3A_68 = arith.constant 0 : i32
        %dma_wait3A_69 = arith.constant 0 : i32
        %dma_wait3A_70 = tpu.memref_slice %arg7[%arg1, %dma_wait3A_66, %dma_wait3A_67, %dma_wait3A_68, %dma_wait3A_69] : memref<16x2x2x80x128xi32, #tpu.memory_space<hbm>> -> memref<1x2x2x80x128xi32, #tpu.memory_space<hbm>>
        %dma_wait3A_71 = tpu.memref_squeeze %dma_wait3A_70 : memref<1x2x2x80x128xi32, #tpu.memory_space<hbm>> -> memref<2x2x80x128xi32, #tpu.memory_space<hbm>>
        %dma_wait3A_72 = arith.constant 0 : i32
        %dma_wait3A_73 = arith.constant 0 : i32
        %dma_wait3A_74 = arith.constant 0 : i32
        %dma_wait3A_75 = tpu.memref_slice %dma_wait3A_71[%run_scoped3A_16, %dma_wait3A_72, %dma_wait3A_73, %dma_wait3A_74] : memref<2x2x80x128xi32, #tpu.memory_space<hbm>> -> memref<1x2x80x128xi32, #tpu.memory_space<hbm>>
        %dma_wait3A_76 = tpu.memref_squeeze %dma_wait3A_75 : memref<1x2x80x128xi32, #tpu.memory_space<hbm>> -> memref<2x80x128xi32, #tpu.memory_space<hbm>>
        %dma_wait3A_77 = arith.constant 0 : i32
        %dma_wait3A_78 = arith.constant 0 : i32
        %dma_wait3A_79 = tpu.memref_slice %dma_wait3A_76[%run_scoped3A_17, %dma_wait3A_77, %dma_wait3A_78] : memref<2x80x128xi32, #tpu.memory_space<hbm>> -> memref<1x80x128xi32, #tpu.memory_space<hbm>>
        %dma_wait3A_80 = tpu.memref_squeeze %dma_wait3A_79 : memref<1x80x128xi32, #tpu.memory_space<hbm>> -> memref<80x128xi32, #tpu.memory_space<hbm>>
        tpu.wait_dma2 semaphore(%run_scoped3A_22 : memref<!tpu.dma_semaphore, #tpu.memory_space<semaphore_mem>>) src(%arg15 : memref<80x128xi32, #tpu.memory_space<vmem>>) dst(%dma_wait3A_80 : memref<80x128xi32, #tpu.memory_space<hbm>>)
        tpu.yield
      }) : () -> ()
      %run_scoped3A_18 = arith.constant 1 : i32
      %run_scoped3A_19 = arith.constant 1 : i32
      "tpu.region"() ({
        %run_scoped3A_22 = tpu.sem_alloc : memref<!tpu.dma_semaphore, #tpu.memory_space<semaphore_mem>>
        %dma_start3A = arith.constant 0 : i32
        %dma_start3A_23 = arith.constant 0 : i32
        %dma_start3A_24 = arith.constant 0 : i32
        %dma_start3A_25 = arith.constant 0 : i32
        %dma_start3A_26 = tpu.memref_slice %arg7[%arg1, %dma_start3A, %dma_start3A_23, %dma_start3A_24, %dma_start3A_25] : memref<16x2x2x80x128xi32, #tpu.memory_space<hbm>> -> memref<1x2x2x80x128xi32, #tpu.memory_space<hbm>>
        %dma_start3A_27 = tpu.memref_squeeze %dma_start3A_26 : memref<1x2x2x80x128xi32, #tpu.memory_space<hbm>> -> memref<2x2x80x128xi32, #tpu.memory_space<hbm>>
        %dma_start3A_28 = arith.constant 0 : i32
        %dma_start3A_29 = arith.constant 0 : i32
        %dma_start3A_30 = arith.constant 0 : i32
        %dma_start3A_31 = tpu.memref_slice %dma_start3A_27[%run_scoped3A_18, %dma_start3A_28, %dma_start3A_29, %dma_start3A_30] : memref<2x2x80x128xi32, #tpu.memory_space<hbm>> -> memref<1x2x80x128xi32, #tpu.memory_space<hbm>>
        %dma_start3A_32 = tpu.memref_squeeze %dma_start3A_31 : memref<1x2x80x128xi32, #tpu.memory_space<hbm>> -> memref<2x80x128xi32, #tpu.memory_space<hbm>>
        %dma_start3A_33 = arith.constant 0 : i32
        %dma_start3A_34 = arith.constant 0 : i32
        %dma_start3A_35 = tpu.memref_slice %dma_start3A_32[%run_scoped3A_19, %dma_start3A_33, %dma_start3A_34] : memref<2x80x128xi32, #tpu.memory_space<hbm>> -> memref<1x80x128xi32, #tpu.memory_space<hbm>>
        %dma_start3A_36 = tpu.memref_squeeze %dma_start3A_35 : memref<1x80x128xi32, #tpu.memory_space<hbm>> -> memref<80x128xi32, #tpu.memory_space<hbm>>
        %dma_start3A_37 = arith.constant 0 : i32
        %dma_start3A_38 = arith.constant 0 : i32
        %dma_start3A_39 = arith.constant 0 : i32
        %dma_start3A_40 = arith.constant 0 : i32
        %dma_start3A_41 = tpu.memref_slice %arg7[%arg1, %dma_start3A_37, %dma_start3A_38, %dma_start3A_39, %dma_start3A_40] : memref<16x2x2x80x128xi32, #tpu.memory_space<hbm>> -> memref<1x2x2x80x128xi32, #tpu.memory_space<hbm>>
        %dma_start3A_42 = tpu.memref_squeeze %dma_start3A_41 : memref<1x2x2x80x128xi32, #tpu.memory_space<hbm>> -> memref<2x2x80x128xi32, #tpu.memory_space<hbm>>
        %dma_start3A_43 = arith.constant 0 : i32
        %dma_start3A_44 = arith.constant 0 : i32
        %dma_start3A_45 = arith.constant 0 : i32
        %dma_start3A_46 = tpu.memref_slice %dma_start3A_42[%run_scoped3A_18, %dma_start3A_43, %dma_start3A_44, %dma_start3A_45] : memref<2x2x80x128xi32, #tpu.memory_space<hbm>> -> memref<1x2x80x128xi32, #tpu.memory_space<hbm>>
        %dma_start3A_47 = tpu.memref_squeeze %dma_start3A_46 : memref<1x2x80x128xi32, #tpu.memory_space<hbm>> -> memref<2x80x128xi32, #tpu.memory_space<hbm>>
        %dma_start3A_48 = arith.constant 0 : i32
        %dma_start3A_49 = arith.constant 0 : i32
        %dma_start3A_50 = tpu.memref_slice %dma_start3A_47[%run_scoped3A_19, %dma_start3A_48, %dma_start3A_49] : memref<2x80x128xi32, #tpu.memory_space<hbm>> -> memref<1x80x128xi32, #tpu.memory_space<hbm>>
        %dma_start3A_51 = tpu.memref_squeeze %dma_start3A_50 : memref<1x80x128xi32, #tpu.memory_space<hbm>> -> memref<80x128xi32, #tpu.memory_space<hbm>>
        tpu.enqueue_dma source(%arg16 : memref<80x128xi32, #tpu.memory_space<vmem>>) target(%dma_start3A_51 : memref<80x128xi32, #tpu.memory_space<hbm>>) target_semaphore(%run_scoped3A_22 : memref<!tpu.dma_semaphore, #tpu.memory_space<semaphore_mem>>)
        %dma_wait3A = arith.constant 0 : i32
        %dma_wait3A_52 = arith.constant 0 : i32
        %dma_wait3A_53 = arith.constant 0 : i32
        %dma_wait3A_54 = arith.constant 0 : i32
        %dma_wait3A_55 = tpu.memref_slice %arg7[%arg1, %dma_wait3A, %dma_wait3A_52, %dma_wait3A_53, %dma_wait3A_54] : memref<16x2x2x80x128xi32, #tpu.memory_space<hbm>> -> memref<1x2x2x80x128xi32, #tpu.memory_space<hbm>>
        %dma_wait3A_56 = tpu.memref_squeeze %dma_wait3A_55 : memref<1x2x2x80x128xi32, #tpu.memory_space<hbm>> -> memref<2x2x80x128xi32, #tpu.memory_space<hbm>>
        %dma_wait3A_57 = arith.constant 0 : i32
        %dma_wait3A_58 = arith.constant 0 : i32
        %dma_wait3A_59 = arith.constant 0 : i32
        %dma_wait3A_60 = tpu.memref_slice %dma_wait3A_56[%run_scoped3A_18, %dma_wait3A_57, %dma_wait3A_58, %dma_wait3A_59] : memref<2x2x80x128xi32, #tpu.memory_space<hbm>> -> memref<1x2x80x128xi32, #tpu.memory_space<hbm>>
        %dma_wait3A_61 = tpu.memref_squeeze %dma_wait3A_60 : memref<1x2x80x128xi32, #tpu.memory_space<hbm>> -> memref<2x80x128xi32, #tpu.memory_space<hbm>>
        %dma_wait3A_62 = arith.constant 0 : i32
        %dma_wait3A_63 = arith.constant 0 : i32
        %dma_wait3A_64 = tpu.memref_slice %dma_wait3A_61[%run_scoped3A_19, %dma_wait3A_62, %dma_wait3A_63] : memref<2x80x128xi32, #tpu.memory_space<hbm>> -> memref<1x80x128xi32, #tpu.memory_space<hbm>>
        %dma_wait3A_65 = tpu.memref_squeeze %dma_wait3A_64 : memref<1x80x128xi32, #tpu.memory_space<hbm>> -> memref<80x128xi32, #tpu.memory_space<hbm>>
        %dma_wait3A_66 = arith.constant 0 : i32
        %dma_wait3A_67 = arith.constant 0 : i32
        %dma_wait3A_68 = arith.constant 0 : i32
        %dma_wait3A_69 = arith.constant 0 : i32
        %dma_wait3A_70 = tpu.memref_slice %arg7[%arg1, %dma_wait3A_66, %dma_wait3A_67, %dma_wait3A_68, %dma_wait3A_69] : memref<16x2x2x80x128xi32, #tpu.memory_space<hbm>> -> memref<1x2x2x80x128xi32, #tpu.memory_space<hbm>>
        %dma_wait3A_71 = tpu.memref_squeeze %dma_wait3A_70 : memref<1x2x2x80x128xi32, #tpu.memory_space<hbm>> -> memref<2x2x80x128xi32, #tpu.memory_space<hbm>>
        %dma_wait3A_72 = arith.constant 0 : i32
        %dma_wait3A_73 = arith.constant 0 : i32
        %dma_wait3A_74 = arith.constant 0 : i32
        %dma_wait3A_75 = tpu.memref_slice %dma_wait3A_71[%run_scoped3A_18, %dma_wait3A_72, %dma_wait3A_73, %dma_wait3A_74] : memref<2x2x80x128xi32, #tpu.memory_space<hbm>> -> memref<1x2x80x128xi32, #tpu.memory_space<hbm>>
        %dma_wait3A_76 = tpu.memref_squeeze %dma_wait3A_75 : memref<1x2x80x128xi32, #tpu.memory_space<hbm>> -> memref<2x80x128xi32, #tpu.memory_space<hbm>>
        %dma_wait3A_77 = arith.constant 0 : i32
        %dma_wait3A_78 = arith.constant 0 : i32
        %dma_wait3A_79 = tpu.memref_slice %dma_wait3A_76[%run_scoped3A_19, %dma_wait3A_77, %dma_wait3A_78] : memref<2x80x128xi32, #tpu.memory_space<hbm>> -> memref<1x80x128xi32, #tpu.memory_space<hbm>>
        %dma_wait3A_80 = tpu.memref_squeeze %dma_wait3A_79 : memref<1x80x128xi32, #tpu.memory_space<hbm>> -> memref<80x128xi32, #tpu.memory_space<hbm>>
        tpu.wait_dma2 semaphore(%run_scoped3A_22 : memref<!tpu.dma_semaphore, #tpu.memory_space<semaphore_mem>>) src(%arg16 : memref<80x128xi32, #tpu.memory_space<vmem>>) dst(%dma_wait3A_80 : memref<80x128xi32, #tpu.memory_space<hbm>>)
        tpu.yield
      }) : () -> ()
      %run_scoped3A_20 = arith.constant 0 : i32
      "tpu.region"() ({
        %run_scoped3A_22 = tpu.sem_alloc : memref<!tpu.dma_semaphore, #tpu.memory_space<semaphore_mem>>
        %dma_start3A = arith.constant 0 : i32
        %dma_start3A_23 = arith.constant 0 : i32
        %dma_start3A_24 = arith.constant 0 : i32
        %dma_start3A_25 = tpu.memref_slice %arg8[%arg1, %dma_start3A, %dma_start3A_23, %dma_start3A_24] : memref<16x2x80x128xi32, #tpu.memory_space<hbm>> -> memref<1x2x80x128xi32, #tpu.memory_space<hbm>>
        %dma_start3A_26 = tpu.memref_squeeze %dma_start3A_25 : memref<1x2x80x128xi32, #tpu.memory_space<hbm>> -> memref<2x80x128xi32, #tpu.memory_space<hbm>>
        %dma_start3A_27 = arith.constant 0 : i32
        %dma_start3A_28 = arith.constant 0 : i32
        %dma_start3A_29 = tpu.memref_slice %dma_start3A_26[%run_scoped3A_20, %dma_start3A_27, %dma_start3A_28] : memref<2x80x128xi32, #tpu.memory_space<hbm>> -> memref<1x80x128xi32, #tpu.memory_space<hbm>>
        %dma_start3A_30 = tpu.memref_squeeze %dma_start3A_29 : memref<1x80x128xi32, #tpu.memory_space<hbm>> -> memref<80x128xi32, #tpu.memory_space<hbm>>
        %dma_start3A_31 = arith.constant 0 : i32
        %dma_start3A_32 = arith.constant 0 : i32
        %dma_start3A_33 = arith.constant 0 : i32
        %dma_start3A_34 = tpu.memref_slice %arg8[%arg1, %dma_start3A_31, %dma_start3A_32, %dma_start3A_33] : memref<16x2x80x128xi32, #tpu.memory_space<hbm>> -> memref<1x2x80x128xi32, #tpu.memory_space<hbm>>
        %dma_start3A_35 = tpu.memref_squeeze %dma_start3A_34 : memref<1x2x80x128xi32, #tpu.memory_space<hbm>> -> memref<2x80x128xi32, #tpu.memory_space<hbm>>
        %dma_start3A_36 = arith.constant 0 : i32
        %dma_start3A_37 = arith.constant 0 : i32
        %dma_start3A_38 = tpu.memref_slice %dma_start3A_35[%run_scoped3A_20, %dma_start3A_36, %dma_start3A_37] : memref<2x80x128xi32, #tpu.memory_space<hbm>> -> memref<1x80x128xi32, #tpu.memory_space<hbm>>
        %dma_start3A_39 = tpu.memref_squeeze %dma_start3A_38 : memref<1x80x128xi32, #tpu.memory_space<hbm>> -> memref<80x128xi32, #tpu.memory_space<hbm>>
        tpu.enqueue_dma source(%arg14 : memref<80x128xi32, #tpu.memory_space<vmem>>) target(%dma_start3A_39 : memref<80x128xi32, #tpu.memory_space<hbm>>) target_semaphore(%run_scoped3A_22 : memref<!tpu.dma_semaphore, #tpu.memory_space<semaphore_mem>>)
        %dma_wait3A = arith.constant 0 : i32
        %dma_wait3A_40 = arith.constant 0 : i32
        %dma_wait3A_41 = arith.constant 0 : i32
        %dma_wait3A_42 = tpu.memref_slice %arg8[%arg1, %dma_wait3A, %dma_wait3A_40, %dma_wait3A_41] : memref<16x2x80x128xi32, #tpu.memory_space<hbm>> -> memref<1x2x80x128xi32, #tpu.memory_space<hbm>>
        %dma_wait3A_43 = tpu.memref_squeeze %dma_wait3A_42 : memref<1x2x80x128xi32, #tpu.memory_space<hbm>> -> memref<2x80x128xi32, #tpu.memory_space<hbm>>
        %dma_wait3A_44 = arith.constant 0 : i32
        %dma_wait3A_45 = arith.constant 0 : i32
        %dma_wait3A_46 = tpu.memref_slice %dma_wait3A_43[%run_scoped3A_20, %dma_wait3A_44, %dma_wait3A_45] : memref<2x80x128xi32, #tpu.memory_space<hbm>> -> memref<1x80x128xi32, #tpu.memory_space<hbm>>
        %dma_wait3A_47 = tpu.memref_squeeze %dma_wait3A_46 : memref<1x80x128xi32, #tpu.memory_space<hbm>> -> memref<80x128xi32, #tpu.memory_space<hbm>>
        %dma_wait3A_48 = arith.constant 0 : i32
        %dma_wait3A_49 = arith.constant 0 : i32
        %dma_wait3A_50 = arith.constant 0 : i32
        %dma_wait3A_51 = tpu.memref_slice %arg8[%arg1, %dma_wait3A_48, %dma_wait3A_49, %dma_wait3A_50] : memref<16x2x80x128xi32, #tpu.memory_space<hbm>> -> memref<1x2x80x128xi32, #tpu.memory_space<hbm>>
        %dma_wait3A_52 = tpu.memref_squeeze %dma_wait3A_51 : memref<1x2x80x128xi32, #tpu.memory_space<hbm>> -> memref<2x80x128xi32, #tpu.memory_space<hbm>>
        %dma_wait3A_53 = arith.constant 0 : i32
        %dma_wait3A_54 = arith.constant 0 : i32
        %dma_wait3A_55 = tpu.memref_slice %dma_wait3A_52[%run_scoped3A_20, %dma_wait3A_53, %dma_wait3A_54] : memref<2x80x128xi32, #tpu.memory_space<hbm>> -> memref<1x80x128xi32, #tpu.memory_space<hbm>>
        %dma_wait3A_56 = tpu.memref_squeeze %dma_wait3A_55 : memref<1x80x128xi32, #tpu.memory_space<hbm>> -> memref<80x128xi32, #tpu.memory_space<hbm>>
        tpu.wait_dma2 semaphore(%run_scoped3A_22 : memref<!tpu.dma_semaphore, #tpu.memory_space<semaphore_mem>>) src(%arg14 : memref<80x128xi32, #tpu.memory_space<vmem>>) dst(%dma_wait3A_56 : memref<80x128xi32, #tpu.memory_space<hbm>>)
        tpu.yield
      }) : () -> ()
      %run_scoped3A_21 = arith.constant 1 : i32
      "tpu.region"() ({
        %run_scoped3A_22 = tpu.sem_alloc : memref<!tpu.dma_semaphore, #tpu.memory_space<semaphore_mem>>
        %dma_start3A = arith.constant 0 : i32
        %dma_start3A_23 = arith.constant 0 : i32
        %dma_start3A_24 = arith.constant 0 : i32
        %dma_start3A_25 = tpu.memref_slice %arg8[%arg1, %dma_start3A, %dma_start3A_23, %dma_start3A_24] : memref<16x2x80x128xi32, #tpu.memory_space<hbm>> -> memref<1x2x80x128xi32, #tpu.memory_space<hbm>>
        %dma_start3A_26 = tpu.memref_squeeze %dma_start3A_25 : memref<1x2x80x128xi32, #tpu.memory_space<hbm>> -> memref<2x80x128xi32, #tpu.memory_space<hbm>>
        %dma_start3A_27 = arith.constant 0 : i32
        %dma_start3A_28 = arith.constant 0 : i32
        %dma_start3A_29 = tpu.memref_slice %dma_start3A_26[%run_scoped3A_21, %dma_start3A_27, %dma_start3A_28] : memref<2x80x128xi32, #tpu.memory_space<hbm>> -> memref<1x80x128xi32, #tpu.memory_space<hbm>>
        %dma_start3A_30 = tpu.memref_squeeze %dma_start3A_29 : memref<1x80x128xi32, #tpu.memory_space<hbm>> -> memref<80x128xi32, #tpu.memory_space<hbm>>
        %dma_start3A_31 = arith.constant 0 : i32
        %dma_start3A_32 = arith.constant 0 : i32
        %dma_start3A_33 = arith.constant 0 : i32
        %dma_start3A_34 = tpu.memref_slice %arg8[%arg1, %dma_start3A_31, %dma_start3A_32, %dma_start3A_33] : memref<16x2x80x128xi32, #tpu.memory_space<hbm>> -> memref<1x2x80x128xi32, #tpu.memory_space<hbm>>
        %dma_start3A_35 = tpu.memref_squeeze %dma_start3A_34 : memref<1x2x80x128xi32, #tpu.memory_space<hbm>> -> memref<2x80x128xi32, #tpu.memory_space<hbm>>
        %dma_start3A_36 = arith.constant 0 : i32
        %dma_start3A_37 = arith.constant 0 : i32
        %dma_start3A_38 = tpu.memref_slice %dma_start3A_35[%run_scoped3A_21, %dma_start3A_36, %dma_start3A_37] : memref<2x80x128xi32, #tpu.memory_space<hbm>> -> memref<1x80x128xi32, #tpu.memory_space<hbm>>
        %dma_start3A_39 = tpu.memref_squeeze %dma_start3A_38 : memref<1x80x128xi32, #tpu.memory_space<hbm>> -> memref<80x128xi32, #tpu.memory_space<hbm>>
        tpu.enqueue_dma source(%arg17 : memref<80x128xi32, #tpu.memory_space<vmem>>) target(%dma_start3A_39 : memref<80x128xi32, #tpu.memory_space<hbm>>) target_semaphore(%run_scoped3A_22 : memref<!tpu.dma_semaphore, #tpu.memory_space<semaphore_mem>>)
        %dma_wait3A = arith.constant 0 : i32
        %dma_wait3A_40 = arith.constant 0 : i32
        %dma_wait3A_41 = arith.constant 0 : i32
        %dma_wait3A_42 = tpu.memref_slice %arg8[%arg1, %dma_wait3A, %dma_wait3A_40, %dma_wait3A_41] : memref<16x2x80x128xi32, #tpu.memory_space<hbm>> -> memref<1x2x80x128xi32, #tpu.memory_space<hbm>>
        %dma_wait3A_43 = tpu.memref_squeeze %dma_wait3A_42 : memref<1x2x80x128xi32, #tpu.memory_space<hbm>> -> memref<2x80x128xi32, #tpu.memory_space<hbm>>
        %dma_wait3A_44 = arith.constant 0 : i32
        %dma_wait3A_45 = arith.constant 0 : i32
        %dma_wait3A_46 = tpu.memref_slice %dma_wait3A_43[%run_scoped3A_21, %dma_wait3A_44, %dma_wait3A_45] : memref<2x80x128xi32, #tpu.memory_space<hbm>> -> memref<1x80x128xi32, #tpu.memory_space<hbm>>
        %dma_wait3A_47 = tpu.memref_squeeze %dma_wait3A_46 : memref<1x80x128xi32, #tpu.memory_space<hbm>> -> memref<80x128xi32, #tpu.memory_space<hbm>>
        %dma_wait3A_48 = arith.constant 0 : i32
        %dma_wait3A_49 = arith.constant 0 : i32
        %dma_wait3A_50 = arith.constant 0 : i32
        %dma_wait3A_51 = tpu.memref_slice %arg8[%arg1, %dma_wait3A_48, %dma_wait3A_49, %dma_wait3A_50] : memref<16x2x80x128xi32, #tpu.memory_space<hbm>> -> memref<1x2x80x128xi32, #tpu.memory_space<hbm>>
        %dma_wait3A_52 = tpu.memref_squeeze %dma_wait3A_51 : memref<1x2x80x128xi32, #tpu.memory_space<hbm>> -> memref<2x80x128xi32, #tpu.memory_space<hbm>>
        %dma_wait3A_53 = arith.constant 0 : i32
        %dma_wait3A_54 = arith.constant 0 : i32
        %dma_wait3A_55 = tpu.memref_slice %dma_wait3A_52[%run_scoped3A_21, %dma_wait3A_53, %dma_wait3A_54] : memref<2x80x128xi32, #tpu.memory_space<hbm>> -> memref<1x80x128xi32, #tpu.memory_space<hbm>>
        %dma_wait3A_56 = tpu.memref_squeeze %dma_wait3A_55 : memref<1x80x128xi32, #tpu.memory_space<hbm>> -> memref<80x128xi32, #tpu.memory_space<hbm>>
        tpu.wait_dma2 semaphore(%run_scoped3A_22 : memref<!tpu.dma_semaphore, #tpu.memory_space<semaphore_mem>>) src(%arg17 : memref<80x128xi32, #tpu.memory_space<vmem>>) dst(%dma_wait3A_56 : memref<80x128xi32, #tpu.memory_space<hbm>>)
        tpu.yield
      }) : () -> ()
      "tpu.region"() ({
        %run_scoped3A_22 = tpu.sem_alloc : memref<!tpu.dma_semaphore, #tpu.memory_space<semaphore_mem>>
        %dma_start3A = arith.constant 0 : i32
        %dma_start3A_23 = tpu.memref_slice %arg9[%arg1, %dma_start3A] : memref<16x32xi32, #tpu.memory_space<hbm>> -> memref<1x32xi32, #tpu.memory_space<hbm>>
        %dma_start3A_24 = tpu.memref_squeeze %dma_start3A_23 : memref<1x32xi32, #tpu.memory_space<hbm>> -> memref<32xi32, #tpu.memory_space<hbm>>
        %dma_start3A_25 = arith.constant 0 : i32
        %dma_start3A_26 = tpu.memref_slice %arg9[%arg1, %dma_start3A_25] : memref<16x32xi32, #tpu.memory_space<hbm>> -> memref<1x32xi32, #tpu.memory_space<hbm>>
        %dma_start3A_27 = tpu.memref_squeeze %dma_start3A_26 : memref<1x32xi32, #tpu.memory_space<hbm>> -> memref<32xi32, #tpu.memory_space<hbm>>
        tpu.enqueue_dma source(%arg18 : memref<32xi32, #tpu.memory_space<vmem>>) target(%dma_start3A_27 : memref<32xi32, #tpu.memory_space<hbm>>) target_semaphore(%run_scoped3A_22 : memref<!tpu.dma_semaphore, #tpu.memory_space<semaphore_mem>>)
        %dma_wait3A = arith.constant 0 : i32
        %dma_wait3A_28 = tpu.memref_slice %arg9[%arg1, %dma_wait3A] : memref<16x32xi32, #tpu.memory_space<hbm>> -> memref<1x32xi32, #tpu.memory_space<hbm>>
        %dma_wait3A_29 = tpu.memref_squeeze %dma_wait3A_28 : memref<1x32xi32, #tpu.memory_space<hbm>> -> memref<32xi32, #tpu.memory_space<hbm>>
        %dma_wait3A_30 = arith.constant 0 : i32
        %dma_wait3A_31 = tpu.memref_slice %arg9[%arg1, %dma_wait3A_30] : memref<16x32xi32, #tpu.memory_space<hbm>> -> memref<1x32xi32, #tpu.memory_space<hbm>>
        %dma_wait3A_32 = tpu.memref_squeeze %dma_wait3A_31 : memref<1x32xi32, #tpu.memory_space<hbm>> -> memref<32xi32, #tpu.memory_space<hbm>>
        tpu.wait_dma2 semaphore(%run_scoped3A_22 : memref<!tpu.dma_semaphore, #tpu.memory_space<semaphore_mem>>) src(%arg18 : memref<32xi32, #tpu.memory_space<vmem>>) dst(%dma_wait3A_32 : memref<32xi32, #tpu.memory_space<hbm>>)
        tpu.yield
      }) : () -> ()
    } else {
    }
    return
  }
}

#map = affine_map<(d0, d1) -> (0, 0)>
#map1 = affine_map<(d0, d1) -> (0, 0, 0, 0, 0)>
#map2 = affine_map<(d0, d1) -> (0, 0, 0, 0)>
#map3 = affine_map<(d0, d1) -> (0, 0, 0)>
module attributes {stable_mosaic.version = 14 : i64} {
  func.func @_agg_body(%arg0: i32, %arg1: i32, %arg2: memref<20480x128xf32, #tpu.memory_space<hbm>>, %arg3: memref<16x2x2x80x128xi32, #tpu.memory_space<hbm>>, %arg4: memref<16x2x80x128xi32, #tpu.memory_space<hbm>>, %arg5: memref<16x32xi32, #tpu.memory_space<hbm>>, %arg6: memref<128x128xf32, #tpu.memory_space<hbm>>, %arg7: memref<2x10240x128xf32, #tpu.memory_space<hbm>>, %arg8: memref<80x128xi32, #tpu.memory_space<vmem>>, %arg9: memref<80x128xi32, #tpu.memory_space<vmem>>, %arg10: memref<128x128xf32, #tpu.memory_space<vmem>>, %arg11: memref<128x128xf32, #tpu.memory_space<vmem>>, %arg12: memref<32xi32, #tpu.memory_space<vmem>>, %arg13: memref<6144x128xf32, #tpu.memory_space<vmem_shared>>) attributes {dimension_semantics = [#tpu.dimension_semantics<core_parallel>, #tpu.dimension_semantics<subcore_parallel>], iteration_bounds = array<i64: 2, 16>, scalar_prefetch = 0 : i64, scratch_operands = 6 : i64, tpu.core_type = #tpu.core_type<sc_vector_subcore>, window_params = [{transform_indices = #map}, {transform_indices = #map1}, {transform_indices = #map2}, {transform_indices = #map}, {transform_indices = #map}, {transform_indices = #map3}]} {
    "tpu.region"() ({
      %run_scoped3A_127 = tpu.sem_alloc : memref<!tpu.dma_semaphore, #tpu.memory_space<semaphore_mem>>
      %dma_start3A = arith.constant 0 : i32
      %dma_start3A_128 = tpu.memref_slice %arg5[%arg1, %dma_start3A] : memref<16x32xi32, #tpu.memory_space<hbm>> -> memref<1x32xi32, #tpu.memory_space<hbm>>
      %dma_start3A_129 = tpu.memref_squeeze %dma_start3A_128 : memref<1x32xi32, #tpu.memory_space<hbm>> -> memref<32xi32, #tpu.memory_space<hbm>>
      %dma_start3A_130 = arith.constant 0 : i32
      %dma_start3A_131 = tpu.memref_slice %arg5[%arg1, %dma_start3A_130] : memref<16x32xi32, #tpu.memory_space<hbm>> -> memref<1x32xi32, #tpu.memory_space<hbm>>
      %dma_start3A_132 = tpu.memref_squeeze %dma_start3A_131 : memref<1x32xi32, #tpu.memory_space<hbm>> -> memref<32xi32, #tpu.memory_space<hbm>>
      tpu.enqueue_dma source(%dma_start3A_132 : memref<32xi32, #tpu.memory_space<hbm>>) target(%arg12 : memref<32xi32, #tpu.memory_space<vmem>>) target_semaphore(%run_scoped3A_127 : memref<!tpu.dma_semaphore, #tpu.memory_space<semaphore_mem>>)
      %dma_wait3A = arith.constant 0 : i32
      %dma_wait3A_133 = tpu.memref_slice %arg5[%arg1, %dma_wait3A] : memref<16x32xi32, #tpu.memory_space<hbm>> -> memref<1x32xi32, #tpu.memory_space<hbm>>
      %dma_wait3A_134 = tpu.memref_squeeze %dma_wait3A_133 : memref<1x32xi32, #tpu.memory_space<hbm>> -> memref<32xi32, #tpu.memory_space<hbm>>
      %dma_wait3A_135 = arith.constant 0 : i32
      %dma_wait3A_136 = tpu.memref_slice %arg5[%arg1, %dma_wait3A_135] : memref<16x32xi32, #tpu.memory_space<hbm>> -> memref<1x32xi32, #tpu.memory_space<hbm>>
      %dma_wait3A_137 = tpu.memref_squeeze %dma_wait3A_136 : memref<1x32xi32, #tpu.memory_space<hbm>> -> memref<32xi32, #tpu.memory_space<hbm>>
      tpu.wait_dma2 semaphore(%run_scoped3A_127 : memref<!tpu.dma_semaphore, #tpu.memory_space<semaphore_mem>>) src(%dma_wait3A_137 : memref<32xi32, #tpu.memory_space<hbm>>) dst(%arg12 : memref<32xi32, #tpu.memory_space<vmem>>)
      tpu.yield
    }) : () -> ()
    "tpu.region"() ({
      %run_scoped3A_127 = tpu.sem_alloc : memref<!tpu.dma_semaphore, #tpu.memory_space<semaphore_mem>>
      tpu.enqueue_dma source(%arg6 : memref<128x128xf32, #tpu.memory_space<hbm>>) target(%arg11 : memref<128x128xf32, #tpu.memory_space<vmem>>) target_semaphore(%run_scoped3A_127 : memref<!tpu.dma_semaphore, #tpu.memory_space<semaphore_mem>>)
      tpu.wait_dma2 semaphore(%run_scoped3A_127 : memref<!tpu.dma_semaphore, #tpu.memory_space<semaphore_mem>>) src(%arg6 : memref<128x128xf32, #tpu.memory_space<hbm>>) dst(%arg11 : memref<128x128xf32, #tpu.memory_space<vmem>>)
      tpu.yield
    }) : () -> ()
    %run_scoped3A = arith.constant 0 : i32
    "tpu.region"() ({
      %run_scoped3A_127 = tpu.sem_alloc : memref<!tpu.dma_semaphore, #tpu.memory_space<semaphore_mem>>
      %dma_start3A = arith.constant 0 : i32
      %dma_start3A_128 = arith.constant 0 : i32
      %dma_start3A_129 = arith.constant 0 : i32
      %dma_start3A_130 = arith.constant 0 : i32
      %dma_start3A_131 = tpu.memref_slice %arg3[%arg1, %dma_start3A, %dma_start3A_128, %dma_start3A_129, %dma_start3A_130] : memref<16x2x2x80x128xi32, #tpu.memory_space<hbm>> -> memref<1x2x2x80x128xi32, #tpu.memory_space<hbm>>
      %dma_start3A_132 = tpu.memref_squeeze %dma_start3A_131 : memref<1x2x2x80x128xi32, #tpu.memory_space<hbm>> -> memref<2x2x80x128xi32, #tpu.memory_space<hbm>>
      %dma_start3A_133 = arith.constant 0 : i32
      %dma_start3A_134 = arith.constant 0 : i32
      %dma_start3A_135 = arith.constant 0 : i32
      %dma_start3A_136 = tpu.memref_slice %dma_start3A_132[%run_scoped3A, %dma_start3A_133, %dma_start3A_134, %dma_start3A_135] : memref<2x2x80x128xi32, #tpu.memory_space<hbm>> -> memref<1x2x80x128xi32, #tpu.memory_space<hbm>>
      %dma_start3A_137 = tpu.memref_squeeze %dma_start3A_136 : memref<1x2x80x128xi32, #tpu.memory_space<hbm>> -> memref<2x80x128xi32, #tpu.memory_space<hbm>>
      %dma_start3A_138 = arith.constant 0 : i32
      %dma_start3A_139 = arith.constant 0 : i32
      %dma_start3A_140 = tpu.memref_slice %dma_start3A_137[%arg0, %dma_start3A_138, %dma_start3A_139] : memref<2x80x128xi32, #tpu.memory_space<hbm>> -> memref<1x80x128xi32, #tpu.memory_space<hbm>>
      %dma_start3A_141 = tpu.memref_squeeze %dma_start3A_140 : memref<1x80x128xi32, #tpu.memory_space<hbm>> -> memref<80x128xi32, #tpu.memory_space<hbm>>
      %dma_start3A_142 = arith.constant 0 : i32
      %dma_start3A_143 = arith.constant 0 : i32
      %dma_start3A_144 = arith.constant 0 : i32
      %dma_start3A_145 = arith.constant 0 : i32
      %dma_start3A_146 = tpu.memref_slice %arg3[%arg1, %dma_start3A_142, %dma_start3A_143, %dma_start3A_144, %dma_start3A_145] : memref<16x2x2x80x128xi32, #tpu.memory_space<hbm>> -> memref<1x2x2x80x128xi32, #tpu.memory_space<hbm>>
      %dma_start3A_147 = tpu.memref_squeeze %dma_start3A_146 : memref<1x2x2x80x128xi32, #tpu.memory_space<hbm>> -> memref<2x2x80x128xi32, #tpu.memory_space<hbm>>
      %dma_start3A_148 = arith.constant 0 : i32
      %dma_start3A_149 = arith.constant 0 : i32
      %dma_start3A_150 = arith.constant 0 : i32
      %dma_start3A_151 = tpu.memref_slice %dma_start3A_147[%run_scoped3A, %dma_start3A_148, %dma_start3A_149, %dma_start3A_150] : memref<2x2x80x128xi32, #tpu.memory_space<hbm>> -> memref<1x2x80x128xi32, #tpu.memory_space<hbm>>
      %dma_start3A_152 = tpu.memref_squeeze %dma_start3A_151 : memref<1x2x80x128xi32, #tpu.memory_space<hbm>> -> memref<2x80x128xi32, #tpu.memory_space<hbm>>
      %dma_start3A_153 = arith.constant 0 : i32
      %dma_start3A_154 = arith.constant 0 : i32
      %dma_start3A_155 = tpu.memref_slice %dma_start3A_152[%arg0, %dma_start3A_153, %dma_start3A_154] : memref<2x80x128xi32, #tpu.memory_space<hbm>> -> memref<1x80x128xi32, #tpu.memory_space<hbm>>
      %dma_start3A_156 = tpu.memref_squeeze %dma_start3A_155 : memref<1x80x128xi32, #tpu.memory_space<hbm>> -> memref<80x128xi32, #tpu.memory_space<hbm>>
      tpu.enqueue_dma source(%dma_start3A_156 : memref<80x128xi32, #tpu.memory_space<hbm>>) target(%arg8 : memref<80x128xi32, #tpu.memory_space<vmem>>) target_semaphore(%run_scoped3A_127 : memref<!tpu.dma_semaphore, #tpu.memory_space<semaphore_mem>>)
      %dma_wait3A = arith.constant 0 : i32
      %dma_wait3A_157 = arith.constant 0 : i32
      %dma_wait3A_158 = arith.constant 0 : i32
      %dma_wait3A_159 = arith.constant 0 : i32
      %dma_wait3A_160 = tpu.memref_slice %arg3[%arg1, %dma_wait3A, %dma_wait3A_157, %dma_wait3A_158, %dma_wait3A_159] : memref<16x2x2x80x128xi32, #tpu.memory_space<hbm>> -> memref<1x2x2x80x128xi32, #tpu.memory_space<hbm>>
      %dma_wait3A_161 = tpu.memref_squeeze %dma_wait3A_160 : memref<1x2x2x80x128xi32, #tpu.memory_space<hbm>> -> memref<2x2x80x128xi32, #tpu.memory_space<hbm>>
      %dma_wait3A_162 = arith.constant 0 : i32
      %dma_wait3A_163 = arith.constant 0 : i32
      %dma_wait3A_164 = arith.constant 0 : i32
      %dma_wait3A_165 = tpu.memref_slice %dma_wait3A_161[%run_scoped3A, %dma_wait3A_162, %dma_wait3A_163, %dma_wait3A_164] : memref<2x2x80x128xi32, #tpu.memory_space<hbm>> -> memref<1x2x80x128xi32, #tpu.memory_space<hbm>>
      %dma_wait3A_166 = tpu.memref_squeeze %dma_wait3A_165 : memref<1x2x80x128xi32, #tpu.memory_space<hbm>> -> memref<2x80x128xi32, #tpu.memory_space<hbm>>
      %dma_wait3A_167 = arith.constant 0 : i32
      %dma_wait3A_168 = arith.constant 0 : i32
      %dma_wait3A_169 = tpu.memref_slice %dma_wait3A_166[%arg0, %dma_wait3A_167, %dma_wait3A_168] : memref<2x80x128xi32, #tpu.memory_space<hbm>> -> memref<1x80x128xi32, #tpu.memory_space<hbm>>
      %dma_wait3A_170 = tpu.memref_squeeze %dma_wait3A_169 : memref<1x80x128xi32, #tpu.memory_space<hbm>> -> memref<80x128xi32, #tpu.memory_space<hbm>>
      %dma_wait3A_171 = arith.constant 0 : i32
      %dma_wait3A_172 = arith.constant 0 : i32
      %dma_wait3A_173 = arith.constant 0 : i32
      %dma_wait3A_174 = arith.constant 0 : i32
      %dma_wait3A_175 = tpu.memref_slice %arg3[%arg1, %dma_wait3A_171, %dma_wait3A_172, %dma_wait3A_173, %dma_wait3A_174] : memref<16x2x2x80x128xi32, #tpu.memory_space<hbm>> -> memref<1x2x2x80x128xi32, #tpu.memory_space<hbm>>
      %dma_wait3A_176 = tpu.memref_squeeze %dma_wait3A_175 : memref<1x2x2x80x128xi32, #tpu.memory_space<hbm>> -> memref<2x2x80x128xi32, #tpu.memory_space<hbm>>
      %dma_wait3A_177 = arith.constant 0 : i32
      %dma_wait3A_178 = arith.constant 0 : i32
      %dma_wait3A_179 = arith.constant 0 : i32
      %dma_wait3A_180 = tpu.memref_slice %dma_wait3A_176[%run_scoped3A, %dma_wait3A_177, %dma_wait3A_178, %dma_wait3A_179] : memref<2x2x80x128xi32, #tpu.memory_space<hbm>> -> memref<1x2x80x128xi32, #tpu.memory_space<hbm>>
      %dma_wait3A_181 = tpu.memref_squeeze %dma_wait3A_180 : memref<1x2x80x128xi32, #tpu.memory_space<hbm>> -> memref<2x80x128xi32, #tpu.memory_space<hbm>>
      %dma_wait3A_182 = arith.constant 0 : i32
      %dma_wait3A_183 = arith.constant 0 : i32
      %dma_wait3A_184 = tpu.memref_slice %dma_wait3A_181[%arg0, %dma_wait3A_182, %dma_wait3A_183] : memref<2x80x128xi32, #tpu.memory_space<hbm>> -> memref<1x80x128xi32, #tpu.memory_space<hbm>>
      %dma_wait3A_185 = tpu.memref_squeeze %dma_wait3A_184 : memref<1x80x128xi32, #tpu.memory_space<hbm>> -> memref<80x128xi32, #tpu.memory_space<hbm>>
      tpu.wait_dma2 semaphore(%run_scoped3A_127 : memref<!tpu.dma_semaphore, #tpu.memory_space<semaphore_mem>>) src(%dma_wait3A_185 : memref<80x128xi32, #tpu.memory_space<hbm>>) dst(%arg8 : memref<80x128xi32, #tpu.memory_space<vmem>>)
      tpu.yield
    }) : () -> ()
    %run_scoped3A_0 = arith.constant 0 : i32
    "tpu.region"() ({
      %run_scoped3A_127 = tpu.sem_alloc : memref<!tpu.dma_semaphore, #tpu.memory_space<semaphore_mem>>
      %dma_start3A = arith.constant 0 : i32
      %dma_start3A_128 = arith.constant 0 : i32
      %dma_start3A_129 = arith.constant 0 : i32
      %dma_start3A_130 = tpu.memref_slice %arg4[%arg1, %dma_start3A, %dma_start3A_128, %dma_start3A_129] : memref<16x2x80x128xi32, #tpu.memory_space<hbm>> -> memref<1x2x80x128xi32, #tpu.memory_space<hbm>>
      %dma_start3A_131 = tpu.memref_squeeze %dma_start3A_130 : memref<1x2x80x128xi32, #tpu.memory_space<hbm>> -> memref<2x80x128xi32, #tpu.memory_space<hbm>>
      %dma_start3A_132 = arith.constant 0 : i32
      %dma_start3A_133 = arith.constant 0 : i32
      %dma_start3A_134 = tpu.memref_slice %dma_start3A_131[%run_scoped3A_0, %dma_start3A_132, %dma_start3A_133] : memref<2x80x128xi32, #tpu.memory_space<hbm>> -> memref<1x80x128xi32, #tpu.memory_space<hbm>>
      %dma_start3A_135 = tpu.memref_squeeze %dma_start3A_134 : memref<1x80x128xi32, #tpu.memory_space<hbm>> -> memref<80x128xi32, #tpu.memory_space<hbm>>
      %dma_start3A_136 = arith.constant 0 : i32
      %dma_start3A_137 = arith.constant 0 : i32
      %dma_start3A_138 = arith.constant 0 : i32
      %dma_start3A_139 = tpu.memref_slice %arg4[%arg1, %dma_start3A_136, %dma_start3A_137, %dma_start3A_138] : memref<16x2x80x128xi32, #tpu.memory_space<hbm>> -> memref<1x2x80x128xi32, #tpu.memory_space<hbm>>
      %dma_start3A_140 = tpu.memref_squeeze %dma_start3A_139 : memref<1x2x80x128xi32, #tpu.memory_space<hbm>> -> memref<2x80x128xi32, #tpu.memory_space<hbm>>
      %dma_start3A_141 = arith.constant 0 : i32
      %dma_start3A_142 = arith.constant 0 : i32
      %dma_start3A_143 = tpu.memref_slice %dma_start3A_140[%run_scoped3A_0, %dma_start3A_141, %dma_start3A_142] : memref<2x80x128xi32, #tpu.memory_space<hbm>> -> memref<1x80x128xi32, #tpu.memory_space<hbm>>
      %dma_start3A_144 = tpu.memref_squeeze %dma_start3A_143 : memref<1x80x128xi32, #tpu.memory_space<hbm>> -> memref<80x128xi32, #tpu.memory_space<hbm>>
      tpu.enqueue_dma source(%dma_start3A_144 : memref<80x128xi32, #tpu.memory_space<hbm>>) target(%arg9 : memref<80x128xi32, #tpu.memory_space<vmem>>) target_semaphore(%run_scoped3A_127 : memref<!tpu.dma_semaphore, #tpu.memory_space<semaphore_mem>>)
      %dma_wait3A = arith.constant 0 : i32
      %dma_wait3A_145 = arith.constant 0 : i32
      %dma_wait3A_146 = arith.constant 0 : i32
      %dma_wait3A_147 = tpu.memref_slice %arg4[%arg1, %dma_wait3A, %dma_wait3A_145, %dma_wait3A_146] : memref<16x2x80x128xi32, #tpu.memory_space<hbm>> -> memref<1x2x80x128xi32, #tpu.memory_space<hbm>>
      %dma_wait3A_148 = tpu.memref_squeeze %dma_wait3A_147 : memref<1x2x80x128xi32, #tpu.memory_space<hbm>> -> memref<2x80x128xi32, #tpu.memory_space<hbm>>
      %dma_wait3A_149 = arith.constant 0 : i32
      %dma_wait3A_150 = arith.constant 0 : i32
      %dma_wait3A_151 = tpu.memref_slice %dma_wait3A_148[%run_scoped3A_0, %dma_wait3A_149, %dma_wait3A_150] : memref<2x80x128xi32, #tpu.memory_space<hbm>> -> memref<1x80x128xi32, #tpu.memory_space<hbm>>
      %dma_wait3A_152 = tpu.memref_squeeze %dma_wait3A_151 : memref<1x80x128xi32, #tpu.memory_space<hbm>> -> memref<80x128xi32, #tpu.memory_space<hbm>>
      %dma_wait3A_153 = arith.constant 0 : i32
      %dma_wait3A_154 = arith.constant 0 : i32
      %dma_wait3A_155 = arith.constant 0 : i32
      %dma_wait3A_156 = tpu.memref_slice %arg4[%arg1, %dma_wait3A_153, %dma_wait3A_154, %dma_wait3A_155] : memref<16x2x80x128xi32, #tpu.memory_space<hbm>> -> memref<1x2x80x128xi32, #tpu.memory_space<hbm>>
      %dma_wait3A_157 = tpu.memref_squeeze %dma_wait3A_156 : memref<1x2x80x128xi32, #tpu.memory_space<hbm>> -> memref<2x80x128xi32, #tpu.memory_space<hbm>>
      %dma_wait3A_158 = arith.constant 0 : i32
      %dma_wait3A_159 = arith.constant 0 : i32
      %dma_wait3A_160 = tpu.memref_slice %dma_wait3A_157[%run_scoped3A_0, %dma_wait3A_158, %dma_wait3A_159] : memref<2x80x128xi32, #tpu.memory_space<hbm>> -> memref<1x80x128xi32, #tpu.memory_space<hbm>>
      %dma_wait3A_161 = tpu.memref_squeeze %dma_wait3A_160 : memref<1x80x128xi32, #tpu.memory_space<hbm>> -> memref<80x128xi32, #tpu.memory_space<hbm>>
      tpu.wait_dma2 semaphore(%run_scoped3A_127 : memref<!tpu.dma_semaphore, #tpu.memory_space<semaphore_mem>>) src(%dma_wait3A_161 : memref<80x128xi32, #tpu.memory_space<hbm>>) dst(%arg9 : memref<80x128xi32, #tpu.memory_space<vmem>>)
      tpu.yield
    }) : () -> ()
    %mul3A = arith.constant 384 : i32
    %mul3A_1 = arith.muli %arg1, %mul3A : i32
    %add3A = arith.constant 0 : i32
    %add3A_2 = arith.addi %mul3A_1, %add3A : i32
    "tpu.region"() ({
      %run_scoped3A_127 = tpu.sem_alloc : memref<!tpu.dma_semaphore, #tpu.memory_space<semaphore_mem>>
      %dma_start3A = arith.constant 0 : i32
      %dma_start3A_128 = tpu.memref_slice %arg13[%add3A_2, %dma_start3A] : memref<6144x128xf32, #tpu.memory_space<vmem_shared>> -> memref<128x128xf32, #tpu.memory_space<vmem_shared>>
      %dma_start3A_129 = arith.constant 0 : i32
      %dma_start3A_130 = tpu.memref_slice %arg13[%add3A_2, %dma_start3A_129] : memref<6144x128xf32, #tpu.memory_space<vmem_shared>> -> memref<128x128xf32, #tpu.memory_space<vmem_shared>>
      tpu.enqueue_dma source(%arg11 : memref<128x128xf32, #tpu.memory_space<vmem>>) target(%dma_start3A_130 : memref<128x128xf32, #tpu.memory_space<vmem_shared>>) target_semaphore(%run_scoped3A_127 : memref<!tpu.dma_semaphore, #tpu.memory_space<semaphore_mem>>)
      %dma_wait3A = arith.constant 0 : i32
      %dma_wait3A_131 = tpu.memref_slice %arg13[%add3A_2, %dma_wait3A] : memref<6144x128xf32, #tpu.memory_space<vmem_shared>> -> memref<128x128xf32, #tpu.memory_space<vmem_shared>>
      %dma_wait3A_132 = arith.constant 0 : i32
      %dma_wait3A_133 = tpu.memref_slice %arg13[%add3A_2, %dma_wait3A_132] : memref<6144x128xf32, #tpu.memory_space<vmem_shared>> -> memref<128x128xf32, #tpu.memory_space<vmem_shared>>
      tpu.wait_dma2 semaphore(%run_scoped3A_127 : memref<!tpu.dma_semaphore, #tpu.memory_space<semaphore_mem>>) src(%arg11 : memref<128x128xf32, #tpu.memory_space<vmem>>) dst(%dma_wait3A_133 : memref<128x128xf32, #tpu.memory_space<vmem_shared>>)
      tpu.yield
    }) : () -> ()
    %mul3A_3 = arith.constant 384 : i32
    %mul3A_4 = arith.muli %arg1, %mul3A_3 : i32
    %add3A_5 = arith.constant 128 : i32
    %add3A_6 = arith.addi %mul3A_4, %add3A_5 : i32
    "tpu.region"() ({
      %run_scoped3A_127 = tpu.sem_alloc : memref<!tpu.dma_semaphore, #tpu.memory_space<semaphore_mem>>
      %dma_start3A = arith.constant 0 : i32
      %dma_start3A_128 = tpu.memref_slice %arg13[%add3A_6, %dma_start3A] : memref<6144x128xf32, #tpu.memory_space<vmem_shared>> -> memref<128x128xf32, #tpu.memory_space<vmem_shared>>
      %dma_start3A_129 = arith.constant 0 : i32
      %dma_start3A_130 = tpu.memref_slice %arg13[%add3A_6, %dma_start3A_129] : memref<6144x128xf32, #tpu.memory_space<vmem_shared>> -> memref<128x128xf32, #tpu.memory_space<vmem_shared>>
      tpu.enqueue_dma source(%arg11 : memref<128x128xf32, #tpu.memory_space<vmem>>) target(%dma_start3A_130 : memref<128x128xf32, #tpu.memory_space<vmem_shared>>) target_semaphore(%run_scoped3A_127 : memref<!tpu.dma_semaphore, #tpu.memory_space<semaphore_mem>>)
      %dma_wait3A = arith.constant 0 : i32
      %dma_wait3A_131 = tpu.memref_slice %arg13[%add3A_6, %dma_wait3A] : memref<6144x128xf32, #tpu.memory_space<vmem_shared>> -> memref<128x128xf32, #tpu.memory_space<vmem_shared>>
      %dma_wait3A_132 = arith.constant 0 : i32
      %dma_wait3A_133 = tpu.memref_slice %arg13[%add3A_6, %dma_wait3A_132] : memref<6144x128xf32, #tpu.memory_space<vmem_shared>> -> memref<128x128xf32, #tpu.memory_space<vmem_shared>>
      tpu.wait_dma2 semaphore(%run_scoped3A_127 : memref<!tpu.dma_semaphore, #tpu.memory_space<semaphore_mem>>) src(%arg11 : memref<128x128xf32, #tpu.memory_space<vmem>>) dst(%dma_wait3A_133 : memref<128x128xf32, #tpu.memory_space<vmem_shared>>)
      tpu.yield
    }) : () -> ()
    %mul3A_7 = arith.constant 384 : i32
    %mul3A_8 = arith.muli %arg1, %mul3A_7 : i32
    %add3A_9 = arith.constant 256 : i32
    %add3A_10 = arith.addi %mul3A_8, %add3A_9 : i32
    "tpu.region"() ({
      %run_scoped3A_127 = tpu.sem_alloc : memref<!tpu.dma_semaphore, #tpu.memory_space<semaphore_mem>>
      %dma_start3A = arith.constant 0 : i32
      %dma_start3A_128 = tpu.memref_slice %arg13[%add3A_10, %dma_start3A] : memref<6144x128xf32, #tpu.memory_space<vmem_shared>> -> memref<128x128xf32, #tpu.memory_space<vmem_shared>>
      %dma_start3A_129 = arith.constant 0 : i32
      %dma_start3A_130 = tpu.memref_slice %arg13[%add3A_10, %dma_start3A_129] : memref<6144x128xf32, #tpu.memory_space<vmem_shared>> -> memref<128x128xf32, #tpu.memory_space<vmem_shared>>
      tpu.enqueue_dma source(%arg11 : memref<128x128xf32, #tpu.memory_space<vmem>>) target(%dma_start3A_130 : memref<128x128xf32, #tpu.memory_space<vmem_shared>>) target_semaphore(%run_scoped3A_127 : memref<!tpu.dma_semaphore, #tpu.memory_space<semaphore_mem>>)
      %dma_wait3A = arith.constant 0 : i32
      %dma_wait3A_131 = tpu.memref_slice %arg13[%add3A_10, %dma_wait3A] : memref<6144x128xf32, #tpu.memory_space<vmem_shared>> -> memref<128x128xf32, #tpu.memory_space<vmem_shared>>
      %dma_wait3A_132 = arith.constant 0 : i32
      %dma_wait3A_133 = tpu.memref_slice %arg13[%add3A_10, %dma_wait3A_132] : memref<6144x128xf32, #tpu.memory_space<vmem_shared>> -> memref<128x128xf32, #tpu.memory_space<vmem_shared>>
      tpu.wait_dma2 semaphore(%run_scoped3A_127 : memref<!tpu.dma_semaphore, #tpu.memory_space<semaphore_mem>>) src(%arg11 : memref<128x128xf32, #tpu.memory_space<vmem>>) dst(%dma_wait3A_133 : memref<128x128xf32, #tpu.memory_space<vmem_shared>>)
      tpu.yield
    }) : () -> ()
    %barrier3A = arith.constant 0 : index
    tpu.barrier barrier_id(%barrier3A)
    %get3A = arith.constant 0 : index
    %get3A_11 = tpu.vector_load %arg12[%get3A] {strides = array<i32>} : memref<32xi32, #tpu.memory_space<vmem>>, vector<16xi32>,
    %reduce_max3A = arith.constant true
    %reduce_max3A_12 = vector.broadcast %reduce_max3A : i1 to vector<16xi1>
    %reduce_max3A_13 = arith.constant -2147483648 : i32
    %reduce_max3A_14 = vector.broadcast %reduce_max3A_13 : i32 to vector<16xi32>
    %reduce_max3A_15 = arith.xori %get3A_11, %reduce_max3A_14 : vector<16xi32>
    %reduce_max3A_16 = tpu.scan <max>, %reduce_max3A_15 masked %reduce_max3A_12 : vector<16xi32>, vector<16xi1> -> vector<16xi32>
    %reduce_max3A_17 = arith.xori %reduce_max3A_16, %reduce_max3A_14 : vector<16xi32>
    %reduce_max3A_18 = vector.extract %reduce_max3A_17[15] : i32 from vector<16xi32>
    %add3A_19 = arith.constant 128 : i32
    %add3A_20 = arith.addi %reduce_max3A_18, %add3A_19 : i32
    %sub3A = arith.constant 1 : i32
    %sub3A_21 = arith.subi %add3A_20, %sub3A : i32
    %jit3A = arith.constant 128 : i32
    %div3A = arith.divsi %sub3A_21, %jit3A : i32
    %sign3A = arith.constant 0 : i32
    %sign3A_22 = arith.cmpi sgt, %sub3A_21, %sign3A : i32
    %sign3A_23 = arith.extui %sign3A_22 : i1 to i32
    %sign3A_24 = arith.constant 0 : i32
    %sign3A_25 = arith.cmpi slt, %sub3A_21, %sign3A_24 : i32
    %sign3A_26 = arith.extui %sign3A_25 : i1 to i32
    %sign3A_27 = arith.subi %sign3A_23, %sign3A_26 : i32
    %sign3A_28 = arith.constant 0 : i32
    %sign3A_29 = arith.cmpi sgt, %jit3A, %sign3A_28 : i32
    %sign3A_30 = arith.extui %sign3A_29 : i1 to i32
    %sign3A_31 = arith.constant 0 : i32
    %sign3A_32 = arith.cmpi slt, %jit3A, %sign3A_31 : i32
    %sign3A_33 = arith.extui %sign3A_32 : i1 to i32
    %sign3A_34 = arith.subi %sign3A_30, %sign3A_33 : i32
    %ne3A = arith.cmpi ne, %sign3A_27, %sign3A_34 : i32
    %rem3A = arith.remsi %sub3A_21, %jit3A : i32
    %ne3A_35 = arith.constant 0 : i32
    %ne3A_36 = arith.cmpi ne, %rem3A, %ne3A_35 : i32
    %and3A = arith.andi %ne3A, %ne3A_36 : i1
    %sub3A_37 = arith.constant 1 : i32
    %sub3A_38 = arith.subi %div3A, %sub3A_37 : i32
    %select_n3A = arith.select %and3A, %sub3A_38, %div3A : i32
    %while3A = arith.constant 0 : i32
    %while3A_39 = arith.constant 0 : i32
    %while3A_40 = arith.subi %select_n3A, %while3A_39 : i32
    %while3A_41 = arith.addi %while3A_39, %while3A_40 : i32
    %while3A_42 = arith.constant 1 : i32
    %while3A_43 = arith.divsi %while3A_40, %while3A_42 : i32
    %while3A_44 = arith.muli %while3A_43, %while3A_42 : i32
    %while3A_45 = arith.addi %while3A_39, %while3A_44 : i32
    %while3A_46 = arith.constant 1 : i32
    scf.for %while3A_127 = %while3A_39 to %while3A_45 step %while3A_46  : i32 {
      "tpu.region"() ({
        %run_scoped3A_128 = tpu.sem_alloc : memref<!tpu.dma_semaphore, #tpu.memory_space<semaphore_mem>>
        %dma_start3A = arith.constant 0 : i32
        %dma_start3A_129 = tpu.memref_slice %arg8[%while3A_127, %dma_start3A] : memref<80x128xi32, #tpu.memory_space<vmem>> -> memref<1x128xi32, #tpu.memory_space<vmem>>
        %dma_start3A_130 = tpu.memref_squeeze %dma_start3A_129 : memref<1x128xi32, #tpu.memory_space<vmem>> -> memref<128xi32, #tpu.memory_space<vmem>>
        %dma_start3A_131 = arith.constant 0 : i32
        %dma_start3A_132 = arith.constant 0 : i32
        %dma_start3A_133 = tpu.memref_slice %arg2[%dma_start3A_131, %dma_start3A_132] : memref<20480x128xf32, #tpu.memory_space<hbm>> -> memref<20480x128xf32, #tpu.memory_space<hbm>>
        tpu.enqueue_indirect_dma source(%dma_start3A_133 : memref<20480x128xf32, #tpu.memory_space<hbm>>) target(%arg10 : memref<128x128xf32, #tpu.memory_space<vmem>>) offsets(%dma_start3A_130 : memref<128xi32, #tpu.memory_space<vmem>>) semaphore(%run_scoped3A_128 : memref<!tpu.dma_semaphore, #tpu.memory_space<semaphore_mem>>)
        %dma_wait3A = arith.constant 0 : i32
        %dma_wait3A_134 = tpu.memref_slice %arg8[%while3A_127, %dma_wait3A] : memref<80x128xi32, #tpu.memory_space<vmem>> -> memref<1x128xi32, #tpu.memory_space<vmem>>
        %dma_wait3A_135 = tpu.memref_squeeze %dma_wait3A_134 : memref<1x128xi32, #tpu.memory_space<vmem>> -> memref<128xi32, #tpu.memory_space<vmem>>
        %dma_wait3A_136 = arith.constant 0 : i32
        %dma_wait3A_137 = arith.constant 0 : i32
        %dma_wait3A_138 = tpu.memref_slice %arg2[%dma_wait3A_136, %dma_wait3A_137] : memref<20480x128xf32, #tpu.memory_space<hbm>> -> memref<20480x128xf32, #tpu.memory_space<hbm>>
        tpu.wait_indirect_dma semaphore(%run_scoped3A_128 : memref<!tpu.dma_semaphore, #tpu.memory_space<semaphore_mem>>) src(%dma_wait3A_138 : memref<20480x128xf32, #tpu.memory_space<hbm>>) dst(%arg10 : memref<128x128xf32, #tpu.memory_space<vmem>>)
        tpu.yield
      }) : () -> ()
      "tpu.region"() ({
        %run_scoped3A_128 = tpu.sem_alloc : memref<!tpu.dma_semaphore, #tpu.memory_space<semaphore_mem>>
        %dma_start3A = arith.constant 0 : i32
        %dma_start3A_129 = tpu.memref_slice %arg9[%while3A_127, %dma_start3A] : memref<80x128xi32, #tpu.memory_space<vmem>> -> memref<1x128xi32, #tpu.memory_space<vmem>>
        %dma_start3A_130 = tpu.memref_squeeze %dma_start3A_129 : memref<1x128xi32, #tpu.memory_space<vmem>> -> memref<128xi32, #tpu.memory_space<vmem>>
        %dma_start3A_131 = arith.constant 0 : i32
        %dma_start3A_132 = arith.constant 0 : i32
        %dma_start3A_133 = tpu.memref_slice %arg13[%dma_start3A_131, %dma_start3A_132] : memref<6144x128xf32, #tpu.memory_space<vmem_shared>> -> memref<6144x128xf32, #tpu.memory_space<vmem_shared>>
        tpu.enqueue_indirect_dma source(%arg10 : memref<128x128xf32, #tpu.memory_space<vmem>>) target(%dma_start3A_133 : memref<6144x128xf32, #tpu.memory_space<vmem_shared>>) offsets(%dma_start3A_130 : memref<128xi32, #tpu.memory_space<vmem>>) semaphore(%run_scoped3A_128 : memref<!tpu.dma_semaphore, #tpu.memory_space<semaphore_mem>>) {add = true}
        %dma_wait3A = arith.constant 0 : i32
        %dma_wait3A_134 = tpu.memref_slice %arg9[%while3A_127, %dma_wait3A] : memref<80x128xi32, #tpu.memory_space<vmem>> -> memref<1x128xi32, #tpu.memory_space<vmem>>
        %dma_wait3A_135 = tpu.memref_squeeze %dma_wait3A_134 : memref<1x128xi32, #tpu.memory_space<vmem>> -> memref<128xi32, #tpu.memory_space<vmem>>
        %dma_wait3A_136 = arith.constant 0 : i32
        %dma_wait3A_137 = arith.constant 0 : i32
        %dma_wait3A_138 = tpu.memref_slice %arg13[%dma_wait3A_136, %dma_wait3A_137] : memref<6144x128xf32, #tpu.memory_space<vmem_shared>> -> memref<6144x128xf32, #tpu.memory_space<vmem_shared>>
        tpu.wait_indirect_dma semaphore(%run_scoped3A_128 : memref<!tpu.dma_semaphore, #tpu.memory_space<semaphore_mem>>) src(%arg10 : memref<128x128xf32, #tpu.memory_space<vmem>>) dst(%dma_wait3A_138 : memref<6144x128xf32, #tpu.memory_space<vmem_shared>>)
        tpu.yield
      }) : () -> ()
    }
    %while3A_47 = arith.constant 1 : i32
    scf.for %while3A_127 = %while3A_45 to %while3A_41 step %while3A_47  : i32 {
      "tpu.region"() ({
        %run_scoped3A_128 = tpu.sem_alloc : memref<!tpu.dma_semaphore, #tpu.memory_space<semaphore_mem>>
        %dma_start3A = arith.constant 0 : i32
        %dma_start3A_129 = tpu.memref_slice %arg8[%while3A_127, %dma_start3A] : memref<80x128xi32, #tpu.memory_space<vmem>> -> memref<1x128xi32, #tpu.memory_space<vmem>>
        %dma_start3A_130 = tpu.memref_squeeze %dma_start3A_129 : memref<1x128xi32, #tpu.memory_space<vmem>> -> memref<128xi32, #tpu.memory_space<vmem>>
        %dma_start3A_131 = arith.constant 0 : i32
        %dma_start3A_132 = arith.constant 0 : i32
        %dma_start3A_133 = tpu.memref_slice %arg2[%dma_start3A_131, %dma_start3A_132] : memref<20480x128xf32, #tpu.memory_space<hbm>> -> memref<20480x128xf32, #tpu.memory_space<hbm>>
        tpu.enqueue_indirect_dma source(%dma_start3A_133 : memref<20480x128xf32, #tpu.memory_space<hbm>>) target(%arg10 : memref<128x128xf32, #tpu.memory_space<vmem>>) offsets(%dma_start3A_130 : memref<128xi32, #tpu.memory_space<vmem>>) semaphore(%run_scoped3A_128 : memref<!tpu.dma_semaphore, #tpu.memory_space<semaphore_mem>>)
        %dma_wait3A = arith.constant 0 : i32
        %dma_wait3A_134 = tpu.memref_slice %arg8[%while3A_127, %dma_wait3A] : memref<80x128xi32, #tpu.memory_space<vmem>> -> memref<1x128xi32, #tpu.memory_space<vmem>>
        %dma_wait3A_135 = tpu.memref_squeeze %dma_wait3A_134 : memref<1x128xi32, #tpu.memory_space<vmem>> -> memref<128xi32, #tpu.memory_space<vmem>>
        %dma_wait3A_136 = arith.constant 0 : i32
        %dma_wait3A_137 = arith.constant 0 : i32
        %dma_wait3A_138 = tpu.memref_slice %arg2[%dma_wait3A_136, %dma_wait3A_137] : memref<20480x128xf32, #tpu.memory_space<hbm>> -> memref<20480x128xf32, #tpu.memory_space<hbm>>
        tpu.wait_indirect_dma semaphore(%run_scoped3A_128 : memref<!tpu.dma_semaphore, #tpu.memory_space<semaphore_mem>>) src(%dma_wait3A_138 : memref<20480x128xf32, #tpu.memory_space<hbm>>) dst(%arg10 : memref<128x128xf32, #tpu.memory_space<vmem>>)
        tpu.yield
      }) : () -> ()
      "tpu.region"() ({
        %run_scoped3A_128 = tpu.sem_alloc : memref<!tpu.dma_semaphore, #tpu.memory_space<semaphore_mem>>
        %dma_start3A = arith.constant 0 : i32
        %dma_start3A_129 = tpu.memref_slice %arg9[%while3A_127, %dma_start3A] : memref<80x128xi32, #tpu.memory_space<vmem>> -> memref<1x128xi32, #tpu.memory_space<vmem>>
        %dma_start3A_130 = tpu.memref_squeeze %dma_start3A_129 : memref<1x128xi32, #tpu.memory_space<vmem>> -> memref<128xi32, #tpu.memory_space<vmem>>
        %dma_start3A_131 = arith.constant 0 : i32
        %dma_start3A_132 = arith.constant 0 : i32
        %dma_start3A_133 = tpu.memref_slice %arg13[%dma_start3A_131, %dma_start3A_132] : memref<6144x128xf32, #tpu.memory_space<vmem_shared>> -> memref<6144x128xf32, #tpu.memory_space<vmem_shared>>
        tpu.enqueue_indirect_dma source(%arg10 : memref<128x128xf32, #tpu.memory_space<vmem>>) target(%dma_start3A_133 : memref<6144x128xf32, #tpu.memory_space<vmem_shared>>) offsets(%dma_start3A_130 : memref<128xi32, #tpu.memory_space<vmem>>) semaphore(%run_scoped3A_128 : memref<!tpu.dma_semaphore, #tpu.memory_space<semaphore_mem>>) {add = true}
        %dma_wait3A = arith.constant 0 : i32
        %dma_wait3A_134 = tpu.memref_slice %arg9[%while3A_127, %dma_wait3A] : memref<80x128xi32, #tpu.memory_space<vmem>> -> memref<1x128xi32, #tpu.memory_space<vmem>>
        %dma_wait3A_135 = tpu.memref_squeeze %dma_wait3A_134 : memref<1x128xi32, #tpu.memory_space<vmem>> -> memref<128xi32, #tpu.memory_space<vmem>>
        %dma_wait3A_136 = arith.constant 0 : i32
        %dma_wait3A_137 = arith.constant 0 : i32
        %dma_wait3A_138 = tpu.memref_slice %arg13[%dma_wait3A_136, %dma_wait3A_137] : memref<6144x128xf32, #tpu.memory_space<vmem_shared>> -> memref<6144x128xf32, #tpu.memory_space<vmem_shared>>
        tpu.wait_indirect_dma semaphore(%run_scoped3A_128 : memref<!tpu.dma_semaphore, #tpu.memory_space<semaphore_mem>>) src(%arg10 : memref<128x128xf32, #tpu.memory_space<vmem>>) dst(%dma_wait3A_138 : memref<6144x128xf32, #tpu.memory_space<vmem_shared>>)
        tpu.yield
      }) : () -> ()
    }
    %barrier3A_48 = arith.constant 0 : index
    tpu.barrier barrier_id(%barrier3A_48)
    %mul3A_49 = arith.constant 320 : i32
    %mul3A_50 = arith.muli %arg1, %mul3A_49 : i32
    %mul3A_51 = arith.constant 320 : i32
    %mul3A_52 = arith.muli %arg1, %mul3A_51 : i32
    %add3A_53 = arith.constant 0 : i32
    %add3A_54 = arith.addi %add3A_53, %mul3A_52 : i32
    "tpu.region"() ({
      %run_scoped3A_127 = tpu.sem_alloc : memref<!tpu.dma_semaphore, #tpu.memory_space<semaphore_mem>>
      %dma_start3A = arith.constant 0 : i32
      %dma_start3A_128 = arith.constant 0 : i32
      %dma_start3A_129 = tpu.memref_slice %arg7[%arg0, %dma_start3A, %dma_start3A_128] : memref<2x10240x128xf32, #tpu.memory_space<hbm>> -> memref<1x10240x128xf32, #tpu.memory_space<hbm>>
      %dma_start3A_130 = tpu.memref_squeeze %dma_start3A_129 : memref<1x10240x128xf32, #tpu.memory_space<hbm>> -> memref<10240x128xf32, #tpu.memory_space<hbm>>
      %dma_start3A_131 = arith.constant 0 : i32
      %dma_start3A_132 = tpu.memref_slice %dma_start3A_130[%add3A_54, %dma_start3A_131] : memref<10240x128xf32, #tpu.memory_space<hbm>> -> memref<320x128xf32, #tpu.memory_space<hbm>>
      %dma_start3A_133 = arith.constant 0 : i32
      %dma_start3A_134 = tpu.memref_slice %arg13[%mul3A_50, %dma_start3A_133] : memref<6144x128xf32, #tpu.memory_space<vmem_shared>> -> memref<320x128xf32, #tpu.memory_space<vmem_shared>>
      tpu.enqueue_dma source(%dma_start3A_134 : memref<320x128xf32, #tpu.memory_space<vmem_shared>>) target(%dma_start3A_132 : memref<320x128xf32, #tpu.memory_space<hbm>>) target_semaphore(%run_scoped3A_127 : memref<!tpu.dma_semaphore, #tpu.memory_space<semaphore_mem>>)
      %dma_wait3A = arith.constant 0 : i32
      %dma_wait3A_135 = arith.constant 0 : i32
      %dma_wait3A_136 = tpu.memref_slice %arg7[%arg0, %dma_wait3A, %dma_wait3A_135] : memref<2x10240x128xf32, #tpu.memory_space<hbm>> -> memref<1x10240x128xf32, #tpu.memory_space<hbm>>
      %dma_wait3A_137 = tpu.memref_squeeze %dma_wait3A_136 : memref<1x10240x128xf32, #tpu.memory_space<hbm>> -> memref<10240x128xf32, #tpu.memory_space<hbm>>
      %dma_wait3A_138 = arith.constant 0 : i32
      %dma_wait3A_139 = tpu.memref_slice %dma_wait3A_137[%add3A_54, %dma_wait3A_138] : memref<10240x128xf32, #tpu.memory_space<hbm>> -> memref<320x128xf32, #tpu.memory_space<hbm>>
      %dma_wait3A_140 = arith.constant 0 : i32
      %dma_wait3A_141 = tpu.memref_slice %arg13[%mul3A_50, %dma_wait3A_140] : memref<6144x128xf32, #tpu.memory_space<vmem_shared>> -> memref<320x128xf32, #tpu.memory_space<vmem_shared>>
      tpu.wait_dma2 semaphore(%run_scoped3A_127 : memref<!tpu.dma_semaphore, #tpu.memory_space<semaphore_mem>>) src(%dma_wait3A_141 : memref<320x128xf32, #tpu.memory_space<vmem_shared>>) dst(%dma_wait3A_139 : memref<320x128xf32, #tpu.memory_space<hbm>>)
      tpu.yield
    }) : () -> ()
    %barrier3A_55 = arith.constant 0 : index
    tpu.barrier barrier_id(%barrier3A_55)
    %run_scoped3A_56 = arith.constant 1 : i32
    "tpu.region"() ({
      %run_scoped3A_127 = tpu.sem_alloc : memref<!tpu.dma_semaphore, #tpu.memory_space<semaphore_mem>>
      %dma_start3A = arith.constant 0 : i32
      %dma_start3A_128 = arith.constant 0 : i32
      %dma_start3A_129 = arith.constant 0 : i32
      %dma_start3A_130 = arith.constant 0 : i32
      %dma_start3A_131 = tpu.memref_slice %arg3[%arg1, %dma_start3A, %dma_start3A_128, %dma_start3A_129, %dma_start3A_130] : memref<16x2x2x80x128xi32, #tpu.memory_space<hbm>> -> memref<1x2x2x80x128xi32, #tpu.memory_space<hbm>>
      %dma_start3A_132 = tpu.memref_squeeze %dma_start3A_131 : memref<1x2x2x80x128xi32, #tpu.memory_space<hbm>> -> memref<2x2x80x128xi32, #tpu.memory_space<hbm>>
      %dma_start3A_133 = arith.constant 0 : i32
      %dma_start3A_134 = arith.constant 0 : i32
      %dma_start3A_135 = arith.constant 0 : i32
      %dma_start3A_136 = tpu.memref_slice %dma_start3A_132[%run_scoped3A_56, %dma_start3A_133, %dma_start3A_134, %dma_start3A_135] : memref<2x2x80x128xi32, #tpu.memory_space<hbm>> -> memref<1x2x80x128xi32, #tpu.memory_space<hbm>>
      %dma_start3A_137 = tpu.memref_squeeze %dma_start3A_136 : memref<1x2x80x128xi32, #tpu.memory_space<hbm>> -> memref<2x80x128xi32, #tpu.memory_space<hbm>>
      %dma_start3A_138 = arith.constant 0 : i32
      %dma_start3A_139 = arith.constant 0 : i32
      %dma_start3A_140 = tpu.memref_slice %dma_start3A_137[%arg0, %dma_start3A_138, %dma_start3A_139] : memref<2x80x128xi32, #tpu.memory_space<hbm>> -> memref<1x80x128xi32, #tpu.memory_space<hbm>>
      %dma_start3A_141 = tpu.memref_squeeze %dma_start3A_140 : memref<1x80x128xi32, #tpu.memory_space<hbm>> -> memref<80x128xi32, #tpu.memory_space<hbm>>
      %dma_start3A_142 = arith.constant 0 : i32
      %dma_start3A_143 = arith.constant 0 : i32
      %dma_start3A_144 = arith.constant 0 : i32
      %dma_start3A_145 = arith.constant 0 : i32
      %dma_start3A_146 = tpu.memref_slice %arg3[%arg1, %dma_start3A_142, %dma_start3A_143, %dma_start3A_144, %dma_start3A_145] : memref<16x2x2x80x128xi32, #tpu.memory_space<hbm>> -> memref<1x2x2x80x128xi32, #tpu.memory_space<hbm>>
      %dma_start3A_147 = tpu.memref_squeeze %dma_start3A_146 : memref<1x2x2x80x128xi32, #tpu.memory_space<hbm>> -> memref<2x2x80x128xi32, #tpu.memory_space<hbm>>
      %dma_start3A_148 = arith.constant 0 : i32
      %dma_start3A_149 = arith.constant 0 : i32
      %dma_start3A_150 = arith.constant 0 : i32
      %dma_start3A_151 = tpu.memref_slice %dma_start3A_147[%run_scoped3A_56, %dma_start3A_148, %dma_start3A_149, %dma_start3A_150] : memref<2x2x80x128xi32, #tpu.memory_space<hbm>> -> memref<1x2x80x128xi32, #tpu.memory_space<hbm>>
      %dma_start3A_152 = tpu.memref_squeeze %dma_start3A_151 : memref<1x2x80x128xi32, #tpu.memory_space<hbm>> -> memref<2x80x128xi32, #tpu.memory_space<hbm>>
      %dma_start3A_153 = arith.constant 0 : i32
      %dma_start3A_154 = arith.constant 0 : i32
      %dma_start3A_155 = tpu.memref_slice %dma_start3A_152[%arg0, %dma_start3A_153, %dma_start3A_154] : memref<2x80x128xi32, #tpu.memory_space<hbm>> -> memref<1x80x128xi32, #tpu.memory_space<hbm>>
      %dma_start3A_156 = tpu.memref_squeeze %dma_start3A_155 : memref<1x80x128xi32, #tpu.memory_space<hbm>> -> memref<80x128xi32, #tpu.memory_space<hbm>>
      tpu.enqueue_dma source(%dma_start3A_156 : memref<80x128xi32, #tpu.memory_space<hbm>>) target(%arg8 : memref<80x128xi32, #tpu.memory_space<vmem>>) target_semaphore(%run_scoped3A_127 : memref<!tpu.dma_semaphore, #tpu.memory_space<semaphore_mem>>)
      %dma_wait3A = arith.constant 0 : i32
      %dma_wait3A_157 = arith.constant 0 : i32
      %dma_wait3A_158 = arith.constant 0 : i32
      %dma_wait3A_159 = arith.constant 0 : i32
      %dma_wait3A_160 = tpu.memref_slice %arg3[%arg1, %dma_wait3A, %dma_wait3A_157, %dma_wait3A_158, %dma_wait3A_159] : memref<16x2x2x80x128xi32, #tpu.memory_space<hbm>> -> memref<1x2x2x80x128xi32, #tpu.memory_space<hbm>>
      %dma_wait3A_161 = tpu.memref_squeeze %dma_wait3A_160 : memref<1x2x2x80x128xi32, #tpu.memory_space<hbm>> -> memref<2x2x80x128xi32, #tpu.memory_space<hbm>>
      %dma_wait3A_162 = arith.constant 0 : i32
      %dma_wait3A_163 = arith.constant 0 : i32
      %dma_wait3A_164 = arith.constant 0 : i32
      %dma_wait3A_165 = tpu.memref_slice %dma_wait3A_161[%run_scoped3A_56, %dma_wait3A_162, %dma_wait3A_163, %dma_wait3A_164] : memref<2x2x80x128xi32, #tpu.memory_space<hbm>> -> memref<1x2x80x128xi32, #tpu.memory_space<hbm>>
      %dma_wait3A_166 = tpu.memref_squeeze %dma_wait3A_165 : memref<1x2x80x128xi32, #tpu.memory_space<hbm>> -> memref<2x80x128xi32, #tpu.memory_space<hbm>>
      %dma_wait3A_167 = arith.constant 0 : i32
      %dma_wait3A_168 = arith.constant 0 : i32
      %dma_wait3A_169 = tpu.memref_slice %dma_wait3A_166[%arg0, %dma_wait3A_167, %dma_wait3A_168] : memref<2x80x128xi32, #tpu.memory_space<hbm>> -> memref<1x80x128xi32, #tpu.memory_space<hbm>>
      %dma_wait3A_170 = tpu.memref_squeeze %dma_wait3A_169 : memref<1x80x128xi32, #tpu.memory_space<hbm>> -> memref<80x128xi32, #tpu.memory_space<hbm>>
      %dma_wait3A_171 = arith.constant 0 : i32
      %dma_wait3A_172 = arith.constant 0 : i32
      %dma_wait3A_173 = arith.constant 0 : i32
      %dma_wait3A_174 = arith.constant 0 : i32
      %dma_wait3A_175 = tpu.memref_slice %arg3[%arg1, %dma_wait3A_171, %dma_wait3A_172, %dma_wait3A_173, %dma_wait3A_174] : memref<16x2x2x80x128xi32, #tpu.memory_space<hbm>> -> memref<1x2x2x80x128xi32, #tpu.memory_space<hbm>>
      %dma_wait3A_176 = tpu.memref_squeeze %dma_wait3A_175 : memref<1x2x2x80x128xi32, #tpu.memory_space<hbm>> -> memref<2x2x80x128xi32, #tpu.memory_space<hbm>>
      %dma_wait3A_177 = arith.constant 0 : i32
      %dma_wait3A_178 = arith.constant 0 : i32
      %dma_wait3A_179 = arith.constant 0 : i32
      %dma_wait3A_180 = tpu.memref_slice %dma_wait3A_176[%run_scoped3A_56, %dma_wait3A_177, %dma_wait3A_178, %dma_wait3A_179] : memref<2x2x80x128xi32, #tpu.memory_space<hbm>> -> memref<1x2x80x128xi32, #tpu.memory_space<hbm>>
      %dma_wait3A_181 = tpu.memref_squeeze %dma_wait3A_180 : memref<1x2x80x128xi32, #tpu.memory_space<hbm>> -> memref<2x80x128xi32, #tpu.memory_space<hbm>>
      %dma_wait3A_182 = arith.constant 0 : i32
      %dma_wait3A_183 = arith.constant 0 : i32
      %dma_wait3A_184 = tpu.memref_slice %dma_wait3A_181[%arg0, %dma_wait3A_182, %dma_wait3A_183] : memref<2x80x128xi32, #tpu.memory_space<hbm>> -> memref<1x80x128xi32, #tpu.memory_space<hbm>>
      %dma_wait3A_185 = tpu.memref_squeeze %dma_wait3A_184 : memref<1x80x128xi32, #tpu.memory_space<hbm>> -> memref<80x128xi32, #tpu.memory_space<hbm>>
      tpu.wait_dma2 semaphore(%run_scoped3A_127 : memref<!tpu.dma_semaphore, #tpu.memory_space<semaphore_mem>>) src(%dma_wait3A_185 : memref<80x128xi32, #tpu.memory_space<hbm>>) dst(%arg8 : memref<80x128xi32, #tpu.memory_space<vmem>>)
      tpu.yield
    }) : () -> ()
    %run_scoped3A_57 = arith.constant 1 : i32
    "tpu.region"() ({
      %run_scoped3A_127 = tpu.sem_alloc : memref<!tpu.dma_semaphore, #tpu.memory_space<semaphore_mem>>
      %dma_start3A = arith.constant 0 : i32
      %dma_start3A_128 = arith.constant 0 : i32
      %dma_start3A_129 = arith.constant 0 : i32
      %dma_start3A_130 = tpu.memref_slice %arg4[%arg1, %dma_start3A, %dma_start3A_128, %dma_start3A_129] : memref<16x2x80x128xi32, #tpu.memory_space<hbm>> -> memref<1x2x80x128xi32, #tpu.memory_space<hbm>>
      %dma_start3A_131 = tpu.memref_squeeze %dma_start3A_130 : memref<1x2x80x128xi32, #tpu.memory_space<hbm>> -> memref<2x80x128xi32, #tpu.memory_space<hbm>>
      %dma_start3A_132 = arith.constant 0 : i32
      %dma_start3A_133 = arith.constant 0 : i32
      %dma_start3A_134 = tpu.memref_slice %dma_start3A_131[%run_scoped3A_57, %dma_start3A_132, %dma_start3A_133] : memref<2x80x128xi32, #tpu.memory_space<hbm>> -> memref<1x80x128xi32, #tpu.memory_space<hbm>>
      %dma_start3A_135 = tpu.memref_squeeze %dma_start3A_134 : memref<1x80x128xi32, #tpu.memory_space<hbm>> -> memref<80x128xi32, #tpu.memory_space<hbm>>
      %dma_start3A_136 = arith.constant 0 : i32
      %dma_start3A_137 = arith.constant 0 : i32
      %dma_start3A_138 = arith.constant 0 : i32
      %dma_start3A_139 = tpu.memref_slice %arg4[%arg1, %dma_start3A_136, %dma_start3A_137, %dma_start3A_138] : memref<16x2x80x128xi32, #tpu.memory_space<hbm>> -> memref<1x2x80x128xi32, #tpu.memory_space<hbm>>
      %dma_start3A_140 = tpu.memref_squeeze %dma_start3A_139 : memref<1x2x80x128xi32, #tpu.memory_space<hbm>> -> memref<2x80x128xi32, #tpu.memory_space<hbm>>
      %dma_start3A_141 = arith.constant 0 : i32
      %dma_start3A_142 = arith.constant 0 : i32
      %dma_start3A_143 = tpu.memref_slice %dma_start3A_140[%run_scoped3A_57, %dma_start3A_141, %dma_start3A_142] : memref<2x80x128xi32, #tpu.memory_space<hbm>> -> memref<1x80x128xi32, #tpu.memory_space<hbm>>
      %dma_start3A_144 = tpu.memref_squeeze %dma_start3A_143 : memref<1x80x128xi32, #tpu.memory_space<hbm>> -> memref<80x128xi32, #tpu.memory_space<hbm>>
      tpu.enqueue_dma source(%dma_start3A_144 : memref<80x128xi32, #tpu.memory_space<hbm>>) target(%arg9 : memref<80x128xi32, #tpu.memory_space<vmem>>) target_semaphore(%run_scoped3A_127 : memref<!tpu.dma_semaphore, #tpu.memory_space<semaphore_mem>>)
      %dma_wait3A = arith.constant 0 : i32
      %dma_wait3A_145 = arith.constant 0 : i32
      %dma_wait3A_146 = arith.constant 0 : i32
      %dma_wait3A_147 = tpu.memref_slice %arg4[%arg1, %dma_wait3A, %dma_wait3A_145, %dma_wait3A_146] : memref<16x2x80x128xi32, #tpu.memory_space<hbm>> -> memref<1x2x80x128xi32, #tpu.memory_space<hbm>>
      %dma_wait3A_148 = tpu.memref_squeeze %dma_wait3A_147 : memref<1x2x80x128xi32, #tpu.memory_space<hbm>> -> memref<2x80x128xi32, #tpu.memory_space<hbm>>
      %dma_wait3A_149 = arith.constant 0 : i32
      %dma_wait3A_150 = arith.constant 0 : i32
      %dma_wait3A_151 = tpu.memref_slice %dma_wait3A_148[%run_scoped3A_57, %dma_wait3A_149, %dma_wait3A_150] : memref<2x80x128xi32, #tpu.memory_space<hbm>> -> memref<1x80x128xi32, #tpu.memory_space<hbm>>
      %dma_wait3A_152 = tpu.memref_squeeze %dma_wait3A_151 : memref<1x80x128xi32, #tpu.memory_space<hbm>> -> memref<80x128xi32, #tpu.memory_space<hbm>>
      %dma_wait3A_153 = arith.constant 0 : i32
      %dma_wait3A_154 = arith.constant 0 : i32
      %dma_wait3A_155 = arith.constant 0 : i32
      %dma_wait3A_156 = tpu.memref_slice %arg4[%arg1, %dma_wait3A_153, %dma_wait3A_154, %dma_wait3A_155] : memref<16x2x80x128xi32, #tpu.memory_space<hbm>> -> memref<1x2x80x128xi32, #tpu.memory_space<hbm>>
      %dma_wait3A_157 = tpu.memref_squeeze %dma_wait3A_156 : memref<1x2x80x128xi32, #tpu.memory_space<hbm>> -> memref<2x80x128xi32, #tpu.memory_space<hbm>>
      %dma_wait3A_158 = arith.constant 0 : i32
      %dma_wait3A_159 = arith.constant 0 : i32
      %dma_wait3A_160 = tpu.memref_slice %dma_wait3A_157[%run_scoped3A_57, %dma_wait3A_158, %dma_wait3A_159] : memref<2x80x128xi32, #tpu.memory_space<hbm>> -> memref<1x80x128xi32, #tpu.memory_space<hbm>>
      %dma_wait3A_161 = tpu.memref_squeeze %dma_wait3A_160 : memref<1x80x128xi32, #tpu.memory_space<hbm>> -> memref<80x128xi32, #tpu.memory_space<hbm>>
      tpu.wait_dma2 semaphore(%run_scoped3A_127 : memref<!tpu.dma_semaphore, #tpu.memory_space<semaphore_mem>>) src(%dma_wait3A_161 : memref<80x128xi32, #tpu.memory_space<hbm>>) dst(%arg9 : memref<80x128xi32, #tpu.memory_space<vmem>>)
      tpu.yield
    }) : () -> ()
    %mul3A_58 = arith.constant 384 : i32
    %mul3A_59 = arith.muli %arg1, %mul3A_58 : i32
    %add3A_60 = arith.constant 0 : i32
    %add3A_61 = arith.addi %mul3A_59, %add3A_60 : i32
    "tpu.region"() ({
      %run_scoped3A_127 = tpu.sem_alloc : memref<!tpu.dma_semaphore, #tpu.memory_space<semaphore_mem>>
      %dma_start3A = arith.constant 0 : i32
      %dma_start3A_128 = tpu.memref_slice %arg13[%add3A_61, %dma_start3A] : memref<6144x128xf32, #tpu.memory_space<vmem_shared>> -> memref<128x128xf32, #tpu.memory_space<vmem_shared>>
      %dma_start3A_129 = arith.constant 0 : i32
      %dma_start3A_130 = tpu.memref_slice %arg13[%add3A_61, %dma_start3A_129] : memref<6144x128xf32, #tpu.memory_space<vmem_shared>> -> memref<128x128xf32, #tpu.memory_space<vmem_shared>>
      tpu.enqueue_dma source(%arg11 : memref<128x128xf32, #tpu.memory_space<vmem>>) target(%dma_start3A_130 : memref<128x128xf32, #tpu.memory_space<vmem_shared>>) target_semaphore(%run_scoped3A_127 : memref<!tpu.dma_semaphore, #tpu.memory_space<semaphore_mem>>)
      %dma_wait3A = arith.constant 0 : i32
      %dma_wait3A_131 = tpu.memref_slice %arg13[%add3A_61, %dma_wait3A] : memref<6144x128xf32, #tpu.memory_space<vmem_shared>> -> memref<128x128xf32, #tpu.memory_space<vmem_shared>>
      %dma_wait3A_132 = arith.constant 0 : i32
      %dma_wait3A_133 = tpu.memref_slice %arg13[%add3A_61, %dma_wait3A_132] : memref<6144x128xf32, #tpu.memory_space<vmem_shared>> -> memref<128x128xf32, #tpu.memory_space<vmem_shared>>
      tpu.wait_dma2 semaphore(%run_scoped3A_127 : memref<!tpu.dma_semaphore, #tpu.memory_space<semaphore_mem>>) src(%arg11 : memref<128x128xf32, #tpu.memory_space<vmem>>) dst(%dma_wait3A_133 : memref<128x128xf32, #tpu.memory_space<vmem_shared>>)
      tpu.yield
    }) : () -> ()
    %mul3A_62 = arith.constant 384 : i32
    %mul3A_63 = arith.muli %arg1, %mul3A_62 : i32
    %add3A_64 = arith.constant 128 : i32
    %add3A_65 = arith.addi %mul3A_63, %add3A_64 : i32
    "tpu.region"() ({
      %run_scoped3A_127 = tpu.sem_alloc : memref<!tpu.dma_semaphore, #tpu.memory_space<semaphore_mem>>
      %dma_start3A = arith.constant 0 : i32
      %dma_start3A_128 = tpu.memref_slice %arg13[%add3A_65, %dma_start3A] : memref<6144x128xf32, #tpu.memory_space<vmem_shared>> -> memref<128x128xf32, #tpu.memory_space<vmem_shared>>
      %dma_start3A_129 = arith.constant 0 : i32
      %dma_start3A_130 = tpu.memref_slice %arg13[%add3A_65, %dma_start3A_129] : memref<6144x128xf32, #tpu.memory_space<vmem_shared>> -> memref<128x128xf32, #tpu.memory_space<vmem_shared>>
      tpu.enqueue_dma source(%arg11 : memref<128x128xf32, #tpu.memory_space<vmem>>) target(%dma_start3A_130 : memref<128x128xf32, #tpu.memory_space<vmem_shared>>) target_semaphore(%run_scoped3A_127 : memref<!tpu.dma_semaphore, #tpu.memory_space<semaphore_mem>>)
      %dma_wait3A = arith.constant 0 : i32
      %dma_wait3A_131 = tpu.memref_slice %arg13[%add3A_65, %dma_wait3A] : memref<6144x128xf32, #tpu.memory_space<vmem_shared>> -> memref<128x128xf32, #tpu.memory_space<vmem_shared>>
      %dma_wait3A_132 = arith.constant 0 : i32
      %dma_wait3A_133 = tpu.memref_slice %arg13[%add3A_65, %dma_wait3A_132] : memref<6144x128xf32, #tpu.memory_space<vmem_shared>> -> memref<128x128xf32, #tpu.memory_space<vmem_shared>>
      tpu.wait_dma2 semaphore(%run_scoped3A_127 : memref<!tpu.dma_semaphore, #tpu.memory_space<semaphore_mem>>) src(%arg11 : memref<128x128xf32, #tpu.memory_space<vmem>>) dst(%dma_wait3A_133 : memref<128x128xf32, #tpu.memory_space<vmem_shared>>)
      tpu.yield
    }) : () -> ()
    %mul3A_66 = arith.constant 384 : i32
    %mul3A_67 = arith.muli %arg1, %mul3A_66 : i32
    %add3A_68 = arith.constant 256 : i32
    %add3A_69 = arith.addi %mul3A_67, %add3A_68 : i32
    "tpu.region"() ({
      %run_scoped3A_127 = tpu.sem_alloc : memref<!tpu.dma_semaphore, #tpu.memory_space<semaphore_mem>>
      %dma_start3A = arith.constant 0 : i32
      %dma_start3A_128 = tpu.memref_slice %arg13[%add3A_69, %dma_start3A] : memref<6144x128xf32, #tpu.memory_space<vmem_shared>> -> memref<128x128xf32, #tpu.memory_space<vmem_shared>>
      %dma_start3A_129 = arith.constant 0 : i32
      %dma_start3A_130 = tpu.memref_slice %arg13[%add3A_69, %dma_start3A_129] : memref<6144x128xf32, #tpu.memory_space<vmem_shared>> -> memref<128x128xf32, #tpu.memory_space<vmem_shared>>
      tpu.enqueue_dma source(%arg11 : memref<128x128xf32, #tpu.memory_space<vmem>>) target(%dma_start3A_130 : memref<128x128xf32, #tpu.memory_space<vmem_shared>>) target_semaphore(%run_scoped3A_127 : memref<!tpu.dma_semaphore, #tpu.memory_space<semaphore_mem>>)
      %dma_wait3A = arith.constant 0 : i32
      %dma_wait3A_131 = tpu.memref_slice %arg13[%add3A_69, %dma_wait3A] : memref<6144x128xf32, #tpu.memory_space<vmem_shared>> -> memref<128x128xf32, #tpu.memory_space<vmem_shared>>
      %dma_wait3A_132 = arith.constant 0 : i32
      %dma_wait3A_133 = tpu.memref_slice %arg13[%add3A_69, %dma_wait3A_132] : memref<6144x128xf32, #tpu.memory_space<vmem_shared>> -> memref<128x128xf32, #tpu.memory_space<vmem_shared>>
      tpu.wait_dma2 semaphore(%run_scoped3A_127 : memref<!tpu.dma_semaphore, #tpu.memory_space<semaphore_mem>>) src(%arg11 : memref<128x128xf32, #tpu.memory_space<vmem>>) dst(%dma_wait3A_133 : memref<128x128xf32, #tpu.memory_space<vmem_shared>>)
      tpu.yield
    }) : () -> ()
    %barrier3A_70 = arith.constant 0 : index
    tpu.barrier barrier_id(%barrier3A_70)
    %get3A_71 = arith.constant 16 : index
    %get3A_72 = tpu.vector_load %arg12[%get3A_71] {strides = array<i32>} : memref<32xi32, #tpu.memory_space<vmem>>, vector<16xi32>,
    %reduce_max3A_73 = arith.constant true
    %reduce_max3A_74 = vector.broadcast %reduce_max3A_73 : i1 to vector<16xi1>
    %reduce_max3A_75 = arith.constant -2147483648 : i32
    %reduce_max3A_76 = vector.broadcast %reduce_max3A_75 : i32 to vector<16xi32>
    %reduce_max3A_77 = arith.xori %get3A_72, %reduce_max3A_76 : vector<16xi32>
    %reduce_max3A_78 = tpu.scan <max>, %reduce_max3A_77 masked %reduce_max3A_74 : vector<16xi32>, vector<16xi1> -> vector<16xi32>
    %reduce_max3A_79 = arith.xori %reduce_max3A_78, %reduce_max3A_76 : vector<16xi32>
    %reduce_max3A_80 = vector.extract %reduce_max3A_79[15] : i32 from vector<16xi32>
    %add3A_81 = arith.constant 128 : i32
    %add3A_82 = arith.addi %reduce_max3A_80, %add3A_81 : i32
    %sub3A_83 = arith.constant 1 : i32
    %sub3A_84 = arith.subi %add3A_82, %sub3A_83 : i32
    %jit3A_85 = arith.constant 128 : i32
    %div3A_86 = arith.divsi %sub3A_84, %jit3A_85 : i32
    %sign3A_87 = arith.constant 0 : i32
    %sign3A_88 = arith.cmpi sgt, %sub3A_84, %sign3A_87 : i32
    %sign3A_89 = arith.extui %sign3A_88 : i1 to i32
    %sign3A_90 = arith.constant 0 : i32
    %sign3A_91 = arith.cmpi slt, %sub3A_84, %sign3A_90 : i32
    %sign3A_92 = arith.extui %sign3A_91 : i1 to i32
    %sign3A_93 = arith.subi %sign3A_89, %sign3A_92 : i32
    %sign3A_94 = arith.constant 0 : i32
    %sign3A_95 = arith.cmpi sgt, %jit3A_85, %sign3A_94 : i32
    %sign3A_96 = arith.extui %sign3A_95 : i1 to i32
    %sign3A_97 = arith.constant 0 : i32
    %sign3A_98 = arith.cmpi slt, %jit3A_85, %sign3A_97 : i32
    %sign3A_99 = arith.extui %sign3A_98 : i1 to i32
    %sign3A_100 = arith.subi %sign3A_96, %sign3A_99 : i32
    %ne3A_101 = arith.cmpi ne, %sign3A_93, %sign3A_100 : i32
    %rem3A_102 = arith.remsi %sub3A_84, %jit3A_85 : i32
    %ne3A_103 = arith.constant 0 : i32
    %ne3A_104 = arith.cmpi ne, %rem3A_102, %ne3A_103 : i32
    %and3A_105 = arith.andi %ne3A_101, %ne3A_104 : i1
    %sub3A_106 = arith.constant 1 : i32
    %sub3A_107 = arith.subi %div3A_86, %sub3A_106 : i32
    %select_n3A_108 = arith.select %and3A_105, %sub3A_107, %div3A_86 : i32
    %while3A_109 = arith.constant 0 : i32
    %while3A_110 = arith.constant 0 : i32
    %while3A_111 = arith.subi %select_n3A_108, %while3A_110 : i32
    %while3A_112 = arith.addi %while3A_110, %while3A_111 : i32
    %while3A_113 = arith.constant 1 : i32
    %while3A_114 = arith.divsi %while3A_111, %while3A_113 : i32
    %while3A_115 = arith.muli %while3A_114, %while3A_113 : i32
    %while3A_116 = arith.addi %while3A_110, %while3A_115 : i32
    %while3A_117 = arith.constant 1 : i32
    scf.for %while3A_127 = %while3A_110 to %while3A_116 step %while3A_117  : i32 {
      "tpu.region"() ({
        %run_scoped3A_128 = tpu.sem_alloc : memref<!tpu.dma_semaphore, #tpu.memory_space<semaphore_mem>>
        %dma_start3A = arith.constant 0 : i32
        %dma_start3A_129 = tpu.memref_slice %arg8[%while3A_127, %dma_start3A] : memref<80x128xi32, #tpu.memory_space<vmem>> -> memref<1x128xi32, #tpu.memory_space<vmem>>
        %dma_start3A_130 = tpu.memref_squeeze %dma_start3A_129 : memref<1x128xi32, #tpu.memory_space<vmem>> -> memref<128xi32, #tpu.memory_space<vmem>>
        %dma_start3A_131 = arith.constant 0 : i32
        %dma_start3A_132 = arith.constant 0 : i32
        %dma_start3A_133 = tpu.memref_slice %arg2[%dma_start3A_131, %dma_start3A_132] : memref<20480x128xf32, #tpu.memory_space<hbm>> -> memref<20480x128xf32, #tpu.memory_space<hbm>>
        tpu.enqueue_indirect_dma source(%dma_start3A_133 : memref<20480x128xf32, #tpu.memory_space<hbm>>) target(%arg10 : memref<128x128xf32, #tpu.memory_space<vmem>>) offsets(%dma_start3A_130 : memref<128xi32, #tpu.memory_space<vmem>>) semaphore(%run_scoped3A_128 : memref<!tpu.dma_semaphore, #tpu.memory_space<semaphore_mem>>)
        %dma_wait3A = arith.constant 0 : i32
        %dma_wait3A_134 = tpu.memref_slice %arg8[%while3A_127, %dma_wait3A] : memref<80x128xi32, #tpu.memory_space<vmem>> -> memref<1x128xi32, #tpu.memory_space<vmem>>
        %dma_wait3A_135 = tpu.memref_squeeze %dma_wait3A_134 : memref<1x128xi32, #tpu.memory_space<vmem>> -> memref<128xi32, #tpu.memory_space<vmem>>
        %dma_wait3A_136 = arith.constant 0 : i32
        %dma_wait3A_137 = arith.constant 0 : i32
        %dma_wait3A_138 = tpu.memref_slice %arg2[%dma_wait3A_136, %dma_wait3A_137] : memref<20480x128xf32, #tpu.memory_space<hbm>> -> memref<20480x128xf32, #tpu.memory_space<hbm>>
        tpu.wait_indirect_dma semaphore(%run_scoped3A_128 : memref<!tpu.dma_semaphore, #tpu.memory_space<semaphore_mem>>) src(%dma_wait3A_138 : memref<20480x128xf32, #tpu.memory_space<hbm>>) dst(%arg10 : memref<128x128xf32, #tpu.memory_space<vmem>>)
        tpu.yield
      }) : () -> ()
      "tpu.region"() ({
        %run_scoped3A_128 = tpu.sem_alloc : memref<!tpu.dma_semaphore, #tpu.memory_space<semaphore_mem>>
        %dma_start3A = arith.constant 0 : i32
        %dma_start3A_129 = tpu.memref_slice %arg9[%while3A_127, %dma_start3A] : memref<80x128xi32, #tpu.memory_space<vmem>> -> memref<1x128xi32, #tpu.memory_space<vmem>>
        %dma_start3A_130 = tpu.memref_squeeze %dma_start3A_129 : memref<1x128xi32, #tpu.memory_space<vmem>> -> memref<128xi32, #tpu.memory_space<vmem>>
        %dma_start3A_131 = arith.constant 0 : i32
        %dma_start3A_132 = arith.constant 0 : i32
        %dma_start3A_133 = tpu.memref_slice %arg13[%dma_start3A_131, %dma_start3A_132] : memref<6144x128xf32, #tpu.memory_space<vmem_shared>> -> memref<6144x128xf32, #tpu.memory_space<vmem_shared>>
        tpu.enqueue_indirect_dma source(%arg10 : memref<128x128xf32, #tpu.memory_space<vmem>>) target(%dma_start3A_133 : memref<6144x128xf32, #tpu.memory_space<vmem_shared>>) offsets(%dma_start3A_130 : memref<128xi32, #tpu.memory_space<vmem>>) semaphore(%run_scoped3A_128 : memref<!tpu.dma_semaphore, #tpu.memory_space<semaphore_mem>>) {add = true}
        %dma_wait3A = arith.constant 0 : i32
        %dma_wait3A_134 = tpu.memref_slice %arg9[%while3A_127, %dma_wait3A] : memref<80x128xi32, #tpu.memory_space<vmem>> -> memref<1x128xi32, #tpu.memory_space<vmem>>
        %dma_wait3A_135 = tpu.memref_squeeze %dma_wait3A_134 : memref<1x128xi32, #tpu.memory_space<vmem>> -> memref<128xi32, #tpu.memory_space<vmem>>
        %dma_wait3A_136 = arith.constant 0 : i32
        %dma_wait3A_137 = arith.constant 0 : i32
        %dma_wait3A_138 = tpu.memref_slice %arg13[%dma_wait3A_136, %dma_wait3A_137] : memref<6144x128xf32, #tpu.memory_space<vmem_shared>> -> memref<6144x128xf32, #tpu.memory_space<vmem_shared>>
        tpu.wait_indirect_dma semaphore(%run_scoped3A_128 : memref<!tpu.dma_semaphore, #tpu.memory_space<semaphore_mem>>) src(%arg10 : memref<128x128xf32, #tpu.memory_space<vmem>>) dst(%dma_wait3A_138 : memref<6144x128xf32, #tpu.memory_space<vmem_shared>>)
        tpu.yield
      }) : () -> ()
    }
    %while3A_118 = arith.constant 1 : i32
    scf.for %while3A_127 = %while3A_116 to %while3A_112 step %while3A_118  : i32 {
      "tpu.region"() ({
        %run_scoped3A_128 = tpu.sem_alloc : memref<!tpu.dma_semaphore, #tpu.memory_space<semaphore_mem>>
        %dma_start3A = arith.constant 0 : i32
        %dma_start3A_129 = tpu.memref_slice %arg8[%while3A_127, %dma_start3A] : memref<80x128xi32, #tpu.memory_space<vmem>> -> memref<1x128xi32, #tpu.memory_space<vmem>>
        %dma_start3A_130 = tpu.memref_squeeze %dma_start3A_129 : memref<1x128xi32, #tpu.memory_space<vmem>> -> memref<128xi32, #tpu.memory_space<vmem>>
        %dma_start3A_131 = arith.constant 0 : i32
        %dma_start3A_132 = arith.constant 0 : i32
        %dma_start3A_133 = tpu.memref_slice %arg2[%dma_start3A_131, %dma_start3A_132] : memref<20480x128xf32, #tpu.memory_space<hbm>> -> memref<20480x128xf32, #tpu.memory_space<hbm>>
        tpu.enqueue_indirect_dma source(%dma_start3A_133 : memref<20480x128xf32, #tpu.memory_space<hbm>>) target(%arg10 : memref<128x128xf32, #tpu.memory_space<vmem>>) offsets(%dma_start3A_130 : memref<128xi32, #tpu.memory_space<vmem>>) semaphore(%run_scoped3A_128 : memref<!tpu.dma_semaphore, #tpu.memory_space<semaphore_mem>>)
        %dma_wait3A = arith.constant 0 : i32
        %dma_wait3A_134 = tpu.memref_slice %arg8[%while3A_127, %dma_wait3A] : memref<80x128xi32, #tpu.memory_space<vmem>> -> memref<1x128xi32, #tpu.memory_space<vmem>>
        %dma_wait3A_135 = tpu.memref_squeeze %dma_wait3A_134 : memref<1x128xi32, #tpu.memory_space<vmem>> -> memref<128xi32, #tpu.memory_space<vmem>>
        %dma_wait3A_136 = arith.constant 0 : i32
        %dma_wait3A_137 = arith.constant 0 : i32
        %dma_wait3A_138 = tpu.memref_slice %arg2[%dma_wait3A_136, %dma_wait3A_137] : memref<20480x128xf32, #tpu.memory_space<hbm>> -> memref<20480x128xf32, #tpu.memory_space<hbm>>
        tpu.wait_indirect_dma semaphore(%run_scoped3A_128 : memref<!tpu.dma_semaphore, #tpu.memory_space<semaphore_mem>>) src(%dma_wait3A_138 : memref<20480x128xf32, #tpu.memory_space<hbm>>) dst(%arg10 : memref<128x128xf32, #tpu.memory_space<vmem>>)
        tpu.yield
      }) : () -> ()
      "tpu.region"() ({
        %run_scoped3A_128 = tpu.sem_alloc : memref<!tpu.dma_semaphore, #tpu.memory_space<semaphore_mem>>
        %dma_start3A = arith.constant 0 : i32
        %dma_start3A_129 = tpu.memref_slice %arg9[%while3A_127, %dma_start3A] : memref<80x128xi32, #tpu.memory_space<vmem>> -> memref<1x128xi32, #tpu.memory_space<vmem>>
        %dma_start3A_130 = tpu.memref_squeeze %dma_start3A_129 : memref<1x128xi32, #tpu.memory_space<vmem>> -> memref<128xi32, #tpu.memory_space<vmem>>
        %dma_start3A_131 = arith.constant 0 : i32
        %dma_start3A_132 = arith.constant 0 : i32
        %dma_start3A_133 = tpu.memref_slice %arg13[%dma_start3A_131, %dma_start3A_132] : memref<6144x128xf32, #tpu.memory_space<vmem_shared>> -> memref<6144x128xf32, #tpu.memory_space<vmem_shared>>
        tpu.enqueue_indirect_dma source(%arg10 : memref<128x128xf32, #tpu.memory_space<vmem>>) target(%dma_start3A_133 : memref<6144x128xf32, #tpu.memory_space<vmem_shared>>) offsets(%dma_start3A_130 : memref<128xi32, #tpu.memory_space<vmem>>) semaphore(%run_scoped3A_128 : memref<!tpu.dma_semaphore, #tpu.memory_space<semaphore_mem>>) {add = true}
        %dma_wait3A = arith.constant 0 : i32
        %dma_wait3A_134 = tpu.memref_slice %arg9[%while3A_127, %dma_wait3A] : memref<80x128xi32, #tpu.memory_space<vmem>> -> memref<1x128xi32, #tpu.memory_space<vmem>>
        %dma_wait3A_135 = tpu.memref_squeeze %dma_wait3A_134 : memref<1x128xi32, #tpu.memory_space<vmem>> -> memref<128xi32, #tpu.memory_space<vmem>>
        %dma_wait3A_136 = arith.constant 0 : i32
        %dma_wait3A_137 = arith.constant 0 : i32
        %dma_wait3A_138 = tpu.memref_slice %arg13[%dma_wait3A_136, %dma_wait3A_137] : memref<6144x128xf32, #tpu.memory_space<vmem_shared>> -> memref<6144x128xf32, #tpu.memory_space<vmem_shared>>
        tpu.wait_indirect_dma semaphore(%run_scoped3A_128 : memref<!tpu.dma_semaphore, #tpu.memory_space<semaphore_mem>>) src(%arg10 : memref<128x128xf32, #tpu.memory_space<vmem>>) dst(%dma_wait3A_138 : memref<6144x128xf32, #tpu.memory_space<vmem_shared>>)
        tpu.yield
      }) : () -> ()
    }
    %barrier3A_119 = arith.constant 0 : index
    tpu.barrier barrier_id(%barrier3A_119)
    %mul3A_120 = arith.constant 320 : i32
    %mul3A_121 = arith.muli %arg1, %mul3A_120 : i32
    %mul3A_122 = arith.constant 320 : i32
    %mul3A_123 = arith.muli %arg1, %mul3A_122 : i32
    %add3A_124 = arith.constant 5120 : i32
    %add3A_125 = arith.addi %add3A_124, %mul3A_123 : i32
    "tpu.region"() ({
      %run_scoped3A_127 = tpu.sem_alloc : memref<!tpu.dma_semaphore, #tpu.memory_space<semaphore_mem>>
      %dma_start3A = arith.constant 0 : i32
      %dma_start3A_128 = arith.constant 0 : i32
      %dma_start3A_129 = tpu.memref_slice %arg7[%arg0, %dma_start3A, %dma_start3A_128] : memref<2x10240x128xf32, #tpu.memory_space<hbm>> -> memref<1x10240x128xf32, #tpu.memory_space<hbm>>
      %dma_start3A_130 = tpu.memref_squeeze %dma_start3A_129 : memref<1x10240x128xf32, #tpu.memory_space<hbm>> -> memref<10240x128xf32, #tpu.memory_space<hbm>>
      %dma_start3A_131 = arith.constant 0 : i32
      %dma_start3A_132 = tpu.memref_slice %dma_start3A_130[%add3A_125, %dma_start3A_131] : memref<10240x128xf32, #tpu.memory_space<hbm>> -> memref<320x128xf32, #tpu.memory_space<hbm>>
      %dma_start3A_133 = arith.constant 0 : i32
      %dma_start3A_134 = tpu.memref_slice %arg13[%mul3A_121, %dma_start3A_133] : memref<6144x128xf32, #tpu.memory_space<vmem_shared>> -> memref<320x128xf32, #tpu.memory_space<vmem_shared>>
      tpu.enqueue_dma source(%dma_start3A_134 : memref<320x128xf32, #tpu.memory_space<vmem_shared>>) target(%dma_start3A_132 : memref<320x128xf32, #tpu.memory_space<hbm>>) target_semaphore(%run_scoped3A_127 : memref<!tpu.dma_semaphore, #tpu.memory_space<semaphore_mem>>)
      %dma_wait3A = arith.constant 0 : i32
      %dma_wait3A_135 = arith.constant 0 : i32
      %dma_wait3A_136 = tpu.memref_slice %arg7[%arg0, %dma_wait3A, %dma_wait3A_135] : memref<2x10240x128xf32, #tpu.memory_space<hbm>> -> memref<1x10240x128xf32, #tpu.memory_space<hbm>>
      %dma_wait3A_137 = tpu.memref_squeeze %dma_wait3A_136 : memref<1x10240x128xf32, #tpu.memory_space<hbm>> -> memref<10240x128xf32, #tpu.memory_space<hbm>>
      %dma_wait3A_138 = arith.constant 0 : i32
      %dma_wait3A_139 = tpu.memref_slice %dma_wait3A_137[%add3A_125, %dma_wait3A_138] : memref<10240x128xf32, #tpu.memory_space<hbm>> -> memref<320x128xf32, #tpu.memory_space<hbm>>
      %dma_wait3A_140 = arith.constant 0 : i32
      %dma_wait3A_141 = tpu.memref_slice %arg13[%mul3A_121, %dma_wait3A_140] : memref<6144x128xf32, #tpu.memory_space<vmem_shared>> -> memref<320x128xf32, #tpu.memory_space<vmem_shared>>
      tpu.wait_dma2 semaphore(%run_scoped3A_127 : memref<!tpu.dma_semaphore, #tpu.memory_space<semaphore_mem>>) src(%dma_wait3A_141 : memref<320x128xf32, #tpu.memory_space<vmem_shared>>) dst(%dma_wait3A_139 : memref<320x128xf32, #tpu.memory_space<hbm>>)
      tpu.yield
    }) : () -> ()
    %barrier3A_126 = arith.constant 0 : index
    tpu.barrier barrier_id(%barrier3A_126)
    return
  }
}

#map = affine_map<(d0, d1) -> (0, 0)>
#map1 = affine_map<(d0, d1) -> (0, 0, 0, 0, 0)>
#map2 = affine_map<(d0, d1) -> (0, 0, 0, 0)>
#map3 = affine_map<(d0, d1) -> (0, 0, 0)>
module attributes {stable_mosaic.version = 14 : i64} {
  func.func @_agg_body(%arg0: i32, %arg1: i32, %arg2: memref<20480x128xf32, #tpu.memory_space<hbm>>, %arg3: memref<16x2x2x80x128xi32, #tpu.memory_space<hbm>>, %arg4: memref<16x2x80x128xi32, #tpu.memory_space<hbm>>, %arg5: memref<16x32xi32, #tpu.memory_space<hbm>>, %arg6: memref<128x128xf32, #tpu.memory_space<hbm>>, %arg7: memref<2x10240x128xf32, #tpu.memory_space<hbm>>, %arg8: memref<80x128xi32, #tpu.memory_space<vmem>>, %arg9: memref<80x128xi32, #tpu.memory_space<vmem>>, %arg10: memref<128x128xf32, #tpu.memory_space<vmem>>, %arg11: memref<128x128xf32, #tpu.memory_space<vmem>>, %arg12: memref<32xi32, #tpu.memory_space<vmem>>, %arg13: memref<6144x128xf32, #tpu.memory_space<vmem_shared>>) attributes {dimension_semantics = [#tpu.dimension_semantics<core_parallel>, #tpu.dimension_semantics<subcore_parallel>], iteration_bounds = array<i64: 2, 16>, scalar_prefetch = 0 : i64, scratch_operands = 6 : i64, tpu.core_type = #tpu.core_type<sc_vector_subcore>, window_params = [{transform_indices = #map}, {transform_indices = #map1}, {transform_indices = #map2}, {transform_indices = #map}, {transform_indices = #map}, {transform_indices = #map3}]} {
    "tpu.region"() ({
      %run_scoped3A_127 = tpu.sem_alloc : memref<!tpu.dma_semaphore, #tpu.memory_space<semaphore_mem>>
      %dma_start3A = arith.constant 0 : i32
      %dma_start3A_128 = tpu.memref_slice %arg5[%arg1, %dma_start3A] : memref<16x32xi32, #tpu.memory_space<hbm>> -> memref<1x32xi32, #tpu.memory_space<hbm>>
      %dma_start3A_129 = tpu.memref_squeeze %dma_start3A_128 : memref<1x32xi32, #tpu.memory_space<hbm>> -> memref<32xi32, #tpu.memory_space<hbm>>
      %dma_start3A_130 = arith.constant 0 : i32
      %dma_start3A_131 = tpu.memref_slice %arg5[%arg1, %dma_start3A_130] : memref<16x32xi32, #tpu.memory_space<hbm>> -> memref<1x32xi32, #tpu.memory_space<hbm>>
      %dma_start3A_132 = tpu.memref_squeeze %dma_start3A_131 : memref<1x32xi32, #tpu.memory_space<hbm>> -> memref<32xi32, #tpu.memory_space<hbm>>
      tpu.enqueue_dma source(%dma_start3A_132 : memref<32xi32, #tpu.memory_space<hbm>>) target(%arg12 : memref<32xi32, #tpu.memory_space<vmem>>) target_semaphore(%run_scoped3A_127 : memref<!tpu.dma_semaphore, #tpu.memory_space<semaphore_mem>>)
      %dma_wait3A = arith.constant 0 : i32
      %dma_wait3A_133 = tpu.memref_slice %arg5[%arg1, %dma_wait3A] : memref<16x32xi32, #tpu.memory_space<hbm>> -> memref<1x32xi32, #tpu.memory_space<hbm>>
      %dma_wait3A_134 = tpu.memref_squeeze %dma_wait3A_133 : memref<1x32xi32, #tpu.memory_space<hbm>> -> memref<32xi32, #tpu.memory_space<hbm>>
      %dma_wait3A_135 = arith.constant 0 : i32
      %dma_wait3A_136 = tpu.memref_slice %arg5[%arg1, %dma_wait3A_135] : memref<16x32xi32, #tpu.memory_space<hbm>> -> memref<1x32xi32, #tpu.memory_space<hbm>>
      %dma_wait3A_137 = tpu.memref_squeeze %dma_wait3A_136 : memref<1x32xi32, #tpu.memory_space<hbm>> -> memref<32xi32, #tpu.memory_space<hbm>>
      tpu.wait_dma2 semaphore(%run_scoped3A_127 : memref<!tpu.dma_semaphore, #tpu.memory_space<semaphore_mem>>) src(%dma_wait3A_137 : memref<32xi32, #tpu.memory_space<hbm>>) dst(%arg12 : memref<32xi32, #tpu.memory_space<vmem>>)
      tpu.yield
    }) : () -> ()
    "tpu.region"() ({
      %run_scoped3A_127 = tpu.sem_alloc : memref<!tpu.dma_semaphore, #tpu.memory_space<semaphore_mem>>
      tpu.enqueue_dma source(%arg6 : memref<128x128xf32, #tpu.memory_space<hbm>>) target(%arg11 : memref<128x128xf32, #tpu.memory_space<vmem>>) target_semaphore(%run_scoped3A_127 : memref<!tpu.dma_semaphore, #tpu.memory_space<semaphore_mem>>)
      tpu.wait_dma2 semaphore(%run_scoped3A_127 : memref<!tpu.dma_semaphore, #tpu.memory_space<semaphore_mem>>) src(%arg6 : memref<128x128xf32, #tpu.memory_space<hbm>>) dst(%arg11 : memref<128x128xf32, #tpu.memory_space<vmem>>)
      tpu.yield
    }) : () -> ()
    %run_scoped3A = arith.constant 0 : i32
    "tpu.region"() ({
      %run_scoped3A_127 = tpu.sem_alloc : memref<!tpu.dma_semaphore, #tpu.memory_space<semaphore_mem>>
      %dma_start3A = arith.constant 0 : i32
      %dma_start3A_128 = arith.constant 0 : i32
      %dma_start3A_129 = arith.constant 0 : i32
      %dma_start3A_130 = arith.constant 0 : i32
      %dma_start3A_131 = tpu.memref_slice %arg3[%arg1, %dma_start3A, %dma_start3A_128, %dma_start3A_129, %dma_start3A_130] : memref<16x2x2x80x128xi32, #tpu.memory_space<hbm>> -> memref<1x2x2x80x128xi32, #tpu.memory_space<hbm>>
      %dma_start3A_132 = tpu.memref_squeeze %dma_start3A_131 : memref<1x2x2x80x128xi32, #tpu.memory_space<hbm>> -> memref<2x2x80x128xi32, #tpu.memory_space<hbm>>
      %dma_start3A_133 = arith.constant 0 : i32
      %dma_start3A_134 = arith.constant 0 : i32
      %dma_start3A_135 = arith.constant 0 : i32
      %dma_start3A_136 = tpu.memref_slice %dma_start3A_132[%run_scoped3A, %dma_start3A_133, %dma_start3A_134, %dma_start3A_135] : memref<2x2x80x128xi32, #tpu.memory_space<hbm>> -> memref<1x2x80x128xi32, #tpu.memory_space<hbm>>
      %dma_start3A_137 = tpu.memref_squeeze %dma_start3A_136 : memref<1x2x80x128xi32, #tpu.memory_space<hbm>> -> memref<2x80x128xi32, #tpu.memory_space<hbm>>
      %dma_start3A_138 = arith.constant 0 : i32
      %dma_start3A_139 = arith.constant 0 : i32
      %dma_start3A_140 = tpu.memref_slice %dma_start3A_137[%arg0, %dma_start3A_138, %dma_start3A_139] : memref<2x80x128xi32, #tpu.memory_space<hbm>> -> memref<1x80x128xi32, #tpu.memory_space<hbm>>
      %dma_start3A_141 = tpu.memref_squeeze %dma_start3A_140 : memref<1x80x128xi32, #tpu.memory_space<hbm>> -> memref<80x128xi32, #tpu.memory_space<hbm>>
      %dma_start3A_142 = arith.constant 0 : i32
      %dma_start3A_143 = arith.constant 0 : i32
      %dma_start3A_144 = arith.constant 0 : i32
      %dma_start3A_145 = arith.constant 0 : i32
      %dma_start3A_146 = tpu.memref_slice %arg3[%arg1, %dma_start3A_142, %dma_start3A_143, %dma_start3A_144, %dma_start3A_145] : memref<16x2x2x80x128xi32, #tpu.memory_space<hbm>> -> memref<1x2x2x80x128xi32, #tpu.memory_space<hbm>>
      %dma_start3A_147 = tpu.memref_squeeze %dma_start3A_146 : memref<1x2x2x80x128xi32, #tpu.memory_space<hbm>> -> memref<2x2x80x128xi32, #tpu.memory_space<hbm>>
      %dma_start3A_148 = arith.constant 0 : i32
      %dma_start3A_149 = arith.constant 0 : i32
      %dma_start3A_150 = arith.constant 0 : i32
      %dma_start3A_151 = tpu.memref_slice %dma_start3A_147[%run_scoped3A, %dma_start3A_148, %dma_start3A_149, %dma_start3A_150] : memref<2x2x80x128xi32, #tpu.memory_space<hbm>> -> memref<1x2x80x128xi32, #tpu.memory_space<hbm>>
      %dma_start3A_152 = tpu.memref_squeeze %dma_start3A_151 : memref<1x2x80x128xi32, #tpu.memory_space<hbm>> -> memref<2x80x128xi32, #tpu.memory_space<hbm>>
      %dma_start3A_153 = arith.constant 0 : i32
      %dma_start3A_154 = arith.constant 0 : i32
      %dma_start3A_155 = tpu.memref_slice %dma_start3A_152[%arg0, %dma_start3A_153, %dma_start3A_154] : memref<2x80x128xi32, #tpu.memory_space<hbm>> -> memref<1x80x128xi32, #tpu.memory_space<hbm>>
      %dma_start3A_156 = tpu.memref_squeeze %dma_start3A_155 : memref<1x80x128xi32, #tpu.memory_space<hbm>> -> memref<80x128xi32, #tpu.memory_space<hbm>>
      tpu.enqueue_dma source(%dma_start3A_156 : memref<80x128xi32, #tpu.memory_space<hbm>>) target(%arg8 : memref<80x128xi32, #tpu.memory_space<vmem>>) target_semaphore(%run_scoped3A_127 : memref<!tpu.dma_semaphore, #tpu.memory_space<semaphore_mem>>)
      %dma_wait3A = arith.constant 0 : i32
      %dma_wait3A_157 = arith.constant 0 : i32
      %dma_wait3A_158 = arith.constant 0 : i32
      %dma_wait3A_159 = arith.constant 0 : i32
      %dma_wait3A_160 = tpu.memref_slice %arg3[%arg1, %dma_wait3A, %dma_wait3A_157, %dma_wait3A_158, %dma_wait3A_159] : memref<16x2x2x80x128xi32, #tpu.memory_space<hbm>> -> memref<1x2x2x80x128xi32, #tpu.memory_space<hbm>>
      %dma_wait3A_161 = tpu.memref_squeeze %dma_wait3A_160 : memref<1x2x2x80x128xi32, #tpu.memory_space<hbm>> -> memref<2x2x80x128xi32, #tpu.memory_space<hbm>>
      %dma_wait3A_162 = arith.constant 0 : i32
      %dma_wait3A_163 = arith.constant 0 : i32
      %dma_wait3A_164 = arith.constant 0 : i32
      %dma_wait3A_165 = tpu.memref_slice %dma_wait3A_161[%run_scoped3A, %dma_wait3A_162, %dma_wait3A_163, %dma_wait3A_164] : memref<2x2x80x128xi32, #tpu.memory_space<hbm>> -> memref<1x2x80x128xi32, #tpu.memory_space<hbm>>
      %dma_wait3A_166 = tpu.memref_squeeze %dma_wait3A_165 : memref<1x2x80x128xi32, #tpu.memory_space<hbm>> -> memref<2x80x128xi32, #tpu.memory_space<hbm>>
      %dma_wait3A_167 = arith.constant 0 : i32
      %dma_wait3A_168 = arith.constant 0 : i32
      %dma_wait3A_169 = tpu.memref_slice %dma_wait3A_166[%arg0, %dma_wait3A_167, %dma_wait3A_168] : memref<2x80x128xi32, #tpu.memory_space<hbm>> -> memref<1x80x128xi32, #tpu.memory_space<hbm>>
      %dma_wait3A_170 = tpu.memref_squeeze %dma_wait3A_169 : memref<1x80x128xi32, #tpu.memory_space<hbm>> -> memref<80x128xi32, #tpu.memory_space<hbm>>
      %dma_wait3A_171 = arith.constant 0 : i32
      %dma_wait3A_172 = arith.constant 0 : i32
      %dma_wait3A_173 = arith.constant 0 : i32
      %dma_wait3A_174 = arith.constant 0 : i32
      %dma_wait3A_175 = tpu.memref_slice %arg3[%arg1, %dma_wait3A_171, %dma_wait3A_172, %dma_wait3A_173, %dma_wait3A_174] : memref<16x2x2x80x128xi32, #tpu.memory_space<hbm>> -> memref<1x2x2x80x128xi32, #tpu.memory_space<hbm>>
      %dma_wait3A_176 = tpu.memref_squeeze %dma_wait3A_175 : memref<1x2x2x80x128xi32, #tpu.memory_space<hbm>> -> memref<2x2x80x128xi32, #tpu.memory_space<hbm>>
      %dma_wait3A_177 = arith.constant 0 : i32
      %dma_wait3A_178 = arith.constant 0 : i32
      %dma_wait3A_179 = arith.constant 0 : i32
      %dma_wait3A_180 = tpu.memref_slice %dma_wait3A_176[%run_scoped3A, %dma_wait3A_177, %dma_wait3A_178, %dma_wait3A_179] : memref<2x2x80x128xi32, #tpu.memory_space<hbm>> -> memref<1x2x80x128xi32, #tpu.memory_space<hbm>>
      %dma_wait3A_181 = tpu.memref_squeeze %dma_wait3A_180 : memref<1x2x80x128xi32, #tpu.memory_space<hbm>> -> memref<2x80x128xi32, #tpu.memory_space<hbm>>
      %dma_wait3A_182 = arith.constant 0 : i32
      %dma_wait3A_183 = arith.constant 0 : i32
      %dma_wait3A_184 = tpu.memref_slice %dma_wait3A_181[%arg0, %dma_wait3A_182, %dma_wait3A_183] : memref<2x80x128xi32, #tpu.memory_space<hbm>> -> memref<1x80x128xi32, #tpu.memory_space<hbm>>
      %dma_wait3A_185 = tpu.memref_squeeze %dma_wait3A_184 : memref<1x80x128xi32, #tpu.memory_space<hbm>> -> memref<80x128xi32, #tpu.memory_space<hbm>>
      tpu.wait_dma2 semaphore(%run_scoped3A_127 : memref<!tpu.dma_semaphore, #tpu.memory_space<semaphore_mem>>) src(%dma_wait3A_185 : memref<80x128xi32, #tpu.memory_space<hbm>>) dst(%arg8 : memref<80x128xi32, #tpu.memory_space<vmem>>)
      tpu.yield
    }) : () -> ()
    %run_scoped3A_0 = arith.constant 0 : i32
    "tpu.region"() ({
      %run_scoped3A_127 = tpu.sem_alloc : memref<!tpu.dma_semaphore, #tpu.memory_space<semaphore_mem>>
      %dma_start3A = arith.constant 0 : i32
      %dma_start3A_128 = arith.constant 0 : i32
      %dma_start3A_129 = arith.constant 0 : i32
      %dma_start3A_130 = tpu.memref_slice %arg4[%arg1, %dma_start3A, %dma_start3A_128, %dma_start3A_129] : memref<16x2x80x128xi32, #tpu.memory_space<hbm>> -> memref<1x2x80x128xi32, #tpu.memory_space<hbm>>
      %dma_start3A_131 = tpu.memref_squeeze %dma_start3A_130 : memref<1x2x80x128xi32, #tpu.memory_space<hbm>> -> memref<2x80x128xi32, #tpu.memory_space<hbm>>
      %dma_start3A_132 = arith.constant 0 : i32
      %dma_start3A_133 = arith.constant 0 : i32
      %dma_start3A_134 = tpu.memref_slice %dma_start3A_131[%run_scoped3A_0, %dma_start3A_132, %dma_start3A_133] : memref<2x80x128xi32, #tpu.memory_space<hbm>> -> memref<1x80x128xi32, #tpu.memory_space<hbm>>
      %dma_start3A_135 = tpu.memref_squeeze %dma_start3A_134 : memref<1x80x128xi32, #tpu.memory_space<hbm>> -> memref<80x128xi32, #tpu.memory_space<hbm>>
      %dma_start3A_136 = arith.constant 0 : i32
      %dma_start3A_137 = arith.constant 0 : i32
      %dma_start3A_138 = arith.constant 0 : i32
      %dma_start3A_139 = tpu.memref_slice %arg4[%arg1, %dma_start3A_136, %dma_start3A_137, %dma_start3A_138] : memref<16x2x80x128xi32, #tpu.memory_space<hbm>> -> memref<1x2x80x128xi32, #tpu.memory_space<hbm>>
      %dma_start3A_140 = tpu.memref_squeeze %dma_start3A_139 : memref<1x2x80x128xi32, #tpu.memory_space<hbm>> -> memref<2x80x128xi32, #tpu.memory_space<hbm>>
      %dma_start3A_141 = arith.constant 0 : i32
      %dma_start3A_142 = arith.constant 0 : i32
      %dma_start3A_143 = tpu.memref_slice %dma_start3A_140[%run_scoped3A_0, %dma_start3A_141, %dma_start3A_142] : memref<2x80x128xi32, #tpu.memory_space<hbm>> -> memref<1x80x128xi32, #tpu.memory_space<hbm>>
      %dma_start3A_144 = tpu.memref_squeeze %dma_start3A_143 : memref<1x80x128xi32, #tpu.memory_space<hbm>> -> memref<80x128xi32, #tpu.memory_space<hbm>>
      tpu.enqueue_dma source(%dma_start3A_144 : memref<80x128xi32, #tpu.memory_space<hbm>>) target(%arg9 : memref<80x128xi32, #tpu.memory_space<vmem>>) target_semaphore(%run_scoped3A_127 : memref<!tpu.dma_semaphore, #tpu.memory_space<semaphore_mem>>)
      %dma_wait3A = arith.constant 0 : i32
      %dma_wait3A_145 = arith.constant 0 : i32
      %dma_wait3A_146 = arith.constant 0 : i32
      %dma_wait3A_147 = tpu.memref_slice %arg4[%arg1, %dma_wait3A, %dma_wait3A_145, %dma_wait3A_146] : memref<16x2x80x128xi32, #tpu.memory_space<hbm>> -> memref<1x2x80x128xi32, #tpu.memory_space<hbm>>
      %dma_wait3A_148 = tpu.memref_squeeze %dma_wait3A_147 : memref<1x2x80x128xi32, #tpu.memory_space<hbm>> -> memref<2x80x128xi32, #tpu.memory_space<hbm>>
      %dma_wait3A_149 = arith.constant 0 : i32
      %dma_wait3A_150 = arith.constant 0 : i32
      %dma_wait3A_151 = tpu.memref_slice %dma_wait3A_148[%run_scoped3A_0, %dma_wait3A_149, %dma_wait3A_150] : memref<2x80x128xi32, #tpu.memory_space<hbm>> -> memref<1x80x128xi32, #tpu.memory_space<hbm>>
      %dma_wait3A_152 = tpu.memref_squeeze %dma_wait3A_151 : memref<1x80x128xi32, #tpu.memory_space<hbm>> -> memref<80x128xi32, #tpu.memory_space<hbm>>
      %dma_wait3A_153 = arith.constant 0 : i32
      %dma_wait3A_154 = arith.constant 0 : i32
      %dma_wait3A_155 = arith.constant 0 : i32
      %dma_wait3A_156 = tpu.memref_slice %arg4[%arg1, %dma_wait3A_153, %dma_wait3A_154, %dma_wait3A_155] : memref<16x2x80x128xi32, #tpu.memory_space<hbm>> -> memref<1x2x80x128xi32, #tpu.memory_space<hbm>>
      %dma_wait3A_157 = tpu.memref_squeeze %dma_wait3A_156 : memref<1x2x80x128xi32, #tpu.memory_space<hbm>> -> memref<2x80x128xi32, #tpu.memory_space<hbm>>
      %dma_wait3A_158 = arith.constant 0 : i32
      %dma_wait3A_159 = arith.constant 0 : i32
      %dma_wait3A_160 = tpu.memref_slice %dma_wait3A_157[%run_scoped3A_0, %dma_wait3A_158, %dma_wait3A_159] : memref<2x80x128xi32, #tpu.memory_space<hbm>> -> memref<1x80x128xi32, #tpu.memory_space<hbm>>
      %dma_wait3A_161 = tpu.memref_squeeze %dma_wait3A_160 : memref<1x80x128xi32, #tpu.memory_space<hbm>> -> memref<80x128xi32, #tpu.memory_space<hbm>>
      tpu.wait_dma2 semaphore(%run_scoped3A_127 : memref<!tpu.dma_semaphore, #tpu.memory_space<semaphore_mem>>) src(%dma_wait3A_161 : memref<80x128xi32, #tpu.memory_space<hbm>>) dst(%arg9 : memref<80x128xi32, #tpu.memory_space<vmem>>)
      tpu.yield
    }) : () -> ()
    %mul3A = arith.constant 384 : i32
    %mul3A_1 = arith.muli %arg1, %mul3A : i32
    %add3A = arith.constant 0 : i32
    %add3A_2 = arith.addi %mul3A_1, %add3A : i32
    "tpu.region"() ({
      %run_scoped3A_127 = tpu.sem_alloc : memref<!tpu.dma_semaphore, #tpu.memory_space<semaphore_mem>>
      %dma_start3A = arith.constant 0 : i32
      %dma_start3A_128 = tpu.memref_slice %arg13[%add3A_2, %dma_start3A] : memref<6144x128xf32, #tpu.memory_space<vmem_shared>> -> memref<128x128xf32, #tpu.memory_space<vmem_shared>>
      %dma_start3A_129 = arith.constant 0 : i32
      %dma_start3A_130 = tpu.memref_slice %arg13[%add3A_2, %dma_start3A_129] : memref<6144x128xf32, #tpu.memory_space<vmem_shared>> -> memref<128x128xf32, #tpu.memory_space<vmem_shared>>
      tpu.enqueue_dma source(%arg11 : memref<128x128xf32, #tpu.memory_space<vmem>>) target(%dma_start3A_130 : memref<128x128xf32, #tpu.memory_space<vmem_shared>>) target_semaphore(%run_scoped3A_127 : memref<!tpu.dma_semaphore, #tpu.memory_space<semaphore_mem>>)
      %dma_wait3A = arith.constant 0 : i32
      %dma_wait3A_131 = tpu.memref_slice %arg13[%add3A_2, %dma_wait3A] : memref<6144x128xf32, #tpu.memory_space<vmem_shared>> -> memref<128x128xf32, #tpu.memory_space<vmem_shared>>
      %dma_wait3A_132 = arith.constant 0 : i32
      %dma_wait3A_133 = tpu.memref_slice %arg13[%add3A_2, %dma_wait3A_132] : memref<6144x128xf32, #tpu.memory_space<vmem_shared>> -> memref<128x128xf32, #tpu.memory_space<vmem_shared>>
      tpu.wait_dma2 semaphore(%run_scoped3A_127 : memref<!tpu.dma_semaphore, #tpu.memory_space<semaphore_mem>>) src(%arg11 : memref<128x128xf32, #tpu.memory_space<vmem>>) dst(%dma_wait3A_133 : memref<128x128xf32, #tpu.memory_space<vmem_shared>>)
      tpu.yield
    }) : () -> ()
    %mul3A_3 = arith.constant 384 : i32
    %mul3A_4 = arith.muli %arg1, %mul3A_3 : i32
    %add3A_5 = arith.constant 128 : i32
    %add3A_6 = arith.addi %mul3A_4, %add3A_5 : i32
    "tpu.region"() ({
      %run_scoped3A_127 = tpu.sem_alloc : memref<!tpu.dma_semaphore, #tpu.memory_space<semaphore_mem>>
      %dma_start3A = arith.constant 0 : i32
      %dma_start3A_128 = tpu.memref_slice %arg13[%add3A_6, %dma_start3A] : memref<6144x128xf32, #tpu.memory_space<vmem_shared>> -> memref<128x128xf32, #tpu.memory_space<vmem_shared>>
      %dma_start3A_129 = arith.constant 0 : i32
      %dma_start3A_130 = tpu.memref_slice %arg13[%add3A_6, %dma_start3A_129] : memref<6144x128xf32, #tpu.memory_space<vmem_shared>> -> memref<128x128xf32, #tpu.memory_space<vmem_shared>>
      tpu.enqueue_dma source(%arg11 : memref<128x128xf32, #tpu.memory_space<vmem>>) target(%dma_start3A_130 : memref<128x128xf32, #tpu.memory_space<vmem_shared>>) target_semaphore(%run_scoped3A_127 : memref<!tpu.dma_semaphore, #tpu.memory_space<semaphore_mem>>)
      %dma_wait3A = arith.constant 0 : i32
      %dma_wait3A_131 = tpu.memref_slice %arg13[%add3A_6, %dma_wait3A] : memref<6144x128xf32, #tpu.memory_space<vmem_shared>> -> memref<128x128xf32, #tpu.memory_space<vmem_shared>>
      %dma_wait3A_132 = arith.constant 0 : i32
      %dma_wait3A_133 = tpu.memref_slice %arg13[%add3A_6, %dma_wait3A_132] : memref<6144x128xf32, #tpu.memory_space<vmem_shared>> -> memref<128x128xf32, #tpu.memory_space<vmem_shared>>
      tpu.wait_dma2 semaphore(%run_scoped3A_127 : memref<!tpu.dma_semaphore, #tpu.memory_space<semaphore_mem>>) src(%arg11 : memref<128x128xf32, #tpu.memory_space<vmem>>) dst(%dma_wait3A_133 : memref<128x128xf32, #tpu.memory_space<vmem_shared>>)
      tpu.yield
    }) : () -> ()
    %mul3A_7 = arith.constant 384 : i32
    %mul3A_8 = arith.muli %arg1, %mul3A_7 : i32
    %add3A_9 = arith.constant 256 : i32
    %add3A_10 = arith.addi %mul3A_8, %add3A_9 : i32
    "tpu.region"() ({
      %run_scoped3A_127 = tpu.sem_alloc : memref<!tpu.dma_semaphore, #tpu.memory_space<semaphore_mem>>
      %dma_start3A = arith.constant 0 : i32
      %dma_start3A_128 = tpu.memref_slice %arg13[%add3A_10, %dma_start3A] : memref<6144x128xf32, #tpu.memory_space<vmem_shared>> -> memref<128x128xf32, #tpu.memory_space<vmem_shared>>
      %dma_start3A_129 = arith.constant 0 : i32
      %dma_start3A_130 = tpu.memref_slice %arg13[%add3A_10, %dma_start3A_129] : memref<6144x128xf32, #tpu.memory_space<vmem_shared>> -> memref<128x128xf32, #tpu.memory_space<vmem_shared>>
      tpu.enqueue_dma source(%arg11 : memref<128x128xf32, #tpu.memory_space<vmem>>) target(%dma_start3A_130 : memref<128x128xf32, #tpu.memory_space<vmem_shared>>) target_semaphore(%run_scoped3A_127 : memref<!tpu.dma_semaphore, #tpu.memory_space<semaphore_mem>>)
      %dma_wait3A = arith.constant 0 : i32
      %dma_wait3A_131 = tpu.memref_slice %arg13[%add3A_10, %dma_wait3A] : memref<6144x128xf32, #tpu.memory_space<vmem_shared>> -> memref<128x128xf32, #tpu.memory_space<vmem_shared>>
      %dma_wait3A_132 = arith.constant 0 : i32
      %dma_wait3A_133 = tpu.memref_slice %arg13[%add3A_10, %dma_wait3A_132] : memref<6144x128xf32, #tpu.memory_space<vmem_shared>> -> memref<128x128xf32, #tpu.memory_space<vmem_shared>>
      tpu.wait_dma2 semaphore(%run_scoped3A_127 : memref<!tpu.dma_semaphore, #tpu.memory_space<semaphore_mem>>) src(%arg11 : memref<128x128xf32, #tpu.memory_space<vmem>>) dst(%dma_wait3A_133 : memref<128x128xf32, #tpu.memory_space<vmem_shared>>)
      tpu.yield
    }) : () -> ()
    %barrier3A = arith.constant 0 : index
    tpu.barrier barrier_id(%barrier3A)
    %get3A = arith.constant 0 : index
    %get3A_11 = tpu.vector_load %arg12[%get3A] {strides = array<i32>} : memref<32xi32, #tpu.memory_space<vmem>>, vector<16xi32>,
    %reduce_max3A = arith.constant true
    %reduce_max3A_12 = vector.broadcast %reduce_max3A : i1 to vector<16xi1>
    %reduce_max3A_13 = arith.constant -2147483648 : i32
    %reduce_max3A_14 = vector.broadcast %reduce_max3A_13 : i32 to vector<16xi32>
    %reduce_max3A_15 = arith.xori %get3A_11, %reduce_max3A_14 : vector<16xi32>
    %reduce_max3A_16 = tpu.scan <max>, %reduce_max3A_15 masked %reduce_max3A_12 : vector<16xi32>, vector<16xi1> -> vector<16xi32>
    %reduce_max3A_17 = arith.xori %reduce_max3A_16, %reduce_max3A_14 : vector<16xi32>
    %reduce_max3A_18 = vector.extract %reduce_max3A_17[15] : i32 from vector<16xi32>
    %add3A_19 = arith.constant 128 : i32
    %add3A_20 = arith.addi %reduce_max3A_18, %add3A_19 : i32
    %sub3A = arith.constant 1 : i32
    %sub3A_21 = arith.subi %add3A_20, %sub3A : i32
    %jit3A = arith.constant 128 : i32
    %div3A = arith.divsi %sub3A_21, %jit3A : i32
    %sign3A = arith.constant 0 : i32
    %sign3A_22 = arith.cmpi sgt, %sub3A_21, %sign3A : i32
    %sign3A_23 = arith.extui %sign3A_22 : i1 to i32
    %sign3A_24 = arith.constant 0 : i32
    %sign3A_25 = arith.cmpi slt, %sub3A_21, %sign3A_24 : i32
    %sign3A_26 = arith.extui %sign3A_25 : i1 to i32
    %sign3A_27 = arith.subi %sign3A_23, %sign3A_26 : i32
    %sign3A_28 = arith.constant 0 : i32
    %sign3A_29 = arith.cmpi sgt, %jit3A, %sign3A_28 : i32
    %sign3A_30 = arith.extui %sign3A_29 : i1 to i32
    %sign3A_31 = arith.constant 0 : i32
    %sign3A_32 = arith.cmpi slt, %jit3A, %sign3A_31 : i32
    %sign3A_33 = arith.extui %sign3A_32 : i1 to i32
    %sign3A_34 = arith.subi %sign3A_30, %sign3A_33 : i32
    %ne3A = arith.cmpi ne, %sign3A_27, %sign3A_34 : i32
    %rem3A = arith.remsi %sub3A_21, %jit3A : i32
    %ne3A_35 = arith.constant 0 : i32
    %ne3A_36 = arith.cmpi ne, %rem3A, %ne3A_35 : i32
    %and3A = arith.andi %ne3A, %ne3A_36 : i1
    %sub3A_37 = arith.constant 1 : i32
    %sub3A_38 = arith.subi %div3A, %sub3A_37 : i32
    %select_n3A = arith.select %and3A, %sub3A_38, %div3A : i32
    %while3A = arith.constant 0 : i32
    %while3A_39 = arith.constant 0 : i32
    %while3A_40 = arith.subi %select_n3A, %while3A_39 : i32
    %while3A_41 = arith.addi %while3A_39, %while3A_40 : i32
    %while3A_42 = arith.constant 1 : i32
    %while3A_43 = arith.divsi %while3A_40, %while3A_42 : i32
    %while3A_44 = arith.muli %while3A_43, %while3A_42 : i32
    %while3A_45 = arith.addi %while3A_39, %while3A_44 : i32
    %while3A_46 = arith.constant 1 : i32
    scf.for %while3A_127 = %while3A_39 to %while3A_45 step %while3A_46  : i32 {
      "tpu.region"() ({
        %run_scoped3A_128 = tpu.sem_alloc : memref<!tpu.dma_semaphore, #tpu.memory_space<semaphore_mem>>
        %dma_start3A = arith.constant 0 : i32
        %dma_start3A_129 = tpu.memref_slice %arg8[%while3A_127, %dma_start3A] : memref<80x128xi32, #tpu.memory_space<vmem>> -> memref<1x128xi32, #tpu.memory_space<vmem>>
        %dma_start3A_130 = tpu.memref_squeeze %dma_start3A_129 : memref<1x128xi32, #tpu.memory_space<vmem>> -> memref<128xi32, #tpu.memory_space<vmem>>
        %dma_start3A_131 = arith.constant 0 : i32
        %dma_start3A_132 = arith.constant 0 : i32
        %dma_start3A_133 = tpu.memref_slice %arg2[%dma_start3A_131, %dma_start3A_132] : memref<20480x128xf32, #tpu.memory_space<hbm>> -> memref<20480x128xf32, #tpu.memory_space<hbm>>
        tpu.enqueue_indirect_dma source(%dma_start3A_133 : memref<20480x128xf32, #tpu.memory_space<hbm>>) target(%arg10 : memref<128x128xf32, #tpu.memory_space<vmem>>) offsets(%dma_start3A_130 : memref<128xi32, #tpu.memory_space<vmem>>) semaphore(%run_scoped3A_128 : memref<!tpu.dma_semaphore, #tpu.memory_space<semaphore_mem>>)
        %dma_wait3A = arith.constant 0 : i32
        %dma_wait3A_134 = tpu.memref_slice %arg8[%while3A_127, %dma_wait3A] : memref<80x128xi32, #tpu.memory_space<vmem>> -> memref<1x128xi32, #tpu.memory_space<vmem>>
        %dma_wait3A_135 = tpu.memref_squeeze %dma_wait3A_134 : memref<1x128xi32, #tpu.memory_space<vmem>> -> memref<128xi32, #tpu.memory_space<vmem>>
        %dma_wait3A_136 = arith.constant 0 : i32
        %dma_wait3A_137 = arith.constant 0 : i32
        %dma_wait3A_138 = tpu.memref_slice %arg2[%dma_wait3A_136, %dma_wait3A_137] : memref<20480x128xf32, #tpu.memory_space<hbm>> -> memref<20480x128xf32, #tpu.memory_space<hbm>>
        tpu.wait_indirect_dma semaphore(%run_scoped3A_128 : memref<!tpu.dma_semaphore, #tpu.memory_space<semaphore_mem>>) src(%dma_wait3A_138 : memref<20480x128xf32, #tpu.memory_space<hbm>>) dst(%arg10 : memref<128x128xf32, #tpu.memory_space<vmem>>)
        tpu.yield
      }) : () -> ()
      "tpu.region"() ({
        %run_scoped3A_128 = tpu.sem_alloc : memref<!tpu.dma_semaphore, #tpu.memory_space<semaphore_mem>>
        %dma_start3A = arith.constant 0 : i32
        %dma_start3A_129 = tpu.memref_slice %arg9[%while3A_127, %dma_start3A] : memref<80x128xi32, #tpu.memory_space<vmem>> -> memref<1x128xi32, #tpu.memory_space<vmem>>
        %dma_start3A_130 = tpu.memref_squeeze %dma_start3A_129 : memref<1x128xi32, #tpu.memory_space<vmem>> -> memref<128xi32, #tpu.memory_space<vmem>>
        %dma_start3A_131 = arith.constant 0 : i32
        %dma_start3A_132 = arith.constant 0 : i32
        %dma_start3A_133 = tpu.memref_slice %arg13[%dma_start3A_131, %dma_start3A_132] : memref<6144x128xf32, #tpu.memory_space<vmem_shared>> -> memref<6144x128xf32, #tpu.memory_space<vmem_shared>>
        tpu.enqueue_indirect_dma source(%arg10 : memref<128x128xf32, #tpu.memory_space<vmem>>) target(%dma_start3A_133 : memref<6144x128xf32, #tpu.memory_space<vmem_shared>>) offsets(%dma_start3A_130 : memref<128xi32, #tpu.memory_space<vmem>>) semaphore(%run_scoped3A_128 : memref<!tpu.dma_semaphore, #tpu.memory_space<semaphore_mem>>) {add = true}
        %dma_wait3A = arith.constant 0 : i32
        %dma_wait3A_134 = tpu.memref_slice %arg9[%while3A_127, %dma_wait3A] : memref<80x128xi32, #tpu.memory_space<vmem>> -> memref<1x128xi32, #tpu.memory_space<vmem>>
        %dma_wait3A_135 = tpu.memref_squeeze %dma_wait3A_134 : memref<1x128xi32, #tpu.memory_space<vmem>> -> memref<128xi32, #tpu.memory_space<vmem>>
        %dma_wait3A_136 = arith.constant 0 : i32
        %dma_wait3A_137 = arith.constant 0 : i32
        %dma_wait3A_138 = tpu.memref_slice %arg13[%dma_wait3A_136, %dma_wait3A_137] : memref<6144x128xf32, #tpu.memory_space<vmem_shared>> -> memref<6144x128xf32, #tpu.memory_space<vmem_shared>>
        tpu.wait_indirect_dma semaphore(%run_scoped3A_128 : memref<!tpu.dma_semaphore, #tpu.memory_space<semaphore_mem>>) src(%arg10 : memref<128x128xf32, #tpu.memory_space<vmem>>) dst(%dma_wait3A_138 : memref<6144x128xf32, #tpu.memory_space<vmem_shared>>)
        tpu.yield
      }) : () -> ()
    }
    %while3A_47 = arith.constant 1 : i32
    scf.for %while3A_127 = %while3A_45 to %while3A_41 step %while3A_47  : i32 {
      "tpu.region"() ({
        %run_scoped3A_128 = tpu.sem_alloc : memref<!tpu.dma_semaphore, #tpu.memory_space<semaphore_mem>>
        %dma_start3A = arith.constant 0 : i32
        %dma_start3A_129 = tpu.memref_slice %arg8[%while3A_127, %dma_start3A] : memref<80x128xi32, #tpu.memory_space<vmem>> -> memref<1x128xi32, #tpu.memory_space<vmem>>
        %dma_start3A_130 = tpu.memref_squeeze %dma_start3A_129 : memref<1x128xi32, #tpu.memory_space<vmem>> -> memref<128xi32, #tpu.memory_space<vmem>>
        %dma_start3A_131 = arith.constant 0 : i32
        %dma_start3A_132 = arith.constant 0 : i32
        %dma_start3A_133 = tpu.memref_slice %arg2[%dma_start3A_131, %dma_start3A_132] : memref<20480x128xf32, #tpu.memory_space<hbm>> -> memref<20480x128xf32, #tpu.memory_space<hbm>>
        tpu.enqueue_indirect_dma source(%dma_start3A_133 : memref<20480x128xf32, #tpu.memory_space<hbm>>) target(%arg10 : memref<128x128xf32, #tpu.memory_space<vmem>>) offsets(%dma_start3A_130 : memref<128xi32, #tpu.memory_space<vmem>>) semaphore(%run_scoped3A_128 : memref<!tpu.dma_semaphore, #tpu.memory_space<semaphore_mem>>)
        %dma_wait3A = arith.constant 0 : i32
        %dma_wait3A_134 = tpu.memref_slice %arg8[%while3A_127, %dma_wait3A] : memref<80x128xi32, #tpu.memory_space<vmem>> -> memref<1x128xi32, #tpu.memory_space<vmem>>
        %dma_wait3A_135 = tpu.memref_squeeze %dma_wait3A_134 : memref<1x128xi32, #tpu.memory_space<vmem>> -> memref<128xi32, #tpu.memory_space<vmem>>
        %dma_wait3A_136 = arith.constant 0 : i32
        %dma_wait3A_137 = arith.constant 0 : i32
        %dma_wait3A_138 = tpu.memref_slice %arg2[%dma_wait3A_136, %dma_wait3A_137] : memref<20480x128xf32, #tpu.memory_space<hbm>> -> memref<20480x128xf32, #tpu.memory_space<hbm>>
        tpu.wait_indirect_dma semaphore(%run_scoped3A_128 : memref<!tpu.dma_semaphore, #tpu.memory_space<semaphore_mem>>) src(%dma_wait3A_138 : memref<20480x128xf32, #tpu.memory_space<hbm>>) dst(%arg10 : memref<128x128xf32, #tpu.memory_space<vmem>>)
        tpu.yield
      }) : () -> ()
      "tpu.region"() ({
        %run_scoped3A_128 = tpu.sem_alloc : memref<!tpu.dma_semaphore, #tpu.memory_space<semaphore_mem>>
        %dma_start3A = arith.constant 0 : i32
        %dma_start3A_129 = tpu.memref_slice %arg9[%while3A_127, %dma_start3A] : memref<80x128xi32, #tpu.memory_space<vmem>> -> memref<1x128xi32, #tpu.memory_space<vmem>>
        %dma_start3A_130 = tpu.memref_squeeze %dma_start3A_129 : memref<1x128xi32, #tpu.memory_space<vmem>> -> memref<128xi32, #tpu.memory_space<vmem>>
        %dma_start3A_131 = arith.constant 0 : i32
        %dma_start3A_132 = arith.constant 0 : i32
        %dma_start3A_133 = tpu.memref_slice %arg13[%dma_start3A_131, %dma_start3A_132] : memref<6144x128xf32, #tpu.memory_space<vmem_shared>> -> memref<6144x128xf32, #tpu.memory_space<vmem_shared>>
        tpu.enqueue_indirect_dma source(%arg10 : memref<128x128xf32, #tpu.memory_space<vmem>>) target(%dma_start3A_133 : memref<6144x128xf32, #tpu.memory_space<vmem_shared>>) offsets(%dma_start3A_130 : memref<128xi32, #tpu.memory_space<vmem>>) semaphore(%run_scoped3A_128 : memref<!tpu.dma_semaphore, #tpu.memory_space<semaphore_mem>>) {add = true}
        %dma_wait3A = arith.constant 0 : i32
        %dma_wait3A_134 = tpu.memref_slice %arg9[%while3A_127, %dma_wait3A] : memref<80x128xi32, #tpu.memory_space<vmem>> -> memref<1x128xi32, #tpu.memory_space<vmem>>
        %dma_wait3A_135 = tpu.memref_squeeze %dma_wait3A_134 : memref<1x128xi32, #tpu.memory_space<vmem>> -> memref<128xi32, #tpu.memory_space<vmem>>
        %dma_wait3A_136 = arith.constant 0 : i32
        %dma_wait3A_137 = arith.constant 0 : i32
        %dma_wait3A_138 = tpu.memref_slice %arg13[%dma_wait3A_136, %dma_wait3A_137] : memref<6144x128xf32, #tpu.memory_space<vmem_shared>> -> memref<6144x128xf32, #tpu.memory_space<vmem_shared>>
        tpu.wait_indirect_dma semaphore(%run_scoped3A_128 : memref<!tpu.dma_semaphore, #tpu.memory_space<semaphore_mem>>) src(%arg10 : memref<128x128xf32, #tpu.memory_space<vmem>>) dst(%dma_wait3A_138 : memref<6144x128xf32, #tpu.memory_space<vmem_shared>>)
        tpu.yield
      }) : () -> ()
    }
    %barrier3A_48 = arith.constant 0 : index
    tpu.barrier barrier_id(%barrier3A_48)
    %mul3A_49 = arith.constant 320 : i32
    %mul3A_50 = arith.muli %arg1, %mul3A_49 : i32
    %mul3A_51 = arith.constant 320 : i32
    %mul3A_52 = arith.muli %arg1, %mul3A_51 : i32
    %add3A_53 = arith.constant 0 : i32
    %add3A_54 = arith.addi %add3A_53, %mul3A_52 : i32
    "tpu.region"() ({
      %run_scoped3A_127 = tpu.sem_alloc : memref<!tpu.dma_semaphore, #tpu.memory_space<semaphore_mem>>
      %dma_start3A = arith.constant 0 : i32
      %dma_start3A_128 = arith.constant 0 : i32
      %dma_start3A_129 = tpu.memref_slice %arg7[%arg0, %dma_start3A, %dma_start3A_128] : memref<2x10240x128xf32, #tpu.memory_space<hbm>> -> memref<1x10240x128xf32, #tpu.memory_space<hbm>>
      %dma_start3A_130 = tpu.memref_squeeze %dma_start3A_129 : memref<1x10240x128xf32, #tpu.memory_space<hbm>> -> memref<10240x128xf32, #tpu.memory_space<hbm>>
      %dma_start3A_131 = arith.constant 0 : i32
      %dma_start3A_132 = tpu.memref_slice %dma_start3A_130[%add3A_54, %dma_start3A_131] : memref<10240x128xf32, #tpu.memory_space<hbm>> -> memref<320x128xf32, #tpu.memory_space<hbm>>
      %dma_start3A_133 = arith.constant 0 : i32
      %dma_start3A_134 = tpu.memref_slice %arg13[%mul3A_50, %dma_start3A_133] : memref<6144x128xf32, #tpu.memory_space<vmem_shared>> -> memref<320x128xf32, #tpu.memory_space<vmem_shared>>
      tpu.enqueue_dma source(%dma_start3A_134 : memref<320x128xf32, #tpu.memory_space<vmem_shared>>) target(%dma_start3A_132 : memref<320x128xf32, #tpu.memory_space<hbm>>) target_semaphore(%run_scoped3A_127 : memref<!tpu.dma_semaphore, #tpu.memory_space<semaphore_mem>>)
      %dma_wait3A = arith.constant 0 : i32
      %dma_wait3A_135 = arith.constant 0 : i32
      %dma_wait3A_136 = tpu.memref_slice %arg7[%arg0, %dma_wait3A, %dma_wait3A_135] : memref<2x10240x128xf32, #tpu.memory_space<hbm>> -> memref<1x10240x128xf32, #tpu.memory_space<hbm>>
      %dma_wait3A_137 = tpu.memref_squeeze %dma_wait3A_136 : memref<1x10240x128xf32, #tpu.memory_space<hbm>> -> memref<10240x128xf32, #tpu.memory_space<hbm>>
      %dma_wait3A_138 = arith.constant 0 : i32
      %dma_wait3A_139 = tpu.memref_slice %dma_wait3A_137[%add3A_54, %dma_wait3A_138] : memref<10240x128xf32, #tpu.memory_space<hbm>> -> memref<320x128xf32, #tpu.memory_space<hbm>>
      %dma_wait3A_140 = arith.constant 0 : i32
      %dma_wait3A_141 = tpu.memref_slice %arg13[%mul3A_50, %dma_wait3A_140] : memref<6144x128xf32, #tpu.memory_space<vmem_shared>> -> memref<320x128xf32, #tpu.memory_space<vmem_shared>>
      tpu.wait_dma2 semaphore(%run_scoped3A_127 : memref<!tpu.dma_semaphore, #tpu.memory_space<semaphore_mem>>) src(%dma_wait3A_141 : memref<320x128xf32, #tpu.memory_space<vmem_shared>>) dst(%dma_wait3A_139 : memref<320x128xf32, #tpu.memory_space<hbm>>)
      tpu.yield
    }) : () -> ()
    %barrier3A_55 = arith.constant 0 : index
    tpu.barrier barrier_id(%barrier3A_55)
    %run_scoped3A_56 = arith.constant 1 : i32
    "tpu.region"() ({
      %run_scoped3A_127 = tpu.sem_alloc : memref<!tpu.dma_semaphore, #tpu.memory_space<semaphore_mem>>
      %dma_start3A = arith.constant 0 : i32
      %dma_start3A_128 = arith.constant 0 : i32
      %dma_start3A_129 = arith.constant 0 : i32
      %dma_start3A_130 = arith.constant 0 : i32
      %dma_start3A_131 = tpu.memref_slice %arg3[%arg1, %dma_start3A, %dma_start3A_128, %dma_start3A_129, %dma_start3A_130] : memref<16x2x2x80x128xi32, #tpu.memory_space<hbm>> -> memref<1x2x2x80x128xi32, #tpu.memory_space<hbm>>
      %dma_start3A_132 = tpu.memref_squeeze %dma_start3A_131 : memref<1x2x2x80x128xi32, #tpu.memory_space<hbm>> -> memref<2x2x80x128xi32, #tpu.memory_space<hbm>>
      %dma_start3A_133 = arith.constant 0 : i32
      %dma_start3A_134 = arith.constant 0 : i32
      %dma_start3A_135 = arith.constant 0 : i32
      %dma_start3A_136 = tpu.memref_slice %dma_start3A_132[%run_scoped3A_56, %dma_start3A_133, %dma_start3A_134, %dma_start3A_135] : memref<2x2x80x128xi32, #tpu.memory_space<hbm>> -> memref<1x2x80x128xi32, #tpu.memory_space<hbm>>
      %dma_start3A_137 = tpu.memref_squeeze %dma_start3A_136 : memref<1x2x80x128xi32, #tpu.memory_space<hbm>> -> memref<2x80x128xi32, #tpu.memory_space<hbm>>
      %dma_start3A_138 = arith.constant 0 : i32
      %dma_start3A_139 = arith.constant 0 : i32
      %dma_start3A_140 = tpu.memref_slice %dma_start3A_137[%arg0, %dma_start3A_138, %dma_start3A_139] : memref<2x80x128xi32, #tpu.memory_space<hbm>> -> memref<1x80x128xi32, #tpu.memory_space<hbm>>
      %dma_start3A_141 = tpu.memref_squeeze %dma_start3A_140 : memref<1x80x128xi32, #tpu.memory_space<hbm>> -> memref<80x128xi32, #tpu.memory_space<hbm>>
      %dma_start3A_142 = arith.constant 0 : i32
      %dma_start3A_143 = arith.constant 0 : i32
      %dma_start3A_144 = arith.constant 0 : i32
      %dma_start3A_145 = arith.constant 0 : i32
      %dma_start3A_146 = tpu.memref_slice %arg3[%arg1, %dma_start3A_142, %dma_start3A_143, %dma_start3A_144, %dma_start3A_145] : memref<16x2x2x80x128xi32, #tpu.memory_space<hbm>> -> memref<1x2x2x80x128xi32, #tpu.memory_space<hbm>>
      %dma_start3A_147 = tpu.memref_squeeze %dma_start3A_146 : memref<1x2x2x80x128xi32, #tpu.memory_space<hbm>> -> memref<2x2x80x128xi32, #tpu.memory_space<hbm>>
      %dma_start3A_148 = arith.constant 0 : i32
      %dma_start3A_149 = arith.constant 0 : i32
      %dma_start3A_150 = arith.constant 0 : i32
      %dma_start3A_151 = tpu.memref_slice %dma_start3A_147[%run_scoped3A_56, %dma_start3A_148, %dma_start3A_149, %dma_start3A_150] : memref<2x2x80x128xi32, #tpu.memory_space<hbm>> -> memref<1x2x80x128xi32, #tpu.memory_space<hbm>>
      %dma_start3A_152 = tpu.memref_squeeze %dma_start3A_151 : memref<1x2x80x128xi32, #tpu.memory_space<hbm>> -> memref<2x80x128xi32, #tpu.memory_space<hbm>>
      %dma_start3A_153 = arith.constant 0 : i32
      %dma_start3A_154 = arith.constant 0 : i32
      %dma_start3A_155 = tpu.memref_slice %dma_start3A_152[%arg0, %dma_start3A_153, %dma_start3A_154] : memref<2x80x128xi32, #tpu.memory_space<hbm>> -> memref<1x80x128xi32, #tpu.memory_space<hbm>>
      %dma_start3A_156 = tpu.memref_squeeze %dma_start3A_155 : memref<1x80x128xi32, #tpu.memory_space<hbm>> -> memref<80x128xi32, #tpu.memory_space<hbm>>
      tpu.enqueue_dma source(%dma_start3A_156 : memref<80x128xi32, #tpu.memory_space<hbm>>) target(%arg8 : memref<80x128xi32, #tpu.memory_space<vmem>>) target_semaphore(%run_scoped3A_127 : memref<!tpu.dma_semaphore, #tpu.memory_space<semaphore_mem>>)
      %dma_wait3A = arith.constant 0 : i32
      %dma_wait3A_157 = arith.constant 0 : i32
      %dma_wait3A_158 = arith.constant 0 : i32
      %dma_wait3A_159 = arith.constant 0 : i32
      %dma_wait3A_160 = tpu.memref_slice %arg3[%arg1, %dma_wait3A, %dma_wait3A_157, %dma_wait3A_158, %dma_wait3A_159] : memref<16x2x2x80x128xi32, #tpu.memory_space<hbm>> -> memref<1x2x2x80x128xi32, #tpu.memory_space<hbm>>
      %dma_wait3A_161 = tpu.memref_squeeze %dma_wait3A_160 : memref<1x2x2x80x128xi32, #tpu.memory_space<hbm>> -> memref<2x2x80x128xi32, #tpu.memory_space<hbm>>
      %dma_wait3A_162 = arith.constant 0 : i32
      %dma_wait3A_163 = arith.constant 0 : i32
      %dma_wait3A_164 = arith.constant 0 : i32
      %dma_wait3A_165 = tpu.memref_slice %dma_wait3A_161[%run_scoped3A_56, %dma_wait3A_162, %dma_wait3A_163, %dma_wait3A_164] : memref<2x2x80x128xi32, #tpu.memory_space<hbm>> -> memref<1x2x80x128xi32, #tpu.memory_space<hbm>>
      %dma_wait3A_166 = tpu.memref_squeeze %dma_wait3A_165 : memref<1x2x80x128xi32, #tpu.memory_space<hbm>> -> memref<2x80x128xi32, #tpu.memory_space<hbm>>
      %dma_wait3A_167 = arith.constant 0 : i32
      %dma_wait3A_168 = arith.constant 0 : i32
      %dma_wait3A_169 = tpu.memref_slice %dma_wait3A_166[%arg0, %dma_wait3A_167, %dma_wait3A_168] : memref<2x80x128xi32, #tpu.memory_space<hbm>> -> memref<1x80x128xi32, #tpu.memory_space<hbm>>
      %dma_wait3A_170 = tpu.memref_squeeze %dma_wait3A_169 : memref<1x80x128xi32, #tpu.memory_space<hbm>> -> memref<80x128xi32, #tpu.memory_space<hbm>>
      %dma_wait3A_171 = arith.constant 0 : i32
      %dma_wait3A_172 = arith.constant 0 : i32
      %dma_wait3A_173 = arith.constant 0 : i32
      %dma_wait3A_174 = arith.constant 0 : i32
      %dma_wait3A_175 = tpu.memref_slice %arg3[%arg1, %dma_wait3A_171, %dma_wait3A_172, %dma_wait3A_173, %dma_wait3A_174] : memref<16x2x2x80x128xi32, #tpu.memory_space<hbm>> -> memref<1x2x2x80x128xi32, #tpu.memory_space<hbm>>
      %dma_wait3A_176 = tpu.memref_squeeze %dma_wait3A_175 : memref<1x2x2x80x128xi32, #tpu.memory_space<hbm>> -> memref<2x2x80x128xi32, #tpu.memory_space<hbm>>
      %dma_wait3A_177 = arith.constant 0 : i32
      %dma_wait3A_178 = arith.constant 0 : i32
      %dma_wait3A_179 = arith.constant 0 : i32
      %dma_wait3A_180 = tpu.memref_slice %dma_wait3A_176[%run_scoped3A_56, %dma_wait3A_177, %dma_wait3A_178, %dma_wait3A_179] : memref<2x2x80x128xi32, #tpu.memory_space<hbm>> -> memref<1x2x80x128xi32, #tpu.memory_space<hbm>>
      %dma_wait3A_181 = tpu.memref_squeeze %dma_wait3A_180 : memref<1x2x80x128xi32, #tpu.memory_space<hbm>> -> memref<2x80x128xi32, #tpu.memory_space<hbm>>
      %dma_wait3A_182 = arith.constant 0 : i32
      %dma_wait3A_183 = arith.constant 0 : i32
      %dma_wait3A_184 = tpu.memref_slice %dma_wait3A_181[%arg0, %dma_wait3A_182, %dma_wait3A_183] : memref<2x80x128xi32, #tpu.memory_space<hbm>> -> memref<1x80x128xi32, #tpu.memory_space<hbm>>
      %dma_wait3A_185 = tpu.memref_squeeze %dma_wait3A_184 : memref<1x80x128xi32, #tpu.memory_space<hbm>> -> memref<80x128xi32, #tpu.memory_space<hbm>>
      tpu.wait_dma2 semaphore(%run_scoped3A_127 : memref<!tpu.dma_semaphore, #tpu.memory_space<semaphore_mem>>) src(%dma_wait3A_185 : memref<80x128xi32, #tpu.memory_space<hbm>>) dst(%arg8 : memref<80x128xi32, #tpu.memory_space<vmem>>)
      tpu.yield
    }) : () -> ()
    %run_scoped3A_57 = arith.constant 1 : i32
    "tpu.region"() ({
      %run_scoped3A_127 = tpu.sem_alloc : memref<!tpu.dma_semaphore, #tpu.memory_space<semaphore_mem>>
      %dma_start3A = arith.constant 0 : i32
      %dma_start3A_128 = arith.constant 0 : i32
      %dma_start3A_129 = arith.constant 0 : i32
      %dma_start3A_130 = tpu.memref_slice %arg4[%arg1, %dma_start3A, %dma_start3A_128, %dma_start3A_129] : memref<16x2x80x128xi32, #tpu.memory_space<hbm>> -> memref<1x2x80x128xi32, #tpu.memory_space<hbm>>
      %dma_start3A_131 = tpu.memref_squeeze %dma_start3A_130 : memref<1x2x80x128xi32, #tpu.memory_space<hbm>> -> memref<2x80x128xi32, #tpu.memory_space<hbm>>
      %dma_start3A_132 = arith.constant 0 : i32
      %dma_start3A_133 = arith.constant 0 : i32
      %dma_start3A_134 = tpu.memref_slice %dma_start3A_131[%run_scoped3A_57, %dma_start3A_132, %dma_start3A_133] : memref<2x80x128xi32, #tpu.memory_space<hbm>> -> memref<1x80x128xi32, #tpu.memory_space<hbm>>
      %dma_start3A_135 = tpu.memref_squeeze %dma_start3A_134 : memref<1x80x128xi32, #tpu.memory_space<hbm>> -> memref<80x128xi32, #tpu.memory_space<hbm>>
      %dma_start3A_136 = arith.constant 0 : i32
      %dma_start3A_137 = arith.constant 0 : i32
      %dma_start3A_138 = arith.constant 0 : i32
      %dma_start3A_139 = tpu.memref_slice %arg4[%arg1, %dma_start3A_136, %dma_start3A_137, %dma_start3A_138] : memref<16x2x80x128xi32, #tpu.memory_space<hbm>> -> memref<1x2x80x128xi32, #tpu.memory_space<hbm>>
      %dma_start3A_140 = tpu.memref_squeeze %dma_start3A_139 : memref<1x2x80x128xi32, #tpu.memory_space<hbm>> -> memref<2x80x128xi32, #tpu.memory_space<hbm>>
      %dma_start3A_141 = arith.constant 0 : i32
      %dma_start3A_142 = arith.constant 0 : i32
      %dma_start3A_143 = tpu.memref_slice %dma_start3A_140[%run_scoped3A_57, %dma_start3A_141, %dma_start3A_142] : memref<2x80x128xi32, #tpu.memory_space<hbm>> -> memref<1x80x128xi32, #tpu.memory_space<hbm>>
      %dma_start3A_144 = tpu.memref_squeeze %dma_start3A_143 : memref<1x80x128xi32, #tpu.memory_space<hbm>> -> memref<80x128xi32, #tpu.memory_space<hbm>>
      tpu.enqueue_dma source(%dma_start3A_144 : memref<80x128xi32, #tpu.memory_space<hbm>>) target(%arg9 : memref<80x128xi32, #tpu.memory_space<vmem>>) target_semaphore(%run_scoped3A_127 : memref<!tpu.dma_semaphore, #tpu.memory_space<semaphore_mem>>)
      %dma_wait3A = arith.constant 0 : i32
      %dma_wait3A_145 = arith.constant 0 : i32
      %dma_wait3A_146 = arith.constant 0 : i32
      %dma_wait3A_147 = tpu.memref_slice %arg4[%arg1, %dma_wait3A, %dma_wait3A_145, %dma_wait3A_146] : memref<16x2x80x128xi32, #tpu.memory_space<hbm>> -> memref<1x2x80x128xi32, #tpu.memory_space<hbm>>
      %dma_wait3A_148 = tpu.memref_squeeze %dma_wait3A_147 : memref<1x2x80x128xi32, #tpu.memory_space<hbm>> -> memref<2x80x128xi32, #tpu.memory_space<hbm>>
      %dma_wait3A_149 = arith.constant 0 : i32
      %dma_wait3A_150 = arith.constant 0 : i32
      %dma_wait3A_151 = tpu.memref_slice %dma_wait3A_148[%run_scoped3A_57, %dma_wait3A_149, %dma_wait3A_150] : memref<2x80x128xi32, #tpu.memory_space<hbm>> -> memref<1x80x128xi32, #tpu.memory_space<hbm>>
      %dma_wait3A_152 = tpu.memref_squeeze %dma_wait3A_151 : memref<1x80x128xi32, #tpu.memory_space<hbm>> -> memref<80x128xi32, #tpu.memory_space<hbm>>
      %dma_wait3A_153 = arith.constant 0 : i32
      %dma_wait3A_154 = arith.constant 0 : i32
      %dma_wait3A_155 = arith.constant 0 : i32
      %dma_wait3A_156 = tpu.memref_slice %arg4[%arg1, %dma_wait3A_153, %dma_wait3A_154, %dma_wait3A_155] : memref<16x2x80x128xi32, #tpu.memory_space<hbm>> -> memref<1x2x80x128xi32, #tpu.memory_space<hbm>>
      %dma_wait3A_157 = tpu.memref_squeeze %dma_wait3A_156 : memref<1x2x80x128xi32, #tpu.memory_space<hbm>> -> memref<2x80x128xi32, #tpu.memory_space<hbm>>
      %dma_wait3A_158 = arith.constant 0 : i32
      %dma_wait3A_159 = arith.constant 0 : i32
      %dma_wait3A_160 = tpu.memref_slice %dma_wait3A_157[%run_scoped3A_57, %dma_wait3A_158, %dma_wait3A_159] : memref<2x80x128xi32, #tpu.memory_space<hbm>> -> memref<1x80x128xi32, #tpu.memory_space<hbm>>
      %dma_wait3A_161 = tpu.memref_squeeze %dma_wait3A_160 : memref<1x80x128xi32, #tpu.memory_space<hbm>> -> memref<80x128xi32, #tpu.memory_space<hbm>>
      tpu.wait_dma2 semaphore(%run_scoped3A_127 : memref<!tpu.dma_semaphore, #tpu.memory_space<semaphore_mem>>) src(%dma_wait3A_161 : memref<80x128xi32, #tpu.memory_space<hbm>>) dst(%arg9 : memref<80x128xi32, #tpu.memory_space<vmem>>)
      tpu.yield
    }) : () -> ()
    %mul3A_58 = arith.constant 384 : i32
    %mul3A_59 = arith.muli %arg1, %mul3A_58 : i32
    %add3A_60 = arith.constant 0 : i32
    %add3A_61 = arith.addi %mul3A_59, %add3A_60 : i32
    "tpu.region"() ({
      %run_scoped3A_127 = tpu.sem_alloc : memref<!tpu.dma_semaphore, #tpu.memory_space<semaphore_mem>>
      %dma_start3A = arith.constant 0 : i32
      %dma_start3A_128 = tpu.memref_slice %arg13[%add3A_61, %dma_start3A] : memref<6144x128xf32, #tpu.memory_space<vmem_shared>> -> memref<128x128xf32, #tpu.memory_space<vmem_shared>>
      %dma_start3A_129 = arith.constant 0 : i32
      %dma_start3A_130 = tpu.memref_slice %arg13[%add3A_61, %dma_start3A_129] : memref<6144x128xf32, #tpu.memory_space<vmem_shared>> -> memref<128x128xf32, #tpu.memory_space<vmem_shared>>
      tpu.enqueue_dma source(%arg11 : memref<128x128xf32, #tpu.memory_space<vmem>>) target(%dma_start3A_130 : memref<128x128xf32, #tpu.memory_space<vmem_shared>>) target_semaphore(%run_scoped3A_127 : memref<!tpu.dma_semaphore, #tpu.memory_space<semaphore_mem>>)
      %dma_wait3A = arith.constant 0 : i32
      %dma_wait3A_131 = tpu.memref_slice %arg13[%add3A_61, %dma_wait3A] : memref<6144x128xf32, #tpu.memory_space<vmem_shared>> -> memref<128x128xf32, #tpu.memory_space<vmem_shared>>
      %dma_wait3A_132 = arith.constant 0 : i32
      %dma_wait3A_133 = tpu.memref_slice %arg13[%add3A_61, %dma_wait3A_132] : memref<6144x128xf32, #tpu.memory_space<vmem_shared>> -> memref<128x128xf32, #tpu.memory_space<vmem_shared>>
      tpu.wait_dma2 semaphore(%run_scoped3A_127 : memref<!tpu.dma_semaphore, #tpu.memory_space<semaphore_mem>>) src(%arg11 : memref<128x128xf32, #tpu.memory_space<vmem>>) dst(%dma_wait3A_133 : memref<128x128xf32, #tpu.memory_space<vmem_shared>>)
      tpu.yield
    }) : () -> ()
    %mul3A_62 = arith.constant 384 : i32
    %mul3A_63 = arith.muli %arg1, %mul3A_62 : i32
    %add3A_64 = arith.constant 128 : i32
    %add3A_65 = arith.addi %mul3A_63, %add3A_64 : i32
    "tpu.region"() ({
      %run_scoped3A_127 = tpu.sem_alloc : memref<!tpu.dma_semaphore, #tpu.memory_space<semaphore_mem>>
      %dma_start3A = arith.constant 0 : i32
      %dma_start3A_128 = tpu.memref_slice %arg13[%add3A_65, %dma_start3A] : memref<6144x128xf32, #tpu.memory_space<vmem_shared>> -> memref<128x128xf32, #tpu.memory_space<vmem_shared>>
      %dma_start3A_129 = arith.constant 0 : i32
      %dma_start3A_130 = tpu.memref_slice %arg13[%add3A_65, %dma_start3A_129] : memref<6144x128xf32, #tpu.memory_space<vmem_shared>> -> memref<128x128xf32, #tpu.memory_space<vmem_shared>>
      tpu.enqueue_dma source(%arg11 : memref<128x128xf32, #tpu.memory_space<vmem>>) target(%dma_start3A_130 : memref<128x128xf32, #tpu.memory_space<vmem_shared>>) target_semaphore(%run_scoped3A_127 : memref<!tpu.dma_semaphore, #tpu.memory_space<semaphore_mem>>)
      %dma_wait3A = arith.constant 0 : i32
      %dma_wait3A_131 = tpu.memref_slice %arg13[%add3A_65, %dma_wait3A] : memref<6144x128xf32, #tpu.memory_space<vmem_shared>> -> memref<128x128xf32, #tpu.memory_space<vmem_shared>>
      %dma_wait3A_132 = arith.constant 0 : i32
      %dma_wait3A_133 = tpu.memref_slice %arg13[%add3A_65, %dma_wait3A_132] : memref<6144x128xf32, #tpu.memory_space<vmem_shared>> -> memref<128x128xf32, #tpu.memory_space<vmem_shared>>
      tpu.wait_dma2 semaphore(%run_scoped3A_127 : memref<!tpu.dma_semaphore, #tpu.memory_space<semaphore_mem>>) src(%arg11 : memref<128x128xf32, #tpu.memory_space<vmem>>) dst(%dma_wait3A_133 : memref<128x128xf32, #tpu.memory_space<vmem_shared>>)
      tpu.yield
    }) : () -> ()
    %mul3A_66 = arith.constant 384 : i32
    %mul3A_67 = arith.muli %arg1, %mul3A_66 : i32
    %add3A_68 = arith.constant 256 : i32
    %add3A_69 = arith.addi %mul3A_67, %add3A_68 : i32
    "tpu.region"() ({
      %run_scoped3A_127 = tpu.sem_alloc : memref<!tpu.dma_semaphore, #tpu.memory_space<semaphore_mem>>
      %dma_start3A = arith.constant 0 : i32
      %dma_start3A_128 = tpu.memref_slice %arg13[%add3A_69, %dma_start3A] : memref<6144x128xf32, #tpu.memory_space<vmem_shared>> -> memref<128x128xf32, #tpu.memory_space<vmem_shared>>
      %dma_start3A_129 = arith.constant 0 : i32
      %dma_start3A_130 = tpu.memref_slice %arg13[%add3A_69, %dma_start3A_129] : memref<6144x128xf32, #tpu.memory_space<vmem_shared>> -> memref<128x128xf32, #tpu.memory_space<vmem_shared>>
      tpu.enqueue_dma source(%arg11 : memref<128x128xf32, #tpu.memory_space<vmem>>) target(%dma_start3A_130 : memref<128x128xf32, #tpu.memory_space<vmem_shared>>) target_semaphore(%run_scoped3A_127 : memref<!tpu.dma_semaphore, #tpu.memory_space<semaphore_mem>>)
      %dma_wait3A = arith.constant 0 : i32
      %dma_wait3A_131 = tpu.memref_slice %arg13[%add3A_69, %dma_wait3A] : memref<6144x128xf32, #tpu.memory_space<vmem_shared>> -> memref<128x128xf32, #tpu.memory_space<vmem_shared>>
      %dma_wait3A_132 = arith.constant 0 : i32
      %dma_wait3A_133 = tpu.memref_slice %arg13[%add3A_69, %dma_wait3A_132] : memref<6144x128xf32, #tpu.memory_space<vmem_shared>> -> memref<128x128xf32, #tpu.memory_space<vmem_shared>>
      tpu.wait_dma2 semaphore(%run_scoped3A_127 : memref<!tpu.dma_semaphore, #tpu.memory_space<semaphore_mem>>) src(%arg11 : memref<128x128xf32, #tpu.memory_space<vmem>>) dst(%dma_wait3A_133 : memref<128x128xf32, #tpu.memory_space<vmem_shared>>)
      tpu.yield
    }) : () -> ()
    %barrier3A_70 = arith.constant 0 : index
    tpu.barrier barrier_id(%barrier3A_70)
    %get3A_71 = arith.constant 16 : index
    %get3A_72 = tpu.vector_load %arg12[%get3A_71] {strides = array<i32>} : memref<32xi32, #tpu.memory_space<vmem>>, vector<16xi32>,
    %reduce_max3A_73 = arith.constant true
    %reduce_max3A_74 = vector.broadcast %reduce_max3A_73 : i1 to vector<16xi1>
    %reduce_max3A_75 = arith.constant -2147483648 : i32
    %reduce_max3A_76 = vector.broadcast %reduce_max3A_75 : i32 to vector<16xi32>
    %reduce_max3A_77 = arith.xori %get3A_72, %reduce_max3A_76 : vector<16xi32>
    %reduce_max3A_78 = tpu.scan <max>, %reduce_max3A_77 masked %reduce_max3A_74 : vector<16xi32>, vector<16xi1> -> vector<16xi32>
    %reduce_max3A_79 = arith.xori %reduce_max3A_78, %reduce_max3A_76 : vector<16xi32>
    %reduce_max3A_80 = vector.extract %reduce_max3A_79[15] : i32 from vector<16xi32>
    %add3A_81 = arith.constant 128 : i32
    %add3A_82 = arith.addi %reduce_max3A_80, %add3A_81 : i32
    %sub3A_83 = arith.constant 1 : i32
    %sub3A_84 = arith.subi %add3A_82, %sub3A_83 : i32
    %jit3A_85 = arith.constant 128 : i32
    %div3A_86 = arith.divsi %sub3A_84, %jit3A_85 : i32
    %sign3A_87 = arith.constant 0 : i32
    %sign3A_88 = arith.cmpi sgt, %sub3A_84, %sign3A_87 : i32
    %sign3A_89 = arith.extui %sign3A_88 : i1 to i32
    %sign3A_90 = arith.constant 0 : i32
    %sign3A_91 = arith.cmpi slt, %sub3A_84, %sign3A_90 : i32
    %sign3A_92 = arith.extui %sign3A_91 : i1 to i32
    %sign3A_93 = arith.subi %sign3A_89, %sign3A_92 : i32
    %sign3A_94 = arith.constant 0 : i32
    %sign3A_95 = arith.cmpi sgt, %jit3A_85, %sign3A_94 : i32
    %sign3A_96 = arith.extui %sign3A_95 : i1 to i32
    %sign3A_97 = arith.constant 0 : i32
    %sign3A_98 = arith.cmpi slt, %jit3A_85, %sign3A_97 : i32
    %sign3A_99 = arith.extui %sign3A_98 : i1 to i32
    %sign3A_100 = arith.subi %sign3A_96, %sign3A_99 : i32
    %ne3A_101 = arith.cmpi ne, %sign3A_93, %sign3A_100 : i32
    %rem3A_102 = arith.remsi %sub3A_84, %jit3A_85 : i32
    %ne3A_103 = arith.constant 0 : i32
    %ne3A_104 = arith.cmpi ne, %rem3A_102, %ne3A_103 : i32
    %and3A_105 = arith.andi %ne3A_101, %ne3A_104 : i1
    %sub3A_106 = arith.constant 1 : i32
    %sub3A_107 = arith.subi %div3A_86, %sub3A_106 : i32
    %select_n3A_108 = arith.select %and3A_105, %sub3A_107, %div3A_86 : i32
    %while3A_109 = arith.constant 0 : i32
    %while3A_110 = arith.constant 0 : i32
    %while3A_111 = arith.subi %select_n3A_108, %while3A_110 : i32
    %while3A_112 = arith.addi %while3A_110, %while3A_111 : i32
    %while3A_113 = arith.constant 1 : i32
    %while3A_114 = arith.divsi %while3A_111, %while3A_113 : i32
    %while3A_115 = arith.muli %while3A_114, %while3A_113 : i32
    %while3A_116 = arith.addi %while3A_110, %while3A_115 : i32
    %while3A_117 = arith.constant 1 : i32
    scf.for %while3A_127 = %while3A_110 to %while3A_116 step %while3A_117  : i32 {
      "tpu.region"() ({
        %run_scoped3A_128 = tpu.sem_alloc : memref<!tpu.dma_semaphore, #tpu.memory_space<semaphore_mem>>
        %dma_start3A = arith.constant 0 : i32
        %dma_start3A_129 = tpu.memref_slice %arg8[%while3A_127, %dma_start3A] : memref<80x128xi32, #tpu.memory_space<vmem>> -> memref<1x128xi32, #tpu.memory_space<vmem>>
        %dma_start3A_130 = tpu.memref_squeeze %dma_start3A_129 : memref<1x128xi32, #tpu.memory_space<vmem>> -> memref<128xi32, #tpu.memory_space<vmem>>
        %dma_start3A_131 = arith.constant 0 : i32
        %dma_start3A_132 = arith.constant 0 : i32
        %dma_start3A_133 = tpu.memref_slice %arg2[%dma_start3A_131, %dma_start3A_132] : memref<20480x128xf32, #tpu.memory_space<hbm>> -> memref<20480x128xf32, #tpu.memory_space<hbm>>
        tpu.enqueue_indirect_dma source(%dma_start3A_133 : memref<20480x128xf32, #tpu.memory_space<hbm>>) target(%arg10 : memref<128x128xf32, #tpu.memory_space<vmem>>) offsets(%dma_start3A_130 : memref<128xi32, #tpu.memory_space<vmem>>) semaphore(%run_scoped3A_128 : memref<!tpu.dma_semaphore, #tpu.memory_space<semaphore_mem>>)
        %dma_wait3A = arith.constant 0 : i32
        %dma_wait3A_134 = tpu.memref_slice %arg8[%while3A_127, %dma_wait3A] : memref<80x128xi32, #tpu.memory_space<vmem>> -> memref<1x128xi32, #tpu.memory_space<vmem>>
        %dma_wait3A_135 = tpu.memref_squeeze %dma_wait3A_134 : memref<1x128xi32, #tpu.memory_space<vmem>> -> memref<128xi32, #tpu.memory_space<vmem>>
        %dma_wait3A_136 = arith.constant 0 : i32
        %dma_wait3A_137 = arith.constant 0 : i32
        %dma_wait3A_138 = tpu.memref_slice %arg2[%dma_wait3A_136, %dma_wait3A_137] : memref<20480x128xf32, #tpu.memory_space<hbm>> -> memref<20480x128xf32, #tpu.memory_space<hbm>>
        tpu.wait_indirect_dma semaphore(%run_scoped3A_128 : memref<!tpu.dma_semaphore, #tpu.memory_space<semaphore_mem>>) src(%dma_wait3A_138 : memref<20480x128xf32, #tpu.memory_space<hbm>>) dst(%arg10 : memref<128x128xf32, #tpu.memory_space<vmem>>)
        tpu.yield
      }) : () -> ()
      "tpu.region"() ({
        %run_scoped3A_128 = tpu.sem_alloc : memref<!tpu.dma_semaphore, #tpu.memory_space<semaphore_mem>>
        %dma_start3A = arith.constant 0 : i32
        %dma_start3A_129 = tpu.memref_slice %arg9[%while3A_127, %dma_start3A] : memref<80x128xi32, #tpu.memory_space<vmem>> -> memref<1x128xi32, #tpu.memory_space<vmem>>
        %dma_start3A_130 = tpu.memref_squeeze %dma_start3A_129 : memref<1x128xi32, #tpu.memory_space<vmem>> -> memref<128xi32, #tpu.memory_space<vmem>>
        %dma_start3A_131 = arith.constant 0 : i32
        %dma_start3A_132 = arith.constant 0 : i32
        %dma_start3A_133 = tpu.memref_slice %arg13[%dma_start3A_131, %dma_start3A_132] : memref<6144x128xf32, #tpu.memory_space<vmem_shared>> -> memref<6144x128xf32, #tpu.memory_space<vmem_shared>>
        tpu.enqueue_indirect_dma source(%arg10 : memref<128x128xf32, #tpu.memory_space<vmem>>) target(%dma_start3A_133 : memref<6144x128xf32, #tpu.memory_space<vmem_shared>>) offsets(%dma_start3A_130 : memref<128xi32, #tpu.memory_space<vmem>>) semaphore(%run_scoped3A_128 : memref<!tpu.dma_semaphore, #tpu.memory_space<semaphore_mem>>) {add = true}
        %dma_wait3A = arith.constant 0 : i32
        %dma_wait3A_134 = tpu.memref_slice %arg9[%while3A_127, %dma_wait3A] : memref<80x128xi32, #tpu.memory_space<vmem>> -> memref<1x128xi32, #tpu.memory_space<vmem>>
        %dma_wait3A_135 = tpu.memref_squeeze %dma_wait3A_134 : memref<1x128xi32, #tpu.memory_space<vmem>> -> memref<128xi32, #tpu.memory_space<vmem>>
        %dma_wait3A_136 = arith.constant 0 : i32
        %dma_wait3A_137 = arith.constant 0 : i32
        %dma_wait3A_138 = tpu.memref_slice %arg13[%dma_wait3A_136, %dma_wait3A_137] : memref<6144x128xf32, #tpu.memory_space<vmem_shared>> -> memref<6144x128xf32, #tpu.memory_space<vmem_shared>>
        tpu.wait_indirect_dma semaphore(%run_scoped3A_128 : memref<!tpu.dma_semaphore, #tpu.memory_space<semaphore_mem>>) src(%arg10 : memref<128x128xf32, #tpu.memory_space<vmem>>) dst(%dma_wait3A_138 : memref<6144x128xf32, #tpu.memory_space<vmem_shared>>)
        tpu.yield
      }) : () -> ()
    }
    %while3A_118 = arith.constant 1 : i32
    scf.for %while3A_127 = %while3A_116 to %while3A_112 step %while3A_118  : i32 {
      "tpu.region"() ({
        %run_scoped3A_128 = tpu.sem_alloc : memref<!tpu.dma_semaphore, #tpu.memory_space<semaphore_mem>>
        %dma_start3A = arith.constant 0 : i32
        %dma_start3A_129 = tpu.memref_slice %arg8[%while3A_127, %dma_start3A] : memref<80x128xi32, #tpu.memory_space<vmem>> -> memref<1x128xi32, #tpu.memory_space<vmem>>
        %dma_start3A_130 = tpu.memref_squeeze %dma_start3A_129 : memref<1x128xi32, #tpu.memory_space<vmem>> -> memref<128xi32, #tpu.memory_space<vmem>>
        %dma_start3A_131 = arith.constant 0 : i32
        %dma_start3A_132 = arith.constant 0 : i32
        %dma_start3A_133 = tpu.memref_slice %arg2[%dma_start3A_131, %dma_start3A_132] : memref<20480x128xf32, #tpu.memory_space<hbm>> -> memref<20480x128xf32, #tpu.memory_space<hbm>>
        tpu.enqueue_indirect_dma source(%dma_start3A_133 : memref<20480x128xf32, #tpu.memory_space<hbm>>) target(%arg10 : memref<128x128xf32, #tpu.memory_space<vmem>>) offsets(%dma_start3A_130 : memref<128xi32, #tpu.memory_space<vmem>>) semaphore(%run_scoped3A_128 : memref<!tpu.dma_semaphore, #tpu.memory_space<semaphore_mem>>)
        %dma_wait3A = arith.constant 0 : i32
        %dma_wait3A_134 = tpu.memref_slice %arg8[%while3A_127, %dma_wait3A] : memref<80x128xi32, #tpu.memory_space<vmem>> -> memref<1x128xi32, #tpu.memory_space<vmem>>
        %dma_wait3A_135 = tpu.memref_squeeze %dma_wait3A_134 : memref<1x128xi32, #tpu.memory_space<vmem>> -> memref<128xi32, #tpu.memory_space<vmem>>
        %dma_wait3A_136 = arith.constant 0 : i32
        %dma_wait3A_137 = arith.constant 0 : i32
        %dma_wait3A_138 = tpu.memref_slice %arg2[%dma_wait3A_136, %dma_wait3A_137] : memref<20480x128xf32, #tpu.memory_space<hbm>> -> memref<20480x128xf32, #tpu.memory_space<hbm>>
        tpu.wait_indirect_dma semaphore(%run_scoped3A_128 : memref<!tpu.dma_semaphore, #tpu.memory_space<semaphore_mem>>) src(%dma_wait3A_138 : memref<20480x128xf32, #tpu.memory_space<hbm>>) dst(%arg10 : memref<128x128xf32, #tpu.memory_space<vmem>>)
        tpu.yield
      }) : () -> ()
      "tpu.region"() ({
        %run_scoped3A_128 = tpu.sem_alloc : memref<!tpu.dma_semaphore, #tpu.memory_space<semaphore_mem>>
        %dma_start3A = arith.constant 0 : i32
        %dma_start3A_129 = tpu.memref_slice %arg9[%while3A_127, %dma_start3A] : memref<80x128xi32, #tpu.memory_space<vmem>> -> memref<1x128xi32, #tpu.memory_space<vmem>>
        %dma_start3A_130 = tpu.memref_squeeze %dma_start3A_129 : memref<1x128xi32, #tpu.memory_space<vmem>> -> memref<128xi32, #tpu.memory_space<vmem>>
        %dma_start3A_131 = arith.constant 0 : i32
        %dma_start3A_132 = arith.constant 0 : i32
        %dma_start3A_133 = tpu.memref_slice %arg13[%dma_start3A_131, %dma_start3A_132] : memref<6144x128xf32, #tpu.memory_space<vmem_shared>> -> memref<6144x128xf32, #tpu.memory_space<vmem_shared>>
        tpu.enqueue_indirect_dma source(%arg10 : memref<128x128xf32, #tpu.memory_space<vmem>>) target(%dma_start3A_133 : memref<6144x128xf32, #tpu.memory_space<vmem_shared>>) offsets(%dma_start3A_130 : memref<128xi32, #tpu.memory_space<vmem>>) semaphore(%run_scoped3A_128 : memref<!tpu.dma_semaphore, #tpu.memory_space<semaphore_mem>>) {add = true}
        %dma_wait3A = arith.constant 0 : i32
        %dma_wait3A_134 = tpu.memref_slice %arg9[%while3A_127, %dma_wait3A] : memref<80x128xi32, #tpu.memory_space<vmem>> -> memref<1x128xi32, #tpu.memory_space<vmem>>
        %dma_wait3A_135 = tpu.memref_squeeze %dma_wait3A_134 : memref<1x128xi32, #tpu.memory_space<vmem>> -> memref<128xi32, #tpu.memory_space<vmem>>
        %dma_wait3A_136 = arith.constant 0 : i32
        %dma_wait3A_137 = arith.constant 0 : i32
        %dma_wait3A_138 = tpu.memref_slice %arg13[%dma_wait3A_136, %dma_wait3A_137] : memref<6144x128xf32, #tpu.memory_space<vmem_shared>> -> memref<6144x128xf32, #tpu.memory_space<vmem_shared>>
        tpu.wait_indirect_dma semaphore(%run_scoped3A_128 : memref<!tpu.dma_semaphore, #tpu.memory_space<semaphore_mem>>) src(%arg10 : memref<128x128xf32, #tpu.memory_space<vmem>>) dst(%dma_wait3A_138 : memref<6144x128xf32, #tpu.memory_space<vmem_shared>>)
        tpu.yield
      }) : () -> ()
    }
    %barrier3A_119 = arith.constant 0 : index
    tpu.barrier barrier_id(%barrier3A_119)
    %mul3A_120 = arith.constant 320 : i32
    %mul3A_121 = arith.muli %arg1, %mul3A_120 : i32
    %mul3A_122 = arith.constant 320 : i32
    %mul3A_123 = arith.muli %arg1, %mul3A_122 : i32
    %add3A_124 = arith.constant 5120 : i32
    %add3A_125 = arith.addi %add3A_124, %mul3A_123 : i32
    "tpu.region"() ({
      %run_scoped3A_127 = tpu.sem_alloc : memref<!tpu.dma_semaphore, #tpu.memory_space<semaphore_mem>>
      %dma_start3A = arith.constant 0 : i32
      %dma_start3A_128 = arith.constant 0 : i32
      %dma_start3A_129 = tpu.memref_slice %arg7[%arg0, %dma_start3A, %dma_start3A_128] : memref<2x10240x128xf32, #tpu.memory_space<hbm>> -> memref<1x10240x128xf32, #tpu.memory_space<hbm>>
      %dma_start3A_130 = tpu.memref_squeeze %dma_start3A_129 : memref<1x10240x128xf32, #tpu.memory_space<hbm>> -> memref<10240x128xf32, #tpu.memory_space<hbm>>
      %dma_start3A_131 = arith.constant 0 : i32
      %dma_start3A_132 = tpu.memref_slice %dma_start3A_130[%add3A_125, %dma_start3A_131] : memref<10240x128xf32, #tpu.memory_space<hbm>> -> memref<320x128xf32, #tpu.memory_space<hbm>>
      %dma_start3A_133 = arith.constant 0 : i32
      %dma_start3A_134 = tpu.memref_slice %arg13[%mul3A_121, %dma_start3A_133] : memref<6144x128xf32, #tpu.memory_space<vmem_shared>> -> memref<320x128xf32, #tpu.memory_space<vmem_shared>>
      tpu.enqueue_dma source(%dma_start3A_134 : memref<320x128xf32, #tpu.memory_space<vmem_shared>>) target(%dma_start3A_132 : memref<320x128xf32, #tpu.memory_space<hbm>>) target_semaphore(%run_scoped3A_127 : memref<!tpu.dma_semaphore, #tpu.memory_space<semaphore_mem>>)
      %dma_wait3A = arith.constant 0 : i32
      %dma_wait3A_135 = arith.constant 0 : i32
      %dma_wait3A_136 = tpu.memref_slice %arg7[%arg0, %dma_wait3A, %dma_wait3A_135] : memref<2x10240x128xf32, #tpu.memory_space<hbm>> -> memref<1x10240x128xf32, #tpu.memory_space<hbm>>
      %dma_wait3A_137 = tpu.memref_squeeze %dma_wait3A_136 : memref<1x10240x128xf32, #tpu.memory_space<hbm>> -> memref<10240x128xf32, #tpu.memory_space<hbm>>
      %dma_wait3A_138 = arith.constant 0 : i32
      %dma_wait3A_139 = tpu.memref_slice %dma_wait3A_137[%add3A_125, %dma_wait3A_138] : memref<10240x128xf32, #tpu.memory_space<hbm>> -> memref<320x128xf32, #tpu.memory_space<hbm>>
      %dma_wait3A_140 = arith.constant 0 : i32
      %dma_wait3A_141 = tpu.memref_slice %arg13[%mul3A_121, %dma_wait3A_140] : memref<6144x128xf32, #tpu.memory_space<vmem_shared>> -> memref<320x128xf32, #tpu.memory_space<vmem_shared>>
      tpu.wait_dma2 semaphore(%run_scoped3A_127 : memref<!tpu.dma_semaphore, #tpu.memory_space<semaphore_mem>>) src(%dma_wait3A_141 : memref<320x128xf32, #tpu.memory_space<vmem_shared>>) dst(%dma_wait3A_139 : memref<320x128xf32, #tpu.memory_space<hbm>>)
      tpu.yield
    }) : () -> ()
    %barrier3A_126 = arith.constant 0 : index
    tpu.barrier barrier_id(%barrier3A_126)
    return
  }
}

module attributes {stable_mosaic.version = 14 : i64} {
  func.func @_mm2_body(%arg0: i32, %arg1: i32, %arg2: memref<2x256x128xf32, #tpu.memory_space<vmem>>, %arg3: memref<2x256x128xf32, #tpu.memory_space<vmem>>, %arg4: memref<256x128xf32, #tpu.memory_space<vmem>>, %arg5: memref<1x256xf32, #tpu.memory_space<vmem>>, %arg6: memref<256x128xf32, #tpu.memory_space<vmem>>, %arg7: memref<1x256x128xf32, #tpu.memory_space<vmem>>) attributes {dimension_semantics = [#tpu.dimension_semantics<arbitrary>, #tpu.dimension_semantics<arbitrary>], iteration_bounds = array<i64: 40, 2>, scalar_prefetch = 0 : i64, scratch_operands = 0 : i64, tpu.core_type = #tpu.core_type<tc>, window_params = [{transform_indices = @transform_0, window_bounds = array<i64: 2, 256, 128>}, {transform_indices = @transform_1, window_bounds = array<i64: 2, 256, 128>}, {transform_indices = @transform_2, window_bounds = array<i64: 256, 128>}, {pipeline_mode = #tpu.pipeline_mode<synchronous>, transform_indices = @transform_3, window_bounds = array<i64: 1, 256>}, {transform_indices = @transform_4, window_bounds = array<i64: 256, 128>}, {transform_indices = @transform_5, window_bounds = array<i64: 1, 256, 128>}]} {
    %get3A = arith.constant 0 : index
    %get3A_0 = arith.constant 0 : index
    %get3A_1 = vector.load %arg4[%get3A, %get3A_0] : memref<256x128xf32, #tpu.memory_space<vmem>>, vector<256x1xf32>
    %add3A = arith.constant 1.000000e+00 : f32
    %add3A_2 = vector.broadcast %add3A : f32 to vector<256x1xf32>
    %add3A_3 = arith.addf %get3A_1, %add3A_2 : vector<256x1xf32>
    %sqrt3A = math.sqrt %add3A_3 : vector<256x1xf32>
    %div3A = arith.constant 1.000000e+00 : f32
    %div3A_4 = vector.broadcast %div3A : f32 to vector<256x1xf32>
    %div3A_5 = arith.divf %div3A_4, %sqrt3A : vector<256x1xf32>
    %get3A_6 = arith.constant 0 : index
    %get3A_7 = arith.constant 0 : index
    %get3A_8 = arith.constant 0 : index
    %get3A_9 = vector.load %arg2[%get3A_6, %get3A_7, %get3A_8] : memref<2x256x128xf32, #tpu.memory_space<vmem>>, vector<2x256x128xf32>
    %get3A_10 = arith.constant 0 : index
    %get3A_11 = arith.constant 0 : index
    %get3A_12 = arith.constant 0 : index
    %get3A_13 = vector.load %arg3[%get3A_10, %get3A_11, %get3A_12] : memref<2x256x128xf32, #tpu.memory_space<vmem>>, vector<2x256x128xf32>
    %add3A_14 = arith.addf %get3A_9, %get3A_13 : vector<2x256x128xf32>
    %slice3A = vector.extract_strided_slice %add3A_14 {offsets = [0, 0, 0], sizes = [1, 256, 128], strides = [1, 1, 1]} : vector<2x256x128xf32> to vector<1x256x128xf32>
    %squeeze3A = vector.shape_cast %slice3A : vector<1x256x128xf32> to vector<256x128xf32>
    %slice3A_15 = vector.extract_strided_slice %add3A_14 {offsets = [1, 0, 0], sizes = [1, 256, 128], strides = [1, 1, 1]} : vector<2x256x128xf32> to vector<1x256x128xf32>
    %squeeze3A_16 = vector.shape_cast %slice3A_15 : vector<1x256x128xf32> to vector<256x128xf32>
    %concatenate3A = tpu.concatenate %squeeze3A, %squeeze3A_16 in 1 : vector<256x128xf32>, vector<256x128xf32> -> vector<256x256xf32>
    %mul3A = vector.broadcast %div3A_5 : vector<256x1xf32> to vector<256x256xf32>
    %mul3A_17 = arith.mulf %concatenate3A, %mul3A : vector<256x256xf32>
    %get3A_18 = arith.constant 0 : index
    %get3A_19 = arith.constant 0 : index
    %get3A_20 = vector.load %arg5[%get3A_18, %get3A_19] : memref<1x256xf32, #tpu.memory_space<vmem>>, vector<1x256xf32>
    %add3A_21 = vector.broadcast %get3A_20 : vector<1x256xf32> to vector<256x256xf32>
    %add3A_22 = arith.addf %mul3A_17, %add3A_21 : vector<256x256xf32>
    %max3A = arith.constant 0.000000e+00 : f32
    %max3A_23 = vector.broadcast %max3A : f32 to vector<256x256xf32>
    %max3A_24 = arith.maximumf %add3A_22, %max3A_23 : vector<256x256xf32>
    %get3A_25 = arith.constant 0 : index
    %get3A_26 = arith.constant 0 : index
    %get3A_27 = vector.load %arg6[%get3A_25, %get3A_26] : memref<256x128xf32, #tpu.memory_space<vmem>>, vector<256x128xf32>
    %dot_general3A = arith.constant dense<0.000000e+00> : vector<256x128xf32>
    %dot_general3A_28 = tpu.matmul %max3A_24, %get3A_27, %dot_general3A {dimension_numbers = #tpu.dot_dimension_numbers<[1], [0], [0], [1], [0, 0, 1, 1], [], []>, transpose_lhs_hint = false} : vector<256x256xf32>, vector<256x128xf32>, vector<256x128xf32> -> vector<256x128xf32>
    %mul3A_29 = vector.broadcast %div3A_5 : vector<256x1xf32> to vector<256x128xf32>
    %mul3A_30 = arith.mulf %dot_general3A_28, %mul3A_29 : vector<256x128xf32>
    %swap3A = arith.constant 0 : index
    %swap3A_31 = arith.constant 0 : index
    %swap3A_32 = arith.constant 0 : index
    %swap3A_33 = vector.load %arg7[%swap3A, %swap3A_31, %swap3A_32] : memref<1x256x128xf32, #tpu.memory_space<vmem>>, vector<1x256x128xf32>
    %swap3A_34 = vector.shape_cast %swap3A_33 : vector<1x256x128xf32> to vector<256x128xf32>
    %swap3A_35 = vector.shape_cast %mul3A_30 : vector<256x128xf32> to vector<1x256x128xf32>
    tpu.vector_store %arg7[%swap3A, %swap3A_31, %swap3A_32], %swap3A_35 {strides = array<i32>} : memref<1x256x128xf32, #tpu.memory_space<vmem>>, vector<1x256x128xf32>,
    return
  }
  func.func @transform_0(%arg0: i32, %arg1: i32) -> (i32, i32, i32) {
    %c0_i32 = arith.constant 0 : i32
    %c0_i32_0 = arith.constant 0 : i32
    %c0_i32_1 = arith.constant 0 : i32
    return %c0_i32, %arg0, %c0_i32_0 : i32, i32, i32
  }
  func.func @transform_1(%arg0: i32, %arg1: i32) -> (i32, i32, i32) {
    %c0_i32 = arith.constant 0 : i32
    %c0_i32_0 = arith.constant 0 : i32
    %c0_i32_1 = arith.constant 0 : i32
    return %c0_i32, %arg0, %c0_i32_0 : i32, i32, i32
  }
  func.func @transform_2(%arg0: i32, %arg1: i32) -> (i32, i32) {
    %c0_i32 = arith.constant 0 : i32
    %c0_i32_0 = arith.constant 0 : i32
    return %arg0, %c0_i32 : i32, i32
  }
  func.func @transform_3(%arg0: i32, %arg1: i32) -> (i32, i32) {
    %c0_i32 = arith.constant 0 : i32
    %c0_i32_0 = arith.constant 0 : i32
    %c0_i32_1 = arith.constant 0 : i32
    return %c0_i32, %c0_i32_0 : i32, i32
  }
  func.func @transform_4(%arg0: i32, %arg1: i32) -> (i32, i32) {
    %c0_i32 = arith.constant 0 : i32
    %c0_i32_0 = arith.constant 0 : i32
    return %c0_i32, %arg1 : i32, i32
  }
  func.func @transform_5(%arg0: i32, %arg1: i32) -> (i32, i32, i32) {
    %c0_i32 = arith.constant 0 : i32
    %c0_i32_0 = arith.constant 0 : i32
    return %arg1, %arg0, %c0_i32 : i32, i32, i32
  }
}

module attributes {stable_mosaic.version = 14 : i64} {
  func.func @_mm1_body(%arg0: i32, %arg1: i32, %arg2: memref<256x256xf32, #tpu.memory_space<vmem>>, %arg3: memref<256x128xf32, #tpu.memory_space<vmem>>, %arg4: memref<256x128xf32, #tpu.memory_space<vmem>>, %arg5: memref<1x256x128xf32, #tpu.memory_space<vmem>>) attributes {dimension_semantics = [#tpu.dimension_semantics<arbitrary>, #tpu.dimension_semantics<arbitrary>], iteration_bounds = array<i64: 40, 2>, scalar_prefetch = 0 : i64, scratch_operands = 0 : i64, tpu.core_type = #tpu.core_type<tc>, window_params = [{transform_indices = @transform_0, window_bounds = array<i64: 256, 256>}, {transform_indices = @transform_1, window_bounds = array<i64: 256, 128>}, {transform_indices = @transform_2, window_bounds = array<i64: 256, 128>}, {transform_indices = @transform_3, window_bounds = array<i64: 1, 256, 128>}]} {
    %get3A = arith.constant 0 : index
    %get3A_0 = arith.constant 0 : index
    %get3A_1 = vector.load %arg4[%get3A, %get3A_0] : memref<256x128xf32, #tpu.memory_space<vmem>>, vector<256x1xf32>
    %add3A = arith.constant 1.000000e+00 : f32
    %add3A_2 = vector.broadcast %add3A : f32 to vector<256x1xf32>
    %add3A_3 = arith.addf %get3A_1, %add3A_2 : vector<256x1xf32>
    %sqrt3A = math.sqrt %add3A_3 : vector<256x1xf32>
    %div3A = arith.constant 1.000000e+00 : f32
    %div3A_4 = vector.broadcast %div3A : f32 to vector<256x1xf32>
    %div3A_5 = arith.divf %div3A_4, %sqrt3A : vector<256x1xf32>
    %get3A_6 = arith.constant 0 : index
    %get3A_7 = arith.constant 0 : index
    %get3A_8 = vector.load %arg2[%get3A_6, %get3A_7] : memref<256x256xf32, #tpu.memory_space<vmem>>, vector<256x256xf32>
    %get3A_9 = arith.constant 0 : index
    %get3A_10 = arith.constant 0 : index
    %get3A_11 = vector.load %arg3[%get3A_9, %get3A_10] : memref<256x128xf32, #tpu.memory_space<vmem>>, vector<256x128xf32>
    %dot_general3A = arith.constant dense<0.000000e+00> : vector<256x128xf32>
    %dot_general3A_12 = tpu.matmul %get3A_8, %get3A_11, %dot_general3A {dimension_numbers = #tpu.dot_dimension_numbers<[1], [0], [0], [1], [0, 0, 1, 1], [], []>, transpose_lhs_hint = false} : vector<256x256xf32>, vector<256x128xf32>, vector<256x128xf32> -> vector<256x128xf32>
    %mul3A = vector.broadcast %div3A_5 : vector<256x1xf32> to vector<256x128xf32>
    %mul3A_13 = arith.mulf %dot_general3A_12, %mul3A : vector<256x128xf32>
    %swap3A = arith.constant 0 : index
    %swap3A_14 = arith.constant 0 : index
    %swap3A_15 = arith.constant 0 : index
    %swap3A_16 = vector.load %arg5[%swap3A, %swap3A_14, %swap3A_15] : memref<1x256x128xf32, #tpu.memory_space<vmem>>, vector<1x256x128xf32>
    %swap3A_17 = vector.shape_cast %swap3A_16 : vector<1x256x128xf32> to vector<256x128xf32>
    %swap3A_18 = vector.shape_cast %mul3A_13 : vector<256x128xf32> to vector<1x256x128xf32>
    tpu.vector_store %arg5[%swap3A, %swap3A_14, %swap3A_15], %swap3A_18 {strides = array<i32>} : memref<1x256x128xf32, #tpu.memory_space<vmem>>, vector<1x256x128xf32>,
    return
  }
  func.func @transform_0(%arg0: i32, %arg1: i32) -> (i32, i32) {
    %c0_i32 = arith.constant 0 : i32
    %c0_i32_0 = arith.constant 0 : i32
    return %arg0, %c0_i32 : i32, i32
  }
  func.func @transform_1(%arg0: i32, %arg1: i32) -> (i32, i32) {
    %c0_i32 = arith.constant 0 : i32
    %c0_i32_0 = arith.constant 0 : i32
    return %c0_i32, %arg1 : i32, i32
  }
  func.func @transform_2(%arg0: i32, %arg1: i32) -> (i32, i32) {
    %c0_i32 = arith.constant 0 : i32
    %c0_i32_0 = arith.constant 0 : i32
    return %arg0, %c0_i32 : i32, i32
  }
  func.func @transform_3(%arg0: i32, %arg1: i32) -> (i32, i32, i32) {
    %c0_i32 = arith.constant 0 : i32
    %c0_i32_0 = arith.constant 0 : i32
    return %arg1, %arg0, %c0_i32 : i32, i32, i32
  }
}

module attributes {stable_mosaic.version = 14 : i64} {
  func.func @_pool_body(%arg0: i32, %arg1: memref<2x256x128xf32, #tpu.memory_space<vmem>>, %arg2: memref<2x256x128xf32, #tpu.memory_space<vmem>>, %arg3: memref<256x128xf32, #tpu.memory_space<vmem>>, %arg4: memref<1x256xf32, #tpu.memory_space<vmem>>, %arg5: memref<1x256x1xi32, #tpu.memory_space<vmem>>, %arg6: memref<256x128xf32, #tpu.memory_space<vmem>>, %arg7: memref<1x128xf32, #tpu.memory_space<vmem>>, %arg8: memref<128x128xf32, #tpu.memory_space<vmem>>, %arg9: memref<1x128xf32, #tpu.memory_space<vmem>>, %arg10: memref<64x128xf32, #tpu.memory_space<vmem>>, %arg11: memref<64x256xf32, #tpu.memory_space<vmem>>) attributes {dimension_semantics = [#tpu.dimension_semantics<arbitrary>], iteration_bounds = array<i64: 40>, scalar_prefetch = 0 : i64, scratch_operands = 1 : i64, tpu.core_type = #tpu.core_type<tc>, window_params = [{transform_indices = @transform_0, window_bounds = array<i64: 2, 256, 128>}, {transform_indices = @transform_1, window_bounds = array<i64: 2, 256, 128>}, {transform_indices = @transform_2, window_bounds = array<i64: 256, 128>}, {pipeline_mode = #tpu.pipeline_mode<synchronous>, transform_indices = @transform_3, window_bounds = array<i64: 1, 256>}, {transform_indices = @transform_4, window_bounds = array<i64: 1, 256, 1>}, {pipeline_mode = #tpu.pipeline_mode<synchronous>, transform_indices = @transform_5, window_bounds = array<i64: 256, 128>}, {pipeline_mode = #tpu.pipeline_mode<synchronous>, transform_indices = @transform_6, window_bounds = array<i64: 1, 128>}, {pipeline_mode = #tpu.pipeline_mode<synchronous>, transform_indices = @transform_7, window_bounds = array<i64: 128, 128>}, {pipeline_mode = #tpu.pipeline_mode<synchronous>, transform_indices = @transform_8, window_bounds = array<i64: 1, 128>}, {pipeline_mode = #tpu.pipeline_mode<synchronous>, transform_indices = @transform_9, window_bounds = array<i64: 64, 128>}]} {
    %eq3A = arith.constant 0 : i32
    %eq3A_0 = arith.cmpi eq, %arg0, %eq3A : i32
    %convert_element_type3A = arith.extui %eq3A_0 : i1 to i32
    %cond3A = arith.constant 0 : i32
    %cond3A_1 = arith.cmpi ne, %convert_element_type3A, %cond3A : i32
    scf.if %cond3A_1 {
      %broadcast_in_dim3A_57 = arith.constant 0xFF800000 : f32
      %broadcast_in_dim3A_58 = vector.broadcast %broadcast_in_dim3A_57 : f32 to vector<64x256xf32>
      %swap3A = arith.constant 0 : index
      %swap3A_59 = arith.constant 0 : index
      %swap3A_60 = vector.load %arg11[%swap3A, %swap3A_59] : memref<64x256xf32, #tpu.memory_space<vmem>>, vector<64x256xf32>
      tpu.vector_store %arg11[%swap3A, %swap3A_59], %broadcast_in_dim3A_58 {strides = array<i32>} : memref<64x256xf32, #tpu.memory_space<vmem>>, vector<64x256xf32>,
    } else {
    }
    %get3A = arith.constant 0 : index
    %get3A_2 = arith.constant 0 : index
    %get3A_3 = vector.load %arg3[%get3A, %get3A_2] : memref<256x128xf32, #tpu.memory_space<vmem>>, vector<256x1xf32>
    %add3A = arith.constant 1.000000e+00 : f32
    %add3A_4 = vector.broadcast %add3A : f32 to vector<256x1xf32>
    %add3A_5 = arith.addf %get3A_3, %add3A_4 : vector<256x1xf32>
    %sqrt3A = math.sqrt %add3A_5 : vector<256x1xf32>
    %div3A = arith.constant 1.000000e+00 : f32
    %div3A_6 = vector.broadcast %div3A : f32 to vector<256x1xf32>
    %div3A_7 = arith.divf %div3A_6, %sqrt3A : vector<256x1xf32>
    %get3A_8 = arith.constant 0 : index
    %get3A_9 = arith.constant 0 : index
    %get3A_10 = arith.constant 0 : index
    %get3A_11 = vector.load %arg1[%get3A_8, %get3A_9, %get3A_10] : memref<2x256x128xf32, #tpu.memory_space<vmem>>, vector<2x256x128xf32>
    %get3A_12 = arith.constant 0 : index
    %get3A_13 = arith.constant 0 : index
    %get3A_14 = arith.constant 0 : index
    %get3A_15 = vector.load %arg2[%get3A_12, %get3A_13, %get3A_14] : memref<2x256x128xf32, #tpu.memory_space<vmem>>, vector<2x256x128xf32>
    %add3A_16 = arith.addf %get3A_11, %get3A_15 : vector<2x256x128xf32>
    %slice3A = vector.extract_strided_slice %add3A_16 {offsets = [0, 0, 0], sizes = [1, 256, 128], strides = [1, 1, 1]} : vector<2x256x128xf32> to vector<1x256x128xf32>
    %squeeze3A = vector.shape_cast %slice3A : vector<1x256x128xf32> to vector<256x128xf32>
    %slice3A_17 = vector.extract_strided_slice %add3A_16 {offsets = [1, 0, 0], sizes = [1, 256, 128], strides = [1, 1, 1]} : vector<2x256x128xf32> to vector<1x256x128xf32>
    %squeeze3A_18 = vector.shape_cast %slice3A_17 : vector<1x256x128xf32> to vector<256x128xf32>
    %concatenate3A = tpu.concatenate %squeeze3A, %squeeze3A_18 in 1 : vector<256x128xf32>, vector<256x128xf32> -> vector<256x256xf32>
    %mul3A = vector.broadcast %div3A_7 : vector<256x1xf32> to vector<256x256xf32>
    %mul3A_19 = arith.mulf %concatenate3A, %mul3A : vector<256x256xf32>
    %get3A_20 = arith.constant 0 : index
    %get3A_21 = arith.constant 0 : index
    %get3A_22 = vector.load %arg4[%get3A_20, %get3A_21] : memref<1x256xf32, #tpu.memory_space<vmem>>, vector<1x256xf32>
    %add3A_23 = vector.broadcast %get3A_22 : vector<1x256xf32> to vector<256x256xf32>
    %add3A_24 = arith.addf %mul3A_19, %add3A_23 : vector<256x256xf32>
    %max3A = arith.constant 0.000000e+00 : f32
    %max3A_25 = vector.broadcast %max3A : f32 to vector<256x256xf32>
    %max3A_26 = arith.maximumf %add3A_24, %max3A_25 : vector<256x256xf32>
    %get3A_27 = arith.constant 0 : index
    %get3A_28 = arith.constant 0 : index
    %get3A_29 = arith.constant 0 : index
    %get3A_30 = vector.load %arg5[%get3A_27, %get3A_28, %get3A_29] : memref<1x256x1xi32, #tpu.memory_space<vmem>>, vector<1x256x1xi32>
    %get3A_31 = vector.shape_cast %get3A_30 : vector<1x256x1xi32> to vector<256x1xi32>
    %ge3A = arith.constant 0 : i32
    %ge3A_32 = vector.broadcast %ge3A : i32 to vector<256x1xi32>
    %ge3A_33 = arith.cmpi sge, %get3A_31, %ge3A_32 : vector<256x1xi32>
    %jit3A = arith.constant 64 : i32
    %broadcast_in_dim3A = vector.broadcast %jit3A : i32 to vector<256x1xi32>
    %select_n3A = arith.select %ge3A_33, %get3A_31, %broadcast_in_dim3A : vector<256x1xi1>, vector<256x1xi32>
    %reduce_min3A = vector.shape_cast %select_n3A : vector<256x1xi32> to vector<1x256x1xi32>
    %reduce_min3A_34 = arith.constant dense<2147483647> : vector<1xi32>
    %reduce_min3A_35 = vector.multi_reduction <minsi>, %reduce_min3A, %reduce_min3A_34 [1, 2] : vector<1x256x1xi32> to vector<1xi32>
    %reduce_min3A_36 = vector.shape_cast %reduce_min3A_35 : vector<1xi32> to vector<1x1x1xi32>
    %reduce_min3A_37 = vector.extract %reduce_min3A_36[0, 0, 0] : i32 from vector<1x1x1xi32>
    %reduce_max3A = vector.shape_cast %get3A_31 : vector<256x1xi32> to vector<1x256x1xi32>
    %reduce_max3A_38 = arith.constant dense<-2147483648> : vector<1xi32>
    %reduce_max3A_39 = vector.multi_reduction <maxsi>, %reduce_max3A, %reduce_max3A_38 [1, 2] : vector<1x256x1xi32> to vector<1xi32>
    %reduce_max3A_40 = vector.shape_cast %reduce_max3A_39 : vector<1xi32> to vector<1x1x1xi32>
    %reduce_max3A_41 = vector.extract %reduce_max3A_40[0, 0, 0] : i32 from vector<1x1x1xi32>
    %add3A_42 = arith.constant 1 : i32
    %add3A_43 = arith.addi %reduce_max3A_41, %add3A_42 : i32
    %while3A = arith.constant 0 : i32
    %while3A_44 = arith.subi %add3A_43, %reduce_min3A_37 : i32
    %while3A_45 = arith.addi %reduce_min3A_37, %while3A_44 : i32
    %while3A_46 = arith.constant 1 : i32
    %while3A_47 = arith.divsi %while3A_44, %while3A_46 : i32
    %while3A_48 = arith.muli %while3A_47, %while3A_46 : i32
    %while3A_49 = arith.addi %reduce_min3A_37, %while3A_48 : i32
    %while3A_50 = arith.constant 1 : i32
    scf.for %while3A_57 = %reduce_min3A_37 to %while3A_49 step %while3A_50  : i32 {
      %eq3A_58 = vector.broadcast %while3A_57 : i32 to vector<256x1xi32>
      %eq3A_59 = arith.cmpi eq, %get3A_31, %eq3A_58 : vector<256x1xi32>
      %jit3A_60 = arith.constant 0xFF800000 : f32
      %broadcast_in_dim3A_61 = vector.shape_cast %eq3A_59 : vector<256x1xi1> to vector<256x1xi1>
      %broadcast_in_dim3A_62 = vector.broadcast %broadcast_in_dim3A_61 : vector<256x1xi1> to vector<256x256xi1>
      %broadcast_in_dim3A_63 = vector.broadcast %jit3A_60 : f32 to vector<256x256xf32>
      %select_n3A_64 = arith.select %broadcast_in_dim3A_62, %max3A_26, %broadcast_in_dim3A_63 : vector<256x256xi1>, vector<256x256xf32>
      %reduce_max3A_65 = arith.constant dense<0xFF800000> : vector<256xf32>
      %reduce_max3A_66 = vector.multi_reduction <maximumf>, %select_n3A_64, %reduce_max3A_65 [0] : vector<256x256xf32> to vector<256xf32>
      %broadcast_in_dim3A_67 = vector.shape_cast %reduce_max3A_66 : vector<256xf32> to vector<1x256xf32>
      %get3A_68 = arith.index_cast %while3A_57 : i32 to index
      %get3A_69 = arith.constant 0 : index
      %get3A_70 = vector.load %arg11[%get3A_68, %get3A_69] : memref<64x256xf32, #tpu.memory_space<vmem>>, vector<1x256xf32>
      %max3A_71 = arith.maximumf %get3A_70, %broadcast_in_dim3A_67 : vector<1x256xf32>
      %swap3A = arith.index_cast %while3A_57 : i32 to index
      %swap3A_72 = arith.constant 0 : index
      %swap3A_73 = vector.load %arg11[%swap3A, %swap3A_72] : memref<64x256xf32, #tpu.memory_space<vmem>>, vector<1x256xf32>
      tpu.vector_store %arg11[%swap3A, %swap3A_72], %max3A_71 {strides = array<i32>} : memref<64x256xf32, #tpu.memory_space<vmem>>, vector<1x256xf32>,
    }
    %while3A_51 = arith.constant 1 : i32
    scf.for %while3A_57 = %while3A_49 to %while3A_45 step %while3A_51  : i32 {
      %eq3A_58 = vector.broadcast %while3A_57 : i32 to vector<256x1xi32>
      %eq3A_59 = arith.cmpi eq, %get3A_31, %eq3A_58 : vector<256x1xi32>
      %jit3A_60 = arith.constant 0xFF800000 : f32
      %broadcast_in_dim3A_61 = vector.shape_cast %eq3A_59 : vector<256x1xi1> to vector<256x1xi1>
      %broadcast_in_dim3A_62 = vector.broadcast %broadcast_in_dim3A_61 : vector<256x1xi1> to vector<256x256xi1>
      %broadcast_in_dim3A_63 = vector.broadcast %jit3A_60 : f32 to vector<256x256xf32>
      %select_n3A_64 = arith.select %broadcast_in_dim3A_62, %max3A_26, %broadcast_in_dim3A_63 : vector<256x256xi1>, vector<256x256xf32>
      %reduce_max3A_65 = arith.constant dense<0xFF800000> : vector<256xf32>
      %reduce_max3A_66 = vector.multi_reduction <maximumf>, %select_n3A_64, %reduce_max3A_65 [0] : vector<256x256xf32> to vector<256xf32>
      %broadcast_in_dim3A_67 = vector.shape_cast %reduce_max3A_66 : vector<256xf32> to vector<1x256xf32>
      %get3A_68 = arith.index_cast %while3A_57 : i32 to index
      %get3A_69 = arith.constant 0 : index
      %get3A_70 = vector.load %arg11[%get3A_68, %get3A_69] : memref<64x256xf32, #tpu.memory_space<vmem>>, vector<1x256xf32>
      %max3A_71 = arith.maximumf %get3A_70, %broadcast_in_dim3A_67 : vector<1x256xf32>
      %swap3A = arith.index_cast %while3A_57 : i32 to index
      %swap3A_72 = arith.constant 0 : index
      %swap3A_73 = vector.load %arg11[%swap3A, %swap3A_72] : memref<64x256xf32, #tpu.memory_space<vmem>>, vector<1x256xf32>
      tpu.vector_store %arg11[%swap3A, %swap3A_72], %max3A_71 {strides = array<i32>} : memref<64x256xf32, #tpu.memory_space<vmem>>, vector<1x256xf32>,
    }
    %eq3A_52 = arith.constant 39 : i32
    %eq3A_53 = arith.cmpi eq, %arg0, %eq3A_52 : i32
    %convert_element_type3A_54 = arith.extui %eq3A_53 : i1 to i32
    %cond3A_55 = arith.constant 0 : i32
    %cond3A_56 = arith.cmpi ne, %convert_element_type3A_54, %cond3A_55 : i32
    scf.if %cond3A_56 {
      %get3A_57 = arith.constant 0 : index
      %get3A_58 = arith.constant 0 : index
      %get3A_59 = vector.load %arg11[%get3A_57, %get3A_58] : memref<64x256xf32, #tpu.memory_space<vmem>>, vector<64x256xf32>
      %get3A_60 = arith.constant 0 : index
      %get3A_61 = arith.constant 0 : index
      %get3A_62 = vector.load %arg6[%get3A_60, %get3A_61] : memref<256x128xf32, #tpu.memory_space<vmem>>, vector<256x128xf32>
      %dot_general3A = arith.constant dense<0.000000e+00> : vector<64x128xf32>
      %dot_general3A_63 = tpu.matmul %get3A_59, %get3A_62, %dot_general3A {dimension_numbers = #tpu.dot_dimension_numbers<[1], [0], [0], [1], [0, 0, 1, 1], [], []>, transpose_lhs_hint = false} : vector<64x256xf32>, vector<256x128xf32>, vector<64x128xf32> -> vector<64x128xf32>
      %get3A_64 = arith.constant 0 : index
      %get3A_65 = arith.constant 0 : index
      %get3A_66 = vector.load %arg7[%get3A_64, %get3A_65] : memref<1x128xf32, #tpu.memory_space<vmem>>, vector<1x128xf32>
      %add3A_67 = vector.broadcast %get3A_66 : vector<1x128xf32> to vector<64x128xf32>
      %add3A_68 = arith.addf %dot_general3A_63, %add3A_67 : vector<64x128xf32>
      %max3A_69 = arith.constant 0.000000e+00 : f32
      %max3A_70 = vector.broadcast %max3A_69 : f32 to vector<64x128xf32>
      %max3A_71 = arith.maximumf %add3A_68, %max3A_70 : vector<64x128xf32>
      %get3A_72 = arith.constant 0 : index
      %get3A_73 = arith.constant 0 : index
      %get3A_74 = vector.load %arg8[%get3A_72, %get3A_73] : memref<128x128xf32, #tpu.memory_space<vmem>>, vector<128x128xf32>
      %dot_general3A_75 = arith.constant dense<0.000000e+00> : vector<64x128xf32>
      %dot_general3A_76 = tpu.matmul %max3A_71, %get3A_74, %dot_general3A_75 {dimension_numbers = #tpu.dot_dimension_numbers<[1], [0], [0], [1], [0, 0, 1, 1], [], []>, transpose_lhs_hint = false} : vector<64x128xf32>, vector<128x128xf32>, vector<64x128xf32> -> vector<64x128xf32>
      %get3A_77 = arith.constant 0 : index
      %get3A_78 = arith.constant 0 : index
      %get3A_79 = vector.load %arg9[%get3A_77, %get3A_78] : memref<1x128xf32, #tpu.memory_space<vmem>>, vector<1x128xf32>
      %add3A_80 = vector.broadcast %get3A_79 : vector<1x128xf32> to vector<64x128xf32>
      %add3A_81 = arith.addf %dot_general3A_76, %add3A_80 : vector<64x128xf32>
      %swap3A = arith.constant 0 : index
      %swap3A_82 = arith.constant 0 : index
      %swap3A_83 = vector.load %arg10[%swap3A, %swap3A_82] : memref<64x128xf32, #tpu.memory_space<vmem>>, vector<64x128xf32>
      tpu.vector_store %arg10[%swap3A, %swap3A_82], %add3A_81 {strides = array<i32>} : memref<64x128xf32, #tpu.memory_space<vmem>>, vector<64x128xf32>,
    } else {
    }
    return
  }
  func.func @transform_0(%arg0: i32) -> (i32, i32, i32) {
    %c0_i32 = arith.constant 0 : i32
    %c0_i32_0 = arith.constant 0 : i32
    %c0_i32_1 = arith.constant 0 : i32
    return %c0_i32, %arg0, %c0_i32_0 : i32, i32, i32
  }
  func.func @transform_1(%arg0: i32) -> (i32, i32, i32) {
    %c0_i32 = arith.constant 0 : i32
    %c0_i32_0 = arith.constant 0 : i32
    %c0_i32_1 = arith.constant 0 : i32
    return %c0_i32, %arg0, %c0_i32_0 : i32, i32, i32
  }
  func.func @transform_2(%arg0: i32) -> (i32, i32) {
    %c0_i32 = arith.constant 0 : i32
    %c0_i32_0 = arith.constant 0 : i32
    return %arg0, %c0_i32 : i32, i32
  }
  func.func @transform_3(%arg0: i32) -> (i32, i32) {
    %c0_i32 = arith.constant 0 : i32
    %c0_i32_0 = arith.constant 0 : i32
    %c0_i32_1 = arith.constant 0 : i32
    return %c0_i32, %c0_i32_0 : i32, i32
  }
  func.func @transform_4(%arg0: i32) -> (i32, i32, i32) {
    %c0_i32 = arith.constant 0 : i32
    %c0_i32_0 = arith.constant 0 : i32
    %c0_i32_1 = arith.constant 0 : i32
    return %arg0, %c0_i32, %c0_i32_0 : i32, i32, i32
  }
  func.func @transform_5(%arg0: i32) -> (i32, i32) {
    %c0_i32 = arith.constant 0 : i32
    %c0_i32_0 = arith.constant 0 : i32
    %c0_i32_1 = arith.constant 0 : i32
    return %c0_i32, %c0_i32_0 : i32, i32
  }
  func.func @transform_6(%arg0: i32) -> (i32, i32) {
    %c0_i32 = arith.constant 0 : i32
    %c0_i32_0 = arith.constant 0 : i32
    %c0_i32_1 = arith.constant 0 : i32
    return %c0_i32, %c0_i32_0 : i32, i32
  }
  func.func @transform_7(%arg0: i32) -> (i32, i32) {
    %c0_i32 = arith.constant 0 : i32
    %c0_i32_0 = arith.constant 0 : i32
    %c0_i32_1 = arith.constant 0 : i32
    return %c0_i32, %c0_i32_0 : i32, i32
  }
  func.func @transform_8(%arg0: i32) -> (i32, i32) {
    %c0_i32 = arith.constant 0 : i32
    %c0_i32_0 = arith.constant 0 : i32
    %c0_i32_1 = arith.constant 0 : i32
    return %c0_i32, %c0_i32_0 : i32, i32
  }
  func.func @transform_9(%arg0: i32) -> (i32, i32) {
    %c0_i32 = arith.constant 0 : i32
    %c0_i32_0 = arith.constant 0 : i32
    %c0_i32_1 = arith.constant 0 : i32
    return %c0_i32, %c0_i32_0 : i32, i32
  }
}

</mosaic_0001>

<sc_bundles>
// kernel: kernel.12.cloned.1.call-start
scs
__scs_entry_jumppad:
0x0: {  	(pc) =	sbr.rel $0x88, $3  }
0x1: {  	(tag) =	ssettag $0x0;
	lr =	simm.s32 $0x1  }
0x2: {  	[smem:$0x3F96] =	sst lr;
	_ =	strace $0xD0000000  }
0x3: {  	_ = 	snop  }
0x4: {  	_ = 	snop  }
0x5: {  	_ = 	snop  }
0x6: {  	_ = 	snop  }
0x7: {  	_ = 	snop  }
__scs_overlays_trampoline_lowered:
0x8: {  	[smem:$0x3FA5] =	sst s0  }
0x9: {  	[smem:$0x3FA6] =	sst s1  }
0xa: {  	[smem:$0x3FA7] =	sst s2  }
0xb: {  	[smem:$0x3FA8] =	sst s3  }
0xc: {  	[smem:$0x3FA9] =	sst s4  }
0xd: {  	[smem:$0x3FAA] =	sst s5  }
0xe: {  	[smem:$0x3FAB] =	sst s6  }
0xf: {  	[smem:$0x3FAC] =	sst s7  }
0x10: {  	[smem:$0x3FAD] =	sst s8  }
0x11: {  	[smem:$0x3FAE] =	sst s9;
	s0 =	simm.s32 @!p0 $0x0  }
0x12: {  	s1 =	sld [smem:$0x3F94];
	s0 =	simm.s32 @p0 $0x1  }
0x13: {  	[smem:$0x3FAF] =	sst s0;
	s0 =	simm.s32 @!p1 $0x0  }
0x14: {  	s2 =	sld [smem:$0x3F93];
	s0 =	simm.s32 @p1 $0x1  }
0x15: {  	[smem:$0x3FB0] =	sst s0;
	s0 =	simm.s32 @!p2 $0x0  }
0x16: {  	s3 =	sld [smem:$0x3FDB];
	s0 =	simm.s32 @p2 $0x1  }
0x17: {  	s4 =	simm.s32 $0x1BF5;
	[smem:$0x3FB2] =	sst s0  }
0x18: {  	s0 =	sld [smem:$0x3F95];
	_ =	swait.ge [sflag:s4], $0x0  }
0x19: {  	s7 =	sld [smem:$0x3F96]  }
0x1a: {  	s8 =	sadd.s32 $0xFFFFE003, lr  }
0x1b: {  	s9 =	sadd.s32 $0xFFFFFEF7, lr;
	s5 =	simm.s32 $0xFFFFFFFF;
	p2 =	slt.u32 s8, $0xFFFFF086  }
0x1c: {  	p1 =	slt.u32 s9, $0xF7A;
	s5 =	simm.s32 @!p2 $0x0  }
0x1d: {  	s5 =	simm.s32 @p1 $0x1;
	p0 =	seq.s32 s7, s2  }
0x1e: {  	s7 =	smul.u32 @!p0 $0xF7A, s2;
	p2 =	seq.s32 @!p0 s5, $0x0  }
0x1f: {  	s9 =	smul.u32 $0xF7A, s1;
	s8 =	simm.s32 @!p0 $0x1BF5;
	p2 =	por !p2, p0  }
0x20: {  	[sflag:s8] =	ssyncset.s32 @!p0 $0xFFFFF086;
	s6 =	sadd.s32 @!p0 s3, s7;
	s7 =	simm.s32 @!p0 $0x108  }
0x21: {  	s3 =	sadd.s32 s3, s9;
	s6 =	sadd.s32 @!p0 $0x88, s6;
	s7 =	simm.s32 @p2 $0x1082  }
0x22: {  	[simem:s7], [sflag:s8] =	dma.local @!p0 [hbm:s6], $0xF7A  }
0x23: {  	s9 =	sor.u32 $0xD0000000, s2;
	s6 =	simm.s32 $0x108;
	_ =	swait.ge @!p0 [sflag:s8], $0x0  }
0x24: {  	s3 =	sadd.s32 $0x88, s3;
	s6 =	simm.s32 @!p1 $0x1082;
	[sflag:s4] =	ssyncset.s32 $0xFFFFF086  }
0x25: {  	[simem:s6], [sflag:s4] =	dma.local [hbm:s3], $0xF7A  }
0x26: {  	[smem:$0x3F96] =	sst s1;
	(tag) =	ssettag s2;
	_ =	strace s9  }
0x27: {  	s1 =	sld [smem:$0x3FA6]  }
0x28: {  	s2 =	sld [smem:$0x3FA7]  }
0x29: {  	s4 =	sld [smem:$0x3FA9]  }
0x2a: {  	p0 =	seq.s32 s5, $0x0;
	s5 =	sld [smem:$0x3FAA]  }
0x2b: {  	s6 =	sld [smem:$0x3FAB]  }
0x2c: {  	s7 =	sld [smem:$0x3FAC]  }
0x2d: {  	s3 =	simm.s32 $0x108;
	s8 =	sld [smem:$0x3FAD]  }
0x2e: {  	s3 =	simm.s32 @!p0 $0x1082;
	s9 =	sld [smem:$0x3FAE]  }
0x2f: {  	lr =	sadd.s32 s0, s3;
	s0 =	sld [smem:$0x3FA5]  }
0x30: {  	s3 =	sld [smem:$0x3FA8]  }
0x31: {  	[smem:$0x3FB1] =	sst s10  }
0x32: {  	s10 =	sld [smem:$0x3FAF];
	_ =	sdelay $0x3  }
0x33: {  	p0 =	seq.s32 s10, $0x1;
	s10 =	sld [smem:$0x3FB1];
	_ =	sdelay $0x3  }
0x34: {  	[smem:$0x3FB1] =	sst s10  }
0x35: {  	s10 =	sld [smem:$0x3FB0];
	_ =	sdelay $0x3  }
0x36: {  	p1 =	seq.s32 s10, $0x1;
	s10 =	sld [smem:$0x3FB1];
	_ =	sdelay $0x3  }
0x37: {  	[smem:$0x3FB1] =	sst s10  }
0x38: {  	s10 =	sld [smem:$0x3FB2]  }
0x39: {  	_ = 	snop;
	(pc) =	sbr.ind lr, $3  }
0x3a: {  	_ = 	snop  }
0x3b: {  	_ = 	snop  }
0x3c: {  	p2 =	seq.s32 s10, $0x1;
	s10 =	sld [smem:$0x3FB1]  }
0x3d: {  	_ =	shalt  }
0x3e: {  	_ =	shalt  }
0x3f: {  	_ =	shalt  }
0x40: {  	_ =	shalt  }
0x41: {  	_ =	shalt  }
0x42: {  	_ =	shalt  }
0x43: {  	_ =	shalt  }
0x44: {  	_ =	shalt  }
0x45: {  	_ =	shalt  }
0x46: {  	_ =	shalt  }
0x47: {  	_ =	shalt  }
0x48: {  	_ =	shalt  }
0x49: {  	_ =	shalt  }
0x4a: {  	_ =	shalt  }
0x4b: {  	_ =	shalt  }
0x4c: {  	_ =	shalt  }
0x4d: {  	_ =	shalt  }
0x4e: {  	_ =	shalt  }
0x4f: {  	_ =	shalt  }
0x50: {  	_ =	shalt  }
0x51: {  	_ =	shalt  }
0x52: {  	_ =	shalt  }
0x53: {  	_ =	shalt  }
0x54: {  	_ =	shalt  }
0x55: {  	_ =	shalt  }
0x56: {  	_ =	shalt  }
0x57: {  	_ =	shalt  }
0x58: {  	_ =	shalt  }
0x59: {  	_ =	shalt  }
0x5a: {  	_ =	shalt  }
0x5b: {  	_ =	shalt  }
0x5c: {  	_ =	shalt  }
0x5d: {  	_ =	shalt  }
0x5e: {  	_ =	shalt  }
0x5f: {  	_ =	shalt  }
0x60: {  	_ =	shalt  }
0x61: {  	_ =	shalt  }
0x62: {  	_ =	shalt  }
0x63: {  	_ =	shalt  }
0x64: {  	_ =	shalt  }
0x65: {  	_ =	shalt  }
0x66: {  	_ =	shalt  }
0x67: {  	_ =	shalt  }
0x68: {  	_ =	shalt  }
0x69: {  	_ =	shalt  }
0x6a: {  	_ =	shalt  }
0x6b: {  	_ =	shalt  }
0x6c: {  	_ =	shalt  }
0x6d: {  	_ =	shalt  }
0x6e: {  	_ =	shalt  }
0x6f: {  	_ =	shalt  }
0x70: {  	_ =	shalt  }
0x71: {  	_ =	shalt  }
0x72: {  	_ =	shalt  }
0x73: {  	_ =	shalt  }
0x74: {  	_ =	shalt  }
0x75: {  	_ =	shalt  }
0x76: {  	_ =	shalt  }
0x77: {  	_ =	shalt  }
0x78: {  	_ =	shalt  }
0x79: {  	_ =	shalt  }
0x7a: {  	_ =	shalt  }
0x7b: {  	_ =	shalt  }
0x7c: {  	_ =	shalt  }
0x7d: {  	_ =	shalt  }
0x7e: {  	_ =	shalt  }
0x7f: {  	_ =	shalt  }
0x80: {  	_ =	shalt  }
0x81: {  	_ =	shalt  }
0x82: {  	_ =	shalt  }
0x83: {  	_ =	shalt  }
0x84: {  	_ =	shalt  }
0x85: {  	_ =	shalt  }
0x86: {  	_ =	shalt  }
0x87: {  	_ =	shalt  }
.Lfunc_end0:
.L_simem_size_0:
called_computation.1_lowered:
.L_overlay_start_0:
0x88: {  	s2 =	sld [smem:$0x3FD9]  }
0x89: {  	s3 =	sld [smem:$0x3FFE];
	_ =	sdelay $0x1  }
0x8a: {  	s1 =	srdreg.scid  }
0x8b: {  	s0 =	sand.u32 $0x1, s1  }
0x8c: {  	s16 =	sshll.u32 s0, $0xA;
	s2 =	sadd.s32 s3, s2  }
0x8d: {  	s2 =	sadd.s32 s2, s16  }
0x8e: {  	[smem:$0x3FBD] =	sst s2  }
0x8f: {  	_ = 	snop  }
0x90: {  	(tm) =	ssettm $0x1  }
0x91: {  	s17 =	sld [smem:$0x3FFB];
	_ =	sdelay $0x3  }
0x92: {  	_ =	strace s17  }
0x93: {  	s2 =	sld [smem:$0x3FFC];
	_ =	sdelay $0x3  }
0x94: {  	_ =	strace s2  }
0x95: {  	s2 =	sld [smem:$0x3FFD];
	_ =	sdelay $0x3  }
0x96: {  	_ =	strace s2  }
0x97: {  	_ =	strace $0x8FFFFFFF  }
0x98: {  	s18 =	sld [smem:$0x3FDB];
	_ =	sdelay $0x1  }
0x99: {  	s19 =	simm.s32 $_scs_section_size  }
0x9a: {  	s4 =	simm.s32 $_size__tile_overlayer_lowered;
	s5 =	simm.s32 $_tile_overlayer_lowered  }
0x9b: {  	s22 =	simm.s32 $0x1BFF;
	s21 =	sshll.u32 s5, $0x1;
	s2 =	sadd.s32 s19, s18  }
0x9c: {  	s6 =	simm.s32 $0x0;
	s20 =	sshll.u32 s4, $0x1;
	s4 =	sadd.s32 s21, s2  }
0x9d: {  	[timem:s6], [sflag:s22] =	dma.local [hbm:s4], s20  }
0x9e: {  	_ =	swait.ge [sflag:s22], s20  }
0x9f: {  	s3 =	ssub.s32 $0x0, s20;
	[sflag:s22] =	ssyncset.done $0x0  }
0xa0: {  	[sflag:s22] =	ssyncadd.s32 s3;
	_ =	sdelay $0x1  }
0xa1: {  	s23 =	simm.s32 $0x1B8B  }
0xa2: {  	_ =	swait.ge [sflag:s23], $0x1  }
0xa3: {  	[sflag:s23] =	ssyncset.done $0x0  }
0xa4: {  	s25 =	simm.s32 $0x1B8E;
	s24 =	sld [smem:$0x3FFE];
	[sflag:s23] =	ssyncadd.s32 $0xFFFFFFFF  }
0xa5: {  	s26 =	simm.s32 $execute0_lowered;
	[smem:$0x3FD2] =	sst s25  }
0xa6: {  	s4 =	sshll.u32 s26, $0x1;
	_ =	strace $0x80000049;
	[dreg:$0x1] =	wrdreg $0xFFFFFFFF  }
0xa7: {  	s28 =	simm.s32 $_size_execute0_lowered;
	s2 =	sadd.s32 s2, s4;
	[dreg:$0x0] =	wrdreg $0x0  }
0xa8: {  	s4 =	sshll.u32 s28, $0x1;
	[dreg:$0x2] =	wrdreg s2  }
0xa9: {  	[dreg:$0x3] =	wrdreg s4  }
0xaa: {  	[dreg:$0x4] =	wrdreg $0xC0  }
0xab: {  	_ =	task [dreg:s6], $0x5FFFF  }
0xac: {  	[dreg:$0x1] =	wrdreg $0xFFFFFFFF  }
0xad: {  	[dreg:$0x0] =	wrdreg $0x60  }
0xae: {  	[dreg:$0x2] =	wrdreg s24  }
0xaf: {  	[dreg:$0x3] =	wrdreg $0xA8800  }
0xb0: {  	[dreg:$0x4] =	wrdreg $0x9  }
0xb1: {  	_ =	task.clear_ibuf [dreg:s6], $0x5FFFF;
	_ =	strace $0x90000049  }
0xb2: {  	s29 =	simm.s32 $0x9;
	_ =	strace $0x8000004B  }
0xb3: {  	_ =	swait.ge [sflag:s29], $0x1  }
0xb4: {  	[sflag:s29] =	ssyncadd.s32 $0xFFFFFFFF  }
0xb5: {  	_ =	strace $0x9000004B  }
0xb6: {  	_ =	sfence  }
0xb7: {  	s30 =	sld [smem:$0x0];
	_ =	sdelay $0x2  }
0xb8: {  	s31 =	sshll.u32 s1, $0xD;
	s1 =	sshrl.u32 s1, $0x2  }
0xb9: {  	s3 =	sand.u32 $0x4000, s31;
	s1 =	sadd.s32 s1, s30  }
0xba: {  	s0 =	sor.u32 s3, s0;
	s1 =	sshll.u32 s1, $0x11  }
0xbb: {  	s0 =	sor.u32 s1, s0  }
0xbc: {  	s0 =	sadd.s32 $0x8F2B, s0  }
0xbd: {  	[sflag:s0] =	ssyncadd.remote.s32 $0x1  }
0xbe: {  	_ =	sfence.sel $0xFFFF  }
0xbf: {  	[dreg:$0x0] =	wrdreg $0xFFFFFFFF;
	(pc) =	sbr.abs _section_cstart, $3  }
0xc0: {  	[dreg:$0x1] =	wrdreg $0xFFFFFFFF  }
0xc1: {  	_ =	task.clear_ibuf [dreg:s6], $0x2FFFF;
	_ =	strace $0x9FFFFFFF  }
0xc2: {  	(tm) =	ssettm $0x7FFFFFFF  }
0xc3: {  	_ =	shalt  }
tec
execute0_lowered:
.L_overlay_start_1:
0x0: {  	(tag) =	ssettag $0x1  }
0x1: {  	s6 =	rddreg [dreg:$0x0]  }
0x2: {  	s2 =	rddreg [dreg:$0x1]  }
0x3: {  	s0 =	rddreg [dreg:$0x2]  }
0x4: {  	s3 =	simm.s32 $0x0;
	s1 =	stileid.u32;
	s4 =	srdreg.scid  }
0x5: {  	s18 =	simm.s32 $0x80;
	s21 =	simm.s32 $0x0;
	s5 =	smul.u32 $0xA00, s1  }
0x6: {  	[smem:$0x7FF] =	sst s3;
	s10 =	sand.u32 $0x1, s4;
	s29 =	smul.u32 $0x1400, s1  }
0x7: {  	s28 =	sshll.u32 s1, $0x4;
	s4 =	sadd.s32 $0x3800, s6;
	s13 =	smul.u32 $0x30000, s1  }
0x8: {  	s31 =	smul.u32 $0x28000, s1;
	s19 =	sshll.u32 s1, $0x6;
	_ =	strace $0x8000004A  }
0x9: {  	s7 =	smul.u32 $0x14000, s10;
	s9 =	sadd.s32 s28, s6;
	s11 =	ssub.s32 $0x2, s10  }
0xa: {  	s16 =	smul.u32 $0x500, s10;
	s17 =	sshll.u32 s10, $0x6;
	s19 =	sor.u32 $0x1C01, s19  }
0xb: {  	s8 =	sadd.s32 s5, s6;
	s12 =	sshrl.u32 s11, $0x1;
	s5 =	sadd.s32 $0x3000, s6  }
0xc: {  	s30 =	sshrl.u32 s13, $0x2;
	s13 =	simm.s32 $0x1;
	s17 =	sshrl.u32 s17, $0x2  }
0xd: {  	s7 =	sadd.s32 s29, s7;
	s11 =	ssub.s32 s11, s12;
	s15 =	sadd.s32 $0x22200, s8  }
.Ltmp0:
0xe: {  	s12 =	sshrl.u32 s31, $0x2;
	s14 =	sadd.s32 s7, s6;
	(pc) =	sbr.rel .LBB2_1-.Ltmp0, $4  }
0xf: {  	s6 =	sadd.s32 $0x2C200, s9;
	s7 =	sadd.s32 s30, s2;
	s20 =	sadd.s32 s12, s2  }
0x10: {  	s11 =	smax.u32 s11, $0x1;
	s12 =	simm.s32 $0xA800;
	s8 =	sadd.s32 $0x4000, s7  }
0x11: {  	s9 =	sadd.s32 $0x8000, s7;
	s10 =	sadd.s32 $0x2C400, s14;
	s14 =	sadd.s32 s16, s15  }
0x12: {  	s15 =	simm.s32 $0x2800;
	s16 =	simm.s32 $0x6800;
	s20 =	sshrl.u32 s20, $0x3  }
.LBB2_4:
0x13: {  	[sflag:s13] =	ssyncadd.s32 $0xFFFFC000  }
.LBB2_5:
0x14: {  	s21 =	sadd.s32 $0x1, s21  }
0x15: {  	p0 =	sne.s32 s21, s11  }
.Ltmp1:
0x16: {  	[bflag:$0x0] =	sbarrier.arrive $0xFFFF;
	(pc) =	sbr.rel @!p0 .LBB2_6-.Ltmp1, $4  }
0x17: {  	[hbm:s10], [sflag:s19] =	dma.local [spmem:s20], $0x1400  }
0x18: {  	_ =	swait.ge [sflag:s13], $0x1400  }
0x19: {  	[sflag:s13] =	ssyncset.done $0x0  }
0x1a: {  	[sflag:s13] =	ssyncadd.s32 $0xFFFFEC00  }
.LBB2_1:
0x1b: {  	[tilespmem:s12], [sflag:$0x1] =	stream.linear.gather [hbm4b:s6+s3], $0x80, $0x38;
	[tilespmem:$0x16880] =	vst v63  }
0x1c: {  	_ =	swait.ge [sflag:s13], $0x80  }
0x1d: {  	[sflag:s13] =	ssyncset.done $0x0  }
0x1e: {  	[sflag:s13] =	ssyncadd.s32 $0xFFFFFF80  }
0x1f: {  	[tilespmem:s3], [sflag:$0x1] =	stream.linear.gather [hbm4b:s14+s3], $0x2800, $0x38;
	[tilespmem:$0x16880] =	vst v63  }
0x20: {  	_ =	swait.ge [sflag:s13], $0x2800  }
0x21: {  	[sflag:s13] =	ssyncset.done $0x0  }
0x22: {  	[sflag:s13] =	ssyncadd.s32 $0xFFFFD800  }
0x23: {  	[tilespmem:s15], [sflag:$0x1] =	stream.linear.gather [hbm4b:s4+s3], $0x4000, $0x38;
	[tilespmem:$0x16880] =	vst v63  }
0x24: {  	_ =	swait.ge [sflag:s13], $0x4000  }
0x25: {  	[sflag:s13] =	ssyncset.done $0x0  }
0x26: {  	[sflag:s13] =	ssyncadd.s32 $0xFFFFC000  }
0x27: {  	[tilespmem:s16], [sflag:$0x1] =	stream.linear.gather [hbm4b:s5+s3], $0x4000, $0x38;
	[tilespmem:$0x16880] =	vst v63  }
0x28: {  	_ =	swait.ge [sflag:s13], $0x4000  }
0x29: {  	[sflag:s13] =	ssyncset.done $0x0  }
0x2a: {  	[sflag:s13] =	ssyncadd.s32 $0xFFFFC000  }
0x2b: {  	[spmem:s7] =	stream.linear.scatter [tilespmem:s16], [sflag:$0x1], $0x4000, $0x38;
	[tilespmem:$0x16880] =	vst v63  }
0x2c: {  	_ =	swait.ge [sflag:s13], $0x4000  }
0x2d: {  	[sflag:s13] =	ssyncset.done $0x0  }
0x2e: {  	[sflag:s13] =	ssyncadd.s32 $0xFFFFC000  }
0x2f: {  	[spmem:s8] =	stream.linear.scatter [tilespmem:s16], [sflag:$0x1], $0x4000, $0x38;
	[tilespmem:$0x16880] =	vst v63  }
0x30: {  	_ =	swait.ge [sflag:s13], $0x4000  }
0x31: {  	[sflag:s13] =	ssyncset.done $0x0  }
0x32: {  	[sflag:s13] =	ssyncadd.s32 $0xFFFFC000  }
0x33: {  	[spmem:s9] =	stream.linear.scatter [tilespmem:s16], [sflag:$0x1], $0x4000, $0x38;
	[tilespmem:$0x16880] =	vst v63  }
0x34: {  	_ =	swait.ge [sflag:s13], $0x4000  }
0x35: {  	[sflag:s13] =	ssyncset.done $0x0  }
0x36: {  	[sflag:s13] =	ssyncadd.s32 $0xFFFFC000  }
0x37: {  	[bflag:$0x0] =	sbarrier.arrive $0xFFFF  }
0x38: {  	v0 =	vld [tilespmem:s17+$0xA800];
	_ =	sdelay $0x4  }
0x39: {  	v0 =	vxor.u32 $0x80000000, v0  }
0x3a: {  	(xrf0) =	vmax.scan.msk.u32 $0xffff, v0;
	_ =	sdelay $0x5  }
0x3b: {  	v0, _, _ =	vpop (xrf0)  }
0x3c: {  	(v2sf) =	vpush v0, $0xF;
	_ =	sdelay $0xe  }
0x3d: {  	s22 =	spop (v2sf)  }
0x3e: {  	s22 =	sadd.s32 $0x8000007F, s22  }
0x3f: {  	s23 =	sand.u32 $0x7F, s22  }
0x40: {  	s31 =	sshra.s32 s22, $0x1F;
	p1 =	slt.s32 s22, $0x1;
	p0 =	sne.s32 s23, $0x0  }
0x41: {  	s23 =	sshrl.u32 s31, $0x19;
	p0 =	por !p1, !p0  }
0x42: {  	s22 =	sadd.s32 s23, s22;
	s23 =	simm.s32 $0x1;
	p0 =	por !p0, !p0  }
0x43: {  	s22 =	sshra.s32 s22, $0x7;
	s23 =	simm.s32 @!p0 $0x0  }
0x44: {  	s22 =	ssub.s32 s22, s23  }
0x45: {  	p0 =	slt.s32 s22, $0x1  }
.Ltmp2:
0x46: {  	_ = 	snop;
	(pc) =	sbr.rel @p0 .LBB2_5-.Ltmp2, $1  }
0x47: {  	_ =	sdelay $0x3  }
0x48: {  	p0 =	sne.s32 s22, $0x1  }
.Ltmp3:
0x49: {  	_ = 	snop;
	(pc) =	sbr.rel @!p0 .LBB2_4-.Ltmp3, $4  }
0x4a: {  	_ = 	snop  }
0x4b: {  	[spmem:s2] =	stream.indirect.scatter.add.f32 [tilespmem:s15], [sflag:$0x1], $0x80, s3, s18, $0xb8;
	[tilespmem:$0x16880] =	vst v63  }
0x4c: {  	_ =	swait.ge [sflag:s13], $0x4000  }
0x4d: {  	s22 =	sadd.s32 $0xFFFFFFFF, s22;
	s23 =	simm.s32 $0x0;
	[sflag:s13] =	ssyncset.done $0x0  }
.LBB2_3:
0x4e: {  	p0 =	sne.s32 s22, $0x1;
	[sflag:s13] =	ssyncadd.s32 $0xFFFFC000;
	s23 =	sadd.s32 $0x80, s23  }
.Ltmp4:
0x4f: {  	s22 =	sadd.s32 $0xFFFFFFFF, s22;
	(pc) =	sbr.rel @p0 .LBB2_3-.Ltmp4, $4  }
0x50: {  	_ = 	snop  }
0x51: {  	[spmem:s2] =	stream.indirect.scatter.add.f32 [tilespmem:s15], [sflag:$0x1], $0x80, s23, s18, $0xb8;
	[tilespmem:$0x16880] =	vst v63  }
0x52: {  	_ =	swait.ge [sflag:s13], $0x4000  }
0x53: {  	[sflag:s13] =	ssyncset.done $0x0  }
.Ltmp5:
0x54: {  	_ = 	snop;
	(pc) =	sbr.rel .LBB2_4-.Ltmp5, $1  }
0x55: {  	_ =	sdelay $0x3  }
.LBB2_6:
0x56: {  	_ =	sfence.sel $0x180000  }
0x57: {  	[bflag:$0x0] =	sbarrier.arrive $0xFFFF  }
0x58: {  	p0 =	sne.s32 s1, $0x0;
	_ =	strace $0x9000004A  }
0x59: {  	s0 =	sadd.s32 @!p0 $0x100000, s0;
	[bflag:$0x2] =	sbarrier.arrive $0xFFFF  }
0x5a: {  	[sflag:s0] =	ssyncadd.tile.s32 @!p0 $0x1;
	_ =	shalt  }
.Lfunc_end2:
_tile_overlayer_lowered:
.L_overlay_start_2:
0x5b: {  	(tag) =	ssettag $0x2  }
0x5c: {  	s0 =	rddreg [dreg:$0x0];
	s2 =	stileid.u32  }
0x5d: {  	s1 =	rddreg [dreg:$0x1];
	p0 =	sne.s32 s2, $0x0  }
0x5e: {  	s3 =	rddreg [dreg:$0x2];
	[bflag:$0x3] =	sbarrier.arrive $0xFFFF;
	s2 =	simm.s32 @!p0 $0x1C01  }
0x5f: {  	[timem:s3], [sflag:s2] =	dma.local @!p0 [hbm:s0], s1  }
0x60: {  	s0 =	simm.s32 @!p0 $0x1  }
0x61: {  	_ =	swait.ge @!p0 [sflag:s0], s1  }
0x62: {  	s1 =	ssub.s32 @!p0 $0x0, s1;
	[sflag:s0] =	ssyncset.done @!p0 $0x0  }
0x63: {  	[sflag:s0] =	ssyncadd.s32 @!p0 s1  }
0x64: {  	[bflag:$0x3] =	sbarrier.arrive $0xFFFF  }
0x65: {  	_ =	shalt  }

// kernel: kernel.15.cloned.1.call-start
scs
__scs_entry_jumppad:
0x0: {  	(pc) =	sbr.rel $0x88, $3  }
0x1: {  	(tag) =	ssettag $0x0;
	lr =	simm.s32 $0x1  }
0x2: {  	[smem:$0x3F96] =	sst lr;
	_ =	strace $0xD0000000  }
0x3: {  	_ = 	snop  }
0x4: {  	_ = 	snop  }
0x5: {  	_ = 	snop  }
0x6: {  	_ = 	snop  }
0x7: {  	_ = 	snop  }
__scs_overlays_trampoline_lowered:
0x8: {  	[smem:$0x3FA5] =	sst s0  }
0x9: {  	[smem:$0x3FA6] =	sst s1  }
0xa: {  	[smem:$0x3FA7] =	sst s2  }
0xb: {  	[smem:$0x3FA8] =	sst s3  }
0xc: {  	[smem:$0x3FA9] =	sst s4  }
0xd: {  	[smem:$0x3FAA] =	sst s5  }
0xe: {  	[smem:$0x3FAB] =	sst s6  }
0xf: {  	[smem:$0x3FAC] =	sst s7  }
0x10: {  	[smem:$0x3FAD] =	sst s8  }
0x11: {  	[smem:$0x3FAE] =	sst s9;
	s0 =	simm.s32 @!p0 $0x0  }
0x12: {  	s1 =	sld [smem:$0x3F94];
	s0 =	simm.s32 @p0 $0x1  }
0x13: {  	[smem:$0x3FAF] =	sst s0;
	s0 =	simm.s32 @!p1 $0x0  }
0x14: {  	s2 =	sld [smem:$0x3F93];
	s0 =	simm.s32 @p1 $0x1  }
0x15: {  	[smem:$0x3FB0] =	sst s0;
	s0 =	simm.s32 @!p2 $0x0  }
0x16: {  	s3 =	sld [smem:$0x3FDB];
	s0 =	simm.s32 @p2 $0x1  }
0x17: {  	s4 =	simm.s32 $0x1BF5;
	[smem:$0x3FB2] =	sst s0  }
0x18: {  	s0 =	sld [smem:$0x3F95];
	_ =	swait.ge [sflag:s4], $0x0  }
0x19: {  	s7 =	sld [smem:$0x3F96]  }
0x1a: {  	s8 =	sadd.s32 $0xFFFFE003, lr  }
0x1b: {  	s9 =	sadd.s32 $0xFFFFFEF7, lr;
	s5 =	simm.s32 $0xFFFFFFFF;
	p2 =	slt.u32 s8, $0xFFFFF086  }
0x1c: {  	p1 =	slt.u32 s9, $0xF7A;
	s5 =	simm.s32 @!p2 $0x0  }
0x1d: {  	s5 =	simm.s32 @p1 $0x1;
	p0 =	seq.s32 s7, s2  }
0x1e: {  	s7 =	smul.u32 @!p0 $0xF7A, s2;
	p2 =	seq.s32 @!p0 s5, $0x0  }
0x1f: {  	s9 =	smul.u32 $0xF7A, s1;
	s8 =	simm.s32 @!p0 $0x1BF5;
	p2 =	por !p2, p0  }
0x20: {  	[sflag:s8] =	ssyncset.s32 @!p0 $0xFFFFF086;
	s6 =	sadd.s32 @!p0 s3, s7;
	s7 =	simm.s32 @!p0 $0x108  }
0x21: {  	s3 =	sadd.s32 s3, s9;
	s6 =	sadd.s32 @!p0 $0x88, s6;
	s7 =	simm.s32 @p2 $0x1082  }
0x22: {  	[simem:s7], [sflag:s8] =	dma.local @!p0 [hbm:s6], $0xF7A  }
0x23: {  	s9 =	sor.u32 $0xD0000000, s2;
	s6 =	simm.s32 $0x108;
	_ =	swait.ge @!p0 [sflag:s8], $0x0  }
0x24: {  	s3 =	sadd.s32 $0x88, s3;
	s6 =	simm.s32 @!p1 $0x1082;
	[sflag:s4] =	ssyncset.s32 $0xFFFFF086  }
0x25: {  	[simem:s6], [sflag:s4] =	dma.local [hbm:s3], $0xF7A  }
0x26: {  	[smem:$0x3F96] =	sst s1;
	(tag) =	ssettag s2;
	_ =	strace s9  }
0x27: {  	s1 =	sld [smem:$0x3FA6]  }
0x28: {  	s2 =	sld [smem:$0x3FA7]  }
0x29: {  	s4 =	sld [smem:$0x3FA9]  }
0x2a: {  	p0 =	seq.s32 s5, $0x0;
	s5 =	sld [smem:$0x3FAA]  }
0x2b: {  	s6 =	sld [smem:$0x3FAB]  }
0x2c: {  	s7 =	sld [smem:$0x3FAC]  }
0x2d: {  	s3 =	simm.s32 $0x108;
	s8 =	sld [smem:$0x3FAD]  }
0x2e: {  	s3 =	simm.s32 @!p0 $0x1082;
	s9 =	sld [smem:$0x3FAE]  }
0x2f: {  	lr =	sadd.s32 s0, s3;
	s0 =	sld [smem:$0x3FA5]  }
0x30: {  	s3 =	sld [smem:$0x3FA8]  }
0x31: {  	[smem:$0x3FB1] =	sst s10  }
0x32: {  	s10 =	sld [smem:$0x3FAF];
	_ =	sdelay $0x3  }
0x33: {  	p0 =	seq.s32 s10, $0x1;
	s10 =	sld [smem:$0x3FB1];
	_ =	sdelay $0x3  }
0x34: {  	[smem:$0x3FB1] =	sst s10  }
0x35: {  	s10 =	sld [smem:$0x3FB0];
	_ =	sdelay $0x3  }
0x36: {  	p1 =	seq.s32 s10, $0x1;
	s10 =	sld [smem:$0x3FB1];
	_ =	sdelay $0x3  }
0x37: {  	[smem:$0x3FB1] =	sst s10  }
0x38: {  	s10 =	sld [smem:$0x3FB2]  }
0x39: {  	_ = 	snop;
	(pc) =	sbr.ind lr, $3  }
0x3a: {  	_ = 	snop  }
0x3b: {  	_ = 	snop  }
0x3c: {  	p2 =	seq.s32 s10, $0x1;
	s10 =	sld [smem:$0x3FB1]  }
0x3d: {  	_ =	shalt  }
0x3e: {  	_ =	shalt  }
0x3f: {  	_ =	shalt  }
0x40: {  	_ =	shalt  }
0x41: {  	_ =	shalt  }
0x42: {  	_ =	shalt  }
0x43: {  	_ =	shalt  }
0x44: {  	_ =	shalt  }
0x45: {  	_ =	shalt  }
0x46: {  	_ =	shalt  }
0x47: {  	_ =	shalt  }
0x48: {  	_ =	shalt  }
0x49: {  	_ =	shalt  }
0x4a: {  	_ =	shalt  }
0x4b: {  	_ =	shalt  }
0x4c: {  	_ =	shalt  }
0x4d: {  	_ =	shalt  }
0x4e: {  	_ =	shalt  }
0x4f: {  	_ =	shalt  }
0x50: {  	_ =	shalt  }
0x51: {  	_ =	shalt  }
0x52: {  	_ =	shalt  }
0x53: {  	_ =	shalt  }
0x54: {  	_ =	shalt  }
0x55: {  	_ =	shalt  }
0x56: {  	_ =	shalt  }
0x57: {  	_ =	shalt  }
0x58: {  	_ =	shalt  }
0x59: {  	_ =	shalt  }
0x5a: {  	_ =	shalt  }
0x5b: {  	_ =	shalt  }
0x5c: {  	_ =	shalt  }
0x5d: {  	_ =	shalt  }
0x5e: {  	_ =	shalt  }
0x5f: {  	_ =	shalt  }
0x60: {  	_ =	shalt  }
0x61: {  	_ =	shalt  }
0x62: {  	_ =	shalt  }
0x63: {  	_ =	shalt  }
0x64: {  	_ =	shalt  }
0x65: {  	_ =	shalt  }
0x66: {  	_ =	shalt  }
0x67: {  	_ =	shalt  }
0x68: {  	_ =	shalt  }
0x69: {  	_ =	shalt  }
0x6a: {  	_ =	shalt  }
0x6b: {  	_ =	shalt  }
0x6c: {  	_ =	shalt  }
0x6d: {  	_ =	shalt  }
0x6e: {  	_ =	shalt  }
0x6f: {  	_ =	shalt  }
0x70: {  	_ =	shalt  }
0x71: {  	_ =	shalt  }
0x72: {  	_ =	shalt  }
0x73: {  	_ =	shalt  }
0x74: {  	_ =	shalt  }
0x75: {  	_ =	shalt  }
0x76: {  	_ =	shalt  }
0x77: {  	_ =	shalt  }
0x78: {  	_ =	shalt  }
0x79: {  	_ =	shalt  }
0x7a: {  	_ =	shalt  }
0x7b: {  	_ =	shalt  }
0x7c: {  	_ =	shalt  }
0x7d: {  	_ =	shalt  }
0x7e: {  	_ =	shalt  }
0x7f: {  	_ =	shalt  }
0x80: {  	_ =	shalt  }
0x81: {  	_ =	shalt  }
0x82: {  	_ =	shalt  }
0x83: {  	_ =	shalt  }
0x84: {  	_ =	shalt  }
0x85: {  	_ =	shalt  }
0x86: {  	_ =	shalt  }
0x87: {  	_ =	shalt  }
.Lfunc_end0:
.L_simem_size_0:
called_computation.2_lowered:
.L_overlay_start_0:
0x88: {  	s2 =	sld [smem:$0x3FD9]  }
0x89: {  	s3 =	sld [smem:$0x3FFE];
	_ =	sdelay $0x1  }
0x8a: {  	s1 =	srdreg.scid  }
0x8b: {  	s0 =	sand.u32 $0x1, s1  }
0x8c: {  	s16 =	sshll.u32 s0, $0xA;
	s2 =	sadd.s32 s3, s2  }
0x8d: {  	s2 =	sadd.s32 s2, s16  }
0x8e: {  	[smem:$0x3FBD] =	sst s2  }
0x8f: {  	_ = 	snop  }
0x90: {  	(tm) =	ssettm $0x1  }
0x91: {  	s17 =	sld [smem:$0x3FFB];
	_ =	sdelay $0x3  }
0x92: {  	_ =	strace s17  }
0x93: {  	s2 =	sld [smem:$0x3FFC];
	_ =	sdelay $0x3  }
0x94: {  	_ =	strace s2  }
0x95: {  	s2 =	sld [smem:$0x3FFD];
	_ =	sdelay $0x3  }
0x96: {  	_ =	strace s2  }
0x97: {  	_ =	strace $0x8FFFFFFF  }
0x98: {  	s18 =	sld [smem:$0x3FDB];
	_ =	sdelay $0x1  }
0x99: {  	s19 =	simm.s32 $_scs_section_size  }
0x9a: {  	s4 =	simm.s32 $_size__tile_overlayer_lowered;
	s5 =	simm.s32 $_tile_overlayer_lowered  }
0x9b: {  	s22 =	simm.s32 $0x1BFF;
	s21 =	sshll.u32 s5, $0x1;
	s2 =	sadd.s32 s19, s18  }
0x9c: {  	s6 =	simm.s32 $0x0;
	s20 =	sshll.u32 s4, $0x1;
	s4 =	sadd.s32 s21, s2  }
0x9d: {  	[timem:s6], [sflag:s22] =	dma.local [hbm:s4], s20  }
0x9e: {  	_ =	swait.ge [sflag:s22], s20  }
0x9f: {  	s3 =	ssub.s32 $0x0, s20;
	[sflag:s22] =	ssyncset.done $0x0  }
0xa0: {  	[sflag:s22] =	ssyncadd.s32 s3;
	_ =	sdelay $0x1  }
0xa1: {  	s23 =	simm.s32 $0x1B8B  }
0xa2: {  	_ =	swait.ge [sflag:s23], $0x1  }
0xa3: {  	[sflag:s23] =	ssyncset.done $0x0  }
0xa4: {  	s25 =	simm.s32 $0x1B8E;
	s24 =	sld [smem:$0x3FFE];
	[sflag:s23] =	ssyncadd.s32 $0xFFFFFFFF  }
0xa5: {  	s26 =	simm.s32 $execute0_lowered;
	[smem:$0x3FD2] =	sst s25  }
0xa6: {  	s4 =	sshll.u32 s26, $0x1;
	_ =	strace $0x8000004C;
	[dreg:$0x1] =	wrdreg $0xFFFFFFFF  }
0xa7: {  	s28 =	simm.s32 $_size_execute0_lowered;
	s2 =	sadd.s32 s2, s4;
	[dreg:$0x0] =	wrdreg $0x0  }
0xa8: {  	s4 =	sshll.u32 s28, $0x1;
	[dreg:$0x2] =	wrdreg s2  }
0xa9: {  	[dreg:$0x3] =	wrdreg s4  }
0xaa: {  	[dreg:$0x4] =	wrdreg $0xC0  }
0xab: {  	_ =	task [dreg:s6], $0x5FFFF  }
0xac: {  	[dreg:$0x1] =	wrdreg $0xFFFFFFFF  }
0xad: {  	[dreg:$0x0] =	wrdreg $0x60  }
0xae: {  	[dreg:$0x2] =	wrdreg s24  }
0xaf: {  	[dreg:$0x3] =	wrdreg $0xD0800  }
0xb0: {  	[dreg:$0x4] =	wrdreg $0x9  }
0xb1: {  	_ =	task.clear_ibuf [dreg:s6], $0x5FFFF;
	_ =	strace $0x9000004C  }
0xb2: {  	s29 =	simm.s32 $0x9;
	_ =	strace $0x8000004E  }
0xb3: {  	_ =	swait.ge [sflag:s29], $0x1  }
0xb4: {  	[sflag:s29] =	ssyncadd.s32 $0xFFFFFFFF  }
0xb5: {  	_ =	strace $0x9000004E  }
0xb6: {  	_ =	sfence  }
0xb7: {  	s30 =	sld [smem:$0x0];
	_ =	sdelay $0x2  }
0xb8: {  	s31 =	sshll.u32 s1, $0xD;
	s1 =	sshrl.u32 s1, $0x2  }
0xb9: {  	s3 =	sand.u32 $0x4000, s31;
	s1 =	sadd.s32 s1, s30  }
0xba: {  	s0 =	sor.u32 s3, s0;
	s1 =	sshll.u32 s1, $0x11  }
0xbb: {  	s0 =	sor.u32 s1, s0  }
0xbc: {  	s0 =	sadd.s32 $0x8F2B, s0  }
0xbd: {  	[sflag:s0] =	ssyncadd.remote.s32 $0x1  }
0xbe: {  	_ =	sfence.sel $0xFFFF  }
0xbf: {  	[dreg:$0x0] =	wrdreg $0xFFFFFFFF;
	(pc) =	sbr.abs _section_cstart, $3  }
0xc0: {  	[dreg:$0x1] =	wrdreg $0xFFFFFFFF  }
0xc1: {  	_ =	task.clear_ibuf [dreg:s6], $0x2FFFF;
	_ =	strace $0x9FFFFFFF  }
0xc2: {  	(tm) =	ssettm $0x7FFFFFFF  }
0xc3: {  	_ =	shalt  }
tec
execute0_lowered:
.L_overlay_start_1:
0x0: {  	(tag) =	ssettag $0x1  }
0x1: {  	s7 =	rddreg [dreg:$0x0]  }
0x2: {  	s2 =	rddreg [dreg:$0x1];
	s1 =	stileid.u32  }
0x3: {  	s0 =	rddreg [dreg:$0x2];
	s3 =	simm.s32 $0x0;
	s4 =	smul.u32 $0x1400, s1  }
0x4: {  	s8 =	srdreg.scid;
	s20 =	simm.s32 $0x5000;
	s6 =	smul.u32 $0xA00, s1  }
0x5: {  	s22 =	simm.s32 $0x0;
	[smem:$0x7FF] =	sst s3;
	s15 =	smul.u32 $0x30000, s1  }
0x6: {  	s5 =	sadd.s32 $0x2C400, s7;
	s11 =	sand.u32 $0x1, s8;
	s29 =	smul.u32 $0x28000, s1  }
0x7: {  	s26 =	sshll.u32 s1, $0x4;
	s30 =	smul.u32 $0xA000, s1;
	_ =	strace $0x8000004D  }
0x8: {  	s8 =	smul.u32 $0x28000, s11;
	s12 =	ssub.s32 $0x2, s11;
	s13 =	sadd.s32 s26, s7  }
0x9: {  	s19 =	smul.u32 $0x500, s11;
	s9 =	sadd.s32 s4, s7;
	s10 =	sadd.s32 s6, s7  }
0xa: {  	s14 =	sshrl.u32 s12, $0x1;
	s6 =	sadd.s32 $0x3000, s7;
	s28 =	sshrl.u32 s15, $0x2  }
0xb: {  	s31 =	sshrl.u32 s29, $0x2;
	s17 =	sshrl.u32 s30, $0x3;
	s15 =	simm.s32 $0xD000  }
0xc: {  	s16 =	sadd.s32 s8, s7;
	s14 =	ssub.s32 s12, s14;
	s7 =	sadd.s32 $0x2C200, s13  }
.Ltmp0:
0xd: {  	s18 =	sadd.s32 $0xE200, s9;
	s8 =	sadd.s32 s28, s2;
	(pc) =	sbr.rel .LBB2_1-.Ltmp0, $4  }
0xe: {  	s9 =	sadd.s32 $0x22200, s10;
	s13 =	sadd.s32 s31, s2;
	s21 =	sadd.s32 $0x14000, s17  }
0xf: {  	s17 =	simm.s32 $0x9000;
	s10 =	sadd.s32 $0x4000, s8;
	s11 =	sadd.s32 $0x8000, s8  }
0x10: {  	s12 =	sadd.s32 $0x7C400, s16;
	s14 =	smax.u32 s14, $0x1;
	s16 =	simm.s32 $0x1  }
0x11: {  	s18 =	sadd.s32 s19, s18;
	s19 =	simm.s32 $0x80;
	s21 =	sadd.s32 s21, s12  }
.LBB2_8:
0x12: {  	[sflag:s16] =	ssyncadd.s32 $0xFFFFC000  }
.LBB2_9:
0x13: {  	[bflag:$0x0] =	sbarrier.arrive $0xFFFF;
	s22 =	sadd.s32 $0x1, s22  }
0x14: {  	[hbm:s21], [sflag:s23] =	dma.local [spmem:s24], $0x1400  }
0x15: {  	p0 =	sne.s32 s22, s14  }
.Ltmp1:
0x16: {  	_ =	swait.ge [sflag:s16], $0x1400;
	(pc) =	sbr.rel @!p0 .LBB2_10-.Ltmp1, $3  }
0x17: {  	[sflag:s16] =	ssyncset.done $0x0  }
0x18: {  	[sflag:s16] =	ssyncadd.s32 $0xFFFFEC00  }
0x19: {  	[bflag:$0x0] =	sbarrier.arrive $0xFFFF;
	_ =	sdelay $0x1  }
.LBB2_1:
0x1a: {  	[tilespmem:s15], [sflag:$0x1] =	stream.linear.gather [hbm4b:s7+s3], $0x80, $0x38;
	[tilespmem:$0x19080] =	vst v63  }
0x1b: {  	_ =	swait.ge [sflag:s16], $0x80  }
0x1c: {  	[sflag:s16] =	ssyncset.done $0x0  }
0x1d: {  	[sflag:s16] =	ssyncadd.s32 $0xFFFFFF80  }
0x1e: {  	[tilespmem:s17], [sflag:$0x1] =	stream.linear.gather [hbm4b:s6+s3], $0x4000, $0x38;
	[tilespmem:$0x19080] =	vst v63  }
0x1f: {  	_ =	swait.ge [sflag:s16], $0x4000  }
0x20: {  	[sflag:s16] =	ssyncset.done $0x0  }
0x21: {  	[sflag:s16] =	ssyncadd.s32 $0xFFFFC000  }
0x22: {  	[tilespmem:s3], [sflag:$0x1] =	stream.linear.gather [hbm4b:s18+s3], $0x2800, $0x38;
	[tilespmem:$0x19080] =	vst v63  }
0x23: {  	_ =	swait.ge [sflag:s16], $0x2800  }
0x24: {  	[sflag:s16] =	ssyncset.done $0x0  }
0x25: {  	s23 =	simm.s32 $0x2800;
	[sflag:s16] =	ssyncadd.s32 $0xFFFFD800  }
0x26: {  	[tilespmem:s23], [sflag:$0x1] =	stream.linear.gather [hbm4b:s9+s3], $0x2800, $0x38;
	[tilespmem:$0x19080] =	vst v63  }
0x27: {  	_ =	swait.ge [sflag:s16], $0x2800  }
0x28: {  	[sflag:s16] =	ssyncset.done $0x0  }
0x29: {  	[sflag:s16] =	ssyncadd.s32 $0xFFFFD800  }
0x2a: {  	[spmem:s8] =	stream.linear.scatter [tilespmem:s17], [sflag:$0x1], $0x4000, $0x38;
	[tilespmem:$0x19080] =	vst v63  }
0x2b: {  	_ =	swait.ge [sflag:s16], $0x4000  }
0x2c: {  	[sflag:s16] =	ssyncset.done $0x0  }
0x2d: {  	[sflag:s16] =	ssyncadd.s32 $0xFFFFC000  }
0x2e: {  	[spmem:s10] =	stream.linear.scatter [tilespmem:s17], [sflag:$0x1], $0x4000, $0x38;
	[tilespmem:$0x19080] =	vst v63  }
0x2f: {  	_ =	swait.ge [sflag:s16], $0x4000  }
0x30: {  	[sflag:s16] =	ssyncset.done $0x0  }
0x31: {  	[sflag:s16] =	ssyncadd.s32 $0xFFFFC000  }
0x32: {  	[spmem:s11] =	stream.linear.scatter [tilespmem:s17], [sflag:$0x1], $0x4000, $0x38;
	[tilespmem:$0x19080] =	vst v63  }
0x33: {  	_ =	swait.ge [sflag:s16], $0x4000  }
0x34: {  	[sflag:s16] =	ssyncset.done $0x0  }
0x35: {  	[sflag:s16] =	ssyncadd.s32 $0xFFFFC000  }
0x36: {  	[bflag:$0x0] =	sbarrier.arrive $0xFFFF  }
0x37: {  	v0 =	vld [tilespmem:$0xD000];
	_ =	sdelay $0x4  }
0x38: {  	v0 =	vxor.u32 $0x80000000, v0  }
0x39: {  	(xrf0) =	vmax.scan.msk.u32 $0xffff, v0;
	_ =	sdelay $0x5  }
0x3a: {  	v0, _, _ =	vpop (xrf0)  }
0x3b: {  	(v2sf) =	vpush v0, $0xF;
	_ =	sdelay $0xe  }
0x3c: {  	s24 =	spop (v2sf)  }
0x3d: {  	s24 =	sadd.s32 $0x8000007F, s24  }
0x3e: {  	s25 =	sand.u32 $0x7F, s24  }
0x3f: {  	s31 =	sshra.s32 s24, $0x1F;
	p1 =	slt.s32 s24, $0x1;
	p0 =	sne.s32 s25, $0x0  }
0x40: {  	s25 =	sshrl.u32 s31, $0x19;
	p0 =	por !p1, !p0  }
0x41: {  	s24 =	sadd.s32 s25, s24;
	s25 =	simm.s32 $0x1;
	p0 =	por !p0, !p0  }
0x42: {  	s24 =	sshra.s32 s24, $0x7;
	s25 =	simm.s32 @!p0 $0x0  }
0x43: {  	s24 =	ssub.s32 s24, s25  }
0x44: {  	p0 =	slt.s32 s24, $0x1  }
.Ltmp2:
0x45: {  	_ = 	snop;
	(pc) =	sbr.rel @p0 .LBB2_5-.Ltmp2, $1  }
0x46: {  	_ =	sdelay $0x3  }
0x47: {  	[tilespmem:s20], [sflag:$0x1] =	stream.indirect.gather [hbm4b:s5+s19], $0x80, s3, s19, $0xb8;
	[tilespmem:$0x19080] =	vst v63  }
0x48: {  	p0 =	sne.s32 s24, $0x1;
	_ =	swait.ge [sflag:s16], $0x4000  }
.Ltmp3:
0x49: {  	[sflag:s16] =	ssyncset.done $0x0;
	(pc) =	sbr.rel @!p0 .LBB2_4-.Ltmp3, $4  }
0x4a: {  	[sflag:s16] =	ssyncadd.s32 $0xFFFFC000  }
0x4b: {  	[spmem:s2] =	stream.indirect.scatter.add.f32 [tilespmem:s20], [sflag:$0x1], $0x80, s23, s19, $0xb8;
	[tilespmem:$0x19080] =	vst v63  }
0x4c: {  	_ =	swait.ge [sflag:s16], $0x4000  }
0x4d: {  	s24 =	sadd.s32 $0xFFFFFFFF, s24;
	s25 =	simm.s32 $0x0;
	[sflag:s16] =	ssyncset.done $0x0  }
.LBB2_3:
0x4e: {  	[sflag:s16] =	ssyncadd.s32 $0xFFFFC000;
	s25 =	sadd.s32 $0x80, s25;
	s23 =	sadd.s32 $0x80, s23  }
0x4f: {  	[tilespmem:s20], [sflag:$0x1] =	stream.indirect.gather [hbm4b:s5+s19], $0x80, s25, s19, $0xb8;
	[tilespmem:$0x19080] =	vst v63  }
0x50: {  	p0 =	sne.s32 s24, $0x1;
	s24 =	sadd.s32 $0xFFFFFFFF, s24;
	_ =	swait.ge [sflag:s16], $0x4000  }
.Ltmp4:
0x51: {  	[sflag:s16] =	ssyncset.done $0x0;
	(pc) =	sbr.rel @p0 .LBB2_3-.Ltmp4, $4  }
0x52: {  	[sflag:s16] =	ssyncadd.s32 $0xFFFFC000  }
0x53: {  	[spmem:s2] =	stream.indirect.scatter.add.f32 [tilespmem:s20], [sflag:$0x1], $0x80, s23, s19, $0xb8;
	[tilespmem:$0x19080] =	vst v63  }
0x54: {  	_ =	swait.ge [sflag:s16], $0x4000  }
0x55: {  	[sflag:s16] =	ssyncset.done $0x0  }
.LBB2_4:
0x56: {  	[sflag:s16] =	ssyncadd.s32 $0xFFFFC000  }
.LBB2_5:
0x57: {  	[bflag:$0x0] =	sbarrier.arrive $0xFFFF;
	s23 =	sshll.u32 s1, $0x6  }
0x58: {  	s25 =	sadd.s32 s4, s12;
	s24 =	sshrl.u32 s13, $0x3;
	s23 =	sor.u32 $0x1C01, s23  }
0x59: {  	[hbm:s25], [sflag:s23] =	dma.local [spmem:s24], $0x1400  }
0x5a: {  	_ =	swait.ge [sflag:s16], $0x1400  }
0x5b: {  	[sflag:s16] =	ssyncset.done $0x0  }
0x5c: {  	[sflag:s16] =	ssyncadd.s32 $0xFFFFEC00  }
0x5d: {  	s26 =	sadd.s32 $0xA00, s18;
	s25 =	simm.s32 $0x0;
	[bflag:$0x0] =	sbarrier.arrive $0xFFFF  }
0x5e: {  	[tilespmem:s25], [sflag:$0x1] =	stream.linear.gather [hbm4b:s26+s25], $0x2800, $0x38;
	[tilespmem:$0x19080] =	vst v63  }
0x5f: {  	_ =	swait.ge [sflag:s16], $0x2800  }
0x60: {  	[sflag:s16] =	ssyncset.done $0x0  }
0x61: {  	s28 =	sadd.s32 $0x500, s9;
	s26 =	simm.s32 $0x2800;
	[sflag:s16] =	ssyncadd.s32 $0xFFFFD800  }
0x62: {  	[tilespmem:s26], [sflag:$0x1] =	stream.linear.gather [hbm4b:s28+s25], $0x2800, $0x38;
	[tilespmem:$0x19080] =	vst v63  }
0x63: {  	_ =	swait.ge [sflag:s16], $0x2800  }
0x64: {  	[sflag:s16] =	ssyncset.done $0x0  }
0x65: {  	[sflag:s16] =	ssyncadd.s32 $0xFFFFD800  }
0x66: {  	[spmem:s8] =	stream.linear.scatter [tilespmem:s17], [sflag:$0x1], $0x4000, $0x38;
	[tilespmem:$0x19080] =	vst v63  }
0x67: {  	_ =	swait.ge [sflag:s16], $0x4000  }
0x68: {  	[sflag:s16] =	ssyncset.done $0x0  }
0x69: {  	[sflag:s16] =	ssyncadd.s32 $0xFFFFC000  }
0x6a: {  	[spmem:s10] =	stream.linear.scatter [tilespmem:s17], [sflag:$0x1], $0x4000, $0x38;
	[tilespmem:$0x19080] =	vst v63  }
0x6b: {  	_ =	swait.ge [sflag:s16], $0x4000  }
0x6c: {  	[sflag:s16] =	ssyncset.done $0x0  }
0x6d: {  	[sflag:s16] =	ssyncadd.s32 $0xFFFFC000  }
0x6e: {  	[spmem:s11] =	stream.linear.scatter [tilespmem:s17], [sflag:$0x1], $0x4000, $0x38;
	[tilespmem:$0x19080] =	vst v63  }
0x6f: {  	_ =	swait.ge [sflag:s16], $0x4000  }
0x70: {  	[sflag:s16] =	ssyncset.done $0x0  }
0x71: {  	[sflag:s16] =	ssyncadd.s32 $0xFFFFC000  }
0x72: {  	[bflag:$0x0] =	sbarrier.arrive $0xFFFF  }
0x73: {  	v0 =	vld [tilespmem:$0xD010];
	_ =	sdelay $0x4  }
0x74: {  	v0 =	vxor.u32 $0x80000000, v0  }
0x75: {  	(xrf0) =	vmax.scan.msk.u32 $0xffff, v0;
	_ =	sdelay $0x5  }
0x76: {  	v0, _, _ =	vpop (xrf0)  }
0x77: {  	(v2sf) =	vpush v0, $0xF;
	_ =	sdelay $0xe  }
0x78: {  	s28 =	spop (v2sf)  }
0x79: {  	s28 =	sadd.s32 $0x8000007F, s28  }
0x7a: {  	s29 =	sand.u32 $0x7F, s28  }
0x7b: {  	s31 =	sshra.s32 s28, $0x1F;
	p1 =	slt.s32 s28, $0x1;
	p0 =	sne.s32 s29, $0x0  }
0x7c: {  	s29 =	sshrl.u32 s31, $0x19;
	p0 =	por !p1, !p0  }
0x7d: {  	s28 =	sadd.s32 s29, s28;
	s29 =	simm.s32 $0x1;
	p0 =	por !p0, !p0  }
0x7e: {  	s28 =	sshra.s32 s28, $0x7;
	s29 =	simm.s32 @!p0 $0x0  }
0x7f: {  	s28 =	ssub.s32 s28, s29  }
0x80: {  	p0 =	slt.s32 s28, $0x1  }
.Ltmp5:
0x81: {  	_ = 	snop;
	(pc) =	sbr.rel @p0 .LBB2_9-.Ltmp5, $1  }
0x82: {  	_ =	sdelay $0x3  }
0x83: {  	[tilespmem:s20], [sflag:$0x1] =	stream.indirect.gather [hbm4b:s5+s19], $0x80, s25, s19, $0xb8;
	[tilespmem:$0x19080] =	vst v63  }
0x84: {  	p0 =	sne.s32 s28, $0x1;
	_ =	swait.ge [sflag:s16], $0x4000  }
.Ltmp6:
0x85: {  	[sflag:s16] =	ssyncset.done $0x0;
	(pc) =	sbr.rel @!p0 .LBB2_8-.Ltmp6, $4  }
0x86: {  	[sflag:s16] =	ssyncadd.s32 $0xFFFFC000  }
0x87: {  	[spmem:s2] =	stream.indirect.scatter.add.f32 [tilespmem:s20], [sflag:$0x1], $0x80, s26, s19, $0xb8;
	[tilespmem:$0x19080] =	vst v63  }
0x88: {  	_ =	swait.ge [sflag:s16], $0x4000  }
0x89: {  	s28 =	sadd.s32 $0xFFFFFFFF, s28;
	[sflag:s16] =	ssyncset.done $0x0  }
.LBB2_7:
0x8a: {  	[sflag:s16] =	ssyncadd.s32 $0xFFFFC000;
	s25 =	sadd.s32 $0x80, s25;
	s26 =	sadd.s32 $0x80, s26  }
0x8b: {  	[tilespmem:s20], [sflag:$0x1] =	stream.indirect.gather [hbm4b:s5+s19], $0x80, s25, s19, $0xb8;
	[tilespmem:$0x19080] =	vst v63  }
0x8c: {  	p0 =	sne.s32 s28, $0x1;
	s28 =	sadd.s32 $0xFFFFFFFF, s28;
	_ =	swait.ge [sflag:s16], $0x4000  }
.Ltmp7:
0x8d: {  	[sflag:s16] =	ssyncset.done $0x0;
	(pc) =	sbr.rel @p0 .LBB2_7-.Ltmp7, $4  }
0x8e: {  	[sflag:s16] =	ssyncadd.s32 $0xFFFFC000  }
0x8f: {  	[spmem:s2] =	stream.indirect.scatter.add.f32 [tilespmem:s20], [sflag:$0x1], $0x80, s26, s19, $0xb8;
	[tilespmem:$0x19080] =	vst v63  }
0x90: {  	_ =	swait.ge [sflag:s16], $0x4000  }
0x91: {  	[sflag:s16] =	ssyncset.done $0x0  }
.Ltmp8:
0x92: {  	_ = 	snop;
	(pc) =	sbr.rel .LBB2_8-.Ltmp8, $1  }
0x93: {  	_ =	sdelay $0x3  }
.LBB2_10:
0x94: {  	_ =	sfence.sel $0x180000  }
0x95: {  	[bflag:$0x0] =	sbarrier.arrive $0xFFFF  }
0x96: {  	p0 =	sne.s32 s1, $0x0;
	_ =	strace $0x9000004D  }
0x97: {  	s0 =	sadd.s32 @!p0 $0x100000, s0;
	[bflag:$0x2] =	sbarrier.arrive $0xFFFF  }
0x98: {  	[sflag:s0] =	ssyncadd.tile.s32 @!p0 $0x1;
	_ =	shalt  }
.Lfunc_end2:
_tile_overlayer_lowered:
.L_overlay_start_2:
0x99: {  	(tag) =	ssettag $0x2  }
0x9a: {  	s0 =	rddreg [dreg:$0x0];
	s2 =	stileid.u32  }
0x9b: {  	s1 =	rddreg [dreg:$0x1];
	p0 =	sne.s32 s2, $0x0  }
0x9c: {  	s3 =	rddreg [dreg:$0x2];
	[bflag:$0x3] =	sbarrier.arrive $0xFFFF;
	s2 =	simm.s32 @!p0 $0x1C01  }
0x9d: {  	[timem:s3], [sflag:s2] =	dma.local @!p0 [hbm:s0], s1  }
0x9e: {  	s0 =	simm.s32 @!p0 $0x1  }
0x9f: {  	_ =	swait.ge @!p0 [sflag:s0], s1  }
0xa0: {  	s1 =	ssub.s32 @!p0 $0x0, s1;
	[sflag:s0] =	ssyncset.done @!p0 $0x0  }
0xa1: {  	[sflag:s0] =	ssyncadd.s32 @!p0 s1  }
0xa2: {  	[bflag:$0x3] =	sbarrier.arrive $0xFFFF  }
0xa3: {  	_ =	shalt  }

// kernel: kernel.18.cloned.1.call-start
scs
__scs_entry_jumppad:
0x0: {  	(pc) =	sbr.rel $0x88, $3  }
0x1: {  	(tag) =	ssettag $0x0;
	lr =	simm.s32 $0x1  }
0x2: {  	[smem:$0x3F96] =	sst lr;
	_ =	strace $0xD0000000  }
0x3: {  	_ = 	snop  }
0x4: {  	_ = 	snop  }
0x5: {  	_ = 	snop  }
0x6: {  	_ = 	snop  }
0x7: {  	_ = 	snop  }
__scs_overlays_trampoline_lowered:
0x8: {  	[smem:$0x3FA5] =	sst s0  }
0x9: {  	[smem:$0x3FA6] =	sst s1  }
0xa: {  	[smem:$0x3FA7] =	sst s2  }
0xb: {  	[smem:$0x3FA8] =	sst s3  }
0xc: {  	[smem:$0x3FA9] =	sst s4  }
0xd: {  	[smem:$0x3FAA] =	sst s5  }
0xe: {  	[smem:$0x3FAB] =	sst s6  }
0xf: {  	[smem:$0x3FAC] =	sst s7  }
0x10: {  	[smem:$0x3FAD] =	sst s8  }
0x11: {  	[smem:$0x3FAE] =	sst s9;
	s0 =	simm.s32 @!p0 $0x0  }
0x12: {  	s1 =	sld [smem:$0x3F94];
	s0 =	simm.s32 @p0 $0x1  }
0x13: {  	[smem:$0x3FAF] =	sst s0;
	s0 =	simm.s32 @!p1 $0x0  }
0x14: {  	s2 =	sld [smem:$0x3F93];
	s0 =	simm.s32 @p1 $0x1  }
0x15: {  	[smem:$0x3FB0] =	sst s0;
	s0 =	simm.s32 @!p2 $0x0  }
0x16: {  	s3 =	sld [smem:$0x3FDB];
	s0 =	simm.s32 @p2 $0x1  }
0x17: {  	s4 =	simm.s32 $0x1BF5;
	[smem:$0x3FB2] =	sst s0  }
0x18: {  	s0 =	sld [smem:$0x3F95];
	_ =	swait.ge [sflag:s4], $0x0  }
0x19: {  	s7 =	sld [smem:$0x3F96]  }
0x1a: {  	s8 =	sadd.s32 $0xFFFFE003, lr  }
0x1b: {  	s9 =	sadd.s32 $0xFFFFFEF7, lr;
	s5 =	simm.s32 $0xFFFFFFFF;
	p2 =	slt.u32 s8, $0xFFFFF086  }
0x1c: {  	p1 =	slt.u32 s9, $0xF7A;
	s5 =	simm.s32 @!p2 $0x0  }
0x1d: {  	s5 =	simm.s32 @p1 $0x1;
	p0 =	seq.s32 s7, s2  }
0x1e: {  	s7 =	smul.u32 @!p0 $0xF7A, s2;
	p2 =	seq.s32 @!p0 s5, $0x0  }
0x1f: {  	s9 =	smul.u32 $0xF7A, s1;
	s8 =	simm.s32 @!p0 $0x1BF5;
	p2 =	por !p2, p0  }
0x20: {  	[sflag:s8] =	ssyncset.s32 @!p0 $0xFFFFF086;
	s6 =	sadd.s32 @!p0 s3, s7;
	s7 =	simm.s32 @!p0 $0x108  }
0x21: {  	s3 =	sadd.s32 s3, s9;
	s6 =	sadd.s32 @!p0 $0x88, s6;
	s7 =	simm.s32 @p2 $0x1082  }
0x22: {  	[simem:s7], [sflag:s8] =	dma.local @!p0 [hbm:s6], $0xF7A  }
0x23: {  	s9 =	sor.u32 $0xD0000000, s2;
	s6 =	simm.s32 $0x108;
	_ =	swait.ge @!p0 [sflag:s8], $0x0  }
0x24: {  	s3 =	sadd.s32 $0x88, s3;
	s6 =	simm.s32 @!p1 $0x1082;
	[sflag:s4] =	ssyncset.s32 $0xFFFFF086  }
0x25: {  	[simem:s6], [sflag:s4] =	dma.local [hbm:s3], $0xF7A  }
0x26: {  	[smem:$0x3F96] =	sst s1;
	(tag) =	ssettag s2;
	_ =	strace s9  }
0x27: {  	s1 =	sld [smem:$0x3FA6]  }
0x28: {  	s2 =	sld [smem:$0x3FA7]  }
0x29: {  	s4 =	sld [smem:$0x3FA9]  }
0x2a: {  	p0 =	seq.s32 s5, $0x0;
	s5 =	sld [smem:$0x3FAA]  }
0x2b: {  	s6 =	sld [smem:$0x3FAB]  }
0x2c: {  	s7 =	sld [smem:$0x3FAC]  }
0x2d: {  	s3 =	simm.s32 $0x108;
	s8 =	sld [smem:$0x3FAD]  }
0x2e: {  	s3 =	simm.s32 @!p0 $0x1082;
	s9 =	sld [smem:$0x3FAE]  }
0x2f: {  	lr =	sadd.s32 s0, s3;
	s0 =	sld [smem:$0x3FA5]  }
0x30: {  	s3 =	sld [smem:$0x3FA8]  }
0x31: {  	[smem:$0x3FB1] =	sst s10  }
0x32: {  	s10 =	sld [smem:$0x3FAF];
	_ =	sdelay $0x3  }
0x33: {  	p0 =	seq.s32 s10, $0x1;
	s10 =	sld [smem:$0x3FB1];
	_ =	sdelay $0x3  }
0x34: {  	[smem:$0x3FB1] =	sst s10  }
0x35: {  	s10 =	sld [smem:$0x3FB0];
	_ =	sdelay $0x3  }
0x36: {  	p1 =	seq.s32 s10, $0x1;
	s10 =	sld [smem:$0x3FB1];
	_ =	sdelay $0x3  }
0x37: {  	[smem:$0x3FB1] =	sst s10  }
0x38: {  	s10 =	sld [smem:$0x3FB2]  }
0x39: {  	_ = 	snop;
	(pc) =	sbr.ind lr, $3  }
0x3a: {  	_ = 	snop  }
0x3b: {  	_ = 	snop  }
0x3c: {  	p2 =	seq.s32 s10, $0x1;
	s10 =	sld [smem:$0x3FB1]  }
0x3d: {  	_ =	shalt  }
0x3e: {  	_ =	shalt  }
0x3f: {  	_ =	shalt  }
0x40: {  	_ =	shalt  }
0x41: {  	_ =	shalt  }
0x42: {  	_ =	shalt  }
0x43: {  	_ =	shalt  }
0x44: {  	_ =	shalt  }
0x45: {  	_ =	shalt  }
0x46: {  	_ =	shalt  }
0x47: {  	_ =	shalt  }
0x48: {  	_ =	shalt  }
0x49: {  	_ =	shalt  }
0x4a: {  	_ =	shalt  }
0x4b: {  	_ =	shalt  }
0x4c: {  	_ =	shalt  }
0x4d: {  	_ =	shalt  }
0x4e: {  	_ =	shalt  }
0x4f: {  	_ =	shalt  }
0x50: {  	_ =	shalt  }
0x51: {  	_ =	shalt  }
0x52: {  	_ =	shalt  }
0x53: {  	_ =	shalt  }
0x54: {  	_ =	shalt  }
0x55: {  	_ =	shalt  }
0x56: {  	_ =	shalt  }
0x57: {  	_ =	shalt  }
0x58: {  	_ =	shalt  }
0x59: {  	_ =	shalt  }
0x5a: {  	_ =	shalt  }
0x5b: {  	_ =	shalt  }
0x5c: {  	_ =	shalt  }
0x5d: {  	_ =	shalt  }
0x5e: {  	_ =	shalt  }
0x5f: {  	_ =	shalt  }
0x60: {  	_ =	shalt  }
0x61: {  	_ =	shalt  }
0x62: {  	_ =	shalt  }
0x63: {  	_ =	shalt  }
0x64: {  	_ =	shalt  }
0x65: {  	_ =	shalt  }
0x66: {  	_ =	shalt  }
0x67: {  	_ =	shalt  }
0x68: {  	_ =	shalt  }
0x69: {  	_ =	shalt  }
0x6a: {  	_ =	shalt  }
0x6b: {  	_ =	shalt  }
0x6c: {  	_ =	shalt  }
0x6d: {  	_ =	shalt  }
0x6e: {  	_ =	shalt  }
0x6f: {  	_ =	shalt  }
0x70: {  	_ =	shalt  }
0x71: {  	_ =	shalt  }
0x72: {  	_ =	shalt  }
0x73: {  	_ =	shalt  }
0x74: {  	_ =	shalt  }
0x75: {  	_ =	shalt  }
0x76: {  	_ =	shalt  }
0x77: {  	_ =	shalt  }
0x78: {  	_ =	shalt  }
0x79: {  	_ =	shalt  }
0x7a: {  	_ =	shalt  }
0x7b: {  	_ =	shalt  }
0x7c: {  	_ =	shalt  }
0x7d: {  	_ =	shalt  }
0x7e: {  	_ =	shalt  }
0x7f: {  	_ =	shalt  }
0x80: {  	_ =	shalt  }
0x81: {  	_ =	shalt  }
0x82: {  	_ =	shalt  }
0x83: {  	_ =	shalt  }
0x84: {  	_ =	shalt  }
0x85: {  	_ =	shalt  }
0x86: {  	_ =	shalt  }
0x87: {  	_ =	shalt  }
.Lfunc_end0:
.L_simem_size_0:
called_computation.3_lowered:
.L_overlay_start_0:
0x88: {  	s2 =	sld [smem:$0x3FD9]  }
0x89: {  	s3 =	sld [smem:$0x3FFE];
	_ =	sdelay $0x1  }
0x8a: {  	s1 =	srdreg.scid  }
0x8b: {  	s0 =	sand.u32 $0x1, s1  }
0x8c: {  	s16 =	sshll.u32 s0, $0xA;
	s2 =	sadd.s32 s3, s2  }
0x8d: {  	s2 =	sadd.s32 s2, s16  }
0x8e: {  	[smem:$0x3FBD] =	sst s2  }
0x8f: {  	_ = 	snop  }
0x90: {  	(tm) =	ssettm $0x1  }
0x91: {  	s17 =	sld [smem:$0x3FFB];
	_ =	sdelay $0x3  }
0x92: {  	_ =	strace s17  }
0x93: {  	s2 =	sld [smem:$0x3FFC];
	_ =	sdelay $0x3  }
0x94: {  	_ =	strace s2  }
0x95: {  	s2 =	sld [smem:$0x3FFD];
	_ =	sdelay $0x3  }
0x96: {  	_ =	strace s2  }
0x97: {  	_ =	strace $0x8FFFFFFF  }
0x98: {  	s18 =	sld [smem:$0x3FDB];
	_ =	sdelay $0x1  }
0x99: {  	s19 =	simm.s32 $_scs_section_size  }
0x9a: {  	s4 =	simm.s32 $_size__tile_overlayer_lowered;
	s5 =	simm.s32 $_tile_overlayer_lowered  }
0x9b: {  	s22 =	simm.s32 $0x1BFF;
	s21 =	sshll.u32 s5, $0x1;
	s2 =	sadd.s32 s19, s18  }
0x9c: {  	s6 =	simm.s32 $0x0;
	s20 =	sshll.u32 s4, $0x1;
	s4 =	sadd.s32 s21, s2  }
0x9d: {  	[timem:s6], [sflag:s22] =	dma.local [hbm:s4], s20  }
0x9e: {  	_ =	swait.ge [sflag:s22], s20  }
0x9f: {  	s3 =	ssub.s32 $0x0, s20;
	[sflag:s22] =	ssyncset.done $0x0  }
0xa0: {  	[sflag:s22] =	ssyncadd.s32 s3;
	_ =	sdelay $0x1  }
0xa1: {  	s23 =	simm.s32 $0x1B8B  }
0xa2: {  	_ =	swait.ge [sflag:s23], $0x1  }
0xa3: {  	[sflag:s23] =	ssyncset.done $0x0  }
0xa4: {  	s25 =	simm.s32 $0x1B8E;
	s24 =	sld [smem:$0x3FFE];
	[sflag:s23] =	ssyncadd.s32 $0xFFFFFFFF  }
0xa5: {  	s26 =	simm.s32 $execute0_lowered;
	[smem:$0x3FD2] =	sst s25  }
0xa6: {  	s4 =	sshll.u32 s26, $0x1;
	_ =	strace $0x8000004F;
	[dreg:$0x1] =	wrdreg $0xFFFFFFFF  }
0xa7: {  	s28 =	simm.s32 $_size_execute0_lowered;
	s2 =	sadd.s32 s2, s4;
	[dreg:$0x0] =	wrdreg $0x0  }
0xa8: {  	s4 =	sshll.u32 s28, $0x1;
	[dreg:$0x2] =	wrdreg s2  }
0xa9: {  	[dreg:$0x3] =	wrdreg s4  }
0xaa: {  	[dreg:$0x4] =	wrdreg $0xC0  }
0xab: {  	_ =	task [dreg:s6], $0x5FFFF  }
0xac: {  	[dreg:$0x1] =	wrdreg $0xFFFFFFFF  }
0xad: {  	[dreg:$0x0] =	wrdreg $0x60  }
0xae: {  	[dreg:$0x2] =	wrdreg s24  }
0xaf: {  	[dreg:$0x3] =	wrdreg $0xD0800  }
0xb0: {  	[dreg:$0x4] =	wrdreg $0x9  }
0xb1: {  	_ =	task.clear_ibuf [dreg:s6], $0x5FFFF;
	_ =	strace $0x9000004F  }
0xb2: {  	s29 =	simm.s32 $0x9;
	_ =	strace $0x80000051  }
0xb3: {  	_ =	swait.ge [sflag:s29], $0x1  }
0xb4: {  	[sflag:s29] =	ssyncadd.s32 $0xFFFFFFFF  }
0xb5: {  	_ =	strace $0x90000051  }
0xb6: {  	_ =	sfence  }
0xb7: {  	s30 =	sld [smem:$0x0];
	_ =	sdelay $0x2  }
0xb8: {  	s31 =	sshll.u32 s1, $0xD;
	s1 =	sshrl.u32 s1, $0x2  }
0xb9: {  	s3 =	sand.u32 $0x4000, s31;
	s1 =	sadd.s32 s1, s30  }
0xba: {  	s0 =	sor.u32 s3, s0;
	s1 =	sshll.u32 s1, $0x11  }
0xbb: {  	s0 =	sor.u32 s1, s0  }
0xbc: {  	s0 =	sadd.s32 $0x8F2B, s0  }
0xbd: {  	[sflag:s0] =	ssyncadd.remote.s32 $0x1  }
0xbe: {  	_ =	sfence.sel $0xFFFF  }
0xbf: {  	[dreg:$0x0] =	wrdreg $0xFFFFFFFF;
	(pc) =	sbr.abs _section_cstart, $3  }
0xc0: {  	[dreg:$0x1] =	wrdreg $0xFFFFFFFF  }
0xc1: {  	_ =	task.clear_ibuf [dreg:s6], $0x2FFFF;
	_ =	strace $0x9FFFFFFF  }
0xc2: {  	(tm) =	ssettm $0x7FFFFFFF  }
0xc3: {  	_ =	shalt  }
tec
execute0_lowered:
.L_overlay_start_1:
0x0: {  	(tag) =	ssettag $0x1  }
0x1: {  	s7 =	rddreg [dreg:$0x0]  }
0x2: {  	s2 =	rddreg [dreg:$0x1];
	s1 =	stileid.u32  }
0x3: {  	s0 =	rddreg [dreg:$0x2];
	s3 =	simm.s32 $0x0;
	s4 =	smul.u32 $0x1400, s1  }
0x4: {  	s8 =	srdreg.scid;
	s20 =	simm.s32 $0x5000;
	s6 =	smul.u32 $0xA00, s1  }
0x5: {  	s22 =	simm.s32 $0x0;
	[smem:$0x7FF] =	sst s3;
	s15 =	smul.u32 $0x30000, s1  }
0x6: {  	s5 =	sadd.s32 $0x2C400, s7;
	s11 =	sand.u32 $0x1, s8;
	s29 =	smul.u32 $0x28000, s1  }
0x7: {  	s26 =	sshll.u32 s1, $0x4;
	s30 =	smul.u32 $0xA000, s1;
	_ =	strace $0x80000050  }
0x8: {  	s8 =	smul.u32 $0x28000, s11;
	s12 =	ssub.s32 $0x2, s11;
	s13 =	sadd.s32 s26, s7  }
0x9: {  	s19 =	smul.u32 $0x500, s11;
	s9 =	sadd.s32 s4, s7;
	s10 =	sadd.s32 s6, s7  }
0xa: {  	s14 =	sshrl.u32 s12, $0x1;
	s6 =	sadd.s32 $0x3000, s7;
	s28 =	sshrl.u32 s15, $0x2  }
0xb: {  	s31 =	sshrl.u32 s29, $0x2;
	s17 =	sshrl.u32 s30, $0x3;
	s15 =	simm.s32 $0xD000  }
0xc: {  	s16 =	sadd.s32 s8, s7;
	s14 =	ssub.s32 s12, s14;
	s7 =	sadd.s32 $0x2C200, s13  }
.Ltmp0:
0xd: {  	s18 =	sadd.s32 $0xE200, s9;
	s8 =	sadd.s32 s28, s2;
	(pc) =	sbr.rel .LBB2_1-.Ltmp0, $4  }
0xe: {  	s9 =	sadd.s32 $0x22200, s10;
	s13 =	sadd.s32 s31, s2;
	s21 =	sadd.s32 $0x14000, s17  }
0xf: {  	s17 =	simm.s32 $0x9000;
	s10 =	sadd.s32 $0x4000, s8;
	s11 =	sadd.s32 $0x8000, s8  }
0x10: {  	s12 =	sadd.s32 $0x7C400, s16;
	s14 =	smax.u32 s14, $0x1;
	s16 =	simm.s32 $0x1  }
0x11: {  	s18 =	sadd.s32 s19, s18;
	s19 =	simm.s32 $0x80;
	s21 =	sadd.s32 s21, s12  }
.LBB2_8:
0x12: {  	[sflag:s16] =	ssyncadd.s32 $0xFFFFC000  }
.LBB2_9:
0x13: {  	[bflag:$0x0] =	sbarrier.arrive $0xFFFF;
	s22 =	sadd.s32 $0x1, s22  }
0x14: {  	[hbm:s21], [sflag:s23] =	dma.local [spmem:s24], $0x1400  }
0x15: {  	p0 =	sne.s32 s22, s14  }
.Ltmp1:
0x16: {  	_ =	swait.ge [sflag:s16], $0x1400;
	(pc) =	sbr.rel @!p0 .LBB2_10-.Ltmp1, $3  }
0x17: {  	[sflag:s16] =	ssyncset.done $0x0  }
0x18: {  	[sflag:s16] =	ssyncadd.s32 $0xFFFFEC00  }
0x19: {  	[bflag:$0x0] =	sbarrier.arrive $0xFFFF;
	_ =	sdelay $0x1  }
.LBB2_1:
0x1a: {  	[tilespmem:s15], [sflag:$0x1] =	stream.linear.gather [hbm4b:s7+s3], $0x80, $0x38;
	[tilespmem:$0x19080] =	vst v63  }
0x1b: {  	_ =	swait.ge [sflag:s16], $0x80  }
0x1c: {  	[sflag:s16] =	ssyncset.done $0x0  }
0x1d: {  	[sflag:s16] =	ssyncadd.s32 $0xFFFFFF80  }
0x1e: {  	[tilespmem:s17], [sflag:$0x1] =	stream.linear.gather [hbm4b:s6+s3], $0x4000, $0x38;
	[tilespmem:$0x19080] =	vst v63  }
0x1f: {  	_ =	swait.ge [sflag:s16], $0x4000  }
0x20: {  	[sflag:s16] =	ssyncset.done $0x0  }
0x21: {  	[sflag:s16] =	ssyncadd.s32 $0xFFFFC000  }
0x22: {  	[tilespmem:s3], [sflag:$0x1] =	stream.linear.gather [hbm4b:s18+s3], $0x2800, $0x38;
	[tilespmem:$0x19080] =	vst v63  }
0x23: {  	_ =	swait.ge [sflag:s16], $0x2800  }
0x24: {  	[sflag:s16] =	ssyncset.done $0x0  }
0x25: {  	s23 =	simm.s32 $0x2800;
	[sflag:s16] =	ssyncadd.s32 $0xFFFFD800  }
0x26: {  	[tilespmem:s23], [sflag:$0x1] =	stream.linear.gather [hbm4b:s9+s3], $0x2800, $0x38;
	[tilespmem:$0x19080] =	vst v63  }
0x27: {  	_ =	swait.ge [sflag:s16], $0x2800  }
0x28: {  	[sflag:s16] =	ssyncset.done $0x0  }
0x29: {  	[sflag:s16] =	ssyncadd.s32 $0xFFFFD800  }
0x2a: {  	[spmem:s8] =	stream.linear.scatter [tilespmem:s17], [sflag:$0x1], $0x4000, $0x38;
	[tilespmem:$0x19080] =	vst v63  }
0x2b: {  	_ =	swait.ge [sflag:s16], $0x4000  }
0x2c: {  	[sflag:s16] =	ssyncset.done $0x0  }
0x2d: {  	[sflag:s16] =	ssyncadd.s32 $0xFFFFC000  }
0x2e: {  	[spmem:s10] =	stream.linear.scatter [tilespmem:s17], [sflag:$0x1], $0x4000, $0x38;
	[tilespmem:$0x19080] =	vst v63  }
0x2f: {  	_ =	swait.ge [sflag:s16], $0x4000  }
0x30: {  	[sflag:s16] =	ssyncset.done $0x0  }
0x31: {  	[sflag:s16] =	ssyncadd.s32 $0xFFFFC000  }
0x32: {  	[spmem:s11] =	stream.linear.scatter [tilespmem:s17], [sflag:$0x1], $0x4000, $0x38;
	[tilespmem:$0x19080] =	vst v63  }
0x33: {  	_ =	swait.ge [sflag:s16], $0x4000  }
0x34: {  	[sflag:s16] =	ssyncset.done $0x0  }
0x35: {  	[sflag:s16] =	ssyncadd.s32 $0xFFFFC000  }
0x36: {  	[bflag:$0x0] =	sbarrier.arrive $0xFFFF  }
0x37: {  	v0 =	vld [tilespmem:$0xD000];
	_ =	sdelay $0x4  }
0x38: {  	v0 =	vxor.u32 $0x80000000, v0  }
0x39: {  	(xrf0) =	vmax.scan.msk.u32 $0xffff, v0;
	_ =	sdelay $0x5  }
0x3a: {  	v0, _, _ =	vpop (xrf0)  }
0x3b: {  	(v2sf) =	vpush v0, $0xF;
	_ =	sdelay $0xe  }
0x3c: {  	s24 =	spop (v2sf)  }
0x3d: {  	s24 =	sadd.s32 $0x8000007F, s24  }
0x3e: {  	s25 =	sand.u32 $0x7F, s24  }
0x3f: {  	s31 =	sshra.s32 s24, $0x1F;
	p1 =	slt.s32 s24, $0x1;
	p0 =	sne.s32 s25, $0x0  }
0x40: {  	s25 =	sshrl.u32 s31, $0x19;
	p0 =	por !p1, !p0  }
0x41: {  	s24 =	sadd.s32 s25, s24;
	s25 =	simm.s32 $0x1;
	p0 =	por !p0, !p0  }
0x42: {  	s24 =	sshra.s32 s24, $0x7;
	s25 =	simm.s32 @!p0 $0x0  }
0x43: {  	s24 =	ssub.s32 s24, s25  }
0x44: {  	p0 =	slt.s32 s24, $0x1  }
.Ltmp2:
0x45: {  	_ = 	snop;
	(pc) =	sbr.rel @p0 .LBB2_5-.Ltmp2, $1  }
0x46: {  	_ =	sdelay $0x3  }
0x47: {  	[tilespmem:s20], [sflag:$0x1] =	stream.indirect.gather [hbm4b:s5+s19], $0x80, s3, s19, $0xb8;
	[tilespmem:$0x19080] =	vst v63  }
0x48: {  	p0 =	sne.s32 s24, $0x1;
	_ =	swait.ge [sflag:s16], $0x4000  }
.Ltmp3:
0x49: {  	[sflag:s16] =	ssyncset.done $0x0;
	(pc) =	sbr.rel @!p0 .LBB2_4-.Ltmp3, $4  }
0x4a: {  	[sflag:s16] =	ssyncadd.s32 $0xFFFFC000  }
0x4b: {  	[spmem:s2] =	stream.indirect.scatter.add.f32 [tilespmem:s20], [sflag:$0x1], $0x80, s23, s19, $0xb8;
	[tilespmem:$0x19080] =	vst v63  }
0x4c: {  	_ =	swait.ge [sflag:s16], $0x4000  }
0x4d: {  	s24 =	sadd.s32 $0xFFFFFFFF, s24;
	s25 =	simm.s32 $0x0;
	[sflag:s16] =	ssyncset.done $0x0  }
.LBB2_3:
0x4e: {  	[sflag:s16] =	ssyncadd.s32 $0xFFFFC000;
	s25 =	sadd.s32 $0x80, s25;
	s23 =	sadd.s32 $0x80, s23  }
0x4f: {  	[tilespmem:s20], [sflag:$0x1] =	stream.indirect.gather [hbm4b:s5+s19], $0x80, s25, s19, $0xb8;
	[tilespmem:$0x19080] =	vst v63  }
0x50: {  	p0 =	sne.s32 s24, $0x1;
	s24 =	sadd.s32 $0xFFFFFFFF, s24;
	_ =	swait.ge [sflag:s16], $0x4000  }
.Ltmp4:
0x51: {  	[sflag:s16] =	ssyncset.done $0x0;
	(pc) =	sbr.rel @p0 .LBB2_3-.Ltmp4, $4  }
0x52: {  	[sflag:s16] =	ssyncadd.s32 $0xFFFFC000  }
0x53: {  	[spmem:s2] =	stream.indirect.scatter.add.f32 [tilespmem:s20], [sflag:$0x1], $0x80, s23, s19, $0xb8;
	[tilespmem:$0x19080] =	vst v63  }
0x54: {  	_ =	swait.ge [sflag:s16], $0x4000  }
0x55: {  	[sflag:s16] =	ssyncset.done $0x0  }
.LBB2_4:
0x56: {  	[sflag:s16] =	ssyncadd.s32 $0xFFFFC000  }
.LBB2_5:
0x57: {  	[bflag:$0x0] =	sbarrier.arrive $0xFFFF;
	s23 =	sshll.u32 s1, $0x6  }
0x58: {  	s25 =	sadd.s32 s4, s12;
	s24 =	sshrl.u32 s13, $0x3;
	s23 =	sor.u32 $0x1C01, s23  }
0x59: {  	[hbm:s25], [sflag:s23] =	dma.local [spmem:s24], $0x1400  }
0x5a: {  	_ =	swait.ge [sflag:s16], $0x1400  }
0x5b: {  	[sflag:s16] =	ssyncset.done $0x0  }
0x5c: {  	[sflag:s16] =	ssyncadd.s32 $0xFFFFEC00  }
0x5d: {  	s26 =	sadd.s32 $0xA00, s18;
	s25 =	simm.s32 $0x0;
	[bflag:$0x0] =	sbarrier.arrive $0xFFFF  }
0x5e: {  	[tilespmem:s25], [sflag:$0x1] =	stream.linear.gather [hbm4b:s26+s25], $0x2800, $0x38;
	[tilespmem:$0x19080] =	vst v63  }
0x5f: {  	_ =	swait.ge [sflag:s16], $0x2800  }
0x60: {  	[sflag:s16] =	ssyncset.done $0x0  }
0x61: {  	s28 =	sadd.s32 $0x500, s9;
	s26 =	simm.s32 $0x2800;
	[sflag:s16] =	ssyncadd.s32 $0xFFFFD800  }
0x62: {  	[tilespmem:s26], [sflag:$0x1] =	stream.linear.gather [hbm4b:s28+s25], $0x2800, $0x38;
	[tilespmem:$0x19080] =	vst v63  }
0x63: {  	_ =	swait.ge [sflag:s16], $0x2800  }
0x64: {  	[sflag:s16] =	ssyncset.done $0x0  }
0x65: {  	[sflag:s16] =	ssyncadd.s32 $0xFFFFD800  }
0x66: {  	[spmem:s8] =	stream.linear.scatter [tilespmem:s17], [sflag:$0x1], $0x4000, $0x38;
	[tilespmem:$0x19080] =	vst v63  }
0x67: {  	_ =	swait.ge [sflag:s16], $0x4000  }
0x68: {  	[sflag:s16] =	ssyncset.done $0x0  }
0x69: {  	[sflag:s16] =	ssyncadd.s32 $0xFFFFC000  }
0x6a: {  	[spmem:s10] =	stream.linear.scatter [tilespmem:s17], [sflag:$0x1], $0x4000, $0x38;
	[tilespmem:$0x19080] =	vst v63  }
0x6b: {  	_ =	swait.ge [sflag:s16], $0x4000  }
0x6c: {  	[sflag:s16] =	ssyncset.done $0x0  }
0x6d: {  	[sflag:s16] =	ssyncadd.s32 $0xFFFFC000  }
0x6e: {  	[spmem:s11] =	stream.linear.scatter [tilespmem:s17], [sflag:$0x1], $0x4000, $0x38;
	[tilespmem:$0x19080] =	vst v63  }
0x6f: {  	_ =	swait.ge [sflag:s16], $0x4000  }
0x70: {  	[sflag:s16] =	ssyncset.done $0x0  }
0x71: {  	[sflag:s16] =	ssyncadd.s32 $0xFFFFC000  }
0x72: {  	[bflag:$0x0] =	sbarrier.arrive $0xFFFF  }
0x73: {  	v0 =	vld [tilespmem:$0xD010];
	_ =	sdelay $0x4  }
0x74: {  	v0 =	vxor.u32 $0x80000000, v0  }
0x75: {  	(xrf0) =	vmax.scan.msk.u32 $0xffff, v0;
	_ =	sdelay $0x5  }
0x76: {  	v0, _, _ =	vpop (xrf0)  }
0x77: {  	(v2sf) =	vpush v0, $0xF;
	_ =	sdelay $0xe  }
0x78: {  	s28 =	spop (v2sf)  }
0x79: {  	s28 =	sadd.s32 $0x8000007F, s28  }
0x7a: {  	s29 =	sand.u32 $0x7F, s28  }
0x7b: {  	s31 =	sshra.s32 s28, $0x1F;
	p1 =	slt.s32 s28, $0x1;
	p0 =	sne.s32 s29, $0x0  }
0x7c: {  	s29 =	sshrl.u32 s31, $0x19;
	p0 =	por !p1, !p0  }
0x7d: {  	s28 =	sadd.s32 s29, s28;
	s29 =	simm.s32 $0x1;
	p0 =	por !p0, !p0  }
0x7e: {  	s28 =	sshra.s32 s28, $0x7;
	s29 =	simm.s32 @!p0 $0x0  }
0x7f: {  	s28 =	ssub.s32 s28, s29  }
0x80: {  	p0 =	slt.s32 s28, $0x1  }
.Ltmp5:
0x81: {  	_ = 	snop;
	(pc) =	sbr.rel @p0 .LBB2_9-.Ltmp5, $1  }
0x82: {  	_ =	sdelay $0x3  }
0x83: {  	[tilespmem:s20], [sflag:$0x1] =	stream.indirect.gather [hbm4b:s5+s19], $0x80, s25, s19, $0xb8;
	[tilespmem:$0x19080] =	vst v63  }
0x84: {  	p0 =	sne.s32 s28, $0x1;
	_ =	swait.ge [sflag:s16], $0x4000  }
.Ltmp6:
0x85: {  	[sflag:s16] =	ssyncset.done $0x0;
	(pc) =	sbr.rel @!p0 .LBB2_8-.Ltmp6, $4  }
0x86: {  	[sflag:s16] =	ssyncadd.s32 $0xFFFFC000  }
0x87: {  	[spmem:s2] =	stream.indirect.scatter.add.f32 [tilespmem:s20], [sflag:$0x1], $0x80, s26, s19, $0xb8;
	[tilespmem:$0x19080] =	vst v63  }
0x88: {  	_ =	swait.ge [sflag:s16], $0x4000  }
0x89: {  	s28 =	sadd.s32 $0xFFFFFFFF, s28;
	[sflag:s16] =	ssyncset.done $0x0  }
.LBB2_7:
0x8a: {  	[sflag:s16] =	ssyncadd.s32 $0xFFFFC000;
	s25 =	sadd.s32 $0x80, s25;
	s26 =	sadd.s32 $0x80, s26  }
0x8b: {  	[tilespmem:s20], [sflag:$0x1] =	stream.indirect.gather [hbm4b:s5+s19], $0x80, s25, s19, $0xb8;
	[tilespmem:$0x19080] =	vst v63  }
0x8c: {  	p0 =	sne.s32 s28, $0x1;
	s28 =	sadd.s32 $0xFFFFFFFF, s28;
	_ =	swait.ge [sflag:s16], $0x4000  }
.Ltmp7:
0x8d: {  	[sflag:s16] =	ssyncset.done $0x0;
	(pc) =	sbr.rel @p0 .LBB2_7-.Ltmp7, $4  }
0x8e: {  	[sflag:s16] =	ssyncadd.s32 $0xFFFFC000  }
0x8f: {  	[spmem:s2] =	stream.indirect.scatter.add.f32 [tilespmem:s20], [sflag:$0x1], $0x80, s26, s19, $0xb8;
	[tilespmem:$0x19080] =	vst v63  }
0x90: {  	_ =	swait.ge [sflag:s16], $0x4000  }
0x91: {  	[sflag:s16] =	ssyncset.done $0x0  }
.Ltmp8:
0x92: {  	_ = 	snop;
	(pc) =	sbr.rel .LBB2_8-.Ltmp8, $1  }
0x93: {  	_ =	sdelay $0x3  }
.LBB2_10:
0x94: {  	_ =	sfence.sel $0x180000  }
0x95: {  	[bflag:$0x0] =	sbarrier.arrive $0xFFFF  }
0x96: {  	p0 =	sne.s32 s1, $0x0;
	_ =	strace $0x90000050  }
0x97: {  	s0 =	sadd.s32 @!p0 $0x100000, s0;
	[bflag:$0x2] =	sbarrier.arrive $0xFFFF  }
0x98: {  	[sflag:s0] =	ssyncadd.tile.s32 @!p0 $0x1;
	_ =	shalt  }
.Lfunc_end2:
_tile_overlayer_lowered:
.L_overlay_start_2:
0x99: {  	(tag) =	ssettag $0x2  }
0x9a: {  	s0 =	rddreg [dreg:$0x0];
	s2 =	stileid.u32  }
0x9b: {  	s1 =	rddreg [dreg:$0x1];
	p0 =	sne.s32 s2, $0x0  }
0x9c: {  	s3 =	rddreg [dreg:$0x2];
	[bflag:$0x3] =	sbarrier.arrive $0xFFFF;
	s2 =	simm.s32 @!p0 $0x1C01  }
0x9d: {  	[timem:s3], [sflag:s2] =	dma.local @!p0 [hbm:s0], s1  }
0x9e: {  	s0 =	simm.s32 @!p0 $0x1  }
0x9f: {  	_ =	swait.ge @!p0 [sflag:s0], s1  }
0xa0: {  	s1 =	ssub.s32 @!p0 $0x0, s1;
	[sflag:s0] =	ssyncset.done @!p0 $0x0  }
0xa1: {  	[sflag:s0] =	ssyncadd.s32 @!p0 s1  }
0xa2: {  	[bflag:$0x3] =	sbarrier.arrive $0xFFFF  }
0xa3: {  	_ =	shalt  }

// kernel: kernel.9.cloned.1.call-start
scs
__scs_entry_jumppad:
0x0: {  	(pc) =	sbr.rel $0x88, $3  }
0x1: {  	(tag) =	ssettag $0x0;
	lr =	simm.s32 $0x1  }
0x2: {  	[smem:$0x3F96] =	sst lr;
	_ =	strace $0xD0000000  }
0x3: {  	_ = 	snop  }
0x4: {  	_ = 	snop  }
0x5: {  	_ = 	snop  }
0x6: {  	_ = 	snop  }
0x7: {  	_ = 	snop  }
__scs_overlays_trampoline_lowered:
0x8: {  	[smem:$0x3FA5] =	sst s0  }
0x9: {  	[smem:$0x3FA6] =	sst s1  }
0xa: {  	[smem:$0x3FA7] =	sst s2  }
0xb: {  	[smem:$0x3FA8] =	sst s3  }
0xc: {  	[smem:$0x3FA9] =	sst s4  }
0xd: {  	[smem:$0x3FAA] =	sst s5  }
0xe: {  	[smem:$0x3FAB] =	sst s6  }
0xf: {  	[smem:$0x3FAC] =	sst s7  }
0x10: {  	[smem:$0x3FAD] =	sst s8  }
0x11: {  	[smem:$0x3FAE] =	sst s9;
	s0 =	simm.s32 @!p0 $0x0  }
0x12: {  	s1 =	sld [smem:$0x3F94];
	s0 =	simm.s32 @p0 $0x1  }
0x13: {  	[smem:$0x3FAF] =	sst s0;
	s0 =	simm.s32 @!p1 $0x0  }
0x14: {  	s2 =	sld [smem:$0x3F93];
	s0 =	simm.s32 @p1 $0x1  }
0x15: {  	[smem:$0x3FB0] =	sst s0;
	s0 =	simm.s32 @!p2 $0x0  }
0x16: {  	s3 =	sld [smem:$0x3FDB];
	s0 =	simm.s32 @p2 $0x1  }
0x17: {  	s4 =	simm.s32 $0x1BF5;
	[smem:$0x3FB2] =	sst s0  }
0x18: {  	s0 =	sld [smem:$0x3F95];
	_ =	swait.ge [sflag:s4], $0x0  }
0x19: {  	s7 =	sld [smem:$0x3F96]  }
0x1a: {  	s8 =	sadd.s32 $0xFFFFE003, lr  }
0x1b: {  	s9 =	sadd.s32 $0xFFFFFEF7, lr;
	s5 =	simm.s32 $0xFFFFFFFF;
	p2 =	slt.u32 s8, $0xFFFFF086  }
0x1c: {  	p1 =	slt.u32 s9, $0xF7A;
	s5 =	simm.s32 @!p2 $0x0  }
0x1d: {  	s5 =	simm.s32 @p1 $0x1;
	p0 =	seq.s32 s7, s2  }
0x1e: {  	s7 =	smul.u32 @!p0 $0xF7A, s2;
	p2 =	seq.s32 @!p0 s5, $0x0  }
0x1f: {  	s9 =	smul.u32 $0xF7A, s1;
	s8 =	simm.s32 @!p0 $0x1BF5;
	p2 =	por !p2, p0  }
0x20: {  	[sflag:s8] =	ssyncset.s32 @!p0 $0xFFFFF086;
	s6 =	sadd.s32 @!p0 s3, s7;
	s7 =	simm.s32 @!p0 $0x108  }
0x21: {  	s3 =	sadd.s32 s3, s9;
	s6 =	sadd.s32 @!p0 $0x88, s6;
	s7 =	simm.s32 @p2 $0x1082  }
0x22: {  	[simem:s7], [sflag:s8] =	dma.local @!p0 [hbm:s6], $0xF7A  }
0x23: {  	s9 =	sor.u32 $0xD0000000, s2;
	s6 =	simm.s32 $0x108;
	_ =	swait.ge @!p0 [sflag:s8], $0x0  }
0x24: {  	s3 =	sadd.s32 $0x88, s3;
	s6 =	simm.s32 @!p1 $0x1082;
	[sflag:s4] =	ssyncset.s32 $0xFFFFF086  }
0x25: {  	[simem:s6], [sflag:s4] =	dma.local [hbm:s3], $0xF7A  }
0x26: {  	[smem:$0x3F96] =	sst s1;
	(tag) =	ssettag s2;
	_ =	strace s9  }
0x27: {  	s1 =	sld [smem:$0x3FA6]  }
0x28: {  	s2 =	sld [smem:$0x3FA7]  }
0x29: {  	s4 =	sld [smem:$0x3FA9]  }
0x2a: {  	p0 =	seq.s32 s5, $0x0;
	s5 =	sld [smem:$0x3FAA]  }
0x2b: {  	s6 =	sld [smem:$0x3FAB]  }
0x2c: {  	s7 =	sld [smem:$0x3FAC]  }
0x2d: {  	s3 =	simm.s32 $0x108;
	s8 =	sld [smem:$0x3FAD]  }
0x2e: {  	s3 =	simm.s32 @!p0 $0x1082;
	s9 =	sld [smem:$0x3FAE]  }
0x2f: {  	lr =	sadd.s32 s0, s3;
	s0 =	sld [smem:$0x3FA5]  }
0x30: {  	s3 =	sld [smem:$0x3FA8]  }
0x31: {  	[smem:$0x3FB1] =	sst s10  }
0x32: {  	s10 =	sld [smem:$0x3FAF];
	_ =	sdelay $0x3  }
0x33: {  	p0 =	seq.s32 s10, $0x1;
	s10 =	sld [smem:$0x3FB1];
	_ =	sdelay $0x3  }
0x34: {  	[smem:$0x3FB1] =	sst s10  }
0x35: {  	s10 =	sld [smem:$0x3FB0];
	_ =	sdelay $0x3  }
0x36: {  	p1 =	seq.s32 s10, $0x1;
	s10 =	sld [smem:$0x3FB1];
	_ =	sdelay $0x3  }
0x37: {  	[smem:$0x3FB1] =	sst s10  }
0x38: {  	s10 =	sld [smem:$0x3FB2]  }
0x39: {  	_ = 	snop;
	(pc) =	sbr.ind lr, $3  }
0x3a: {  	_ = 	snop  }
0x3b: {  	_ = 	snop  }
0x3c: {  	p2 =	seq.s32 s10, $0x1;
	s10 =	sld [smem:$0x3FB1]  }
0x3d: {  	_ =	shalt  }
0x3e: {  	_ =	shalt  }
0x3f: {  	_ =	shalt  }
0x40: {  	_ =	shalt  }
0x41: {  	_ =	shalt  }
0x42: {  	_ =	shalt  }
0x43: {  	_ =	shalt  }
0x44: {  	_ =	shalt  }
0x45: {  	_ =	shalt  }
0x46: {  	_ =	shalt  }
0x47: {  	_ =	shalt  }
0x48: {  	_ =	shalt  }
0x49: {  	_ =	shalt  }
0x4a: {  	_ =	shalt  }
0x4b: {  	_ =	shalt  }
0x4c: {  	_ =	shalt  }
0x4d: {  	_ =	shalt  }
0x4e: {  	_ =	shalt  }
0x4f: {  	_ =	shalt  }
0x50: {  	_ =	shalt  }
0x51: {  	_ =	shalt  }
0x52: {  	_ =	shalt  }
0x53: {  	_ =	shalt  }
0x54: {  	_ =	shalt  }
0x55: {  	_ =	shalt  }
0x56: {  	_ =	shalt  }
0x57: {  	_ =	shalt  }
0x58: {  	_ =	shalt  }
0x59: {  	_ =	shalt  }
0x5a: {  	_ =	shalt  }
0x5b: {  	_ =	shalt  }
0x5c: {  	_ =	shalt  }
0x5d: {  	_ =	shalt  }
0x5e: {  	_ =	shalt  }
0x5f: {  	_ =	shalt  }
0x60: {  	_ =	shalt  }
0x61: {  	_ =	shalt  }
0x62: {  	_ =	shalt  }
0x63: {  	_ =	shalt  }
0x64: {  	_ =	shalt  }
0x65: {  	_ =	shalt  }
0x66: {  	_ =	shalt  }
0x67: {  	_ =	shalt  }
0x68: {  	_ =	shalt  }
0x69: {  	_ =	shalt  }
0x6a: {  	_ =	shalt  }
0x6b: {  	_ =	shalt  }
0x6c: {  	_ =	shalt  }
0x6d: {  	_ =	shalt  }
0x6e: {  	_ =	shalt  }
0x6f: {  	_ =	shalt  }
0x70: {  	_ =	shalt  }
0x71: {  	_ =	shalt  }
0x72: {  	_ =	shalt  }
0x73: {  	_ =	shalt  }
0x74: {  	_ =	shalt  }
0x75: {  	_ =	shalt  }
0x76: {  	_ =	shalt  }
0x77: {  	_ =	shalt  }
0x78: {  	_ =	shalt  }
0x79: {  	_ =	shalt  }
0x7a: {  	_ =	shalt  }
0x7b: {  	_ =	shalt  }
0x7c: {  	_ =	shalt  }
0x7d: {  	_ =	shalt  }
0x7e: {  	_ =	shalt  }
0x7f: {  	_ =	shalt  }
0x80: {  	_ =	shalt  }
0x81: {  	_ =	shalt  }
0x82: {  	_ =	shalt  }
0x83: {  	_ =	shalt  }
0x84: {  	_ =	shalt  }
0x85: {  	_ =	shalt  }
0x86: {  	_ =	shalt  }
0x87: {  	_ =	shalt  }
.Lfunc_end0:
.L_simem_size_0:
called_computation_lowered:
.L_overlay_start_0:
0x88: {  	s2 =	sld [smem:$0x3FD9]  }
0x89: {  	s3 =	sld [smem:$0x3FFE];
	_ =	sdelay $0x1  }
0x8a: {  	s1 =	srdreg.scid  }
0x8b: {  	s0 =	sand.u32 $0x1, s1  }
0x8c: {  	s16 =	sshll.u32 s0, $0xA;
	s2 =	sadd.s32 s3, s2  }
0x8d: {  	s2 =	sadd.s32 s2, s16  }
0x8e: {  	[smem:$0x3FBD] =	sst s2  }
0x8f: {  	_ = 	snop  }
0x90: {  	(tm) =	ssettm $0x1  }
0x91: {  	s17 =	sld [smem:$0x3FFB];
	_ =	sdelay $0x3  }
0x92: {  	_ =	strace s17  }
0x93: {  	s2 =	sld [smem:$0x3FFC];
	_ =	sdelay $0x3  }
0x94: {  	_ =	strace s2  }
0x95: {  	s2 =	sld [smem:$0x3FFD];
	_ =	sdelay $0x3  }
0x96: {  	_ =	strace s2  }
0x97: {  	_ =	strace $0x8FFFFFFF  }
0x98: {  	s18 =	sld [smem:$0x3FDB];
	_ =	sdelay $0x1  }
0x99: {  	s19 =	simm.s32 $_scs_section_size  }
0x9a: {  	s4 =	simm.s32 $_size__tile_overlayer_lowered;
	s5 =	simm.s32 $_tile_overlayer_lowered  }
0x9b: {  	s22 =	simm.s32 $0x1BFF;
	s21 =	sshll.u32 s5, $0x1;
	s2 =	sadd.s32 s19, s18  }
0x9c: {  	s6 =	simm.s32 $0x0;
	s20 =	sshll.u32 s4, $0x1;
	s4 =	sadd.s32 s21, s2  }
0x9d: {  	[timem:s6], [sflag:s22] =	dma.local [hbm:s4], s20  }
0x9e: {  	_ =	swait.ge [sflag:s22], s20  }
0x9f: {  	s3 =	ssub.s32 $0x0, s20;
	[sflag:s22] =	ssyncset.done $0x0  }
0xa0: {  	[sflag:s22] =	ssyncadd.s32 s3;
	_ =	sdelay $0x1  }
0xa1: {  	s23 =	simm.s32 $0x1B8B  }
0xa2: {  	_ =	swait.ge [sflag:s23], $0x1  }
0xa3: {  	[sflag:s23] =	ssyncset.done $0x0  }
0xa4: {  	s25 =	simm.s32 $0x1B8E;
	s24 =	sld [smem:$0x3FFE];
	[sflag:s23] =	ssyncadd.s32 $0xFFFFFFFF  }
0xa5: {  	s26 =	simm.s32 $execute0_lowered;
	[smem:$0x3FD2] =	sst s25  }
0xa6: {  	s4 =	sshll.u32 s26, $0x1;
	_ =	strace $0x80000046;
	[dreg:$0x1] =	wrdreg $0xFFFFFFFF  }
0xa7: {  	s28 =	simm.s32 $_size_execute0_lowered;
	s2 =	sadd.s32 s2, s4;
	[dreg:$0x0] =	wrdreg $0x0  }
0xa8: {  	s4 =	sshll.u32 s28, $0x1;
	[dreg:$0x2] =	wrdreg s2  }
0xa9: {  	[dreg:$0x3] =	wrdreg s4  }
0xaa: {  	[dreg:$0x4] =	wrdreg $0xC0  }
0xab: {  	_ =	task [dreg:s6], $0x5FFFF  }
0xac: {  	[dreg:$0x1] =	wrdreg $0xFFFFFFFF  }
0xad: {  	[dreg:$0x0] =	wrdreg $0x60  }
0xae: {  	[dreg:$0x2] =	wrdreg s24  }
0xaf: {  	[dreg:$0x3] =	wrdreg $0x9  }
0xb0: {  	_ =	task.clear_ibuf [dreg:s6], $0x4FFFF;
	_ =	strace $0x90000046  }
0xb1: {  	s29 =	simm.s32 $0x9;
	_ =	strace $0x80000048  }
0xb2: {  	_ =	swait.ge [sflag:s29], $0x1  }
0xb3: {  	[sflag:s29] =	ssyncadd.s32 $0xFFFFFFFF  }
0xb4: {  	_ =	strace $0x90000048  }
0xb5: {  	_ =	sfence  }
0xb6: {  	s30 =	sld [smem:$0x0];
	_ =	sdelay $0x2  }
0xb7: {  	s31 =	sshll.u32 s1, $0xD;
	s1 =	sshrl.u32 s1, $0x2  }
0xb8: {  	s3 =	sand.u32 $0x4000, s31;
	s1 =	sadd.s32 s1, s30  }
0xb9: {  	s0 =	sor.u32 s3, s0;
	s1 =	sshll.u32 s1, $0x11  }
0xba: {  	s0 =	sor.u32 s1, s0  }
0xbb: {  	s0 =	sadd.s32 $0x8F2B, s0  }
0xbc: {  	[sflag:s0] =	ssyncadd.remote.s32 $0x1  }
0xbd: {  	_ =	sfence.sel $0xFFFF  }
0xbe: {  	[dreg:$0x0] =	wrdreg $0xFFFFFFFF;
	(pc) =	sbr.abs _section_cstart, $3  }
0xbf: {  	[dreg:$0x1] =	wrdreg $0xFFFFFFFF  }
0xc0: {  	_ =	task.clear_ibuf [dreg:s6], $0x2FFFF;
	_ =	strace $0x9FFFFFFF  }
0xc1: {  	(tm) =	ssettm $0x7FFFFFFF  }
tec
execute0_lowered:
.L_overlay_start_1:
0x0: {  	(tag) =	ssettag $0x1  }
0x1: {  	s1 =	srdreg.scid  }
0x2: {  	s1 =	sand.u32 $0x1, s1  }
0x3: {  	p0 =	seq.s32 s1, $0x1  }
.Ltmp0:
0x4: {  	_ = 	snop;
	(pc) =	sbr.rel @p0 .LBB2_4-.Ltmp0, $4  }
0x5: {  	_ = 	snop  }
0x6: {  	s7 =	rddreg [dreg:$0x0];
	s11 =	simm.s32 $0x0  }
0x7: {  	[smem:$0x7FF] =	sst s11  }
0x8: {  	s0 =	rddreg [dreg:$0x1];
	_ =	strace $0x80000047;
	s1 =	stileid.u32  }
0x9: {  	s9 =	sshrl.u32 s1, $0x3  }
0xa: {  	s2 =	sshll.u32 s1, $0x7;
	s3 =	smul.u32 $0x14000, s9  }
0xb: {  	s10 =	sand.u32 $0x380, s2  }
0xc: {  	s2 =	sor.u32 s10, s3  }
0xd: {  	s21 =	sadd.s32 $0x8000, s7;
	s4 =	simm.s32 $0x80;
	s2 =	sshrl.u32 s2, $0x3  }
0xe: {  	s5 =	simm.s32 $0x400;
	s12 =	simm.s32 $0x1;
	s3 =	sadd.s32 s21, s2  }
0xf: {  	[tilespmem:s11], [sflag:$0x1] =	stream.strided.gather [hbm4b:s3+s4], $0x2800, s5, s4, $0x38;
	[tilespmem:$0x14080] =	vst v63  }
0x10: {  	_ =	swait.ge [sflag:s12], $0x2800  }
0x11: {  	s22 =	sadd.s32 $0x3000, s7;
	[sflag:s12] =	ssyncset.done $0x0  }
0x12: {  	s23 =	simm.s32 $0x2800;
	s2 =	sadd.s32 s22, s2;
	[sflag:s12] =	ssyncadd.s32 $0xFFFFD800  }
0x13: {  	[tilespmem:s23], [sflag:$0x1] =	stream.strided.gather [hbm4b:s2+s4], $0x2800, s5, s4, $0x38;
	[tilespmem:$0x14080] =	vst v63  }
0x14: {  	_ =	swait.ge [sflag:s12], $0x2800  }
0x15: {  	[sflag:s12] =	ssyncset.done $0x0  }
0x16: {  	s24 =	sadd.s32 $0xDC00, s7;
	s2 =	simm.s32 $0x5000;
	[sflag:s12] =	ssyncadd.s32 $0xFFFFD800  }
0x17: {  	[tilespmem:s2], [sflag:$0x1] =	stream.linear.gather [hbm4b:s24+s11], $0x2800, $0x38;
	[tilespmem:$0x14080] =	vst v63  }
0x18: {  	_ =	swait.ge [sflag:s12], $0x2800  }
0x19: {  	[sflag:s12] =	ssyncset.done $0x0  }
0x1a: {  	s3 =	simm.s32 $0xC800;
	[sflag:s12] =	ssyncadd.s32 $0xFFFFD800  }
0x1b: {  	[tilespmem:s3], [sflag:$0x1] =	stream.linear.gather [hbm4b:s24+s11], $0x2800, $0x38;
	[tilespmem:$0x14080] =	vst v63  }
0x1c: {  	_ =	swait.ge [sflag:s12], $0x2800  }
0x1d: {  	[sflag:s12] =	ssyncset.done $0x0  }
0x1e: {  	s6 =	sadd.s32 $0xD600, s7;
	s4 =	simm.s32 $0x7800;
	[sflag:s12] =	ssyncadd.s32 $0xFFFFD800  }
0x1f: {  	[tilespmem:s4], [sflag:$0x1] =	stream.linear.gather [hbm4b:s6+s11], $0x2800, $0x38;
	[tilespmem:$0x14080] =	vst v63  }
0x20: {  	_ =	swait.ge [sflag:s12], $0x2800  }
0x21: {  	[sflag:s12] =	ssyncset.done $0x0  }
0x22: {  	s5 =	simm.s32 $0xF000;
	[sflag:s12] =	ssyncadd.s32 $0xFFFFD800  }
0x23: {  	[tilespmem:s5], [sflag:$0x1] =	stream.linear.gather [hbm4b:s6+s11], $0x2800, $0x38;
	[tilespmem:$0x14080] =	vst v63  }
0x24: {  	_ =	swait.ge [sflag:s12], $0x2800  }
0x25: {  	[sflag:s12] =	ssyncset.done $0x0  }
0x26: {  	s13 =	sadd.s32 $0xD000, s7;
	s8 =	simm.s32 $0xA000;
	[sflag:s12] =	ssyncadd.s32 $0xFFFFD800  }
0x27: {  	[tilespmem:s8], [sflag:$0x1] =	stream.linear.gather [hbm4b:s13+s11], $0x2800, $0x38;
	[tilespmem:$0x14080] =	vst v63  }
0x28: {  	_ =	swait.ge [sflag:s12], $0x2800  }
0x29: {  	[sflag:s12] =	ssyncset.done $0x0  }
0x2a: {  	s6 =	simm.s32 $0x11800;
	[sflag:s12] =	ssyncadd.s32 $0xFFFFD800  }
0x2b: {  	[tilespmem:s6], [sflag:$0x1] =	stream.linear.gather [hbm4b:s13+s11], $0x2800, $0x38;
	[tilespmem:$0x14080] =	vst v63  }
0x2c: {  	_ =	swait.ge [sflag:s12], $0x2800  }
0x2d: {  	[sflag:s12] =	ssyncset.done $0x0  }
0x2e: {  	s25 =	simm.s32 $0x0;
	[sflag:s12] =	ssyncadd.s32 $0xFFFFD800  }
0x2f: {  	v2 =	vld [tilespmem:s25+$0x2800];
	_ =	sdelay $0x4  }
0x30: {  	v1 =	vimm.s32 $0x0;
	vm0 =	vlt.s32 v2, $0x1400  }
0x31: {  	v0 =	vsel vm0, $0x1, v1  }
0x32: {  	(xrf0) =	vadd.scan.msk.s32 $0xffff, v0;
	_ =	sdelay $0x2  }
0x33: {  	v0 =	vmov s11  }
0x34: {  	v0 =	vadd.s32 $0xFFFFFFFF, v0  }
0x35: {  	v0 =	vbroadcast v0, $0x0  }
0x36: {  	v3, _, _ =	vpop (xrf0)  }
0x37: {  	v4 =	vld [tilespmem:s25+$0x0];
	v5 =	vadd.s32 v3, v0;
	(v2sf) =	vpush v3, $0xF;
	_ =	sdelay $0x1  }
0x38: {  	vm1 =	vge.s32 v2, $0x1400;
	v0 =	vlaneseq.u32;
	v3 =	vsub.s32 s11, v3  }
0x39: {  	v3 =	vadd.s32 v0, v3;
	_ =	sdelay $0x1  }
0x3a: {  	vm2 =	vgt.s32 v2, $0xFFFFFFFF;
	v6 =	vadd.s32 $0x2800, v4;
	[tilespmem:v5+s2+$0x0] =	vst.idx.msk vm0, v4  }
0x3b: {  	v7 =	vnsel vm2, $0x17FE, v2;
	[tilespmem:v5+s4+$0x0] =	vst.idx.msk vm0, v6  }
0x3c: {  	[tilespmem:v5+s8+$0x0] =	vst.idx.msk vm0, v7  }
0x3d: {  	[tilespmem:v3+s3+$0x0] =	vst.idx.msk vm1, v4  }
0x3e: {  	v2 =	vadd.s32 $0xFFFFEC00, v2;
	[tilespmem:v3+s5+$0x0] =	vst.idx.msk vm1, v6  }
0x3f: {  	s13 =	simm.s32 $0x10;
	[tilespmem:v3+s6+$0x0] =	vst.idx.msk vm1, v2  }
0x40: {  	s26 =	smul.u32 $0x1400, s1;
	s9 =	sshll.u32 s9, $0xA;
	v2 =	vld [tilespmem:s13+$0x2800]  }
0x41: {  	s28 =	smul.u32 $0xA00, s1;
	s9 =	sor.u32 s10, s9  }
0x42: {  	s29 =	sadd.s32 s26, s7;
	s9 =	sshrl.u32 s9, $0x3  }
0x43: {  	s30 =	sadd.s32 s28, s7;
	s10 =	sadd.s32 $0xE200, s29;
	s31 =	sadd.s32 s9, s7  }
0x44: {  	s9 =	sadd.s32 $0x22200, s30;
	s7 =	sadd.s32 $0x2C200, s31;
	s14 =	spop (v2sf)  }
0x45: {  	s12 =	simm.s32 $0x80;
	vm1 =	vgt.s32 v2, $0xFFFFFFFF;
	vm0 =	vlt.s32 v2, $0x1400;
	s11 =	sadd.s32 $0x0, s14;
	s14 =	ssub.s32 $0x0, s14  }
.LBB2_2:
0x46: {  	p0 =	sne.s32 s12, $0x9FC0  }
0x47: {  	v3 =	vsel vm0, $0x1, v1;
	s14 =	sadd.s32 $0x10, s14;
	s15 =	smov.u32 s12;
	s12 =	sadd.s32 $0x40, s12  }
0x48: {  	(xrf0) =	vadd.scan.msk.s32 $0xffff, v3;
	_ =	sdelay $0x2  }
0x49: {  	v3 =	vmov s11  }
0x4a: {  	v3 =	vadd.s32 $0xFFFFFFFF, v3  }
0x4b: {  	v3 =	vbroadcast v3, $0x0  }
0x4c: {  	v4, _, _ =	vpop (xrf0)  }
0x4d: {  	v5 =	vld [tilespmem:s13+$0x0];
	v3 =	vadd.s32 v4, v3;
	v6 =	vsub.s32 s14, v4;
	(v2sf) =	vpush v4, $0xF;
	_ =	sdelay $0x1  }
0x4e: {  	vm2 =	vge.s32 v2, $0x1400  }
0x4f: {  	v4 =	vadd.s32 v0, v6;
	_ =	sdelay $0x1  }
0x50: {  	[tilespmem:v3+s2+$0x0] =	vst.idx.msk vm0, v5;
	v6 =	vadd.s32 $0x2800, v5  }
0x51: {  	v7 =	vnsel vm1, $0x17FE, v2;
	[tilespmem:v3+s4+$0x0] =	vst.idx.msk vm0, v6  }
0x52: {  	[tilespmem:v3+s8+$0x0] =	vst.idx.msk vm0, v7  }
0x53: {  	[tilespmem:v4+s3+$0x0] =	vst.idx.msk vm2, v5  }
0x54: {  	v2 =	vadd.s32 $0xFFFFEC00, v2;
	[tilespmem:v4+s5+$0x0] =	vst.idx.msk vm2, v6  }
0x55: {  	s13 =	sshra.s32 s15, $0x2;
	[tilespmem:v4+s6+$0x0] =	vst.idx.msk vm2, v2  }
0x56: {  	v2 =	vld [tilespmem:s13+$0x2800]  }
.Ltmp1:
0x57: {  	(pc) =	sbr.rel @p0 .LBB2_2-.Ltmp1, $3  }
0x58: {  	_ =	sdelay $0x1  }
0x59: {  	s15 =	spop (v2sf)  }
0x5a: {  	vm1 =	vgt.s32 v2, $0xFFFFFFFF;
	vm0 =	vlt.s32 v2, $0x1400;
	s11 =	sadd.s32 s11, s15;
	s14 =	ssub.s32 s14, s15  }
0x5b: {  	v1 =	vsel vm0, $0x1, v1  }
0x5c: {  	(xrf0) =	vadd.scan.msk.s32 $0xffff, v1;
	_ =	sdelay $0x5  }
0x5d: {  	v1, _, _ =	vpop (xrf0)  }
0x5e: {  	(v2sf) =	vpush v1, $0xF;
	_ =	sdelay $0x2  }
0x5f: {  	v3 =	vmov s11  }
0x60: {  	v3 =	vadd.s32 $0xFFFFFFFF, v3  }
0x61: {  	v3 =	vbroadcast v3, $0x0;
	_ =	sdelay $0x1  }
0x62: {  	v4 =	vld [tilespmem:s13+$0x0];
	v3 =	vadd.s32 v1, v3  }
0x63: {  	s12 =	sadd.s32 $0x10, s14  }
0x64: {  	vm2 =	vge.s32 v2, $0x1400;
	v1 =	vsub.s32 s12, v1  }
0x65: {  	v0 =	vadd.s32 v0, v1;
	_ =	sdelay $0x1  }
0x66: {  	v60 =	vadd.s32 $0x2800, v4;
	[tilespmem:v3+s2+$0x0] =	vst.idx.msk vm0, v4  }
0x67: {  	v5 =	vnsel vm1, $0x17FE, v2;
	[tilespmem:v3+s4+$0x0] =	vst.idx.msk vm0, v60  }
0x68: {  	[tilespmem:v3+s8+$0x0] =	vst.idx.msk vm0, v5  }
0x69: {  	[tilespmem:v0+s3+$0x0] =	vst.idx.msk vm2, v4;
	s16 =	spop (v2sf)  }
0x6a: {  	v61 =	vadd.s32 $0xFFFFEC00, v2;
	[tilespmem:v0+s5+$0x0] =	vst.idx.msk vm2, v60;
	s17 =	sadd.s32 s11, s16;
	s2 =	ssub.s32 s12, s16  }
0x6b: {  	[tilespmem:v0+s6+$0x0] =	vst.idx.msk vm2, v61;
	s2 =	sadd.s32 $0x10, s2;
	v62 =	vmov s17  }
0x6c: {  	[tilespmem:$0x14000] =	vst v62;
	v63 =	vmov s2  }
0x6d: {  	s18 =	simm.s32 $0x0;
	s19 =	simm.s32 $0x5000;
	s20 =	simm.s32 $0x1;
	[tilespmem:$0x14010] =	vst v63  }
0x6e: {  	[hbm4b:s10+s18] =	stream.linear.scatter [tilespmem:s19], [sflag:$0x1], $0x2800, $0x38;
	[tilespmem:$0x14080] =	vst v63  }
0x6f: {  	_ =	swait.ge [sflag:s20], $0x2800  }
0x70: {  	[sflag:s20] =	ssyncset.done $0x0  }
0x71: {  	s21 =	sadd.s32 $0x500, s10;
	s22 =	simm.s32 $0x7800;
	[sflag:s20] =	ssyncadd.s32 $0xFFFFD800  }
0x72: {  	[hbm4b:s21+s18] =	stream.linear.scatter [tilespmem:s22], [sflag:$0x1], $0x2800, $0x38;
	[tilespmem:$0x14080] =	vst v63  }
0x73: {  	_ =	swait.ge [sflag:s20], $0x2800  }
0x74: {  	[sflag:s20] =	ssyncset.done $0x0  }
0x75: {  	s23 =	sadd.s32 $0xA00, s10;
	s24 =	simm.s32 $0xC800;
	[sflag:s20] =	ssyncadd.s32 $0xFFFFD800  }
0x76: {  	[hbm4b:s23+s18] =	stream.linear.scatter [tilespmem:s24], [sflag:$0x1], $0x2800, $0x38;
	[tilespmem:$0x14080] =	vst v63  }
0x77: {  	_ =	swait.ge [sflag:s20], $0x2800  }
0x78: {  	[sflag:s20] =	ssyncset.done $0x0  }
0x79: {  	s25 =	sadd.s32 $0xF00, s10;
	s26 =	simm.s32 $0xF000;
	[sflag:s20] =	ssyncadd.s32 $0xFFFFD800  }
0x7a: {  	[hbm4b:s25+s18] =	stream.linear.scatter [tilespmem:s26], [sflag:$0x1], $0x2800, $0x38;
	[tilespmem:$0x14080] =	vst v63  }
0x7b: {  	_ =	swait.ge [sflag:s20], $0x2800  }
0x7c: {  	[sflag:s20] =	ssyncset.done $0x0  }
0x7d: {  	s28 =	simm.s32 $0xA000;
	[sflag:s20] =	ssyncadd.s32 $0xFFFFD800  }
0x7e: {  	[hbm4b:s9+s18] =	stream.linear.scatter [tilespmem:s28], [sflag:$0x1], $0x2800, $0x38;
	[tilespmem:$0x14080] =	vst v63  }
0x7f: {  	_ =	swait.ge [sflag:s20], $0x2800  }
0x80: {  	[sflag:s20] =	ssyncset.done $0x0  }
0x81: {  	s29 =	sadd.s32 $0x500, s9;
	s30 =	simm.s32 $0x11800;
	[sflag:s20] =	ssyncadd.s32 $0xFFFFD800  }
0x82: {  	[hbm4b:s29+s18] =	stream.linear.scatter [tilespmem:s30], [sflag:$0x1], $0x2800, $0x38;
	[tilespmem:$0x14080] =	vst v63  }
0x83: {  	_ =	swait.ge [sflag:s20], $0x2800  }
0x84: {  	[sflag:s20] =	ssyncset.done $0x0  }
0x85: {  	s31 =	simm.s32 $0x14000;
	[sflag:s20] =	ssyncadd.s32 $0xFFFFD800  }
0x86: {  	[hbm4b:s7+s18] =	stream.linear.scatter [tilespmem:s31], [sflag:$0x1], $0x80, $0x38;
	[tilespmem:$0x14080] =	vst v63  }
0x87: {  	_ =	swait.ge [sflag:s20], $0x80  }
0x88: {  	[sflag:s20] =	ssyncset.done $0x0  }
0x89: {  	[sflag:s20] =	ssyncadd.s32 $0xFFFFFF80  }
.LBB2_4:
0x8a: {  	_ =	sfence.sel $0x180000  }
0x8b: {  	[bflag:$0x0] =	sbarrier.arrive $0xFFFF  }
0x8c: {  	p0 =	sne.s32 s1, $0x0;
	_ =	strace $0x90000047  }
0x8d: {  	s0 =	sadd.s32 @!p0 $0x100000, s0;
	[bflag:$0x2] =	sbarrier.arrive $0xFFFF  }
0x8e: {  	[sflag:s0] =	ssyncadd.tile.s32 @!p0 $0x1;
	_ =	shalt  }
.Lfunc_end2:
_tile_overlayer_lowered:
.L_overlay_start_2:
0x8f: {  	(tag) =	ssettag $0x2  }
0x90: {  	s0 =	rddreg [dreg:$0x0];
	s2 =	stileid.u32  }
0x91: {  	s1 =	rddreg [dreg:$0x1];
	p0 =	sne.s32 s2, $0x0  }
0x92: {  	s3 =	rddreg [dreg:$0x2];
	[bflag:$0x3] =	sbarrier.arrive $0xFFFF;
	s2 =	simm.s32 @!p0 $0x1C01  }
0x93: {  	[timem:s3], [sflag:s2] =	dma.local @!p0 [hbm:s0], s1  }
0x94: {  	s0 =	simm.s32 @!p0 $0x1  }
0x95: {  	_ =	swait.ge @!p0 [sflag:s0], s1  }
0x96: {  	s1 =	ssub.s32 @!p0 $0x0, s1;
	[sflag:s0] =	ssyncset.done @!p0 $0x0  }
0x97: {  	[sflag:s0] =	ssyncadd.s32 @!p0 s1  }
0x98: {  	[bflag:$0x3] =	sbarrier.arrive $0xFFFF  }
0x99: {  	_ =	shalt  }

</sc_bundles>
